<compile_context>
chip_gen: v7x
topology: tpu7x:2x2x1
jax: 0.10.2.dev20260603
libtpu: 0.0.44.dev20260713+nightly
codegen_flags: <defaults>
</compile_context>

<pallas_src>
import functools

import jax
import jax.numpy as jnp
from jax.experimental import pallas as pl

NUM_HIDDENS = 128
NUM_RES_HIDDENS = 32
EMB_DIM = 64
NUM_EMB = 512
COMMIT = 0.25

_F32 = jnp.float32
_FRONT = 8


def _mm(x, w):
    return jnp.dot(x, w, preferred_element_type=_F32, precision=None)


def _mm_t(w, x):
    return jax.lax.dot_general(w, x, (((0,), (1,)), ((), ())),
                               preferred_element_type=_F32, precision=None)


def _pad_hw(x, p=1):
    return jnp.pad(x, ((0, 0), (p, p), (p, p), (0, 0)))


def _flat_len(hp):
    n = _FRONT + hp * hp + hp + 2 * _FRONT
    return ((n + 7) // 8) * 8


def _to_flat(x_plain):
    n, h, w, c = x_plain.shape
    hp = h + 2
    xp = _pad_hw(x_plain, 1).reshape(n, hp * hp, c)
    L = _flat_len(hp)
    return jnp.pad(xp, ((0, 0), (_FRONT, L - _FRONT - hp * hp), (0, 0)))


def _from_flat(x_flat, h, c):
    hp = h + 2
    n = x_flat.shape[0]
    xs = x_flat[:, _FRONT:_FRONT + hp * hp, :].reshape(n, hp, hp, c)
    return xs[:, 1:1 + h, 1:1 + h, :]


def _interior(hp):
    p0 = _FRONT + hp
    M = (hp - 2) * hp
    return p0, M


def _mask_col(hp):
    m = jnp.zeros((hp, hp), _F32).at[1:hp - 1, 1:hp - 1].set(1.0)
    L = _flat_len(hp)
    return jnp.pad(m.reshape(hp * hp, 1),
                   ((_FRONT, L - _FRONT - hp * hp), (0, 0)))


_OFFS_3X3 = tuple((dy, dx) for dy in range(3) for dx in range(3))



def _conv1_kernel(x_ref, w_ref, b_ref, o_ref, *, relu_out, nchunk):
    M = x_ref.shape[1]
    mc = M // nchunk
    for c0 in range(0, M, mc):
        acc = _mm(x_ref[0, c0:c0 + mc, :], w_ref[0]) + b_ref[0][None, :]
        if relu_out:
            acc = jnp.maximum(acc, 0.0)
        o_ref[0, c0:c0 + mc, :] = acc


def _conv1(xcols, w_flat, b, relu_out=False):
    n, ho, wo, k = xcols.shape
    x2 = xcols.reshape(n, ho * wo, k)
    cout = w_flat.shape[-1]
    out = pl.pallas_call(
        functools.partial(_conv1_kernel, relu_out=relu_out,
                          nchunk=4 if ho > 56 else 1),
        grid=(n,),
        in_specs=[
            pl.BlockSpec((1, ho * wo, k), lambda i: (i, 0, 0)),
            pl.BlockSpec((1, k, cout), lambda i: (0, 0, 0)),
            pl.BlockSpec((1, cout), lambda i: (0, 0)),
        ],
        out_specs=pl.BlockSpec((1, ho * wo, cout), lambda i: (i, 0, 0)),
        out_shape=jax.ShapeDtypeStruct((n, ho * wo, cout), _F32),
    )(x2, w_flat, b.reshape(1, cout))
    return out.reshape(n, ho, wo, cout)


def _im2col_s2_c1(xh, k=4):
    xp = _pad_hw(xh, 1)[..., 0]
    n, hp, wp = xp.shape
    xpr = xp.reshape(n, hp // 2, 2, wp // 2, 2)
    ho = (hp - k) // 2 + 1
    cols = []
    for ky in range(k):
        for kx in range(k):
            dy, py = ky // 2, ky % 2
            dx, px = kx // 2, kx % 2
            cols.append(xpr[:, dy:dy + ho, py, dx:dx + ho, px])
    return jnp.stack(cols, axis=-1)


def _im2col_s2(xh, k=4):
    xp = _pad_hw(xh, 1)
    n, hp, wp, c = xp.shape
    s2 = xp.reshape(n, hp // 2, 2, wp // 2, 2, c)
    s2 = s2.transpose(0, 1, 3, 2, 4, 5).reshape(n, hp // 2, wp // 2, 4 * c)
    ho = (hp - k) // 2 + 1
    cols = []
    for ky in range(k):
        for kx in range(k):
            dy, py = ky // 2, ky % 2
            dx, px = kx // 2, kx % 2
            blk = (py * 2 + px) * c
            cols.append(s2[:, dy:dy + ho, dx:dx + ho, blk:blk + c])
    return jnp.concatenate(cols, axis=-1)


def _w_flat_s2(w):
    o, i, kh, kw = w.shape
    return w.transpose(2, 3, 1, 0).reshape(1, kh * kw * i, o)


def _w_taps_3x3(w):
    o, i, kh, kw = w.shape
    return w.transpose(2, 3, 1, 0).reshape(kh * kw, i, o)



def _flat_offsets(hp):
    return tuple((dy - 1) * hp + (dx - 1) for dy, dx in _OFFS_3X3)


def _zero_slack(o_ref, p0, M, L, cout):
    o_ref[0, 0:p0, :] = jnp.zeros((p0, cout), _F32)
    o_ref[0, p0 + M:L, :] = jnp.zeros((L - p0 - M, cout), _F32)


def _flat_conv_kernel(x_ref, w_ref, b_ref, m_ref, o_ref, *, hp, relu_out,
                      nchunk):
    p0, M = _interior(hp)
    L = x_ref.shape[1]
    cout = w_ref.shape[-1]
    offs = _flat_offsets(hp)
    mc = M // nchunk
    wf = w_ref[...].reshape(w_ref.shape[0] * w_ref.shape[1], cout)
    for c0 in range(p0, p0 + M, mc):
        xs = jnp.concatenate(
            [x_ref[0, c0 + off:c0 + off + mc, :] for off in offs], axis=1)
        acc = _mm(xs, wf) + b_ref[0][None, :]
        if relu_out:
            acc = jnp.maximum(acc, 0.0)
        o_ref[0, c0:c0 + mc, :] = acc * m_ref[c0:c0 + mc]
    _zero_slack(o_ref, p0, M, L, cout)


def _flat_conv(xf, w, b, hp, relu_out=False):
    n, L, cin = xf.shape
    wt = _w_taps_3x3(w)
    cout = wt.shape[-1]
    return pl.pallas_call(
        functools.partial(_flat_conv_kernel, hp=hp, relu_out=relu_out,
                          nchunk=4),
        grid=(n,),
        in_specs=[
            pl.BlockSpec((1, L, cin), lambda i: (i, 0, 0)),
            pl.BlockSpec(wt.shape, lambda i: (0, 0, 0)),
            pl.BlockSpec((1, cout), lambda i: (0, 0)),
            pl.BlockSpec((L, 1), lambda i: (0, 0)),
        ],
        out_specs=pl.BlockSpec((1, L, cout), lambda i: (i, 0, 0)),
        out_shape=jax.ShapeDtypeStruct((n, L, cout), _F32),
    )(xf, wt, b.reshape(1, cout), _mask_col(hp))


def _flat_res_kernel(x_ref, w1_ref, w2_ref, m_ref, o_ref, *, hp, final_relu,
                     nchunk):
    p0, M = _interior(hp)
    L = x_ref.shape[1]
    cout = w2_ref.shape[-1]
    cout1 = w1_ref.shape[-1]
    offs = _flat_offsets(hp)
    mc = M // nchunk
    wf = w1_ref[...].reshape(w1_ref.shape[0] * w1_ref.shape[1], cout1)
    for c0 in range(p0, p0 + M, mc):
        xs = jnp.concatenate(
            [jnp.maximum(x_ref[0, c0 + off:c0 + off + mc, :], 0.0)
             for off in offs], axis=1)
        h = jnp.maximum(_mm(xs, wf), 0.0)
        h2 = _mm(h, w2_ref[...])
        out = x_ref[0, c0:c0 + mc, :] + h2
        if final_relu:
            out = jnp.maximum(out, 0.0)
        o_ref[0, c0:c0 + mc, :] = out * m_ref[c0:c0 + mc]
    _zero_slack(o_ref, p0, M, L, cout)


def _flat_res_block(xf, w1, w2, hp, final_relu=False):
    n, L, c = xf.shape
    w1t = _w_taps_3x3(w1)
    w2t = w2[:, :, 0, 0].T
    return pl.pallas_call(
        functools.partial(_flat_res_kernel, hp=hp, final_relu=final_relu,
                          nchunk=4),
        grid=(n,),
        in_specs=[
            pl.BlockSpec((1, L, c), lambda i: (i, 0, 0)),
            pl.BlockSpec(w1t.shape, lambda i: (0, 0, 0)),
            pl.BlockSpec(w2t.shape, lambda i: (0, 0)),
            pl.BlockSpec((L, 1), lambda i: (0, 0)),
        ],
        out_specs=pl.BlockSpec((1, L, c), lambda i: (i, 0, 0)),
        out_shape=jax.ShapeDtypeStruct((n, L, c), _F32),
    )(xf, w1t, w2t, _mask_col(hp))


def _flat_res_pv_kernel(x_ref, w1_ref, w2_ref, pvw_ref, pvb_ref, o_ref, *,
                        hp, nchunk):
    p0, M = _interior(hp)
    L = x_ref.shape[1]
    cout = pvw_ref.shape[-1]
    offs = _flat_offsets(hp)
    mc = M // nchunk
    wf = w1_ref[...].reshape(w1_ref.shape[0] * w1_ref.shape[1],
                             w1_ref.shape[-1])
    for c0 in range(p0, p0 + M, mc):
        xs = jnp.concatenate(
            [jnp.maximum(x_ref[0, c0 + off:c0 + off + mc, :], 0.0)
             for off in offs], axis=1)
        h = jnp.maximum(_mm(xs, wf), 0.0)
        h2 = _mm(h, w2_ref[...])
        out = jnp.maximum(x_ref[0, c0:c0 + mc, :] + h2, 0.0)
        z = _mm(out, pvw_ref[...]) + pvb_ref[0][None, :]
        o_ref[0, c0:c0 + mc, :] = z
    _zero_slack(o_ref, p0, M, L, cout)


def _flat_res_pv(xf, w1, w2, pv_w, pv_b, hp):
    n, L, c = xf.shape
    w1t = _w_taps_3x3(w1)
    w2t = w2[:, :, 0, 0].T
    pvt = pv_w[:, :, 0, 0].T
    cout = pvt.shape[1]
    return pl.pallas_call(
        functools.partial(_flat_res_pv_kernel, hp=hp, nchunk=4),
        grid=(n,),
        in_specs=[
            pl.BlockSpec((1, L, c), lambda i: (i, 0, 0)),
            pl.BlockSpec(w1t.shape, lambda i: (0, 0, 0)),
            pl.BlockSpec(w2t.shape, lambda i: (0, 0)),
            pl.BlockSpec(pvt.shape, lambda i: (0, 0)),
            pl.BlockSpec((1, cout), lambda i: (0, 0)),
        ],
        out_specs=pl.BlockSpec((1, L, cout), lambda i: (i, 0, 0)),
        out_shape=jax.ShapeDtypeStruct((n, L, cout), _F32),
    )(xf, w1t, w2t, pvt, pv_b.reshape(1, cout))



_PH_OFF = ((0, 1), (1, 2))
_PH_K = ((3, 1), (2, 0))


def _phase_weights(w):
    wt = w.transpose(2, 3, 0, 1)
    return jnp.stack([
        jnp.stack([
            jnp.stack([
                jnp.stack([wt[_PH_K[a][ti], _PH_K[b][tj]] for tj in range(2)])
                for ti in range(2)])
            for b in range(2)])
        for a in range(2)])


def _flat_convt_kernel(x_ref, w_ref, b_ref, o00, o01, o10, o11, *, hp,
                       relu_out, nchunk):
    outs = ((o00, o01), (o10, o11))
    p0, M = _interior(hp)
    mc = M // nchunk
    for a in range(2):
        for b in range(2):
            for c0 in range(p0, p0 + M, mc):
                acc = None
                for ti in range(2):
                    dy = _PH_OFF[a][ti]
                    for tj in range(2):
                        dx = _PH_OFF[b][tj]
                        off = (dy - 1) * hp + (dx - 1)
                        xs = x_ref[0, c0 + off:c0 + off + mc, :]
                        p = _mm(xs, w_ref[a, b, ti, tj])
                        acc = p if acc is None else acc + p
                acc = acc + b_ref[0][None, :]
                if relu_out:
                    acc = jnp.maximum(acc, 0.0)
                outs[a][b][0, c0:c0 + mc, :] = acc


def _flat_convt(xf, w, bias, hp, relu_out):
    n, L, cin = xf.shape
    cout = w.shape[1]
    wp = _phase_weights(w)
    return pl.pallas_call(
        functools.partial(_flat_convt_kernel, hp=hp, relu_out=relu_out,
                          nchunk=4),
        grid=(n,),
        in_specs=[
            pl.BlockSpec((1, L, cin), lambda i: (i, 0, 0)),
            pl.BlockSpec(wp.shape, lambda i: (0, 0, 0, 0, 0, 0)),
            pl.BlockSpec((1, cout), lambda i: (0, 0)),
        ],
        out_specs=[pl.BlockSpec((1, L, cout), lambda i: (i, 0, 0))] * 4,
        out_shape=[jax.ShapeDtypeStruct((n, L, cout), _F32)] * 4,
    )(xf, wp, bias.reshape(1, cout))


def _flat_convt_nchw_kernel(x_ref, w_ref, b_ref, o_ref, *, hp, nchunk):
    p0, M = _interior(hp)
    mc = M // nchunk
    for a in range(2):
        for b in range(2):
            for c0 in range(p0, p0 + M, mc):
                acc = None
                for ti in range(2):
                    dy = _PH_OFF[a][ti]
                    for tj in range(2):
                        dx = _PH_OFF[b][tj]
                        off = (dy - 1) * hp + (dx - 1)
                        xs = x_ref[0, c0 + off:c0 + off + mc, :]
                        p = _mm_t(w_ref[a, b, ti, tj], xs)
                        acc = p if acc is None else acc + p
                acc = acc + b_ref[...]
                o_ref[0, a, b, :, c0:c0 + mc] = acc


def _flat_convt_nchw(xf, w, bias, hp):
    n, L, cin = xf.shape
    cout = w.shape[1]
    wp = _phase_weights(w)
    return pl.pallas_call(
        functools.partial(_flat_convt_nchw_kernel, hp=hp, nchunk=4),
        grid=(n,),
        in_specs=[
            pl.BlockSpec((1, L, cin), lambda i: (i, 0, 0)),
            pl.BlockSpec(wp.shape, lambda i: (0, 0, 0, 0, 0, 0)),
            pl.BlockSpec((cout, 1), lambda i: (0, 0)),
        ],
        out_specs=pl.BlockSpec((1, 2, 2, cout, L), lambda i: (i, 0, 0, 0, 0)),
        out_shape=jax.ShapeDtypeStruct((n, 2, 2, cout, L), _F32),
    )(xf, wp, bias.reshape(cout, 1))



def _vq_kernel(z_ref, cb_ref, q_ref, cnt_ref, loss_ref, perp_ref, *,
               steps, total_vecs, total_elems):
    i = pl.program_id(0)
    z = z_ref[...]
    cb = cb_ref[...]
    z2 = jnp.sum(z * z, axis=1, keepdims=True)
    c2r = jax.lax.dot_general(
        jnp.ones((1, cb.shape[1]), _F32), cb * cb, (((1,), (1,)), ((), ())),
        preferred_element_type=_F32,
        precision=jax.lax.Precision.HIGHEST)
    zc = jax.lax.dot_general(z, cb, (((1,), (1,)), ((), ())),
                             preferred_element_type=_F32, precision=None)
    d = (z2 + c2r) - 2.0 * zc
    m = jnp.min(d, axis=1, keepdims=True)
    iota = jax.lax.broadcasted_iota(jnp.int32, d.shape, 1)
    idx = jnp.min(jnp.where(d == m, iota, NUM_EMB), axis=1)
    oh = (iota == idx[:, None]).astype(_F32)
    q = jnp.dot(oh, cb, preferred_element_type=_F32, precision=None)
    q_ref[...] = q

    cnt_p = jnp.sum(oh, axis=0)[None, :]
    loss_p = jnp.sum((q - z) ** 2).reshape(1, 1)

    @pl.when(i == 0)
    def _init():
        cnt_ref[...] = cnt_p
        loss_ref[...] = loss_p

    @pl.when(i > 0)
    def _acc():
        cnt_ref[...] = cnt_ref[...] + cnt_p
        loss_ref[...] = loss_ref[...] + loss_p

    @pl.when(i == steps - 1)
    def _finish():
        avg = cnt_ref[...] / total_vecs
        perp_ref[...] = jnp.exp(
            -jnp.sum(avg * jnp.log(avg + 1e-10))).reshape(1, 1)
        loss_ref[...] = loss_ref[...] * (COMMIT / total_elems)


def _vq(z_flat, codebook):
    M, D = z_flat.shape
    TM = 512
    steps = M // TM
    q, cnt, loss, perp = pl.pallas_call(
        functools.partial(_vq_kernel, steps=steps, total_vecs=float(M),
                          total_elems=float(M * D)),
        grid=(steps,),
        in_specs=[
            pl.BlockSpec((TM, D), lambda i: (i, 0)),
            pl.BlockSpec((NUM_EMB, D), lambda i: (0, 0)),
        ],
        out_specs=[
            pl.BlockSpec((TM, D), lambda i: (i, 0)),
            pl.BlockSpec((1, NUM_EMB), lambda i: (0, 0)),
            pl.BlockSpec((1, 1), lambda i: (0, 0)),
            pl.BlockSpec((1, 1), lambda i: (0, 0)),
        ],
        out_shape=[
            jax.ShapeDtypeStruct((M, D), _F32),
            jax.ShapeDtypeStruct((1, NUM_EMB), _F32),
            jax.ShapeDtypeStruct((1, 1), _F32),
            jax.ShapeDtypeStruct((1, 1), _F32),
        ],
    )(z_flat, codebook)
    return q, loss[0, 0], perp[0, 0]


def _interleave(phases, n, H, cout):
    s = jnp.stack(phases).reshape(2, 2, n, H, H, cout)
    s = s.transpose(2, 3, 0, 4, 1, 5)
    return s.reshape(n, 2 * H, 2 * H, cout)


def kernel(x, e1_w, e1_b, e2_w, e2_b, e3_w, e3_b, er1_w1, er1_w2, er2_w1,
           er2_w2, pv_w, pv_b, codebook, d1_w, d1_b, dr1_w1, dr1_w2, dr2_w1,
           dr2_w2, dt1_w, dt1_b, dt2_w, dt2_b):
    n = x.shape[0]
    xh = x.transpose(0, 2, 3, 1)

    h = _conv1(_im2col_s2_c1(xh), _w_flat_s2(e1_w), e1_b, relu_out=True)
    h = _conv1(_im2col_s2(h), _w_flat_s2(e2_w), e2_b, relu_out=True)
    hf = _to_flat(h)
    hf = _flat_conv(hf, e3_w, e3_b, 58)
    hf = _flat_res_block(hf, er1_w1, er1_w2, 58)
    zf = _flat_res_pv(hf, er2_w1, er2_w2, pv_w, pv_b, 58)

    z = _from_flat(zf, 56, EMB_DIM).reshape(-1, EMB_DIM)
    q, loss, perp = _vq(z, codebook)
    qf = _to_flat(q.reshape(n, 56, 56, EMB_DIM))

    hf = _flat_conv(qf, d1_w, d1_b, 58)
    hf = _flat_res_block(hf, dr1_w1, dr1_w2, 58)
    hf = _flat_res_block(hf, dr2_w1, dr2_w2, 58, final_relu=True)
    ph = _flat_convt(hf, dt1_w, dt1_b, 58, relu_out=True)
    ph = [_from_flat(p, 56, NUM_HIDDENS // 2) for p in ph]
    h = _interleave(ph, n, 56, NUM_HIDDENS // 2)
    hf = _to_flat(h)
    out = _flat_convt_nchw(hf, dt2_w, dt2_b, 114)
    hp = 114
    core = out[:, :, :, :, _FRONT:_FRONT + hp * hp].reshape(
        n, 2, 2, 3, hp, hp)
    core = core[:, :, :, :, 1:hp - 1, 1:hp - 1]
    xr = core.transpose(0, 3, 4, 1, 5, 2).reshape(n, 3, 224, 224)

    return loss, xr, perp

# --- scband reference (transcript-rebuilt; emitter-appended) ---
"""Pipeline reference for scband-model-5274219840279 (READ-ONLY COPY).

The authoritative reference and input builder live on the scoring server;
editing this copy changes nothing except your own understanding.
"""

import jax, jax.numpy as jnp
import numpy as np

NUM_HIDDENS = 128
NUM_RES_HIDDENS = 32
EMB_DIM = 64
NUM_EMB = 512
COMMIT = 0.25


def conv(x, w, b=None, stride=1, pad=0):
    o = jax.lax.conv_general_dilated(x, w, (stride, stride), ((pad, pad), (pad, pad)), dimension_numbers=('NCHW', 'OIHW', 'NCHW'))
    if b is not None:
        o = o + b[None, :, None, None]
    return o


def convT(x, w, b, stride=2, pad=1):
    # w is torch ConvTranspose2d layout (in, out, kH, kW); implement as lhs-dilated conv with flipped kernel
    k = w.shape[2]
    wf = jnp.transpose(jnp.flip(w, (2, 3)), (1, 0, 2, 3))
    p = k - 1 - pad
    o = jax.lax.conv_general_dilated(x, wf, (1, 1), ((p, p), (p, p)), lhs_dilation=(stride, stride), dimension_numbers=('NCHW', 'OIHW', 'NCHW'))
    return o + b[None, :, None, None]


def res_stack(x, blocks):
    for w1, w2 in blocks:
        h = jax.nn.relu(x)
        h = conv(h, w1, None, 1, 1)
        h = jax.nn.relu(h)
        h = conv(h, w2, None, 1, 0)
        x = x + h
    return jax.nn.relu(x)


def setup_inputs(seed: int = 0) -> dict:
    key = jax.random.key(seed)
    ks = jax.random.split(key, 32)

    def w(i, shape, s=0.05):
        return jax.random.normal(ks[i], shape, jnp.float32) * s

    inp = {}
    inp['x'] = jax.random.normal(ks[0], (8, 1, 224, 224), jnp.float32)
    inp['e1_w'] = w(1, (NUM_HIDDENS // 2, 1, 4, 4))
    inp['e1_b'] = w(2, (NUM_HIDDENS // 2,))
    inp['e2_w'] = w(3, (NUM_HIDDENS, NUM_HIDDENS // 2, 4, 4))
    inp['e2_b'] = w(4, (NUM_HIDDENS,))
    inp['e3_w'] = w(5, (NUM_HIDDENS, NUM_HIDDENS, 3, 3))
    inp['e3_b'] = w(6, (NUM_HIDDENS,))
    inp['er1_w1'] = w(7, (NUM_RES_HIDDENS, NUM_HIDDENS, 3, 3))
    inp['er1_w2'] = w(8, (NUM_HIDDENS, NUM_RES_HIDDENS, 1, 1))
    inp['er2_w1'] = w(9, (NUM_RES_HIDDENS, NUM_HIDDENS, 3, 3))
    inp['er2_w2'] = w(10, (NUM_HIDDENS, NUM_RES_HIDDENS, 1, 1))
    inp['pv_w'] = w(11, (EMB_DIM, NUM_HIDDENS, 1, 1))
    inp['pv_b'] = w(12, (EMB_DIM,))
    inp['codebook'] = jax.random.normal(ks[13], (NUM_EMB, EMB_DIM), jnp.float32)
    inp['d1_w'] = w(14, (NUM_HIDDENS, EMB_DIM, 3, 3))
    inp['d1_b'] = w(15, (NUM_HIDDENS,))
    inp['dr1_w1'] = w(16, (NUM_RES_HIDDENS, NUM_HIDDENS, 3, 3))
    inp['dr1_w2'] = w(17, (NUM_HIDDENS, NUM_RES_HIDDENS, 1, 1))
    inp['dr2_w1'] = w(18, (NUM_RES_HIDDENS, NUM_HIDDENS, 3, 3))
    inp['dr2_w2'] = w(19, (NUM_HIDDENS, NUM_RES_HIDDENS, 1, 1))
    inp['dt1_w'] = w(20, (NUM_HIDDENS, NUM_HIDDENS // 2, 4, 4))
    inp['dt1_b'] = w(21, (NUM_HIDDENS // 2,))
    inp['dt2_w'] = w(22, (NUM_HIDDENS // 2, 3, 4, 4))
    inp['dt2_b'] = w(23, (3,))
    return inp


def reference(x, e1_w, e1_b, e2_w, e2_b, e3_w, e3_b, er1_w1, er1_w2, er2_w1, er2_w2, pv_w, pv_b, codebook, d1_w, d1_b, dr1_w1, dr1_w2, dr2_w1, dr2_w2, dt1_w, dt1_b, dt2_w, dt2_b):
    # encoder
    h = jax.nn.relu(conv(x, e1_w, e1_b, 2, 1))
    h = jax.nn.relu(conv(h, e2_w, e2_b, 2, 1))
    h = conv(h, e3_w, e3_b, 1, 1)
    h = res_stack(h, [(er1_w1, er1_w2), (er2_w1, er2_w2)])
    # pre-vq 1x1 conv to embedding_dim
    z = conv(h, pv_w, pv_b, 1, 0)
    # vector quantizer (eval mode; EMA updates skipped as in torch eval)
    zt = jnp.transpose(z, (0, 2, 3, 1))
    flat = zt.reshape(-1, EMB_DIM)
    d = jnp.sum(flat ** 2, axis=1, keepdims=True) + jnp.sum(codebook ** 2, axis=1) - 2.0 * (flat @ codebook.T)
    idx = jnp.argmin(d, axis=1)
    enc = jax.nn.one_hot(idx, NUM_EMB, dtype=flat.dtype)
    q = (enc @ codebook).reshape(zt.shape)
    e_latent_loss = jnp.mean((jax.lax.stop_gradient(q) - zt) ** 2)
    loss = COMMIT * e_latent_loss
    q = zt + jax.lax.stop_gradient(q - zt)
    avg_probs = jnp.mean(enc, axis=0)
    perplexity = jnp.exp(-jnp.sum(avg_probs * jnp.log(avg_probs + 1e-10)))
    qn = jnp.transpose(q, (0, 3, 1, 2))
    # decoder
    h = conv(qn, d1_w, d1_b, 1, 1)
    h = res_stack(h, [(dr1_w1, dr1_w2), (dr2_w1, dr2_w2)])
    h = jax.nn.relu(convT(h, dt1_w, dt1_b, 2, 1))
    x_recon = convT(h, dt2_w, dt2_b, 2, 1)
    return (loss, x_recon, perplexity)

if __name__ == "__main__":
    import jax
    _d = setup_inputs()
    print(jax.jit(kernel)(*tuple(_d.values())))

</pallas_src>

<mosaic_0001>
module attributes {stable_mosaic.version = 14 : i64} {
  func.func @_conv1_kernel(%arg0: i32, %arg1: memref<1x12544x16xf32, #tpu.memory_space<vmem>>, %arg2: memref<1x16x64xf32, #tpu.memory_space<vmem>>, %arg3: memref<1x64xf32, #tpu.memory_space<vmem>>, %arg4: memref<1x12544x64xf32, #tpu.memory_space<vmem>>) attributes {dimension_semantics = [#tpu.dimension_semantics<arbitrary>], iteration_bounds = array<i64: 8>, scalar_prefetch = 0 : i64, scratch_operands = 0 : i64, tpu.core_type = #tpu.core_type<tc>, window_params = [{transform_indices = @transform_0, window_bounds = array<i64: 1, 12544, 16>}, {pipeline_mode = #tpu.pipeline_mode<synchronous>, transform_indices = @transform_1, window_bounds = array<i64: 1, 16, 64>}, {pipeline_mode = #tpu.pipeline_mode<synchronous>, transform_indices = @transform_2, window_bounds = array<i64: 1, 64>}, {transform_indices = @transform_3, window_bounds = array<i64: 1, 12544, 64>}]} {
    %get3A = arith.constant 0 : index
    %get3A_0 = arith.constant 0 : index
    %get3A_1 = arith.constant 0 : index
    %get3A_2 = vector.load %arg1[%get3A, %get3A_0, %get3A_1] : memref<1x12544x16xf32, #tpu.memory_space<vmem>>, vector<1x3136x16xf32>
    %get3A_3 = vector.shape_cast %get3A_2 : vector<1x3136x16xf32> to vector<3136x16xf32>
    %get3A_4 = arith.constant 0 : index
    %get3A_5 = arith.constant 0 : index
    %get3A_6 = arith.constant 0 : index
    %get3A_7 = vector.load %arg2[%get3A_4, %get3A_5, %get3A_6] : memref<1x16x64xf32, #tpu.memory_space<vmem>>, vector<1x16x64xf32>
    %get3A_8 = vector.shape_cast %get3A_7 : vector<1x16x64xf32> to vector<16x64xf32>
    %dot_general3A = arith.constant dense<0.000000e+00> : vector<3136x64xf32>
    %dot_general3A_9 = tpu.matmul %get3A_3, %get3A_8, %dot_general3A {dimension_numbers = #tpu.dot_dimension_numbers<[1], [0], [0], [1], [0, 0, 1, 1], [], []>, transpose_lhs_hint = false} : vector<3136x16xf32>, vector<16x64xf32>, vector<3136x64xf32> -> vector<3136x64xf32>
    %get3A_10 = arith.constant 0 : index
    %get3A_11 = arith.constant 0 : index
    %get3A_12 = vector.load %arg3[%get3A_10, %get3A_11] : memref<1x64xf32, #tpu.memory_space<vmem>>, vector<1x64xf32>
    %get3A_13 = vector.shape_cast %get3A_12 : vector<1x64xf32> to vector<64xf32>
    %broadcast_in_dim3A = vector.shape_cast %get3A_13 : vector<64xf32> to vector<1x64xf32>
    %add3A = vector.broadcast %broadcast_in_dim3A : vector<1x64xf32> to vector<3136x64xf32>
    %add3A_14 = arith.addf %dot_general3A_9, %add3A : vector<3136x64xf32>
    %max3A = arith.constant 0.000000e+00 : f32
    %max3A_15 = vector.broadcast %max3A : f32 to vector<3136x64xf32>
    %max3A_16 = arith.maximumf %add3A_14, %max3A_15 : vector<3136x64xf32>
    %swap3A = arith.constant 0 : index
    %swap3A_17 = arith.constant 0 : index
    %swap3A_18 = arith.constant 0 : index
    %swap3A_19 = vector.load %arg4[%swap3A, %swap3A_17, %swap3A_18] : memref<1x12544x64xf32, #tpu.memory_space<vmem>>, vector<1x3136x64xf32>
    %swap3A_20 = vector.shape_cast %swap3A_19 : vector<1x3136x64xf32> to vector<3136x64xf32>
    %swap3A_21 = vector.shape_cast %max3A_16 : vector<3136x64xf32> to vector<1x3136x64xf32>
    tpu.vector_store %arg4[%swap3A, %swap3A_17, %swap3A_18], %swap3A_21 {strides = array<i32>} : memref<1x12544x64xf32, #tpu.memory_space<vmem>>, vector<1x3136x64xf32>,
    %get3A_22 = arith.constant 0 : index
    %get3A_23 = arith.constant 3136 : index
    %get3A_24 = arith.constant 0 : index
    %get3A_25 = vector.load %arg1[%get3A_22, %get3A_23, %get3A_24] : memref<1x12544x16xf32, #tpu.memory_space<vmem>>, vector<1x3136x16xf32>
    %get3A_26 = vector.shape_cast %get3A_25 : vector<1x3136x16xf32> to vector<3136x16xf32>
    %get3A_27 = arith.constant 0 : index
    %get3A_28 = arith.constant 0 : index
    %get3A_29 = arith.constant 0 : index
    %get3A_30 = vector.load %arg2[%get3A_27, %get3A_28, %get3A_29] : memref<1x16x64xf32, #tpu.memory_space<vmem>>, vector<1x16x64xf32>
    %get3A_31 = vector.shape_cast %get3A_30 : vector<1x16x64xf32> to vector<16x64xf32>
    %dot_general3A_32 = arith.constant dense<0.000000e+00> : vector<3136x64xf32>
    %dot_general3A_33 = tpu.matmul %get3A_26, %get3A_31, %dot_general3A_32 {dimension_numbers = #tpu.dot_dimension_numbers<[1], [0], [0], [1], [0, 0, 1, 1], [], []>, transpose_lhs_hint = false} : vector<3136x16xf32>, vector<16x64xf32>, vector<3136x64xf32> -> vector<3136x64xf32>
    %get3A_34 = arith.constant 0 : index
    %get3A_35 = arith.constant 0 : index
    %get3A_36 = vector.load %arg3[%get3A_34, %get3A_35] : memref<1x64xf32, #tpu.memory_space<vmem>>, vector<1x64xf32>
    %get3A_37 = vector.shape_cast %get3A_36 : vector<1x64xf32> to vector<64xf32>
    %broadcast_in_dim3A_38 = vector.shape_cast %get3A_37 : vector<64xf32> to vector<1x64xf32>
    %add3A_39 = vector.broadcast %broadcast_in_dim3A_38 : vector<1x64xf32> to vector<3136x64xf32>
    %add3A_40 = arith.addf %dot_general3A_33, %add3A_39 : vector<3136x64xf32>
    %max3A_41 = arith.constant 0.000000e+00 : f32
    %max3A_42 = vector.broadcast %max3A_41 : f32 to vector<3136x64xf32>
    %max3A_43 = arith.maximumf %add3A_40, %max3A_42 : vector<3136x64xf32>
    %swap3A_44 = arith.constant 0 : index
    %swap3A_45 = arith.constant 3136 : index
    %swap3A_46 = arith.constant 0 : index
    %swap3A_47 = vector.load %arg4[%swap3A_44, %swap3A_45, %swap3A_46] : memref<1x12544x64xf32, #tpu.memory_space<vmem>>, vector<1x3136x64xf32>
    %swap3A_48 = vector.shape_cast %swap3A_47 : vector<1x3136x64xf32> to vector<3136x64xf32>
    %swap3A_49 = vector.shape_cast %max3A_43 : vector<3136x64xf32> to vector<1x3136x64xf32>
    tpu.vector_store %arg4[%swap3A_44, %swap3A_45, %swap3A_46], %swap3A_49 {strides = array<i32>} : memref<1x12544x64xf32, #tpu.memory_space<vmem>>, vector<1x3136x64xf32>,
    %get3A_50 = arith.constant 0 : index
    %get3A_51 = arith.constant 6272 : index
    %get3A_52 = arith.constant 0 : index
    %get3A_53 = vector.load %arg1[%get3A_50, %get3A_51, %get3A_52] : memref<1x12544x16xf32, #tpu.memory_space<vmem>>, vector<1x3136x16xf32>
    %get3A_54 = vector.shape_cast %get3A_53 : vector<1x3136x16xf32> to vector<3136x16xf32>
    %get3A_55 = arith.constant 0 : index
    %get3A_56 = arith.constant 0 : index
    %get3A_57 = arith.constant 0 : index
    %get3A_58 = vector.load %arg2[%get3A_55, %get3A_56, %get3A_57] : memref<1x16x64xf32, #tpu.memory_space<vmem>>, vector<1x16x64xf32>
    %get3A_59 = vector.shape_cast %get3A_58 : vector<1x16x64xf32> to vector<16x64xf32>
    %dot_general3A_60 = arith.constant dense<0.000000e+00> : vector<3136x64xf32>
    %dot_general3A_61 = tpu.matmul %get3A_54, %get3A_59, %dot_general3A_60 {dimension_numbers = #tpu.dot_dimension_numbers<[1], [0], [0], [1], [0, 0, 1, 1], [], []>, transpose_lhs_hint = false} : vector<3136x16xf32>, vector<16x64xf32>, vector<3136x64xf32> -> vector<3136x64xf32>
    %get3A_62 = arith.constant 0 : index
    %get3A_63 = arith.constant 0 : index
    %get3A_64 = vector.load %arg3[%get3A_62, %get3A_63] : memref<1x64xf32, #tpu.memory_space<vmem>>, vector<1x64xf32>
    %get3A_65 = vector.shape_cast %get3A_64 : vector<1x64xf32> to vector<64xf32>
    %broadcast_in_dim3A_66 = vector.shape_cast %get3A_65 : vector<64xf32> to vector<1x64xf32>
    %add3A_67 = vector.broadcast %broadcast_in_dim3A_66 : vector<1x64xf32> to vector<3136x64xf32>
    %add3A_68 = arith.addf %dot_general3A_61, %add3A_67 : vector<3136x64xf32>
    %max3A_69 = arith.constant 0.000000e+00 : f32
    %max3A_70 = vector.broadcast %max3A_69 : f32 to vector<3136x64xf32>
    %max3A_71 = arith.maximumf %add3A_68, %max3A_70 : vector<3136x64xf32>
    %swap3A_72 = arith.constant 0 : index
    %swap3A_73 = arith.constant 6272 : index
    %swap3A_74 = arith.constant 0 : index
    %swap3A_75 = vector.load %arg4[%swap3A_72, %swap3A_73, %swap3A_74] : memref<1x12544x64xf32, #tpu.memory_space<vmem>>, vector<1x3136x64xf32>
    %swap3A_76 = vector.shape_cast %swap3A_75 : vector<1x3136x64xf32> to vector<3136x64xf32>
    %swap3A_77 = vector.shape_cast %max3A_71 : vector<3136x64xf32> to vector<1x3136x64xf32>
    tpu.vector_store %arg4[%swap3A_72, %swap3A_73, %swap3A_74], %swap3A_77 {strides = array<i32>} : memref<1x12544x64xf32, #tpu.memory_space<vmem>>, vector<1x3136x64xf32>,
    %get3A_78 = arith.constant 0 : index
    %get3A_79 = arith.constant 9408 : index
    %get3A_80 = arith.constant 0 : index
    %get3A_81 = vector.load %arg1[%get3A_78, %get3A_79, %get3A_80] : memref<1x12544x16xf32, #tpu.memory_space<vmem>>, vector<1x3136x16xf32>
    %get3A_82 = vector.shape_cast %get3A_81 : vector<1x3136x16xf32> to vector<3136x16xf32>
    %get3A_83 = arith.constant 0 : index
    %get3A_84 = arith.constant 0 : index
    %get3A_85 = arith.constant 0 : index
    %get3A_86 = vector.load %arg2[%get3A_83, %get3A_84, %get3A_85] : memref<1x16x64xf32, #tpu.memory_space<vmem>>, vector<1x16x64xf32>
    %get3A_87 = vector.shape_cast %get3A_86 : vector<1x16x64xf32> to vector<16x64xf32>
    %dot_general3A_88 = arith.constant dense<0.000000e+00> : vector<3136x64xf32>
    %dot_general3A_89 = tpu.matmul %get3A_82, %get3A_87, %dot_general3A_88 {dimension_numbers = #tpu.dot_dimension_numbers<[1], [0], [0], [1], [0, 0, 1, 1], [], []>, transpose_lhs_hint = false} : vector<3136x16xf32>, vector<16x64xf32>, vector<3136x64xf32> -> vector<3136x64xf32>
    %get3A_90 = arith.constant 0 : index
    %get3A_91 = arith.constant 0 : index
    %get3A_92 = vector.load %arg3[%get3A_90, %get3A_91] : memref<1x64xf32, #tpu.memory_space<vmem>>, vector<1x64xf32>
    %get3A_93 = vector.shape_cast %get3A_92 : vector<1x64xf32> to vector<64xf32>
    %broadcast_in_dim3A_94 = vector.shape_cast %get3A_93 : vector<64xf32> to vector<1x64xf32>
    %add3A_95 = vector.broadcast %broadcast_in_dim3A_94 : vector<1x64xf32> to vector<3136x64xf32>
    %add3A_96 = arith.addf %dot_general3A_89, %add3A_95 : vector<3136x64xf32>
    %max3A_97 = arith.constant 0.000000e+00 : f32
    %max3A_98 = vector.broadcast %max3A_97 : f32 to vector<3136x64xf32>
    %max3A_99 = arith.maximumf %add3A_96, %max3A_98 : vector<3136x64xf32>
    %swap3A_100 = arith.constant 0 : index
    %swap3A_101 = arith.constant 9408 : index
    %swap3A_102 = arith.constant 0 : index
    %swap3A_103 = vector.load %arg4[%swap3A_100, %swap3A_101, %swap3A_102] : memref<1x12544x64xf32, #tpu.memory_space<vmem>>, vector<1x3136x64xf32>
    %swap3A_104 = vector.shape_cast %swap3A_103 : vector<1x3136x64xf32> to vector<3136x64xf32>
    %swap3A_105 = vector.shape_cast %max3A_99 : vector<3136x64xf32> to vector<1x3136x64xf32>
    tpu.vector_store %arg4[%swap3A_100, %swap3A_101, %swap3A_102], %swap3A_105 {strides = array<i32>} : memref<1x12544x64xf32, #tpu.memory_space<vmem>>, vector<1x3136x64xf32>,
    return
  }
  func.func @transform_0(%arg0: i32) -> (i32, i32, i32) {
    %c0_i32 = arith.constant 0 : i32
    %c0_i32_0 = arith.constant 0 : i32
    %c0_i32_1 = arith.constant 0 : i32
    return %arg0, %c0_i32, %c0_i32_0 : i32, i32, i32
  }
  func.func @transform_1(%arg0: i32) -> (i32, i32, i32) {
    %c0_i32 = arith.constant 0 : i32
    %c0_i32_0 = arith.constant 0 : i32
    %c0_i32_1 = arith.constant 0 : i32
    %c0_i32_2 = arith.constant 0 : i32
    return %c0_i32, %c0_i32_0, %c0_i32_1 : i32, i32, i32
  }
  func.func @transform_2(%arg0: i32) -> (i32, i32) {
    %c0_i32 = arith.constant 0 : i32
    %c0_i32_0 = arith.constant 0 : i32
    %c0_i32_1 = arith.constant 0 : i32
    return %c0_i32, %c0_i32_0 : i32, i32
  }
  func.func @transform_3(%arg0: i32) -> (i32, i32, i32) {
    %c0_i32 = arith.constant 0 : i32
    %c0_i32_0 = arith.constant 0 : i32
    %c0_i32_1 = arith.constant 0 : i32
    return %arg0, %c0_i32, %c0_i32_0 : i32, i32, i32
  }
}

module attributes {stable_mosaic.version = 14 : i64} {
  func.func @_conv1_kernel(%arg0: i32, %arg1: memref<1x3136x1024xf32, #tpu.memory_space<vmem>>, %arg2: memref<1x1024x128xf32, #tpu.memory_space<vmem>>, %arg3: memref<1x128xf32, #tpu.memory_space<vmem>>, %arg4: memref<1x3136x128xf32, #tpu.memory_space<vmem>>) attributes {dimension_semantics = [#tpu.dimension_semantics<arbitrary>], iteration_bounds = array<i64: 8>, scalar_prefetch = 0 : i64, scratch_operands = 0 : i64, tpu.core_type = #tpu.core_type<tc>, window_params = [{transform_indices = @transform_0, window_bounds = array<i64: 1, 3136, 1024>}, {pipeline_mode = #tpu.pipeline_mode<synchronous>, transform_indices = @transform_1, window_bounds = array<i64: 1, 1024, 128>}, {pipeline_mode = #tpu.pipeline_mode<synchronous>, transform_indices = @transform_2, window_bounds = array<i64: 1, 128>}, {transform_indices = @transform_3, window_bounds = array<i64: 1, 3136, 128>}]} {
    %get3A = arith.constant 0 : index
    %get3A_0 = arith.constant 0 : index
    %get3A_1 = arith.constant 0 : index
    %get3A_2 = vector.load %arg1[%get3A, %get3A_0, %get3A_1] : memref<1x3136x1024xf32, #tpu.memory_space<vmem>>, vector<1x3136x1024xf32>
    %get3A_3 = vector.shape_cast %get3A_2 : vector<1x3136x1024xf32> to vector<3136x1024xf32>
    %get3A_4 = arith.constant 0 : index
    %get3A_5 = arith.constant 0 : index
    %get3A_6 = arith.constant 0 : index
    %get3A_7 = vector.load %arg2[%get3A_4, %get3A_5, %get3A_6] : memref<1x1024x128xf32, #tpu.memory_space<vmem>>, vector<1x1024x128xf32>
    %get3A_8 = vector.shape_cast %get3A_7 : vector<1x1024x128xf32> to vector<1024x128xf32>
    %dot_general3A = arith.constant dense<0.000000e+00> : vector<3136x128xf32>
    %dot_general3A_9 = tpu.matmul %get3A_3, %get3A_8, %dot_general3A {dimension_numbers = #tpu.dot_dimension_numbers<[1], [0], [0], [1], [0, 0, 1, 1], [], []>, transpose_lhs_hint = false} : vector<3136x1024xf32>, vector<1024x128xf32>, vector<3136x128xf32> -> vector<3136x128xf32>
    %get3A_10 = arith.constant 0 : index
    %get3A_11 = arith.constant 0 : index
    %get3A_12 = vector.load %arg3[%get3A_10, %get3A_11] : memref<1x128xf32, #tpu.memory_space<vmem>>, vector<1x128xf32>
    %get3A_13 = vector.shape_cast %get3A_12 : vector<1x128xf32> to vector<128xf32>
    %broadcast_in_dim3A = vector.shape_cast %get3A_13 : vector<128xf32> to vector<1x128xf32>
    %add3A = vector.broadcast %broadcast_in_dim3A : vector<1x128xf32> to vector<3136x128xf32>
    %add3A_14 = arith.addf %dot_general3A_9, %add3A : vector<3136x128xf32>
    %max3A = arith.constant 0.000000e+00 : f32
    %max3A_15 = vector.broadcast %max3A : f32 to vector<3136x128xf32>
    %max3A_16 = arith.maximumf %add3A_14, %max3A_15 : vector<3136x128xf32>
    %swap3A = arith.constant 0 : index
    %swap3A_17 = arith.constant 0 : index
    %swap3A_18 = arith.constant 0 : index
    %swap3A_19 = vector.load %arg4[%swap3A, %swap3A_17, %swap3A_18] : memref<1x3136x128xf32, #tpu.memory_space<vmem>>, vector<1x3136x128xf32>
    %swap3A_20 = vector.shape_cast %swap3A_19 : vector<1x3136x128xf32> to vector<3136x128xf32>
    %swap3A_21 = vector.shape_cast %max3A_16 : vector<3136x128xf32> to vector<1x3136x128xf32>
    tpu.vector_store %arg4[%swap3A, %swap3A_17, %swap3A_18], %swap3A_21 {strides = array<i32>} : memref<1x3136x128xf32, #tpu.memory_space<vmem>>, vector<1x3136x128xf32>,
    return
  }
  func.func @transform_0(%arg0: i32) -> (i32, i32, i32) {
    %c0_i32 = arith.constant 0 : i32
    %c0_i32_0 = arith.constant 0 : i32
    %c0_i32_1 = arith.constant 0 : i32
    return %arg0, %c0_i32, %c0_i32_0 : i32, i32, i32
  }
  func.func @transform_1(%arg0: i32) -> (i32, i32, i32) {
    %c0_i32 = arith.constant 0 : i32
    %c0_i32_0 = arith.constant 0 : i32
    %c0_i32_1 = arith.constant 0 : i32
    %c0_i32_2 = arith.constant 0 : i32
    return %c0_i32, %c0_i32_0, %c0_i32_1 : i32, i32, i32
  }
  func.func @transform_2(%arg0: i32) -> (i32, i32) {
    %c0_i32 = arith.constant 0 : i32
    %c0_i32_0 = arith.constant 0 : i32
    %c0_i32_1 = arith.constant 0 : i32
    return %c0_i32, %c0_i32_0 : i32, i32
  }
  func.func @transform_3(%arg0: i32) -> (i32, i32, i32) {
    %c0_i32 = arith.constant 0 : i32
    %c0_i32_0 = arith.constant 0 : i32
    %c0_i32_1 = arith.constant 0 : i32
    return %arg0, %c0_i32, %c0_i32_0 : i32, i32, i32
  }
}

module attributes {stable_mosaic.version = 14 : i64} {
  func.func @_flat_conv_kernel(%arg0: i32, %arg1: memref<1x3448x128xf32, #tpu.memory_space<vmem>>, %arg2: memref<9x128x128xf32, #tpu.memory_space<vmem>>, %arg3: memref<1x128xf32, #tpu.memory_space<vmem>>, %arg4: memref<3448x1xf32, #tpu.memory_space<vmem>>, %arg5: memref<1x3448x128xf32, #tpu.memory_space<vmem>>) attributes {dimension_semantics = [#tpu.dimension_semantics<arbitrary>], iteration_bounds = array<i64: 8>, scalar_prefetch = 0 : i64, scratch_operands = 0 : i64, tpu.core_type = #tpu.core_type<tc>, window_params = [{transform_indices = @transform_0, window_bounds = array<i64: 1, 3448, 128>}, {pipeline_mode = #tpu.pipeline_mode<synchronous>, transform_indices = @transform_1, window_bounds = array<i64: 9, 128, 128>}, {pipeline_mode = #tpu.pipeline_mode<synchronous>, transform_indices = @transform_2, window_bounds = array<i64: 1, 128>}, {pipeline_mode = #tpu.pipeline_mode<synchronous>, transform_indices = @transform_3, window_bounds = array<i64: 3448, 1>}, {transform_indices = @transform_4, window_bounds = array<i64: 1, 3448, 128>}]} {
    %get3A = arith.constant 0 : index
    %get3A_0 = arith.constant 0 : index
    %get3A_1 = arith.constant 0 : index
    %get3A_2 = vector.load %arg2[%get3A, %get3A_0, %get3A_1] : memref<9x128x128xf32, #tpu.memory_space<vmem>>, vector<9x128x128xf32>
    %reshape3A = vector.shape_cast %get3A_2 : vector<9x128x128xf32> to vector<1152x128xf32>
    %get3A_3 = arith.constant 0 : index
    %get3A_4 = arith.constant 7 : index
    %get3A_5 = arith.constant 0 : index
    %get3A_6 = vector.load %arg1[%get3A_3, %get3A_4, %get3A_5] : memref<1x3448x128xf32, #tpu.memory_space<vmem>>, vector<1x812x128xf32>
    %get3A_7 = vector.shape_cast %get3A_6 : vector<1x812x128xf32> to vector<812x128xf32>
    %get3A_8 = arith.constant 0 : index
    %get3A_9 = arith.constant 8 : index
    %get3A_10 = arith.constant 0 : index
    %get3A_11 = vector.load %arg1[%get3A_8, %get3A_9, %get3A_10] : memref<1x3448x128xf32, #tpu.memory_space<vmem>>, vector<1x812x128xf32>
    %get3A_12 = vector.shape_cast %get3A_11 : vector<1x812x128xf32> to vector<812x128xf32>
    %get3A_13 = arith.constant 0 : index
    %get3A_14 = arith.constant 9 : index
    %get3A_15 = arith.constant 0 : index
    %get3A_16 = vector.load %arg1[%get3A_13, %get3A_14, %get3A_15] : memref<1x3448x128xf32, #tpu.memory_space<vmem>>, vector<1x812x128xf32>
    %get3A_17 = vector.shape_cast %get3A_16 : vector<1x812x128xf32> to vector<812x128xf32>
    %get3A_18 = arith.constant 0 : index
    %get3A_19 = arith.constant 65 : index
    %get3A_20 = arith.constant 0 : index
    %get3A_21 = vector.load %arg1[%get3A_18, %get3A_19, %get3A_20] : memref<1x3448x128xf32, #tpu.memory_space<vmem>>, vector<1x812x128xf32>
    %get3A_22 = vector.shape_cast %get3A_21 : vector<1x812x128xf32> to vector<812x128xf32>
    %get3A_23 = arith.constant 0 : index
    %get3A_24 = arith.constant 66 : index
    %get3A_25 = arith.constant 0 : index
    %get3A_26 = vector.load %arg1[%get3A_23, %get3A_24, %get3A_25] : memref<1x3448x128xf32, #tpu.memory_space<vmem>>, vector<1x812x128xf32>
    %get3A_27 = vector.shape_cast %get3A_26 : vector<1x812x128xf32> to vector<812x128xf32>
    %get3A_28 = arith.constant 0 : index
    %get3A_29 = arith.constant 67 : index
    %get3A_30 = arith.constant 0 : index
    %get3A_31 = vector.load %arg1[%get3A_28, %get3A_29, %get3A_30] : memref<1x3448x128xf32, #tpu.memory_space<vmem>>, vector<1x812x128xf32>
    %get3A_32 = vector.shape_cast %get3A_31 : vector<1x812x128xf32> to vector<812x128xf32>
    %get3A_33 = arith.constant 0 : index
    %get3A_34 = arith.constant 123 : index
    %get3A_35 = arith.constant 0 : index
    %get3A_36 = vector.load %arg1[%get3A_33, %get3A_34, %get3A_35] : memref<1x3448x128xf32, #tpu.memory_space<vmem>>, vector<1x812x128xf32>
    %get3A_37 = vector.shape_cast %get3A_36 : vector<1x812x128xf32> to vector<812x128xf32>
    %get3A_38 = arith.constant 0 : index
    %get3A_39 = arith.constant 124 : index
    %get3A_40 = arith.constant 0 : index
    %get3A_41 = vector.load %arg1[%get3A_38, %get3A_39, %get3A_40] : memref<1x3448x128xf32, #tpu.memory_space<vmem>>, vector<1x812x128xf32>
    %get3A_42 = vector.shape_cast %get3A_41 : vector<1x812x128xf32> to vector<812x128xf32>
    %get3A_43 = arith.constant 0 : index
    %get3A_44 = arith.constant 125 : index
    %get3A_45 = arith.constant 0 : index
    %get3A_46 = vector.load %arg1[%get3A_43, %get3A_44, %get3A_45] : memref<1x3448x128xf32, #tpu.memory_space<vmem>>, vector<1x812x128xf32>
    %get3A_47 = vector.shape_cast %get3A_46 : vector<1x812x128xf32> to vector<812x128xf32>
    %concatenate3A = tpu.concatenate %get3A_7, %get3A_12, %get3A_17, %get3A_22, %get3A_27, %get3A_32, %get3A_37, %get3A_42, %get3A_47 in 1 : vector<812x128xf32>, vector<812x128xf32>, vector<812x128xf32>, vector<812x128xf32>, vector<812x128xf32>, vector<812x128xf32>, vector<812x128xf32>, vector<812x128xf32>, vector<812x128xf32> -> vector<812x1152xf32>
    %dot_general3A = arith.constant dense<0.000000e+00> : vector<812x128xf32>
    %dot_general3A_48 = tpu.matmul %concatenate3A, %reshape3A, %dot_general3A {dimension_numbers = #tpu.dot_dimension_numbers<[1], [0], [0], [1], [0, 0, 1, 1], [], []>, transpose_lhs_hint = false} : vector<812x1152xf32>, vector<1152x128xf32>, vector<812x128xf32> -> vector<812x128xf32>
    %get3A_49 = arith.constant 0 : index
    %get3A_50 = arith.constant 0 : index
    %get3A_51 = vector.load %arg3[%get3A_49, %get3A_50] : memref<1x128xf32, #tpu.memory_space<vmem>>, vector<1x128xf32>
    %get3A_52 = vector.shape_cast %get3A_51 : vector<1x128xf32> to vector<128xf32>
    %broadcast_in_dim3A = vector.shape_cast %get3A_52 : vector<128xf32> to vector<1x128xf32>
    %add3A = vector.broadcast %broadcast_in_dim3A : vector<1x128xf32> to vector<812x128xf32>
    %add3A_53 = arith.addf %dot_general3A_48, %add3A : vector<812x128xf32>
    %get3A_54 = arith.constant 66 : index
    %get3A_55 = arith.constant 0 : index
    %get3A_56 = vector.load %arg4[%get3A_54, %get3A_55] : memref<3448x1xf32, #tpu.memory_space<vmem>>, vector<812x1xf32>
    %mul3A = vector.broadcast %get3A_56 : vector<812x1xf32> to vector<812x128xf32>
    %mul3A_57 = arith.mulf %add3A_53, %mul3A : vector<812x128xf32>
    %swap3A = arith.constant 0 : index
    %swap3A_58 = arith.constant 66 : index
    %swap3A_59 = arith.constant 0 : index
    %swap3A_60 = vector.load %arg5[%swap3A, %swap3A_58, %swap3A_59] : memref<1x3448x128xf32, #tpu.memory_space<vmem>>, vector<1x812x128xf32>
    %swap3A_61 = vector.shape_cast %swap3A_60 : vector<1x812x128xf32> to vector<812x128xf32>
    %swap3A_62 = vector.shape_cast %mul3A_57 : vector<812x128xf32> to vector<1x812x128xf32>
    tpu.vector_store %arg5[%swap3A, %swap3A_58, %swap3A_59], %swap3A_62 {strides = array<i32>} : memref<1x3448x128xf32, #tpu.memory_space<vmem>>, vector<1x812x128xf32>,
    %get3A_63 = arith.constant 0 : index
    %get3A_64 = arith.constant 819 : index
    %get3A_65 = arith.constant 0 : index
    %get3A_66 = vector.load %arg1[%get3A_63, %get3A_64, %get3A_65] : memref<1x3448x128xf32, #tpu.memory_space<vmem>>, vector<1x812x128xf32>
    %get3A_67 = vector.shape_cast %get3A_66 : vector<1x812x128xf32> to vector<812x128xf32>
    %get3A_68 = arith.constant 0 : index
    %get3A_69 = arith.constant 820 : index
    %get3A_70 = arith.constant 0 : index
    %get3A_71 = vector.load %arg1[%get3A_68, %get3A_69, %get3A_70] : memref<1x3448x128xf32, #tpu.memory_space<vmem>>, vector<1x812x128xf32>
    %get3A_72 = vector.shape_cast %get3A_71 : vector<1x812x128xf32> to vector<812x128xf32>
    %get3A_73 = arith.constant 0 : index
    %get3A_74 = arith.constant 821 : index
    %get3A_75 = arith.constant 0 : index
    %get3A_76 = vector.load %arg1[%get3A_73, %get3A_74, %get3A_75] : memref<1x3448x128xf32, #tpu.memory_space<vmem>>, vector<1x812x128xf32>
    %get3A_77 = vector.shape_cast %get3A_76 : vector<1x812x128xf32> to vector<812x128xf32>
    %get3A_78 = arith.constant 0 : index
    %get3A_79 = arith.constant 877 : index
    %get3A_80 = arith.constant 0 : index
    %get3A_81 = vector.load %arg1[%get3A_78, %get3A_79, %get3A_80] : memref<1x3448x128xf32, #tpu.memory_space<vmem>>, vector<1x812x128xf32>
    %get3A_82 = vector.shape_cast %get3A_81 : vector<1x812x128xf32> to vector<812x128xf32>
    %get3A_83 = arith.constant 0 : index
    %get3A_84 = arith.constant 878 : index
    %get3A_85 = arith.constant 0 : index
    %get3A_86 = vector.load %arg1[%get3A_83, %get3A_84, %get3A_85] : memref<1x3448x128xf32, #tpu.memory_space<vmem>>, vector<1x812x128xf32>
    %get3A_87 = vector.shape_cast %get3A_86 : vector<1x812x128xf32> to vector<812x128xf32>
    %get3A_88 = arith.constant 0 : index
    %get3A_89 = arith.constant 879 : index
    %get3A_90 = arith.constant 0 : index
    %get3A_91 = vector.load %arg1[%get3A_88, %get3A_89, %get3A_90] : memref<1x3448x128xf32, #tpu.memory_space<vmem>>, vector<1x812x128xf32>
    %get3A_92 = vector.shape_cast %get3A_91 : vector<1x812x128xf32> to vector<812x128xf32>
    %get3A_93 = arith.constant 0 : index
    %get3A_94 = arith.constant 935 : index
    %get3A_95 = arith.constant 0 : index
    %get3A_96 = vector.load %arg1[%get3A_93, %get3A_94, %get3A_95] : memref<1x3448x128xf32, #tpu.memory_space<vmem>>, vector<1x812x128xf32>
    %get3A_97 = vector.shape_cast %get3A_96 : vector<1x812x128xf32> to vector<812x128xf32>
    %get3A_98 = arith.constant 0 : index
    %get3A_99 = arith.constant 936 : index
    %get3A_100 = arith.constant 0 : index
    %get3A_101 = vector.load %arg1[%get3A_98, %get3A_99, %get3A_100] : memref<1x3448x128xf32, #tpu.memory_space<vmem>>, vector<1x812x128xf32>
    %get3A_102 = vector.shape_cast %get3A_101 : vector<1x812x128xf32> to vector<812x128xf32>
    %get3A_103 = arith.constant 0 : index
    %get3A_104 = arith.constant 937 : index
    %get3A_105 = arith.constant 0 : index
    %get3A_106 = vector.load %arg1[%get3A_103, %get3A_104, %get3A_105] : memref<1x3448x128xf32, #tpu.memory_space<vmem>>, vector<1x812x128xf32>
    %get3A_107 = vector.shape_cast %get3A_106 : vector<1x812x128xf32> to vector<812x128xf32>
    %concatenate3A_108 = tpu.concatenate %get3A_67, %get3A_72, %get3A_77, %get3A_82, %get3A_87, %get3A_92, %get3A_97, %get3A_102, %get3A_107 in 1 : vector<812x128xf32>, vector<812x128xf32>, vector<812x128xf32>, vector<812x128xf32>, vector<812x128xf32>, vector<812x128xf32>, vector<812x128xf32>, vector<812x128xf32>, vector<812x128xf32> -> vector<812x1152xf32>
    %dot_general3A_109 = arith.constant dense<0.000000e+00> : vector<812x128xf32>
    %dot_general3A_110 = tpu.matmul %concatenate3A_108, %reshape3A, %dot_general3A_109 {dimension_numbers = #tpu.dot_dimension_numbers<[1], [0], [0], [1], [0, 0, 1, 1], [], []>, transpose_lhs_hint = false} : vector<812x1152xf32>, vector<1152x128xf32>, vector<812x128xf32> -> vector<812x128xf32>
    %get3A_111 = arith.constant 0 : index
    %get3A_112 = arith.constant 0 : index
    %get3A_113 = vector.load %arg3[%get3A_111, %get3A_112] : memref<1x128xf32, #tpu.memory_space<vmem>>, vector<1x128xf32>
    %get3A_114 = vector.shape_cast %get3A_113 : vector<1x128xf32> to vector<128xf32>
    %broadcast_in_dim3A_115 = vector.shape_cast %get3A_114 : vector<128xf32> to vector<1x128xf32>
    %add3A_116 = vector.broadcast %broadcast_in_dim3A_115 : vector<1x128xf32> to vector<812x128xf32>
    %add3A_117 = arith.addf %dot_general3A_110, %add3A_116 : vector<812x128xf32>
    %get3A_118 = arith.constant 878 : index
    %get3A_119 = arith.constant 0 : index
    %get3A_120 = vector.load %arg4[%get3A_118, %get3A_119] : memref<3448x1xf32, #tpu.memory_space<vmem>>, vector<812x1xf32>
    %mul3A_121 = vector.broadcast %get3A_120 : vector<812x1xf32> to vector<812x128xf32>
    %mul3A_122 = arith.mulf %add3A_117, %mul3A_121 : vector<812x128xf32>
    %swap3A_123 = arith.constant 0 : index
    %swap3A_124 = arith.constant 878 : index
    %swap3A_125 = arith.constant 0 : index
    %swap3A_126 = vector.load %arg5[%swap3A_123, %swap3A_124, %swap3A_125] : memref<1x3448x128xf32, #tpu.memory_space<vmem>>, vector<1x812x128xf32>
    %swap3A_127 = vector.shape_cast %swap3A_126 : vector<1x812x128xf32> to vector<812x128xf32>
    %swap3A_128 = vector.shape_cast %mul3A_122 : vector<812x128xf32> to vector<1x812x128xf32>
    tpu.vector_store %arg5[%swap3A_123, %swap3A_124, %swap3A_125], %swap3A_128 {strides = array<i32>} : memref<1x3448x128xf32, #tpu.memory_space<vmem>>, vector<1x812x128xf32>,
    %get3A_129 = arith.constant 0 : index
    %get3A_130 = arith.constant 1631 : index
    %get3A_131 = arith.constant 0 : index
    %get3A_132 = vector.load %arg1[%get3A_129, %get3A_130, %get3A_131] : memref<1x3448x128xf32, #tpu.memory_space<vmem>>, vector<1x812x128xf32>
    %get3A_133 = vector.shape_cast %get3A_132 : vector<1x812x128xf32> to vector<812x128xf32>
    %get3A_134 = arith.constant 0 : index
    %get3A_135 = arith.constant 1632 : index
    %get3A_136 = arith.constant 0 : index
    %get3A_137 = vector.load %arg1[%get3A_134, %get3A_135, %get3A_136] : memref<1x3448x128xf32, #tpu.memory_space<vmem>>, vector<1x812x128xf32>
    %get3A_138 = vector.shape_cast %get3A_137 : vector<1x812x128xf32> to vector<812x128xf32>
    %get3A_139 = arith.constant 0 : index
    %get3A_140 = arith.constant 1633 : index
    %get3A_141 = arith.constant 0 : index
    %get3A_142 = vector.load %arg1[%get3A_139, %get3A_140, %get3A_141] : memref<1x3448x128xf32, #tpu.memory_space<vmem>>, vector<1x812x128xf32>
    %get3A_143 = vector.shape_cast %get3A_142 : vector<1x812x128xf32> to vector<812x128xf32>
    %get3A_144 = arith.constant 0 : index
    %get3A_145 = arith.constant 1689 : index
    %get3A_146 = arith.constant 0 : index
    %get3A_147 = vector.load %arg1[%get3A_144, %get3A_145, %get3A_146] : memref<1x3448x128xf32, #tpu.memory_space<vmem>>, vector<1x812x128xf32>
    %get3A_148 = vector.shape_cast %get3A_147 : vector<1x812x128xf32> to vector<812x128xf32>
    %get3A_149 = arith.constant 0 : index
    %get3A_150 = arith.constant 1690 : index
    %get3A_151 = arith.constant 0 : index
    %get3A_152 = vector.load %arg1[%get3A_149, %get3A_150, %get3A_151] : memref<1x3448x128xf32, #tpu.memory_space<vmem>>, vector<1x812x128xf32>
    %get3A_153 = vector.shape_cast %get3A_152 : vector<1x812x128xf32> to vector<812x128xf32>
    %get3A_154 = arith.constant 0 : index
    %get3A_155 = arith.constant 1691 : index
    %get3A_156 = arith.constant 0 : index
    %get3A_157 = vector.load %arg1[%get3A_154, %get3A_155, %get3A_156] : memref<1x3448x128xf32, #tpu.memory_space<vmem>>, vector<1x812x128xf32>
    %get3A_158 = vector.shape_cast %get3A_157 : vector<1x812x128xf32> to vector<812x128xf32>
    %get3A_159 = arith.constant 0 : index
    %get3A_160 = arith.constant 1747 : index
    %get3A_161 = arith.constant 0 : index
    %get3A_162 = vector.load %arg1[%get3A_159, %get3A_160, %get3A_161] : memref<1x3448x128xf32, #tpu.memory_space<vmem>>, vector<1x812x128xf32>
    %get3A_163 = vector.shape_cast %get3A_162 : vector<1x812x128xf32> to vector<812x128xf32>
    %get3A_164 = arith.constant 0 : index
    %get3A_165 = arith.constant 1748 : index
    %get3A_166 = arith.constant 0 : index
    %get3A_167 = vector.load %arg1[%get3A_164, %get3A_165, %get3A_166] : memref<1x3448x128xf32, #tpu.memory_space<vmem>>, vector<1x812x128xf32>
    %get3A_168 = vector.shape_cast %get3A_167 : vector<1x812x128xf32> to vector<812x128xf32>
    %get3A_169 = arith.constant 0 : index
    %get3A_170 = arith.constant 1749 : index
    %get3A_171 = arith.constant 0 : index
    %get3A_172 = vector.load %arg1[%get3A_169, %get3A_170, %get3A_171] : memref<1x3448x128xf32, #tpu.memory_space<vmem>>, vector<1x812x128xf32>
    %get3A_173 = vector.shape_cast %get3A_172 : vector<1x812x128xf32> to vector<812x128xf32>
    %concatenate3A_174 = tpu.concatenate %get3A_133, %get3A_138, %get3A_143, %get3A_148, %get3A_153, %get3A_158, %get3A_163, %get3A_168, %get3A_173 in 1 : vector<812x128xf32>, vector<812x128xf32>, vector<812x128xf32>, vector<812x128xf32>, vector<812x128xf32>, vector<812x128xf32>, vector<812x128xf32>, vector<812x128xf32>, vector<812x128xf32> -> vector<812x1152xf32>
    %dot_general3A_175 = arith.constant dense<0.000000e+00> : vector<812x128xf32>
    %dot_general3A_176 = tpu.matmul %concatenate3A_174, %reshape3A, %dot_general3A_175 {dimension_numbers = #tpu.dot_dimension_numbers<[1], [0], [0], [1], [0, 0, 1, 1], [], []>, transpose_lhs_hint = false} : vector<812x1152xf32>, vector<1152x128xf32>, vector<812x128xf32> -> vector<812x128xf32>
    %get3A_177 = arith.constant 0 : index
    %get3A_178 = arith.constant 0 : index
    %get3A_179 = vector.load %arg3[%get3A_177, %get3A_178] : memref<1x128xf32, #tpu.memory_space<vmem>>, vector<1x128xf32>
    %get3A_180 = vector.shape_cast %get3A_179 : vector<1x128xf32> to vector<128xf32>
    %broadcast_in_dim3A_181 = vector.shape_cast %get3A_180 : vector<128xf32> to vector<1x128xf32>
    %add3A_182 = vector.broadcast %broadcast_in_dim3A_181 : vector<1x128xf32> to vector<812x128xf32>
    %add3A_183 = arith.addf %dot_general3A_176, %add3A_182 : vector<812x128xf32>
    %get3A_184 = arith.constant 1690 : index
    %get3A_185 = arith.constant 0 : index
    %get3A_186 = vector.load %arg4[%get3A_184, %get3A_185] : memref<3448x1xf32, #tpu.memory_space<vmem>>, vector<812x1xf32>
    %mul3A_187 = vector.broadcast %get3A_186 : vector<812x1xf32> to vector<812x128xf32>
    %mul3A_188 = arith.mulf %add3A_183, %mul3A_187 : vector<812x128xf32>
    %swap3A_189 = arith.constant 0 : index
    %swap3A_190 = arith.constant 1690 : index
    %swap3A_191 = arith.constant 0 : index
    %swap3A_192 = vector.load %arg5[%swap3A_189, %swap3A_190, %swap3A_191] : memref<1x3448x128xf32, #tpu.memory_space<vmem>>, vector<1x812x128xf32>
    %swap3A_193 = vector.shape_cast %swap3A_192 : vector<1x812x128xf32> to vector<812x128xf32>
    %swap3A_194 = vector.shape_cast %mul3A_188 : vector<812x128xf32> to vector<1x812x128xf32>
    tpu.vector_store %arg5[%swap3A_189, %swap3A_190, %swap3A_191], %swap3A_194 {strides = array<i32>} : memref<1x3448x128xf32, #tpu.memory_space<vmem>>, vector<1x812x128xf32>,
    %get3A_195 = arith.constant 0 : index
    %get3A_196 = arith.constant 2443 : index
    %get3A_197 = arith.constant 0 : index
    %get3A_198 = vector.load %arg1[%get3A_195, %get3A_196, %get3A_197] : memref<1x3448x128xf32, #tpu.memory_space<vmem>>, vector<1x812x128xf32>
    %get3A_199 = vector.shape_cast %get3A_198 : vector<1x812x128xf32> to vector<812x128xf32>
    %get3A_200 = arith.constant 0 : index
    %get3A_201 = arith.constant 2444 : index
    %get3A_202 = arith.constant 0 : index
    %get3A_203 = vector.load %arg1[%get3A_200, %get3A_201, %get3A_202] : memref<1x3448x128xf32, #tpu.memory_space<vmem>>, vector<1x812x128xf32>
    %get3A_204 = vector.shape_cast %get3A_203 : vector<1x812x128xf32> to vector<812x128xf32>
    %get3A_205 = arith.constant 0 : index
    %get3A_206 = arith.constant 2445 : index
    %get3A_207 = arith.constant 0 : index
    %get3A_208 = vector.load %arg1[%get3A_205, %get3A_206, %get3A_207] : memref<1x3448x128xf32, #tpu.memory_space<vmem>>, vector<1x812x128xf32>
    %get3A_209 = vector.shape_cast %get3A_208 : vector<1x812x128xf32> to vector<812x128xf32>
    %get3A_210 = arith.constant 0 : index
    %get3A_211 = arith.constant 2501 : index
    %get3A_212 = arith.constant 0 : index
    %get3A_213 = vector.load %arg1[%get3A_210, %get3A_211, %get3A_212] : memref<1x3448x128xf32, #tpu.memory_space<vmem>>, vector<1x812x128xf32>
    %get3A_214 = vector.shape_cast %get3A_213 : vector<1x812x128xf32> to vector<812x128xf32>
    %get3A_215 = arith.constant 0 : index
    %get3A_216 = arith.constant 2502 : index
    %get3A_217 = arith.constant 0 : index
    %get3A_218 = vector.load %arg1[%get3A_215, %get3A_216, %get3A_217] : memref<1x3448x128xf32, #tpu.memory_space<vmem>>, vector<1x812x128xf32>
    %get3A_219 = vector.shape_cast %get3A_218 : vector<1x812x128xf32> to vector<812x128xf32>
    %get3A_220 = arith.constant 0 : index
    %get3A_221 = arith.constant 2503 : index
    %get3A_222 = arith.constant 0 : index
    %get3A_223 = vector.load %arg1[%get3A_220, %get3A_221, %get3A_222] : memref<1x3448x128xf32, #tpu.memory_space<vmem>>, vector<1x812x128xf32>
    %get3A_224 = vector.shape_cast %get3A_223 : vector<1x812x128xf32> to vector<812x128xf32>
    %get3A_225 = arith.constant 0 : index
    %get3A_226 = arith.constant 2559 : index
    %get3A_227 = arith.constant 0 : index
    %get3A_228 = vector.load %arg1[%get3A_225, %get3A_226, %get3A_227] : memref<1x3448x128xf32, #tpu.memory_space<vmem>>, vector<1x812x128xf32>
    %get3A_229 = vector.shape_cast %get3A_228 : vector<1x812x128xf32> to vector<812x128xf32>
    %get3A_230 = arith.constant 0 : index
    %get3A_231 = arith.constant 2560 : index
    %get3A_232 = arith.constant 0 : index
    %get3A_233 = vector.load %arg1[%get3A_230, %get3A_231, %get3A_232] : memref<1x3448x128xf32, #tpu.memory_space<vmem>>, vector<1x812x128xf32>
    %get3A_234 = vector.shape_cast %get3A_233 : vector<1x812x128xf32> to vector<812x128xf32>
    %get3A_235 = arith.constant 0 : index
    %get3A_236 = arith.constant 2561 : index
    %get3A_237 = arith.constant 0 : index
    %get3A_238 = vector.load %arg1[%get3A_235, %get3A_236, %get3A_237] : memref<1x3448x128xf32, #tpu.memory_space<vmem>>, vector<1x812x128xf32>
    %get3A_239 = vector.shape_cast %get3A_238 : vector<1x812x128xf32> to vector<812x128xf32>
    %concatenate3A_240 = tpu.concatenate %get3A_199, %get3A_204, %get3A_209, %get3A_214, %get3A_219, %get3A_224, %get3A_229, %get3A_234, %get3A_239 in 1 : vector<812x128xf32>, vector<812x128xf32>, vector<812x128xf32>, vector<812x128xf32>, vector<812x128xf32>, vector<812x128xf32>, vector<812x128xf32>, vector<812x128xf32>, vector<812x128xf32> -> vector<812x1152xf32>
    %dot_general3A_241 = arith.constant dense<0.000000e+00> : vector<812x128xf32>
    %dot_general3A_242 = tpu.matmul %concatenate3A_240, %reshape3A, %dot_general3A_241 {dimension_numbers = #tpu.dot_dimension_numbers<[1], [0], [0], [1], [0, 0, 1, 1], [], []>, transpose_lhs_hint = false} : vector<812x1152xf32>, vector<1152x128xf32>, vector<812x128xf32> -> vector<812x128xf32>
    %get3A_243 = arith.constant 0 : index
    %get3A_244 = arith.constant 0 : index
    %get3A_245 = vector.load %arg3[%get3A_243, %get3A_244] : memref<1x128xf32, #tpu.memory_space<vmem>>, vector<1x128xf32>
    %get3A_246 = vector.shape_cast %get3A_245 : vector<1x128xf32> to vector<128xf32>
    %broadcast_in_dim3A_247 = vector.shape_cast %get3A_246 : vector<128xf32> to vector<1x128xf32>
    %add3A_248 = vector.broadcast %broadcast_in_dim3A_247 : vector<1x128xf32> to vector<812x128xf32>
    %add3A_249 = arith.addf %dot_general3A_242, %add3A_248 : vector<812x128xf32>
    %get3A_250 = arith.constant 2502 : index
    %get3A_251 = arith.constant 0 : index
    %get3A_252 = vector.load %arg4[%get3A_250, %get3A_251] : memref<3448x1xf32, #tpu.memory_space<vmem>>, vector<812x1xf32>
    %mul3A_253 = vector.broadcast %get3A_252 : vector<812x1xf32> to vector<812x128xf32>
    %mul3A_254 = arith.mulf %add3A_249, %mul3A_253 : vector<812x128xf32>
    %swap3A_255 = arith.constant 0 : index
    %swap3A_256 = arith.constant 2502 : index
    %swap3A_257 = arith.constant 0 : index
    %swap3A_258 = vector.load %arg5[%swap3A_255, %swap3A_256, %swap3A_257] : memref<1x3448x128xf32, #tpu.memory_space<vmem>>, vector<1x812x128xf32>
    %swap3A_259 = vector.shape_cast %swap3A_258 : vector<1x812x128xf32> to vector<812x128xf32>
    %swap3A_260 = vector.shape_cast %mul3A_254 : vector<812x128xf32> to vector<1x812x128xf32>
    tpu.vector_store %arg5[%swap3A_255, %swap3A_256, %swap3A_257], %swap3A_260 {strides = array<i32>} : memref<1x3448x128xf32, #tpu.memory_space<vmem>>, vector<1x812x128xf32>,
    %broadcast_in_dim3A_261 = arith.constant 0.000000e+00 : f32
    %broadcast_in_dim3A_262 = vector.broadcast %broadcast_in_dim3A_261 : f32 to vector<66x128xf32>
    %swap3A_263 = arith.constant 0 : index
    %swap3A_264 = arith.constant 0 : index
    %swap3A_265 = arith.constant 0 : index
    %swap3A_266 = vector.load %arg5[%swap3A_263, %swap3A_264, %swap3A_265] : memref<1x3448x128xf32, #tpu.memory_space<vmem>>, vector<1x66x128xf32>
    %swap3A_267 = vector.shape_cast %swap3A_266 : vector<1x66x128xf32> to vector<66x128xf32>
    %swap3A_268 = vector.shape_cast %broadcast_in_dim3A_262 : vector<66x128xf32> to vector<1x66x128xf32>
    tpu.vector_store %arg5[%swap3A_263, %swap3A_264, %swap3A_265], %swap3A_268 {strides = array<i32>} : memref<1x3448x128xf32, #tpu.memory_space<vmem>>, vector<1x66x128xf32>,
    %broadcast_in_dim3A_269 = arith.constant 0.000000e+00 : f32
    %broadcast_in_dim3A_270 = vector.broadcast %broadcast_in_dim3A_269 : f32 to vector<134x128xf32>
    %swap3A_271 = arith.constant 0 : index
    %swap3A_272 = arith.constant 3314 : index
    %swap3A_273 = arith.constant 0 : index
    %swap3A_274 = vector.load %arg5[%swap3A_271, %swap3A_272, %swap3A_273] : memref<1x3448x128xf32, #tpu.memory_space<vmem>>, vector<1x134x128xf32>
    %swap3A_275 = vector.shape_cast %swap3A_274 : vector<1x134x128xf32> to vector<134x128xf32>
    %swap3A_276 = vector.shape_cast %broadcast_in_dim3A_270 : vector<134x128xf32> to vector<1x134x128xf32>
    tpu.vector_store %arg5[%swap3A_271, %swap3A_272, %swap3A_273], %swap3A_276 {strides = array<i32>} : memref<1x3448x128xf32, #tpu.memory_space<vmem>>, vector<1x134x128xf32>,
    return
  }
  func.func @transform_0(%arg0: i32) -> (i32, i32, i32) {
    %c0_i32 = arith.constant 0 : i32
    %c0_i32_0 = arith.constant 0 : i32
    %c0_i32_1 = arith.constant 0 : i32
    return %arg0, %c0_i32, %c0_i32_0 : i32, i32, i32
  }
  func.func @transform_1(%arg0: i32) -> (i32, i32, i32) {
    %c0_i32 = arith.constant 0 : i32
    %c0_i32_0 = arith.constant 0 : i32
    %c0_i32_1 = arith.constant 0 : i32
    %c0_i32_2 = arith.constant 0 : i32
    return %c0_i32, %c0_i32_0, %c0_i32_1 : i32, i32, i32
  }
  func.func @transform_2(%arg0: i32) -> (i32, i32) {
    %c0_i32 = arith.constant 0 : i32
    %c0_i32_0 = arith.constant 0 : i32
    %c0_i32_1 = arith.constant 0 : i32
    return %c0_i32, %c0_i32_0 : i32, i32
  }
  func.func @transform_3(%arg0: i32) -> (i32, i32) {
    %c0_i32 = arith.constant 0 : i32
    %c0_i32_0 = arith.constant 0 : i32
    %c0_i32_1 = arith.constant 0 : i32
    return %c0_i32, %c0_i32_0 : i32, i32
  }
  func.func @transform_4(%arg0: i32) -> (i32, i32, i32) {
    %c0_i32 = arith.constant 0 : i32
    %c0_i32_0 = arith.constant 0 : i32
    %c0_i32_1 = arith.constant 0 : i32
    return %arg0, %c0_i32, %c0_i32_0 : i32, i32, i32
  }
}

module attributes {stable_mosaic.version = 14 : i64} {
  func.func @_flat_res_kernel(%arg0: i32, %arg1: memref<1x3448x128xf32, #tpu.memory_space<vmem>>, %arg2: memref<9x128x32xf32, #tpu.memory_space<vmem>>, %arg3: memref<32x128xf32, #tpu.memory_space<vmem>>, %arg4: memref<3448x1xf32, #tpu.memory_space<vmem>>, %arg5: memref<1x3448x128xf32, #tpu.memory_space<vmem>>) attributes {dimension_semantics = [#tpu.dimension_semantics<arbitrary>], iteration_bounds = array<i64: 8>, scalar_prefetch = 0 : i64, scratch_operands = 0 : i64, tpu.core_type = #tpu.core_type<tc>, window_params = [{transform_indices = @transform_0, window_bounds = array<i64: 1, 3448, 128>}, {pipeline_mode = #tpu.pipeline_mode<synchronous>, transform_indices = @transform_1, window_bounds = array<i64: 9, 128, 32>}, {pipeline_mode = #tpu.pipeline_mode<synchronous>, transform_indices = @transform_2, window_bounds = array<i64: 32, 128>}, {pipeline_mode = #tpu.pipeline_mode<synchronous>, transform_indices = @transform_3, window_bounds = array<i64: 3448, 1>}, {transform_indices = @transform_4, window_bounds = array<i64: 1, 3448, 128>}]} {
    %get3A = arith.constant 0 : index
    %get3A_0 = arith.constant 0 : index
    %get3A_1 = arith.constant 0 : index
    %get3A_2 = vector.load %arg2[%get3A, %get3A_0, %get3A_1] : memref<9x128x32xf32, #tpu.memory_space<vmem>>, vector<9x128x32xf32>
    %reshape3A = vector.shape_cast %get3A_2 : vector<9x128x32xf32> to vector<1152x32xf32>
    %get3A_3 = arith.constant 0 : index
    %get3A_4 = arith.constant 7 : index
    %get3A_5 = arith.constant 0 : index
    %get3A_6 = vector.load %arg1[%get3A_3, %get3A_4, %get3A_5] : memref<1x3448x128xf32, #tpu.memory_space<vmem>>, vector<1x812x128xf32>
    %get3A_7 = vector.shape_cast %get3A_6 : vector<1x812x128xf32> to vector<812x128xf32>
    %max3A = arith.constant 0.000000e+00 : f32
    %max3A_8 = vector.broadcast %max3A : f32 to vector<812x128xf32>
    %max3A_9 = arith.maximumf %get3A_7, %max3A_8 : vector<812x128xf32>
    %get3A_10 = arith.constant 0 : index
    %get3A_11 = arith.constant 8 : index
    %get3A_12 = arith.constant 0 : index
    %get3A_13 = vector.load %arg1[%get3A_10, %get3A_11, %get3A_12] : memref<1x3448x128xf32, #tpu.memory_space<vmem>>, vector<1x812x128xf32>
    %get3A_14 = vector.shape_cast %get3A_13 : vector<1x812x128xf32> to vector<812x128xf32>
    %max3A_15 = arith.constant 0.000000e+00 : f32
    %max3A_16 = vector.broadcast %max3A_15 : f32 to vector<812x128xf32>
    %max3A_17 = arith.maximumf %get3A_14, %max3A_16 : vector<812x128xf32>
    %get3A_18 = arith.constant 0 : index
    %get3A_19 = arith.constant 9 : index
    %get3A_20 = arith.constant 0 : index
    %get3A_21 = vector.load %arg1[%get3A_18, %get3A_19, %get3A_20] : memref<1x3448x128xf32, #tpu.memory_space<vmem>>, vector<1x812x128xf32>
    %get3A_22 = vector.shape_cast %get3A_21 : vector<1x812x128xf32> to vector<812x128xf32>
    %max3A_23 = arith.constant 0.000000e+00 : f32
    %max3A_24 = vector.broadcast %max3A_23 : f32 to vector<812x128xf32>
    %max3A_25 = arith.maximumf %get3A_22, %max3A_24 : vector<812x128xf32>
    %get3A_26 = arith.constant 0 : index
    %get3A_27 = arith.constant 65 : index
    %get3A_28 = arith.constant 0 : index
    %get3A_29 = vector.load %arg1[%get3A_26, %get3A_27, %get3A_28] : memref<1x3448x128xf32, #tpu.memory_space<vmem>>, vector<1x812x128xf32>
    %get3A_30 = vector.shape_cast %get3A_29 : vector<1x812x128xf32> to vector<812x128xf32>
    %max3A_31 = arith.constant 0.000000e+00 : f32
    %max3A_32 = vector.broadcast %max3A_31 : f32 to vector<812x128xf32>
    %max3A_33 = arith.maximumf %get3A_30, %max3A_32 : vector<812x128xf32>
    %get3A_34 = arith.constant 0 : index
    %get3A_35 = arith.constant 66 : index
    %get3A_36 = arith.constant 0 : index
    %get3A_37 = vector.load %arg1[%get3A_34, %get3A_35, %get3A_36] : memref<1x3448x128xf32, #tpu.memory_space<vmem>>, vector<1x812x128xf32>
    %get3A_38 = vector.shape_cast %get3A_37 : vector<1x812x128xf32> to vector<812x128xf32>
    %max3A_39 = arith.constant 0.000000e+00 : f32
    %max3A_40 = vector.broadcast %max3A_39 : f32 to vector<812x128xf32>
    %max3A_41 = arith.maximumf %get3A_38, %max3A_40 : vector<812x128xf32>
    %get3A_42 = arith.constant 0 : index
    %get3A_43 = arith.constant 67 : index
    %get3A_44 = arith.constant 0 : index
    %get3A_45 = vector.load %arg1[%get3A_42, %get3A_43, %get3A_44] : memref<1x3448x128xf32, #tpu.memory_space<vmem>>, vector<1x812x128xf32>
    %get3A_46 = vector.shape_cast %get3A_45 : vector<1x812x128xf32> to vector<812x128xf32>
    %max3A_47 = arith.constant 0.000000e+00 : f32
    %max3A_48 = vector.broadcast %max3A_47 : f32 to vector<812x128xf32>
    %max3A_49 = arith.maximumf %get3A_46, %max3A_48 : vector<812x128xf32>
    %get3A_50 = arith.constant 0 : index
    %get3A_51 = arith.constant 123 : index
    %get3A_52 = arith.constant 0 : index
    %get3A_53 = vector.load %arg1[%get3A_50, %get3A_51, %get3A_52] : memref<1x3448x128xf32, #tpu.memory_space<vmem>>, vector<1x812x128xf32>
    %get3A_54 = vector.shape_cast %get3A_53 : vector<1x812x128xf32> to vector<812x128xf32>
    %max3A_55 = arith.constant 0.000000e+00 : f32
    %max3A_56 = vector.broadcast %max3A_55 : f32 to vector<812x128xf32>
    %max3A_57 = arith.maximumf %get3A_54, %max3A_56 : vector<812x128xf32>
    %get3A_58 = arith.constant 0 : index
    %get3A_59 = arith.constant 124 : index
    %get3A_60 = arith.constant 0 : index
    %get3A_61 = vector.load %arg1[%get3A_58, %get3A_59, %get3A_60] : memref<1x3448x128xf32, #tpu.memory_space<vmem>>, vector<1x812x128xf32>
    %get3A_62 = vector.shape_cast %get3A_61 : vector<1x812x128xf32> to vector<812x128xf32>
    %max3A_63 = arith.constant 0.000000e+00 : f32
    %max3A_64 = vector.broadcast %max3A_63 : f32 to vector<812x128xf32>
    %max3A_65 = arith.maximumf %get3A_62, %max3A_64 : vector<812x128xf32>
    %get3A_66 = arith.constant 0 : index
    %get3A_67 = arith.constant 125 : index
    %get3A_68 = arith.constant 0 : index
    %get3A_69 = vector.load %arg1[%get3A_66, %get3A_67, %get3A_68] : memref<1x3448x128xf32, #tpu.memory_space<vmem>>, vector<1x812x128xf32>
    %get3A_70 = vector.shape_cast %get3A_69 : vector<1x812x128xf32> to vector<812x128xf32>
    %max3A_71 = arith.constant 0.000000e+00 : f32
    %max3A_72 = vector.broadcast %max3A_71 : f32 to vector<812x128xf32>
    %max3A_73 = arith.maximumf %get3A_70, %max3A_72 : vector<812x128xf32>
    %concatenate3A = tpu.concatenate %max3A_9, %max3A_17, %max3A_25, %max3A_33, %max3A_41, %max3A_49, %max3A_57, %max3A_65, %max3A_73 in 1 : vector<812x128xf32>, vector<812x128xf32>, vector<812x128xf32>, vector<812x128xf32>, vector<812x128xf32>, vector<812x128xf32>, vector<812x128xf32>, vector<812x128xf32>, vector<812x128xf32> -> vector<812x1152xf32>
    %dot_general3A = arith.constant dense<0.000000e+00> : vector<812x32xf32>
    %dot_general3A_74 = tpu.matmul %concatenate3A, %reshape3A, %dot_general3A {dimension_numbers = #tpu.dot_dimension_numbers<[1], [0], [0], [1], [0, 0, 1, 1], [], []>, transpose_lhs_hint = false} : vector<812x1152xf32>, vector<1152x32xf32>, vector<812x32xf32> -> vector<812x32xf32>
    %max3A_75 = arith.constant 0.000000e+00 : f32
    %max3A_76 = vector.broadcast %max3A_75 : f32 to vector<812x32xf32>
    %max3A_77 = arith.maximumf %dot_general3A_74, %max3A_76 : vector<812x32xf32>
    %get3A_78 = arith.constant 0 : index
    %get3A_79 = arith.constant 0 : index
    %get3A_80 = vector.load %arg3[%get3A_78, %get3A_79] : memref<32x128xf32, #tpu.memory_space<vmem>>, vector<32x128xf32>
    %dot_general3A_81 = arith.constant dense<0.000000e+00> : vector<812x128xf32>
    %dot_general3A_82 = tpu.matmul %max3A_77, %get3A_80, %dot_general3A_81 {dimension_numbers = #tpu.dot_dimension_numbers<[1], [0], [0], [1], [0, 0, 1, 1], [], []>, transpose_lhs_hint = false} : vector<812x32xf32>, vector<32x128xf32>, vector<812x128xf32> -> vector<812x128xf32>
    %get3A_83 = arith.constant 0 : index
    %get3A_84 = arith.constant 66 : index
    %get3A_85 = arith.constant 0 : index
    %get3A_86 = vector.load %arg1[%get3A_83, %get3A_84, %get3A_85] : memref<1x3448x128xf32, #tpu.memory_space<vmem>>, vector<1x812x128xf32>
    %get3A_87 = vector.shape_cast %get3A_86 : vector<1x812x128xf32> to vector<812x128xf32>
    %add3A = arith.addf %get3A_87, %dot_general3A_82 : vector<812x128xf32>
    %get3A_88 = arith.constant 66 : index
    %get3A_89 = arith.constant 0 : index
    %get3A_90 = vector.load %arg4[%get3A_88, %get3A_89] : memref<3448x1xf32, #tpu.memory_space<vmem>>, vector<812x1xf32>
    %mul3A = vector.broadcast %get3A_90 : vector<812x1xf32> to vector<812x128xf32>
    %mul3A_91 = arith.mulf %add3A, %mul3A : vector<812x128xf32>
    %swap3A = arith.constant 0 : index
    %swap3A_92 = arith.constant 66 : index
    %swap3A_93 = arith.constant 0 : index
    %swap3A_94 = vector.load %arg5[%swap3A, %swap3A_92, %swap3A_93] : memref<1x3448x128xf32, #tpu.memory_space<vmem>>, vector<1x812x128xf32>
    %swap3A_95 = vector.shape_cast %swap3A_94 : vector<1x812x128xf32> to vector<812x128xf32>
    %swap3A_96 = vector.shape_cast %mul3A_91 : vector<812x128xf32> to vector<1x812x128xf32>
    tpu.vector_store %arg5[%swap3A, %swap3A_92, %swap3A_93], %swap3A_96 {strides = array<i32>} : memref<1x3448x128xf32, #tpu.memory_space<vmem>>, vector<1x812x128xf32>,
    %get3A_97 = arith.constant 0 : index
    %get3A_98 = arith.constant 819 : index
    %get3A_99 = arith.constant 0 : index
    %get3A_100 = vector.load %arg1[%get3A_97, %get3A_98, %get3A_99] : memref<1x3448x128xf32, #tpu.memory_space<vmem>>, vector<1x812x128xf32>
    %get3A_101 = vector.shape_cast %get3A_100 : vector<1x812x128xf32> to vector<812x128xf32>
    %max3A_102 = arith.constant 0.000000e+00 : f32
    %max3A_103 = vector.broadcast %max3A_102 : f32 to vector<812x128xf32>
    %max3A_104 = arith.maximumf %get3A_101, %max3A_103 : vector<812x128xf32>
    %get3A_105 = arith.constant 0 : index
    %get3A_106 = arith.constant 820 : index
    %get3A_107 = arith.constant 0 : index
    %get3A_108 = vector.load %arg1[%get3A_105, %get3A_106, %get3A_107] : memref<1x3448x128xf32, #tpu.memory_space<vmem>>, vector<1x812x128xf32>
    %get3A_109 = vector.shape_cast %get3A_108 : vector<1x812x128xf32> to vector<812x128xf32>
    %max3A_110 = arith.constant 0.000000e+00 : f32
    %max3A_111 = vector.broadcast %max3A_110 : f32 to vector<812x128xf32>
    %max3A_112 = arith.maximumf %get3A_109, %max3A_111 : vector<812x128xf32>
    %get3A_113 = arith.constant 0 : index
    %get3A_114 = arith.constant 821 : index
    %get3A_115 = arith.constant 0 : index
    %get3A_116 = vector.load %arg1[%get3A_113, %get3A_114, %get3A_115] : memref<1x3448x128xf32, #tpu.memory_space<vmem>>, vector<1x812x128xf32>
    %get3A_117 = vector.shape_cast %get3A_116 : vector<1x812x128xf32> to vector<812x128xf32>
    %max3A_118 = arith.constant 0.000000e+00 : f32
    %max3A_119 = vector.broadcast %max3A_118 : f32 to vector<812x128xf32>
    %max3A_120 = arith.maximumf %get3A_117, %max3A_119 : vector<812x128xf32>
    %get3A_121 = arith.constant 0 : index
    %get3A_122 = arith.constant 877 : index
    %get3A_123 = arith.constant 0 : index
    %get3A_124 = vector.load %arg1[%get3A_121, %get3A_122, %get3A_123] : memref<1x3448x128xf32, #tpu.memory_space<vmem>>, vector<1x812x128xf32>
    %get3A_125 = vector.shape_cast %get3A_124 : vector<1x812x128xf32> to vector<812x128xf32>
    %max3A_126 = arith.constant 0.000000e+00 : f32
    %max3A_127 = vector.broadcast %max3A_126 : f32 to vector<812x128xf32>
    %max3A_128 = arith.maximumf %get3A_125, %max3A_127 : vector<812x128xf32>
    %get3A_129 = arith.constant 0 : index
    %get3A_130 = arith.constant 878 : index
    %get3A_131 = arith.constant 0 : index
    %get3A_132 = vector.load %arg1[%get3A_129, %get3A_130, %get3A_131] : memref<1x3448x128xf32, #tpu.memory_space<vmem>>, vector<1x812x128xf32>
    %get3A_133 = vector.shape_cast %get3A_132 : vector<1x812x128xf32> to vector<812x128xf32>
    %max3A_134 = arith.constant 0.000000e+00 : f32
    %max3A_135 = vector.broadcast %max3A_134 : f32 to vector<812x128xf32>
    %max3A_136 = arith.maximumf %get3A_133, %max3A_135 : vector<812x128xf32>
    %get3A_137 = arith.constant 0 : index
    %get3A_138 = arith.constant 879 : index
    %get3A_139 = arith.constant 0 : index
    %get3A_140 = vector.load %arg1[%get3A_137, %get3A_138, %get3A_139] : memref<1x3448x128xf32, #tpu.memory_space<vmem>>, vector<1x812x128xf32>
    %get3A_141 = vector.shape_cast %get3A_140 : vector<1x812x128xf32> to vector<812x128xf32>
    %max3A_142 = arith.constant 0.000000e+00 : f32
    %max3A_143 = vector.broadcast %max3A_142 : f32 to vector<812x128xf32>
    %max3A_144 = arith.maximumf %get3A_141, %max3A_143 : vector<812x128xf32>
    %get3A_145 = arith.constant 0 : index
    %get3A_146 = arith.constant 935 : index
    %get3A_147 = arith.constant 0 : index
    %get3A_148 = vector.load %arg1[%get3A_145, %get3A_146, %get3A_147] : memref<1x3448x128xf32, #tpu.memory_space<vmem>>, vector<1x812x128xf32>
    %get3A_149 = vector.shape_cast %get3A_148 : vector<1x812x128xf32> to vector<812x128xf32>
    %max3A_150 = arith.constant 0.000000e+00 : f32
    %max3A_151 = vector.broadcast %max3A_150 : f32 to vector<812x128xf32>
    %max3A_152 = arith.maximumf %get3A_149, %max3A_151 : vector<812x128xf32>
    %get3A_153 = arith.constant 0 : index
    %get3A_154 = arith.constant 936 : index
    %get3A_155 = arith.constant 0 : index
    %get3A_156 = vector.load %arg1[%get3A_153, %get3A_154, %get3A_155] : memref<1x3448x128xf32, #tpu.memory_space<vmem>>, vector<1x812x128xf32>
    %get3A_157 = vector.shape_cast %get3A_156 : vector<1x812x128xf32> to vector<812x128xf32>
    %max3A_158 = arith.constant 0.000000e+00 : f32
    %max3A_159 = vector.broadcast %max3A_158 : f32 to vector<812x128xf32>
    %max3A_160 = arith.maximumf %get3A_157, %max3A_159 : vector<812x128xf32>
    %get3A_161 = arith.constant 0 : index
    %get3A_162 = arith.constant 937 : index
    %get3A_163 = arith.constant 0 : index
    %get3A_164 = vector.load %arg1[%get3A_161, %get3A_162, %get3A_163] : memref<1x3448x128xf32, #tpu.memory_space<vmem>>, vector<1x812x128xf32>
    %get3A_165 = vector.shape_cast %get3A_164 : vector<1x812x128xf32> to vector<812x128xf32>
    %max3A_166 = arith.constant 0.000000e+00 : f32
    %max3A_167 = vector.broadcast %max3A_166 : f32 to vector<812x128xf32>
    %max3A_168 = arith.maximumf %get3A_165, %max3A_167 : vector<812x128xf32>
    %concatenate3A_169 = tpu.concatenate %max3A_104, %max3A_112, %max3A_120, %max3A_128, %max3A_136, %max3A_144, %max3A_152, %max3A_160, %max3A_168 in 1 : vector<812x128xf32>, vector<812x128xf32>, vector<812x128xf32>, vector<812x128xf32>, vector<812x128xf32>, vector<812x128xf32>, vector<812x128xf32>, vector<812x128xf32>, vector<812x128xf32> -> vector<812x1152xf32>
    %dot_general3A_170 = arith.constant dense<0.000000e+00> : vector<812x32xf32>
    %dot_general3A_171 = tpu.matmul %concatenate3A_169, %reshape3A, %dot_general3A_170 {dimension_numbers = #tpu.dot_dimension_numbers<[1], [0], [0], [1], [0, 0, 1, 1], [], []>, transpose_lhs_hint = false} : vector<812x1152xf32>, vector<1152x32xf32>, vector<812x32xf32> -> vector<812x32xf32>
    %max3A_172 = arith.constant 0.000000e+00 : f32
    %max3A_173 = vector.broadcast %max3A_172 : f32 to vector<812x32xf32>
    %max3A_174 = arith.maximumf %dot_general3A_171, %max3A_173 : vector<812x32xf32>
    %get3A_175 = arith.constant 0 : index
    %get3A_176 = arith.constant 0 : index
    %get3A_177 = vector.load %arg3[%get3A_175, %get3A_176] : memref<32x128xf32, #tpu.memory_space<vmem>>, vector<32x128xf32>
    %dot_general3A_178 = arith.constant dense<0.000000e+00> : vector<812x128xf32>
    %dot_general3A_179 = tpu.matmul %max3A_174, %get3A_177, %dot_general3A_178 {dimension_numbers = #tpu.dot_dimension_numbers<[1], [0], [0], [1], [0, 0, 1, 1], [], []>, transpose_lhs_hint = false} : vector<812x32xf32>, vector<32x128xf32>, vector<812x128xf32> -> vector<812x128xf32>
    %get3A_180 = arith.constant 0 : index
    %get3A_181 = arith.constant 878 : index
    %get3A_182 = arith.constant 0 : index
    %get3A_183 = vector.load %arg1[%get3A_180, %get3A_181, %get3A_182] : memref<1x3448x128xf32, #tpu.memory_space<vmem>>, vector<1x812x128xf32>
    %get3A_184 = vector.shape_cast %get3A_183 : vector<1x812x128xf32> to vector<812x128xf32>
    %add3A_185 = arith.addf %get3A_184, %dot_general3A_179 : vector<812x128xf32>
    %get3A_186 = arith.constant 878 : index
    %get3A_187 = arith.constant 0 : index
    %get3A_188 = vector.load %arg4[%get3A_186, %get3A_187] : memref<3448x1xf32, #tpu.memory_space<vmem>>, vector<812x1xf32>
    %mul3A_189 = vector.broadcast %get3A_188 : vector<812x1xf32> to vector<812x128xf32>
    %mul3A_190 = arith.mulf %add3A_185, %mul3A_189 : vector<812x128xf32>
    %swap3A_191 = arith.constant 0 : index
    %swap3A_192 = arith.constant 878 : index
    %swap3A_193 = arith.constant 0 : index
    %swap3A_194 = vector.load %arg5[%swap3A_191, %swap3A_192, %swap3A_193] : memref<1x3448x128xf32, #tpu.memory_space<vmem>>, vector<1x812x128xf32>
    %swap3A_195 = vector.shape_cast %swap3A_194 : vector<1x812x128xf32> to vector<812x128xf32>
    %swap3A_196 = vector.shape_cast %mul3A_190 : vector<812x128xf32> to vector<1x812x128xf32>
    tpu.vector_store %arg5[%swap3A_191, %swap3A_192, %swap3A_193], %swap3A_196 {strides = array<i32>} : memref<1x3448x128xf32, #tpu.memory_space<vmem>>, vector<1x812x128xf32>,
    %get3A_197 = arith.constant 0 : index
    %get3A_198 = arith.constant 1631 : index
    %get3A_199 = arith.constant 0 : index
    %get3A_200 = vector.load %arg1[%get3A_197, %get3A_198, %get3A_199] : memref<1x3448x128xf32, #tpu.memory_space<vmem>>, vector<1x812x128xf32>
    %get3A_201 = vector.shape_cast %get3A_200 : vector<1x812x128xf32> to vector<812x128xf32>
    %max3A_202 = arith.constant 0.000000e+00 : f32
    %max3A_203 = vector.broadcast %max3A_202 : f32 to vector<812x128xf32>
    %max3A_204 = arith.maximumf %get3A_201, %max3A_203 : vector<812x128xf32>
    %get3A_205 = arith.constant 0 : index
    %get3A_206 = arith.constant 1632 : index
    %get3A_207 = arith.constant 0 : index
    %get3A_208 = vector.load %arg1[%get3A_205, %get3A_206, %get3A_207] : memref<1x3448x128xf32, #tpu.memory_space<vmem>>, vector<1x812x128xf32>
    %get3A_209 = vector.shape_cast %get3A_208 : vector<1x812x128xf32> to vector<812x128xf32>
    %max3A_210 = arith.constant 0.000000e+00 : f32
    %max3A_211 = vector.broadcast %max3A_210 : f32 to vector<812x128xf32>
    %max3A_212 = arith.maximumf %get3A_209, %max3A_211 : vector<812x128xf32>
    %get3A_213 = arith.constant 0 : index
    %get3A_214 = arith.constant 1633 : index
    %get3A_215 = arith.constant 0 : index
    %get3A_216 = vector.load %arg1[%get3A_213, %get3A_214, %get3A_215] : memref<1x3448x128xf32, #tpu.memory_space<vmem>>, vector<1x812x128xf32>
    %get3A_217 = vector.shape_cast %get3A_216 : vector<1x812x128xf32> to vector<812x128xf32>
    %max3A_218 = arith.constant 0.000000e+00 : f32
    %max3A_219 = vector.broadcast %max3A_218 : f32 to vector<812x128xf32>
    %max3A_220 = arith.maximumf %get3A_217, %max3A_219 : vector<812x128xf32>
    %get3A_221 = arith.constant 0 : index
    %get3A_222 = arith.constant 1689 : index
    %get3A_223 = arith.constant 0 : index
    %get3A_224 = vector.load %arg1[%get3A_221, %get3A_222, %get3A_223] : memref<1x3448x128xf32, #tpu.memory_space<vmem>>, vector<1x812x128xf32>
    %get3A_225 = vector.shape_cast %get3A_224 : vector<1x812x128xf32> to vector<812x128xf32>
    %max3A_226 = arith.constant 0.000000e+00 : f32
    %max3A_227 = vector.broadcast %max3A_226 : f32 to vector<812x128xf32>
    %max3A_228 = arith.maximumf %get3A_225, %max3A_227 : vector<812x128xf32>
    %get3A_229 = arith.constant 0 : index
    %get3A_230 = arith.constant 1690 : index
    %get3A_231 = arith.constant 0 : index
    %get3A_232 = vector.load %arg1[%get3A_229, %get3A_230, %get3A_231] : memref<1x3448x128xf32, #tpu.memory_space<vmem>>, vector<1x812x128xf32>
    %get3A_233 = vector.shape_cast %get3A_232 : vector<1x812x128xf32> to vector<812x128xf32>
    %max3A_234 = arith.constant 0.000000e+00 : f32
    %max3A_235 = vector.broadcast %max3A_234 : f32 to vector<812x128xf32>
    %max3A_236 = arith.maximumf %get3A_233, %max3A_235 : vector<812x128xf32>
    %get3A_237 = arith.constant 0 : index
    %get3A_238 = arith.constant 1691 : index
    %get3A_239 = arith.constant 0 : index
    %get3A_240 = vector.load %arg1[%get3A_237, %get3A_238, %get3A_239] : memref<1x3448x128xf32, #tpu.memory_space<vmem>>, vector<1x812x128xf32>
    %get3A_241 = vector.shape_cast %get3A_240 : vector<1x812x128xf32> to vector<812x128xf32>
    %max3A_242 = arith.constant 0.000000e+00 : f32
    %max3A_243 = vector.broadcast %max3A_242 : f32 to vector<812x128xf32>
    %max3A_244 = arith.maximumf %get3A_241, %max3A_243 : vector<812x128xf32>
    %get3A_245 = arith.constant 0 : index
    %get3A_246 = arith.constant 1747 : index
    %get3A_247 = arith.constant 0 : index
    %get3A_248 = vector.load %arg1[%get3A_245, %get3A_246, %get3A_247] : memref<1x3448x128xf32, #tpu.memory_space<vmem>>, vector<1x812x128xf32>
    %get3A_249 = vector.shape_cast %get3A_248 : vector<1x812x128xf32> to vector<812x128xf32>
    %max3A_250 = arith.constant 0.000000e+00 : f32
    %max3A_251 = vector.broadcast %max3A_250 : f32 to vector<812x128xf32>
    %max3A_252 = arith.maximumf %get3A_249, %max3A_251 : vector<812x128xf32>
    %get3A_253 = arith.constant 0 : index
    %get3A_254 = arith.constant 1748 : index
    %get3A_255 = arith.constant 0 : index
    %get3A_256 = vector.load %arg1[%get3A_253, %get3A_254, %get3A_255] : memref<1x3448x128xf32, #tpu.memory_space<vmem>>, vector<1x812x128xf32>
    %get3A_257 = vector.shape_cast %get3A_256 : vector<1x812x128xf32> to vector<812x128xf32>
    %max3A_258 = arith.constant 0.000000e+00 : f32
    %max3A_259 = vector.broadcast %max3A_258 : f32 to vector<812x128xf32>
    %max3A_260 = arith.maximumf %get3A_257, %max3A_259 : vector<812x128xf32>
    %get3A_261 = arith.constant 0 : index
    %get3A_262 = arith.constant 1749 : index
    %get3A_263 = arith.constant 0 : index
    %get3A_264 = vector.load %arg1[%get3A_261, %get3A_262, %get3A_263] : memref<1x3448x128xf32, #tpu.memory_space<vmem>>, vector<1x812x128xf32>
    %get3A_265 = vector.shape_cast %get3A_264 : vector<1x812x128xf32> to vector<812x128xf32>
    %max3A_266 = arith.constant 0.000000e+00 : f32
    %max3A_267 = vector.broadcast %max3A_266 : f32 to vector<812x128xf32>
    %max3A_268 = arith.maximumf %get3A_265, %max3A_267 : vector<812x128xf32>
    %concatenate3A_269 = tpu.concatenate %max3A_204, %max3A_212, %max3A_220, %max3A_228, %max3A_236, %max3A_244, %max3A_252, %max3A_260, %max3A_268 in 1 : vector<812x128xf32>, vector<812x128xf32>, vector<812x128xf32>, vector<812x128xf32>, vector<812x128xf32>, vector<812x128xf32>, vector<812x128xf32>, vector<812x128xf32>, vector<812x128xf32> -> vector<812x1152xf32>
    %dot_general3A_270 = arith.constant dense<0.000000e+00> : vector<812x32xf32>
    %dot_general3A_271 = tpu.matmul %concatenate3A_269, %reshape3A, %dot_general3A_270 {dimension_numbers = #tpu.dot_dimension_numbers<[1], [0], [0], [1], [0, 0, 1, 1], [], []>, transpose_lhs_hint = false} : vector<812x1152xf32>, vector<1152x32xf32>, vector<812x32xf32> -> vector<812x32xf32>
    %max3A_272 = arith.constant 0.000000e+00 : f32
    %max3A_273 = vector.broadcast %max3A_272 : f32 to vector<812x32xf32>
    %max3A_274 = arith.maximumf %dot_general3A_271, %max3A_273 : vector<812x32xf32>
    %get3A_275 = arith.constant 0 : index
    %get3A_276 = arith.constant 0 : index
    %get3A_277 = vector.load %arg3[%get3A_275, %get3A_276] : memref<32x128xf32, #tpu.memory_space<vmem>>, vector<32x128xf32>
    %dot_general3A_278 = arith.constant dense<0.000000e+00> : vector<812x128xf32>
    %dot_general3A_279 = tpu.matmul %max3A_274, %get3A_277, %dot_general3A_278 {dimension_numbers = #tpu.dot_dimension_numbers<[1], [0], [0], [1], [0, 0, 1, 1], [], []>, transpose_lhs_hint = false} : vector<812x32xf32>, vector<32x128xf32>, vector<812x128xf32> -> vector<812x128xf32>
    %get3A_280 = arith.constant 0 : index
    %get3A_281 = arith.constant 1690 : index
    %get3A_282 = arith.constant 0 : index
    %get3A_283 = vector.load %arg1[%get3A_280, %get3A_281, %get3A_282] : memref<1x3448x128xf32, #tpu.memory_space<vmem>>, vector<1x812x128xf32>
    %get3A_284 = vector.shape_cast %get3A_283 : vector<1x812x128xf32> to vector<812x128xf32>
    %add3A_285 = arith.addf %get3A_284, %dot_general3A_279 : vector<812x128xf32>
    %get3A_286 = arith.constant 1690 : index
    %get3A_287 = arith.constant 0 : index
    %get3A_288 = vector.load %arg4[%get3A_286, %get3A_287] : memref<3448x1xf32, #tpu.memory_space<vmem>>, vector<812x1xf32>
    %mul3A_289 = vector.broadcast %get3A_288 : vector<812x1xf32> to vector<812x128xf32>
    %mul3A_290 = arith.mulf %add3A_285, %mul3A_289 : vector<812x128xf32>
    %swap3A_291 = arith.constant 0 : index
    %swap3A_292 = arith.constant 1690 : index
    %swap3A_293 = arith.constant 0 : index
    %swap3A_294 = vector.load %arg5[%swap3A_291, %swap3A_292, %swap3A_293] : memref<1x3448x128xf32, #tpu.memory_space<vmem>>, vector<1x812x128xf32>
    %swap3A_295 = vector.shape_cast %swap3A_294 : vector<1x812x128xf32> to vector<812x128xf32>
    %swap3A_296 = vector.shape_cast %mul3A_290 : vector<812x128xf32> to vector<1x812x128xf32>
    tpu.vector_store %arg5[%swap3A_291, %swap3A_292, %swap3A_293], %swap3A_296 {strides = array<i32>} : memref<1x3448x128xf32, #tpu.memory_space<vmem>>, vector<1x812x128xf32>,
    %get3A_297 = arith.constant 0 : index
    %get3A_298 = arith.constant 2443 : index
    %get3A_299 = arith.constant 0 : index
    %get3A_300 = vector.load %arg1[%get3A_297, %get3A_298, %get3A_299] : memref<1x3448x128xf32, #tpu.memory_space<vmem>>, vector<1x812x128xf32>
    %get3A_301 = vector.shape_cast %get3A_300 : vector<1x812x128xf32> to vector<812x128xf32>
    %max3A_302 = arith.constant 0.000000e+00 : f32
    %max3A_303 = vector.broadcast %max3A_302 : f32 to vector<812x128xf32>
    %max3A_304 = arith.maximumf %get3A_301, %max3A_303 : vector<812x128xf32>
    %get3A_305 = arith.constant 0 : index
    %get3A_306 = arith.constant 2444 : index
    %get3A_307 = arith.constant 0 : index
    %get3A_308 = vector.load %arg1[%get3A_305, %get3A_306, %get3A_307] : memref<1x3448x128xf32, #tpu.memory_space<vmem>>, vector<1x812x128xf32>
    %get3A_309 = vector.shape_cast %get3A_308 : vector<1x812x128xf32> to vector<812x128xf32>
    %max3A_310 = arith.constant 0.000000e+00 : f32
    %max3A_311 = vector.broadcast %max3A_310 : f32 to vector<812x128xf32>
    %max3A_312 = arith.maximumf %get3A_309, %max3A_311 : vector<812x128xf32>
    %get3A_313 = arith.constant 0 : index
    %get3A_314 = arith.constant 2445 : index
    %get3A_315 = arith.constant 0 : index
    %get3A_316 = vector.load %arg1[%get3A_313, %get3A_314, %get3A_315] : memref<1x3448x128xf32, #tpu.memory_space<vmem>>, vector<1x812x128xf32>
    %get3A_317 = vector.shape_cast %get3A_316 : vector<1x812x128xf32> to vector<812x128xf32>
    %max3A_318 = arith.constant 0.000000e+00 : f32
    %max3A_319 = vector.broadcast %max3A_318 : f32 to vector<812x128xf32>
    %max3A_320 = arith.maximumf %get3A_317, %max3A_319 : vector<812x128xf32>
    %get3A_321 = arith.constant 0 : index
    %get3A_322 = arith.constant 2501 : index
    %get3A_323 = arith.constant 0 : index
    %get3A_324 = vector.load %arg1[%get3A_321, %get3A_322, %get3A_323] : memref<1x3448x128xf32, #tpu.memory_space<vmem>>, vector<1x812x128xf32>
    %get3A_325 = vector.shape_cast %get3A_324 : vector<1x812x128xf32> to vector<812x128xf32>
    %max3A_326 = arith.constant 0.000000e+00 : f32
    %max3A_327 = vector.broadcast %max3A_326 : f32 to vector<812x128xf32>
    %max3A_328 = arith.maximumf %get3A_325, %max3A_327 : vector<812x128xf32>
    %get3A_329 = arith.constant 0 : index
    %get3A_330 = arith.constant 2502 : index
    %get3A_331 = arith.constant 0 : index
    %get3A_332 = vector.load %arg1[%get3A_329, %get3A_330, %get3A_331] : memref<1x3448x128xf32, #tpu.memory_space<vmem>>, vector<1x812x128xf32>
    %get3A_333 = vector.shape_cast %get3A_332 : vector<1x812x128xf32> to vector<812x128xf32>
    %max3A_334 = arith.constant 0.000000e+00 : f32
    %max3A_335 = vector.broadcast %max3A_334 : f32 to vector<812x128xf32>
    %max3A_336 = arith.maximumf %get3A_333, %max3A_335 : vector<812x128xf32>
    %get3A_337 = arith.constant 0 : index
    %get3A_338 = arith.constant 2503 : index
    %get3A_339 = arith.constant 0 : index
    %get3A_340 = vector.load %arg1[%get3A_337, %get3A_338, %get3A_339] : memref<1x3448x128xf32, #tpu.memory_space<vmem>>, vector<1x812x128xf32>
    %get3A_341 = vector.shape_cast %get3A_340 : vector<1x812x128xf32> to vector<812x128xf32>
    %max3A_342 = arith.constant 0.000000e+00 : f32
    %max3A_343 = vector.broadcast %max3A_342 : f32 to vector<812x128xf32>
    %max3A_344 = arith.maximumf %get3A_341, %max3A_343 : vector<812x128xf32>
    %get3A_345 = arith.constant 0 : index
    %get3A_346 = arith.constant 2559 : index
    %get3A_347 = arith.constant 0 : index
    %get3A_348 = vector.load %arg1[%get3A_345, %get3A_346, %get3A_347] : memref<1x3448x128xf32, #tpu.memory_space<vmem>>, vector<1x812x128xf32>
    %get3A_349 = vector.shape_cast %get3A_348 : vector<1x812x128xf32> to vector<812x128xf32>
    %max3A_350 = arith.constant 0.000000e+00 : f32
    %max3A_351 = vector.broadcast %max3A_350 : f32 to vector<812x128xf32>
    %max3A_352 = arith.maximumf %get3A_349, %max3A_351 : vector<812x128xf32>
    %get3A_353 = arith.constant 0 : index
    %get3A_354 = arith.constant 2560 : index
    %get3A_355 = arith.constant 0 : index
    %get3A_356 = vector.load %arg1[%get3A_353, %get3A_354, %get3A_355] : memref<1x3448x128xf32, #tpu.memory_space<vmem>>, vector<1x812x128xf32>
    %get3A_357 = vector.shape_cast %get3A_356 : vector<1x812x128xf32> to vector<812x128xf32>
    %max3A_358 = arith.constant 0.000000e+00 : f32
    %max3A_359 = vector.broadcast %max3A_358 : f32 to vector<812x128xf32>
    %max3A_360 = arith.maximumf %get3A_357, %max3A_359 : vector<812x128xf32>
    %get3A_361 = arith.constant 0 : index
    %get3A_362 = arith.constant 2561 : index
    %get3A_363 = arith.constant 0 : index
    %get3A_364 = vector.load %arg1[%get3A_361, %get3A_362, %get3A_363] : memref<1x3448x128xf32, #tpu.memory_space<vmem>>, vector<1x812x128xf32>
    %get3A_365 = vector.shape_cast %get3A_364 : vector<1x812x128xf32> to vector<812x128xf32>
    %max3A_366 = arith.constant 0.000000e+00 : f32
    %max3A_367 = vector.broadcast %max3A_366 : f32 to vector<812x128xf32>
    %max3A_368 = arith.maximumf %get3A_365, %max3A_367 : vector<812x128xf32>
    %concatenate3A_369 = tpu.concatenate %max3A_304, %max3A_312, %max3A_320, %max3A_328, %max3A_336, %max3A_344, %max3A_352, %max3A_360, %max3A_368 in 1 : vector<812x128xf32>, vector<812x128xf32>, vector<812x128xf32>, vector<812x128xf32>, vector<812x128xf32>, vector<812x128xf32>, vector<812x128xf32>, vector<812x128xf32>, vector<812x128xf32> -> vector<812x1152xf32>
    %dot_general3A_370 = arith.constant dense<0.000000e+00> : vector<812x32xf32>
    %dot_general3A_371 = tpu.matmul %concatenate3A_369, %reshape3A, %dot_general3A_370 {dimension_numbers = #tpu.dot_dimension_numbers<[1], [0], [0], [1], [0, 0, 1, 1], [], []>, transpose_lhs_hint = false} : vector<812x1152xf32>, vector<1152x32xf32>, vector<812x32xf32> -> vector<812x32xf32>
    %max3A_372 = arith.constant 0.000000e+00 : f32
    %max3A_373 = vector.broadcast %max3A_372 : f32 to vector<812x32xf32>
    %max3A_374 = arith.maximumf %dot_general3A_371, %max3A_373 : vector<812x32xf32>
    %get3A_375 = arith.constant 0 : index
    %get3A_376 = arith.constant 0 : index
    %get3A_377 = vector.load %arg3[%get3A_375, %get3A_376] : memref<32x128xf32, #tpu.memory_space<vmem>>, vector<32x128xf32>
    %dot_general3A_378 = arith.constant dense<0.000000e+00> : vector<812x128xf32>
    %dot_general3A_379 = tpu.matmul %max3A_374, %get3A_377, %dot_general3A_378 {dimension_numbers = #tpu.dot_dimension_numbers<[1], [0], [0], [1], [0, 0, 1, 1], [], []>, transpose_lhs_hint = false} : vector<812x32xf32>, vector<32x128xf32>, vector<812x128xf32> -> vector<812x128xf32>
    %get3A_380 = arith.constant 0 : index
    %get3A_381 = arith.constant 2502 : index
    %get3A_382 = arith.constant 0 : index
    %get3A_383 = vector.load %arg1[%get3A_380, %get3A_381, %get3A_382] : memref<1x3448x128xf32, #tpu.memory_space<vmem>>, vector<1x812x128xf32>
    %get3A_384 = vector.shape_cast %get3A_383 : vector<1x812x128xf32> to vector<812x128xf32>
    %add3A_385 = arith.addf %get3A_384, %dot_general3A_379 : vector<812x128xf32>
    %get3A_386 = arith.constant 2502 : index
    %get3A_387 = arith.constant 0 : index
    %get3A_388 = vector.load %arg4[%get3A_386, %get3A_387] : memref<3448x1xf32, #tpu.memory_space<vmem>>, vector<812x1xf32>
    %mul3A_389 = vector.broadcast %get3A_388 : vector<812x1xf32> to vector<812x128xf32>
    %mul3A_390 = arith.mulf %add3A_385, %mul3A_389 : vector<812x128xf32>
    %swap3A_391 = arith.constant 0 : index
    %swap3A_392 = arith.constant 2502 : index
    %swap3A_393 = arith.constant 0 : index
    %swap3A_394 = vector.load %arg5[%swap3A_391, %swap3A_392, %swap3A_393] : memref<1x3448x128xf32, #tpu.memory_space<vmem>>, vector<1x812x128xf32>
    %swap3A_395 = vector.shape_cast %swap3A_394 : vector<1x812x128xf32> to vector<812x128xf32>
    %swap3A_396 = vector.shape_cast %mul3A_390 : vector<812x128xf32> to vector<1x812x128xf32>
    tpu.vector_store %arg5[%swap3A_391, %swap3A_392, %swap3A_393], %swap3A_396 {strides = array<i32>} : memref<1x3448x128xf32, #tpu.memory_space<vmem>>, vector<1x812x128xf32>,
    %broadcast_in_dim3A = arith.constant 0.000000e+00 : f32
    %broadcast_in_dim3A_397 = vector.broadcast %broadcast_in_dim3A : f32 to vector<66x128xf32>
    %swap3A_398 = arith.constant 0 : index
    %swap3A_399 = arith.constant 0 : index
    %swap3A_400 = arith.constant 0 : index
    %swap3A_401 = vector.load %arg5[%swap3A_398, %swap3A_399, %swap3A_400] : memref<1x3448x128xf32, #tpu.memory_space<vmem>>, vector<1x66x128xf32>
    %swap3A_402 = vector.shape_cast %swap3A_401 : vector<1x66x128xf32> to vector<66x128xf32>
    %swap3A_403 = vector.shape_cast %broadcast_in_dim3A_397 : vector<66x128xf32> to vector<1x66x128xf32>
    tpu.vector_store %arg5[%swap3A_398, %swap3A_399, %swap3A_400], %swap3A_403 {strides = array<i32>} : memref<1x3448x128xf32, #tpu.memory_space<vmem>>, vector<1x66x128xf32>,
    %broadcast_in_dim3A_404 = arith.constant 0.000000e+00 : f32
    %broadcast_in_dim3A_405 = vector.broadcast %broadcast_in_dim3A_404 : f32 to vector<134x128xf32>
    %swap3A_406 = arith.constant 0 : index
    %swap3A_407 = arith.constant 3314 : index
    %swap3A_408 = arith.constant 0 : index
    %swap3A_409 = vector.load %arg5[%swap3A_406, %swap3A_407, %swap3A_408] : memref<1x3448x128xf32, #tpu.memory_space<vmem>>, vector<1x134x128xf32>
    %swap3A_410 = vector.shape_cast %swap3A_409 : vector<1x134x128xf32> to vector<134x128xf32>
    %swap3A_411 = vector.shape_cast %broadcast_in_dim3A_405 : vector<134x128xf32> to vector<1x134x128xf32>
    tpu.vector_store %arg5[%swap3A_406, %swap3A_407, %swap3A_408], %swap3A_411 {strides = array<i32>} : memref<1x3448x128xf32, #tpu.memory_space<vmem>>, vector<1x134x128xf32>,
    return
  }
  func.func @transform_0(%arg0: i32) -> (i32, i32, i32) {
    %c0_i32 = arith.constant 0 : i32
    %c0_i32_0 = arith.constant 0 : i32
    %c0_i32_1 = arith.constant 0 : i32
    return %arg0, %c0_i32, %c0_i32_0 : i32, i32, i32
  }
  func.func @transform_1(%arg0: i32) -> (i32, i32, i32) {
    %c0_i32 = arith.constant 0 : i32
    %c0_i32_0 = arith.constant 0 : i32
    %c0_i32_1 = arith.constant 0 : i32
    %c0_i32_2 = arith.constant 0 : i32
    return %c0_i32, %c0_i32_0, %c0_i32_1 : i32, i32, i32
  }
  func.func @transform_2(%arg0: i32) -> (i32, i32) {
    %c0_i32 = arith.constant 0 : i32
    %c0_i32_0 = arith.constant 0 : i32
    %c0_i32_1 = arith.constant 0 : i32
    return %c0_i32, %c0_i32_0 : i32, i32
  }
  func.func @transform_3(%arg0: i32) -> (i32, i32) {
    %c0_i32 = arith.constant 0 : i32
    %c0_i32_0 = arith.constant 0 : i32
    %c0_i32_1 = arith.constant 0 : i32
    return %c0_i32, %c0_i32_0 : i32, i32
  }
  func.func @transform_4(%arg0: i32) -> (i32, i32, i32) {
    %c0_i32 = arith.constant 0 : i32
    %c0_i32_0 = arith.constant 0 : i32
    %c0_i32_1 = arith.constant 0 : i32
    return %arg0, %c0_i32, %c0_i32_0 : i32, i32, i32
  }
}

module attributes {stable_mosaic.version = 14 : i64} {
  func.func @_flat_res_pv_kernel(%arg0: i32, %arg1: memref<1x3448x128xf32, #tpu.memory_space<vmem>>, %arg2: memref<9x128x32xf32, #tpu.memory_space<vmem>>, %arg3: memref<32x128xf32, #tpu.memory_space<vmem>>, %arg4: memref<128x64xf32, #tpu.memory_space<vmem>>, %arg5: memref<1x64xf32, #tpu.memory_space<vmem>>, %arg6: memref<1x3448x64xf32, #tpu.memory_space<vmem>>) attributes {dimension_semantics = [#tpu.dimension_semantics<arbitrary>], iteration_bounds = array<i64: 8>, scalar_prefetch = 0 : i64, scratch_operands = 0 : i64, tpu.core_type = #tpu.core_type<tc>, window_params = [{transform_indices = @transform_0, window_bounds = array<i64: 1, 3448, 128>}, {pipeline_mode = #tpu.pipeline_mode<synchronous>, transform_indices = @transform_1, window_bounds = array<i64: 9, 128, 32>}, {pipeline_mode = #tpu.pipeline_mode<synchronous>, transform_indices = @transform_2, window_bounds = array<i64: 32, 128>}, {pipeline_mode = #tpu.pipeline_mode<synchronous>, transform_indices = @transform_3, window_bounds = array<i64: 128, 64>}, {pipeline_mode = #tpu.pipeline_mode<synchronous>, transform_indices = @transform_4, window_bounds = array<i64: 1, 64>}, {transform_indices = @transform_5, window_bounds = array<i64: 1, 3448, 64>}]} {
    %get3A = arith.constant 0 : index
    %get3A_0 = arith.constant 0 : index
    %get3A_1 = arith.constant 0 : index
    %get3A_2 = vector.load %arg2[%get3A, %get3A_0, %get3A_1] : memref<9x128x32xf32, #tpu.memory_space<vmem>>, vector<9x128x32xf32>
    %reshape3A = vector.shape_cast %get3A_2 : vector<9x128x32xf32> to vector<1152x32xf32>
    %get3A_3 = arith.constant 0 : index
    %get3A_4 = arith.constant 7 : index
    %get3A_5 = arith.constant 0 : index
    %get3A_6 = vector.load %arg1[%get3A_3, %get3A_4, %get3A_5] : memref<1x3448x128xf32, #tpu.memory_space<vmem>>, vector<1x812x128xf32>
    %get3A_7 = vector.shape_cast %get3A_6 : vector<1x812x128xf32> to vector<812x128xf32>
    %max3A = arith.constant 0.000000e+00 : f32
    %max3A_8 = vector.broadcast %max3A : f32 to vector<812x128xf32>
    %max3A_9 = arith.maximumf %get3A_7, %max3A_8 : vector<812x128xf32>
    %get3A_10 = arith.constant 0 : index
    %get3A_11 = arith.constant 8 : index
    %get3A_12 = arith.constant 0 : index
    %get3A_13 = vector.load %arg1[%get3A_10, %get3A_11, %get3A_12] : memref<1x3448x128xf32, #tpu.memory_space<vmem>>, vector<1x812x128xf32>
    %get3A_14 = vector.shape_cast %get3A_13 : vector<1x812x128xf32> to vector<812x128xf32>
    %max3A_15 = arith.constant 0.000000e+00 : f32
    %max3A_16 = vector.broadcast %max3A_15 : f32 to vector<812x128xf32>
    %max3A_17 = arith.maximumf %get3A_14, %max3A_16 : vector<812x128xf32>
    %get3A_18 = arith.constant 0 : index
    %get3A_19 = arith.constant 9 : index
    %get3A_20 = arith.constant 0 : index
    %get3A_21 = vector.load %arg1[%get3A_18, %get3A_19, %get3A_20] : memref<1x3448x128xf32, #tpu.memory_space<vmem>>, vector<1x812x128xf32>
    %get3A_22 = vector.shape_cast %get3A_21 : vector<1x812x128xf32> to vector<812x128xf32>
    %max3A_23 = arith.constant 0.000000e+00 : f32
    %max3A_24 = vector.broadcast %max3A_23 : f32 to vector<812x128xf32>
    %max3A_25 = arith.maximumf %get3A_22, %max3A_24 : vector<812x128xf32>
    %get3A_26 = arith.constant 0 : index
    %get3A_27 = arith.constant 65 : index
    %get3A_28 = arith.constant 0 : index
    %get3A_29 = vector.load %arg1[%get3A_26, %get3A_27, %get3A_28] : memref<1x3448x128xf32, #tpu.memory_space<vmem>>, vector<1x812x128xf32>
    %get3A_30 = vector.shape_cast %get3A_29 : vector<1x812x128xf32> to vector<812x128xf32>
    %max3A_31 = arith.constant 0.000000e+00 : f32
    %max3A_32 = vector.broadcast %max3A_31 : f32 to vector<812x128xf32>
    %max3A_33 = arith.maximumf %get3A_30, %max3A_32 : vector<812x128xf32>
    %get3A_34 = arith.constant 0 : index
    %get3A_35 = arith.constant 66 : index
    %get3A_36 = arith.constant 0 : index
    %get3A_37 = vector.load %arg1[%get3A_34, %get3A_35, %get3A_36] : memref<1x3448x128xf32, #tpu.memory_space<vmem>>, vector<1x812x128xf32>
    %get3A_38 = vector.shape_cast %get3A_37 : vector<1x812x128xf32> to vector<812x128xf32>
    %max3A_39 = arith.constant 0.000000e+00 : f32
    %max3A_40 = vector.broadcast %max3A_39 : f32 to vector<812x128xf32>
    %max3A_41 = arith.maximumf %get3A_38, %max3A_40 : vector<812x128xf32>
    %get3A_42 = arith.constant 0 : index
    %get3A_43 = arith.constant 67 : index
    %get3A_44 = arith.constant 0 : index
    %get3A_45 = vector.load %arg1[%get3A_42, %get3A_43, %get3A_44] : memref<1x3448x128xf32, #tpu.memory_space<vmem>>, vector<1x812x128xf32>
    %get3A_46 = vector.shape_cast %get3A_45 : vector<1x812x128xf32> to vector<812x128xf32>
    %max3A_47 = arith.constant 0.000000e+00 : f32
    %max3A_48 = vector.broadcast %max3A_47 : f32 to vector<812x128xf32>
    %max3A_49 = arith.maximumf %get3A_46, %max3A_48 : vector<812x128xf32>
    %get3A_50 = arith.constant 0 : index
    %get3A_51 = arith.constant 123 : index
    %get3A_52 = arith.constant 0 : index
    %get3A_53 = vector.load %arg1[%get3A_50, %get3A_51, %get3A_52] : memref<1x3448x128xf32, #tpu.memory_space<vmem>>, vector<1x812x128xf32>
    %get3A_54 = vector.shape_cast %get3A_53 : vector<1x812x128xf32> to vector<812x128xf32>
    %max3A_55 = arith.constant 0.000000e+00 : f32
    %max3A_56 = vector.broadcast %max3A_55 : f32 to vector<812x128xf32>
    %max3A_57 = arith.maximumf %get3A_54, %max3A_56 : vector<812x128xf32>
    %get3A_58 = arith.constant 0 : index
    %get3A_59 = arith.constant 124 : index
    %get3A_60 = arith.constant 0 : index
    %get3A_61 = vector.load %arg1[%get3A_58, %get3A_59, %get3A_60] : memref<1x3448x128xf32, #tpu.memory_space<vmem>>, vector<1x812x128xf32>
    %get3A_62 = vector.shape_cast %get3A_61 : vector<1x812x128xf32> to vector<812x128xf32>
    %max3A_63 = arith.constant 0.000000e+00 : f32
    %max3A_64 = vector.broadcast %max3A_63 : f32 to vector<812x128xf32>
    %max3A_65 = arith.maximumf %get3A_62, %max3A_64 : vector<812x128xf32>
    %get3A_66 = arith.constant 0 : index
    %get3A_67 = arith.constant 125 : index
    %get3A_68 = arith.constant 0 : index
    %get3A_69 = vector.load %arg1[%get3A_66, %get3A_67, %get3A_68] : memref<1x3448x128xf32, #tpu.memory_space<vmem>>, vector<1x812x128xf32>
    %get3A_70 = vector.shape_cast %get3A_69 : vector<1x812x128xf32> to vector<812x128xf32>
    %max3A_71 = arith.constant 0.000000e+00 : f32
    %max3A_72 = vector.broadcast %max3A_71 : f32 to vector<812x128xf32>
    %max3A_73 = arith.maximumf %get3A_70, %max3A_72 : vector<812x128xf32>
    %concatenate3A = tpu.concatenate %max3A_9, %max3A_17, %max3A_25, %max3A_33, %max3A_41, %max3A_49, %max3A_57, %max3A_65, %max3A_73 in 1 : vector<812x128xf32>, vector<812x128xf32>, vector<812x128xf32>, vector<812x128xf32>, vector<812x128xf32>, vector<812x128xf32>, vector<812x128xf32>, vector<812x128xf32>, vector<812x128xf32> -> vector<812x1152xf32>
    %dot_general3A = arith.constant dense<0.000000e+00> : vector<812x32xf32>
    %dot_general3A_74 = tpu.matmul %concatenate3A, %reshape3A, %dot_general3A {dimension_numbers = #tpu.dot_dimension_numbers<[1], [0], [0], [1], [0, 0, 1, 1], [], []>, transpose_lhs_hint = false} : vector<812x1152xf32>, vector<1152x32xf32>, vector<812x32xf32> -> vector<812x32xf32>
    %max3A_75 = arith.constant 0.000000e+00 : f32
    %max3A_76 = vector.broadcast %max3A_75 : f32 to vector<812x32xf32>
    %max3A_77 = arith.maximumf %dot_general3A_74, %max3A_76 : vector<812x32xf32>
    %get3A_78 = arith.constant 0 : index
    %get3A_79 = arith.constant 0 : index
    %get3A_80 = vector.load %arg3[%get3A_78, %get3A_79] : memref<32x128xf32, #tpu.memory_space<vmem>>, vector<32x128xf32>
    %dot_general3A_81 = arith.constant dense<0.000000e+00> : vector<812x128xf32>
    %dot_general3A_82 = tpu.matmul %max3A_77, %get3A_80, %dot_general3A_81 {dimension_numbers = #tpu.dot_dimension_numbers<[1], [0], [0], [1], [0, 0, 1, 1], [], []>, transpose_lhs_hint = false} : vector<812x32xf32>, vector<32x128xf32>, vector<812x128xf32> -> vector<812x128xf32>
    %get3A_83 = arith.constant 0 : index
    %get3A_84 = arith.constant 66 : index
    %get3A_85 = arith.constant 0 : index
    %get3A_86 = vector.load %arg1[%get3A_83, %get3A_84, %get3A_85] : memref<1x3448x128xf32, #tpu.memory_space<vmem>>, vector<1x812x128xf32>
    %get3A_87 = vector.shape_cast %get3A_86 : vector<1x812x128xf32> to vector<812x128xf32>
    %add3A = arith.addf %get3A_87, %dot_general3A_82 : vector<812x128xf32>
    %max3A_88 = arith.constant 0.000000e+00 : f32
    %max3A_89 = vector.broadcast %max3A_88 : f32 to vector<812x128xf32>
    %max3A_90 = arith.maximumf %add3A, %max3A_89 : vector<812x128xf32>
    %get3A_91 = arith.constant 0 : index
    %get3A_92 = arith.constant 0 : index
    %get3A_93 = vector.load %arg4[%get3A_91, %get3A_92] : memref<128x64xf32, #tpu.memory_space<vmem>>, vector<128x64xf32>
    %dot_general3A_94 = arith.constant dense<0.000000e+00> : vector<812x64xf32>
    %dot_general3A_95 = tpu.matmul %max3A_90, %get3A_93, %dot_general3A_94 {dimension_numbers = #tpu.dot_dimension_numbers<[1], [0], [0], [1], [0, 0, 1, 1], [], []>, transpose_lhs_hint = false} : vector<812x128xf32>, vector<128x64xf32>, vector<812x64xf32> -> vector<812x64xf32>
    %get3A_96 = arith.constant 0 : index
    %get3A_97 = arith.constant 0 : index
    %get3A_98 = vector.load %arg5[%get3A_96, %get3A_97] : memref<1x64xf32, #tpu.memory_space<vmem>>, vector<1x64xf32>
    %get3A_99 = vector.shape_cast %get3A_98 : vector<1x64xf32> to vector<64xf32>
    %broadcast_in_dim3A = vector.shape_cast %get3A_99 : vector<64xf32> to vector<1x64xf32>
    %add3A_100 = vector.broadcast %broadcast_in_dim3A : vector<1x64xf32> to vector<812x64xf32>
    %add3A_101 = arith.addf %dot_general3A_95, %add3A_100 : vector<812x64xf32>
    %swap3A = arith.constant 0 : index
    %swap3A_102 = arith.constant 66 : index
    %swap3A_103 = arith.constant 0 : index
    %swap3A_104 = vector.load %arg6[%swap3A, %swap3A_102, %swap3A_103] : memref<1x3448x64xf32, #tpu.memory_space<vmem>>, vector<1x812x64xf32>
    %swap3A_105 = vector.shape_cast %swap3A_104 : vector<1x812x64xf32> to vector<812x64xf32>
    %swap3A_106 = vector.shape_cast %add3A_101 : vector<812x64xf32> to vector<1x812x64xf32>
    tpu.vector_store %arg6[%swap3A, %swap3A_102, %swap3A_103], %swap3A_106 {strides = array<i32>} : memref<1x3448x64xf32, #tpu.memory_space<vmem>>, vector<1x812x64xf32>,
    %get3A_107 = arith.constant 0 : index
    %get3A_108 = arith.constant 819 : index
    %get3A_109 = arith.constant 0 : index
    %get3A_110 = vector.load %arg1[%get3A_107, %get3A_108, %get3A_109] : memref<1x3448x128xf32, #tpu.memory_space<vmem>>, vector<1x812x128xf32>
    %get3A_111 = vector.shape_cast %get3A_110 : vector<1x812x128xf32> to vector<812x128xf32>
    %max3A_112 = arith.constant 0.000000e+00 : f32
    %max3A_113 = vector.broadcast %max3A_112 : f32 to vector<812x128xf32>
    %max3A_114 = arith.maximumf %get3A_111, %max3A_113 : vector<812x128xf32>
    %get3A_115 = arith.constant 0 : index
    %get3A_116 = arith.constant 820 : index
    %get3A_117 = arith.constant 0 : index
    %get3A_118 = vector.load %arg1[%get3A_115, %get3A_116, %get3A_117] : memref<1x3448x128xf32, #tpu.memory_space<vmem>>, vector<1x812x128xf32>
    %get3A_119 = vector.shape_cast %get3A_118 : vector<1x812x128xf32> to vector<812x128xf32>
    %max3A_120 = arith.constant 0.000000e+00 : f32
    %max3A_121 = vector.broadcast %max3A_120 : f32 to vector<812x128xf32>
    %max3A_122 = arith.maximumf %get3A_119, %max3A_121 : vector<812x128xf32>
    %get3A_123 = arith.constant 0 : index
    %get3A_124 = arith.constant 821 : index
    %get3A_125 = arith.constant 0 : index
    %get3A_126 = vector.load %arg1[%get3A_123, %get3A_124, %get3A_125] : memref<1x3448x128xf32, #tpu.memory_space<vmem>>, vector<1x812x128xf32>
    %get3A_127 = vector.shape_cast %get3A_126 : vector<1x812x128xf32> to vector<812x128xf32>
    %max3A_128 = arith.constant 0.000000e+00 : f32
    %max3A_129 = vector.broadcast %max3A_128 : f32 to vector<812x128xf32>
    %max3A_130 = arith.maximumf %get3A_127, %max3A_129 : vector<812x128xf32>
    %get3A_131 = arith.constant 0 : index
    %get3A_132 = arith.constant 877 : index
    %get3A_133 = arith.constant 0 : index
    %get3A_134 = vector.load %arg1[%get3A_131, %get3A_132, %get3A_133] : memref<1x3448x128xf32, #tpu.memory_space<vmem>>, vector<1x812x128xf32>
    %get3A_135 = vector.shape_cast %get3A_134 : vector<1x812x128xf32> to vector<812x128xf32>
    %max3A_136 = arith.constant 0.000000e+00 : f32
    %max3A_137 = vector.broadcast %max3A_136 : f32 to vector<812x128xf32>
    %max3A_138 = arith.maximumf %get3A_135, %max3A_137 : vector<812x128xf32>
    %get3A_139 = arith.constant 0 : index
    %get3A_140 = arith.constant 878 : index
    %get3A_141 = arith.constant 0 : index
    %get3A_142 = vector.load %arg1[%get3A_139, %get3A_140, %get3A_141] : memref<1x3448x128xf32, #tpu.memory_space<vmem>>, vector<1x812x128xf32>
    %get3A_143 = vector.shape_cast %get3A_142 : vector<1x812x128xf32> to vector<812x128xf32>
    %max3A_144 = arith.constant 0.000000e+00 : f32
    %max3A_145 = vector.broadcast %max3A_144 : f32 to vector<812x128xf32>
    %max3A_146 = arith.maximumf %get3A_143, %max3A_145 : vector<812x128xf32>
    %get3A_147 = arith.constant 0 : index
    %get3A_148 = arith.constant 879 : index
    %get3A_149 = arith.constant 0 : index
    %get3A_150 = vector.load %arg1[%get3A_147, %get3A_148, %get3A_149] : memref<1x3448x128xf32, #tpu.memory_space<vmem>>, vector<1x812x128xf32>
    %get3A_151 = vector.shape_cast %get3A_150 : vector<1x812x128xf32> to vector<812x128xf32>
    %max3A_152 = arith.constant 0.000000e+00 : f32
    %max3A_153 = vector.broadcast %max3A_152 : f32 to vector<812x128xf32>
    %max3A_154 = arith.maximumf %get3A_151, %max3A_153 : vector<812x128xf32>
    %get3A_155 = arith.constant 0 : index
    %get3A_156 = arith.constant 935 : index
    %get3A_157 = arith.constant 0 : index
    %get3A_158 = vector.load %arg1[%get3A_155, %get3A_156, %get3A_157] : memref<1x3448x128xf32, #tpu.memory_space<vmem>>, vector<1x812x128xf32>
    %get3A_159 = vector.shape_cast %get3A_158 : vector<1x812x128xf32> to vector<812x128xf32>
    %max3A_160 = arith.constant 0.000000e+00 : f32
    %max3A_161 = vector.broadcast %max3A_160 : f32 to vector<812x128xf32>
    %max3A_162 = arith.maximumf %get3A_159, %max3A_161 : vector<812x128xf32>
    %get3A_163 = arith.constant 0 : index
    %get3A_164 = arith.constant 936 : index
    %get3A_165 = arith.constant 0 : index
    %get3A_166 = vector.load %arg1[%get3A_163, %get3A_164, %get3A_165] : memref<1x3448x128xf32, #tpu.memory_space<vmem>>, vector<1x812x128xf32>
    %get3A_167 = vector.shape_cast %get3A_166 : vector<1x812x128xf32> to vector<812x128xf32>
    %max3A_168 = arith.constant 0.000000e+00 : f32
    %max3A_169 = vector.broadcast %max3A_168 : f32 to vector<812x128xf32>
    %max3A_170 = arith.maximumf %get3A_167, %max3A_169 : vector<812x128xf32>
    %get3A_171 = arith.constant 0 : index
    %get3A_172 = arith.constant 937 : index
    %get3A_173 = arith.constant 0 : index
    %get3A_174 = vector.load %arg1[%get3A_171, %get3A_172, %get3A_173] : memref<1x3448x128xf32, #tpu.memory_space<vmem>>, vector<1x812x128xf32>
    %get3A_175 = vector.shape_cast %get3A_174 : vector<1x812x128xf32> to vector<812x128xf32>
    %max3A_176 = arith.constant 0.000000e+00 : f32
    %max3A_177 = vector.broadcast %max3A_176 : f32 to vector<812x128xf32>
    %max3A_178 = arith.maximumf %get3A_175, %max3A_177 : vector<812x128xf32>
    %concatenate3A_179 = tpu.concatenate %max3A_114, %max3A_122, %max3A_130, %max3A_138, %max3A_146, %max3A_154, %max3A_162, %max3A_170, %max3A_178 in 1 : vector<812x128xf32>, vector<812x128xf32>, vector<812x128xf32>, vector<812x128xf32>, vector<812x128xf32>, vector<812x128xf32>, vector<812x128xf32>, vector<812x128xf32>, vector<812x128xf32> -> vector<812x1152xf32>
    %dot_general3A_180 = arith.constant dense<0.000000e+00> : vector<812x32xf32>
    %dot_general3A_181 = tpu.matmul %concatenate3A_179, %reshape3A, %dot_general3A_180 {dimension_numbers = #tpu.dot_dimension_numbers<[1], [0], [0], [1], [0, 0, 1, 1], [], []>, transpose_lhs_hint = false} : vector<812x1152xf32>, vector<1152x32xf32>, vector<812x32xf32> -> vector<812x32xf32>
    %max3A_182 = arith.constant 0.000000e+00 : f32
    %max3A_183 = vector.broadcast %max3A_182 : f32 to vector<812x32xf32>
    %max3A_184 = arith.maximumf %dot_general3A_181, %max3A_183 : vector<812x32xf32>
    %get3A_185 = arith.constant 0 : index
    %get3A_186 = arith.constant 0 : index
    %get3A_187 = vector.load %arg3[%get3A_185, %get3A_186] : memref<32x128xf32, #tpu.memory_space<vmem>>, vector<32x128xf32>
    %dot_general3A_188 = arith.constant dense<0.000000e+00> : vector<812x128xf32>
    %dot_general3A_189 = tpu.matmul %max3A_184, %get3A_187, %dot_general3A_188 {dimension_numbers = #tpu.dot_dimension_numbers<[1], [0], [0], [1], [0, 0, 1, 1], [], []>, transpose_lhs_hint = false} : vector<812x32xf32>, vector<32x128xf32>, vector<812x128xf32> -> vector<812x128xf32>
    %get3A_190 = arith.constant 0 : index
    %get3A_191 = arith.constant 878 : index
    %get3A_192 = arith.constant 0 : index
    %get3A_193 = vector.load %arg1[%get3A_190, %get3A_191, %get3A_192] : memref<1x3448x128xf32, #tpu.memory_space<vmem>>, vector<1x812x128xf32>
    %get3A_194 = vector.shape_cast %get3A_193 : vector<1x812x128xf32> to vector<812x128xf32>
    %add3A_195 = arith.addf %get3A_194, %dot_general3A_189 : vector<812x128xf32>
    %max3A_196 = arith.constant 0.000000e+00 : f32
    %max3A_197 = vector.broadcast %max3A_196 : f32 to vector<812x128xf32>
    %max3A_198 = arith.maximumf %add3A_195, %max3A_197 : vector<812x128xf32>
    %get3A_199 = arith.constant 0 : index
    %get3A_200 = arith.constant 0 : index
    %get3A_201 = vector.load %arg4[%get3A_199, %get3A_200] : memref<128x64xf32, #tpu.memory_space<vmem>>, vector<128x64xf32>
    %dot_general3A_202 = arith.constant dense<0.000000e+00> : vector<812x64xf32>
    %dot_general3A_203 = tpu.matmul %max3A_198, %get3A_201, %dot_general3A_202 {dimension_numbers = #tpu.dot_dimension_numbers<[1], [0], [0], [1], [0, 0, 1, 1], [], []>, transpose_lhs_hint = false} : vector<812x128xf32>, vector<128x64xf32>, vector<812x64xf32> -> vector<812x64xf32>
    %get3A_204 = arith.constant 0 : index
    %get3A_205 = arith.constant 0 : index
    %get3A_206 = vector.load %arg5[%get3A_204, %get3A_205] : memref<1x64xf32, #tpu.memory_space<vmem>>, vector<1x64xf32>
    %get3A_207 = vector.shape_cast %get3A_206 : vector<1x64xf32> to vector<64xf32>
    %broadcast_in_dim3A_208 = vector.shape_cast %get3A_207 : vector<64xf32> to vector<1x64xf32>
    %add3A_209 = vector.broadcast %broadcast_in_dim3A_208 : vector<1x64xf32> to vector<812x64xf32>
    %add3A_210 = arith.addf %dot_general3A_203, %add3A_209 : vector<812x64xf32>
    %swap3A_211 = arith.constant 0 : index
    %swap3A_212 = arith.constant 878 : index
    %swap3A_213 = arith.constant 0 : index
    %swap3A_214 = vector.load %arg6[%swap3A_211, %swap3A_212, %swap3A_213] : memref<1x3448x64xf32, #tpu.memory_space<vmem>>, vector<1x812x64xf32>
    %swap3A_215 = vector.shape_cast %swap3A_214 : vector<1x812x64xf32> to vector<812x64xf32>
    %swap3A_216 = vector.shape_cast %add3A_210 : vector<812x64xf32> to vector<1x812x64xf32>
    tpu.vector_store %arg6[%swap3A_211, %swap3A_212, %swap3A_213], %swap3A_216 {strides = array<i32>} : memref<1x3448x64xf32, #tpu.memory_space<vmem>>, vector<1x812x64xf32>,
    %get3A_217 = arith.constant 0 : index
    %get3A_218 = arith.constant 1631 : index
    %get3A_219 = arith.constant 0 : index
    %get3A_220 = vector.load %arg1[%get3A_217, %get3A_218, %get3A_219] : memref<1x3448x128xf32, #tpu.memory_space<vmem>>, vector<1x812x128xf32>
    %get3A_221 = vector.shape_cast %get3A_220 : vector<1x812x128xf32> to vector<812x128xf32>
    %max3A_222 = arith.constant 0.000000e+00 : f32
    %max3A_223 = vector.broadcast %max3A_222 : f32 to vector<812x128xf32>
    %max3A_224 = arith.maximumf %get3A_221, %max3A_223 : vector<812x128xf32>
    %get3A_225 = arith.constant 0 : index
    %get3A_226 = arith.constant 1632 : index
    %get3A_227 = arith.constant 0 : index
    %get3A_228 = vector.load %arg1[%get3A_225, %get3A_226, %get3A_227] : memref<1x3448x128xf32, #tpu.memory_space<vmem>>, vector<1x812x128xf32>
    %get3A_229 = vector.shape_cast %get3A_228 : vector<1x812x128xf32> to vector<812x128xf32>
    %max3A_230 = arith.constant 0.000000e+00 : f32
    %max3A_231 = vector.broadcast %max3A_230 : f32 to vector<812x128xf32>
    %max3A_232 = arith.maximumf %get3A_229, %max3A_231 : vector<812x128xf32>
    %get3A_233 = arith.constant 0 : index
    %get3A_234 = arith.constant 1633 : index
    %get3A_235 = arith.constant 0 : index
    %get3A_236 = vector.load %arg1[%get3A_233, %get3A_234, %get3A_235] : memref<1x3448x128xf32, #tpu.memory_space<vmem>>, vector<1x812x128xf32>
    %get3A_237 = vector.shape_cast %get3A_236 : vector<1x812x128xf32> to vector<812x128xf32>
    %max3A_238 = arith.constant 0.000000e+00 : f32
    %max3A_239 = vector.broadcast %max3A_238 : f32 to vector<812x128xf32>
    %max3A_240 = arith.maximumf %get3A_237, %max3A_239 : vector<812x128xf32>
    %get3A_241 = arith.constant 0 : index
    %get3A_242 = arith.constant 1689 : index
    %get3A_243 = arith.constant 0 : index
    %get3A_244 = vector.load %arg1[%get3A_241, %get3A_242, %get3A_243] : memref<1x3448x128xf32, #tpu.memory_space<vmem>>, vector<1x812x128xf32>
    %get3A_245 = vector.shape_cast %get3A_244 : vector<1x812x128xf32> to vector<812x128xf32>
    %max3A_246 = arith.constant 0.000000e+00 : f32
    %max3A_247 = vector.broadcast %max3A_246 : f32 to vector<812x128xf32>
    %max3A_248 = arith.maximumf %get3A_245, %max3A_247 : vector<812x128xf32>
    %get3A_249 = arith.constant 0 : index
    %get3A_250 = arith.constant 1690 : index
    %get3A_251 = arith.constant 0 : index
    %get3A_252 = vector.load %arg1[%get3A_249, %get3A_250, %get3A_251] : memref<1x3448x128xf32, #tpu.memory_space<vmem>>, vector<1x812x128xf32>
    %get3A_253 = vector.shape_cast %get3A_252 : vector<1x812x128xf32> to vector<812x128xf32>
    %max3A_254 = arith.constant 0.000000e+00 : f32
    %max3A_255 = vector.broadcast %max3A_254 : f32 to vector<812x128xf32>
    %max3A_256 = arith.maximumf %get3A_253, %max3A_255 : vector<812x128xf32>
    %get3A_257 = arith.constant 0 : index
    %get3A_258 = arith.constant 1691 : index
    %get3A_259 = arith.constant 0 : index
    %get3A_260 = vector.load %arg1[%get3A_257, %get3A_258, %get3A_259] : memref<1x3448x128xf32, #tpu.memory_space<vmem>>, vector<1x812x128xf32>
    %get3A_261 = vector.shape_cast %get3A_260 : vector<1x812x128xf32> to vector<812x128xf32>
    %max3A_262 = arith.constant 0.000000e+00 : f32
    %max3A_263 = vector.broadcast %max3A_262 : f32 to vector<812x128xf32>
    %max3A_264 = arith.maximumf %get3A_261, %max3A_263 : vector<812x128xf32>
    %get3A_265 = arith.constant 0 : index
    %get3A_266 = arith.constant 1747 : index
    %get3A_267 = arith.constant 0 : index
    %get3A_268 = vector.load %arg1[%get3A_265, %get3A_266, %get3A_267] : memref<1x3448x128xf32, #tpu.memory_space<vmem>>, vector<1x812x128xf32>
    %get3A_269 = vector.shape_cast %get3A_268 : vector<1x812x128xf32> to vector<812x128xf32>
    %max3A_270 = arith.constant 0.000000e+00 : f32
    %max3A_271 = vector.broadcast %max3A_270 : f32 to vector<812x128xf32>
    %max3A_272 = arith.maximumf %get3A_269, %max3A_271 : vector<812x128xf32>
    %get3A_273 = arith.constant 0 : index
    %get3A_274 = arith.constant 1748 : index
    %get3A_275 = arith.constant 0 : index
    %get3A_276 = vector.load %arg1[%get3A_273, %get3A_274, %get3A_275] : memref<1x3448x128xf32, #tpu.memory_space<vmem>>, vector<1x812x128xf32>
    %get3A_277 = vector.shape_cast %get3A_276 : vector<1x812x128xf32> to vector<812x128xf32>
    %max3A_278 = arith.constant 0.000000e+00 : f32
    %max3A_279 = vector.broadcast %max3A_278 : f32 to vector<812x128xf32>
    %max3A_280 = arith.maximumf %get3A_277, %max3A_279 : vector<812x128xf32>
    %get3A_281 = arith.constant 0 : index
    %get3A_282 = arith.constant 1749 : index
    %get3A_283 = arith.constant 0 : index
    %get3A_284 = vector.load %arg1[%get3A_281, %get3A_282, %get3A_283] : memref<1x3448x128xf32, #tpu.memory_space<vmem>>, vector<1x812x128xf32>
    %get3A_285 = vector.shape_cast %get3A_284 : vector<1x812x128xf32> to vector<812x128xf32>
    %max3A_286 = arith.constant 0.000000e+00 : f32
    %max3A_287 = vector.broadcast %max3A_286 : f32 to vector<812x128xf32>
    %max3A_288 = arith.maximumf %get3A_285, %max3A_287 : vector<812x128xf32>
    %concatenate3A_289 = tpu.concatenate %max3A_224, %max3A_232, %max3A_240, %max3A_248, %max3A_256, %max3A_264, %max3A_272, %max3A_280, %max3A_288 in 1 : vector<812x128xf32>, vector<812x128xf32>, vector<812x128xf32>, vector<812x128xf32>, vector<812x128xf32>, vector<812x128xf32>, vector<812x128xf32>, vector<812x128xf32>, vector<812x128xf32> -> vector<812x1152xf32>
    %dot_general3A_290 = arith.constant dense<0.000000e+00> : vector<812x32xf32>
    %dot_general3A_291 = tpu.matmul %concatenate3A_289, %reshape3A, %dot_general3A_290 {dimension_numbers = #tpu.dot_dimension_numbers<[1], [0], [0], [1], [0, 0, 1, 1], [], []>, transpose_lhs_hint = false} : vector<812x1152xf32>, vector<1152x32xf32>, vector<812x32xf32> -> vector<812x32xf32>
    %max3A_292 = arith.constant 0.000000e+00 : f32
    %max3A_293 = vector.broadcast %max3A_292 : f32 to vector<812x32xf32>
    %max3A_294 = arith.maximumf %dot_general3A_291, %max3A_293 : vector<812x32xf32>
    %get3A_295 = arith.constant 0 : index
    %get3A_296 = arith.constant 0 : index
    %get3A_297 = vector.load %arg3[%get3A_295, %get3A_296] : memref<32x128xf32, #tpu.memory_space<vmem>>, vector<32x128xf32>
    %dot_general3A_298 = arith.constant dense<0.000000e+00> : vector<812x128xf32>
    %dot_general3A_299 = tpu.matmul %max3A_294, %get3A_297, %dot_general3A_298 {dimension_numbers = #tpu.dot_dimension_numbers<[1], [0], [0], [1], [0, 0, 1, 1], [], []>, transpose_lhs_hint = false} : vector<812x32xf32>, vector<32x128xf32>, vector<812x128xf32> -> vector<812x128xf32>
    %get3A_300 = arith.constant 0 : index
    %get3A_301 = arith.constant 1690 : index
    %get3A_302 = arith.constant 0 : index
    %get3A_303 = vector.load %arg1[%get3A_300, %get3A_301, %get3A_302] : memref<1x3448x128xf32, #tpu.memory_space<vmem>>, vector<1x812x128xf32>
    %get3A_304 = vector.shape_cast %get3A_303 : vector<1x812x128xf32> to vector<812x128xf32>
    %add3A_305 = arith.addf %get3A_304, %dot_general3A_299 : vector<812x128xf32>
    %max3A_306 = arith.constant 0.000000e+00 : f32
    %max3A_307 = vector.broadcast %max3A_306 : f32 to vector<812x128xf32>
    %max3A_308 = arith.maximumf %add3A_305, %max3A_307 : vector<812x128xf32>
    %get3A_309 = arith.constant 0 : index
    %get3A_310 = arith.constant 0 : index
    %get3A_311 = vector.load %arg4[%get3A_309, %get3A_310] : memref<128x64xf32, #tpu.memory_space<vmem>>, vector<128x64xf32>
    %dot_general3A_312 = arith.constant dense<0.000000e+00> : vector<812x64xf32>
    %dot_general3A_313 = tpu.matmul %max3A_308, %get3A_311, %dot_general3A_312 {dimension_numbers = #tpu.dot_dimension_numbers<[1], [0], [0], [1], [0, 0, 1, 1], [], []>, transpose_lhs_hint = false} : vector<812x128xf32>, vector<128x64xf32>, vector<812x64xf32> -> vector<812x64xf32>
    %get3A_314 = arith.constant 0 : index
    %get3A_315 = arith.constant 0 : index
    %get3A_316 = vector.load %arg5[%get3A_314, %get3A_315] : memref<1x64xf32, #tpu.memory_space<vmem>>, vector<1x64xf32>
    %get3A_317 = vector.shape_cast %get3A_316 : vector<1x64xf32> to vector<64xf32>
    %broadcast_in_dim3A_318 = vector.shape_cast %get3A_317 : vector<64xf32> to vector<1x64xf32>
    %add3A_319 = vector.broadcast %broadcast_in_dim3A_318 : vector<1x64xf32> to vector<812x64xf32>
    %add3A_320 = arith.addf %dot_general3A_313, %add3A_319 : vector<812x64xf32>
    %swap3A_321 = arith.constant 0 : index
    %swap3A_322 = arith.constant 1690 : index
    %swap3A_323 = arith.constant 0 : index
    %swap3A_324 = vector.load %arg6[%swap3A_321, %swap3A_322, %swap3A_323] : memref<1x3448x64xf32, #tpu.memory_space<vmem>>, vector<1x812x64xf32>
    %swap3A_325 = vector.shape_cast %swap3A_324 : vector<1x812x64xf32> to vector<812x64xf32>
    %swap3A_326 = vector.shape_cast %add3A_320 : vector<812x64xf32> to vector<1x812x64xf32>
    tpu.vector_store %arg6[%swap3A_321, %swap3A_322, %swap3A_323], %swap3A_326 {strides = array<i32>} : memref<1x3448x64xf32, #tpu.memory_space<vmem>>, vector<1x812x64xf32>,
    %get3A_327 = arith.constant 0 : index
    %get3A_328 = arith.constant 2443 : index
    %get3A_329 = arith.constant 0 : index
    %get3A_330 = vector.load %arg1[%get3A_327, %get3A_328, %get3A_329] : memref<1x3448x128xf32, #tpu.memory_space<vmem>>, vector<1x812x128xf32>
    %get3A_331 = vector.shape_cast %get3A_330 : vector<1x812x128xf32> to vector<812x128xf32>
    %max3A_332 = arith.constant 0.000000e+00 : f32
    %max3A_333 = vector.broadcast %max3A_332 : f32 to vector<812x128xf32>
    %max3A_334 = arith.maximumf %get3A_331, %max3A_333 : vector<812x128xf32>
    %get3A_335 = arith.constant 0 : index
    %get3A_336 = arith.constant 2444 : index
    %get3A_337 = arith.constant 0 : index
    %get3A_338 = vector.load %arg1[%get3A_335, %get3A_336, %get3A_337] : memref<1x3448x128xf32, #tpu.memory_space<vmem>>, vector<1x812x128xf32>
    %get3A_339 = vector.shape_cast %get3A_338 : vector<1x812x128xf32> to vector<812x128xf32>
    %max3A_340 = arith.constant 0.000000e+00 : f32
    %max3A_341 = vector.broadcast %max3A_340 : f32 to vector<812x128xf32>
    %max3A_342 = arith.maximumf %get3A_339, %max3A_341 : vector<812x128xf32>
    %get3A_343 = arith.constant 0 : index
    %get3A_344 = arith.constant 2445 : index
    %get3A_345 = arith.constant 0 : index
    %get3A_346 = vector.load %arg1[%get3A_343, %get3A_344, %get3A_345] : memref<1x3448x128xf32, #tpu.memory_space<vmem>>, vector<1x812x128xf32>
    %get3A_347 = vector.shape_cast %get3A_346 : vector<1x812x128xf32> to vector<812x128xf32>
    %max3A_348 = arith.constant 0.000000e+00 : f32
    %max3A_349 = vector.broadcast %max3A_348 : f32 to vector<812x128xf32>
    %max3A_350 = arith.maximumf %get3A_347, %max3A_349 : vector<812x128xf32>
    %get3A_351 = arith.constant 0 : index
    %get3A_352 = arith.constant 2501 : index
    %get3A_353 = arith.constant 0 : index
    %get3A_354 = vector.load %arg1[%get3A_351, %get3A_352, %get3A_353] : memref<1x3448x128xf32, #tpu.memory_space<vmem>>, vector<1x812x128xf32>
    %get3A_355 = vector.shape_cast %get3A_354 : vector<1x812x128xf32> to vector<812x128xf32>
    %max3A_356 = arith.constant 0.000000e+00 : f32
    %max3A_357 = vector.broadcast %max3A_356 : f32 to vector<812x128xf32>
    %max3A_358 = arith.maximumf %get3A_355, %max3A_357 : vector<812x128xf32>
    %get3A_359 = arith.constant 0 : index
    %get3A_360 = arith.constant 2502 : index
    %get3A_361 = arith.constant 0 : index
    %get3A_362 = vector.load %arg1[%get3A_359, %get3A_360, %get3A_361] : memref<1x3448x128xf32, #tpu.memory_space<vmem>>, vector<1x812x128xf32>
    %get3A_363 = vector.shape_cast %get3A_362 : vector<1x812x128xf32> to vector<812x128xf32>
    %max3A_364 = arith.constant 0.000000e+00 : f32
    %max3A_365 = vector.broadcast %max3A_364 : f32 to vector<812x128xf32>
    %max3A_366 = arith.maximumf %get3A_363, %max3A_365 : vector<812x128xf32>
    %get3A_367 = arith.constant 0 : index
    %get3A_368 = arith.constant 2503 : index
    %get3A_369 = arith.constant 0 : index
    %get3A_370 = vector.load %arg1[%get3A_367, %get3A_368, %get3A_369] : memref<1x3448x128xf32, #tpu.memory_space<vmem>>, vector<1x812x128xf32>
    %get3A_371 = vector.shape_cast %get3A_370 : vector<1x812x128xf32> to vector<812x128xf32>
    %max3A_372 = arith.constant 0.000000e+00 : f32
    %max3A_373 = vector.broadcast %max3A_372 : f32 to vector<812x128xf32>
    %max3A_374 = arith.maximumf %get3A_371, %max3A_373 : vector<812x128xf32>
    %get3A_375 = arith.constant 0 : index
    %get3A_376 = arith.constant 2559 : index
    %get3A_377 = arith.constant 0 : index
    %get3A_378 = vector.load %arg1[%get3A_375, %get3A_376, %get3A_377] : memref<1x3448x128xf32, #tpu.memory_space<vmem>>, vector<1x812x128xf32>
    %get3A_379 = vector.shape_cast %get3A_378 : vector<1x812x128xf32> to vector<812x128xf32>
    %max3A_380 = arith.constant 0.000000e+00 : f32
    %max3A_381 = vector.broadcast %max3A_380 : f32 to vector<812x128xf32>
    %max3A_382 = arith.maximumf %get3A_379, %max3A_381 : vector<812x128xf32>
    %get3A_383 = arith.constant 0 : index
    %get3A_384 = arith.constant 2560 : index
    %get3A_385 = arith.constant 0 : index
    %get3A_386 = vector.load %arg1[%get3A_383, %get3A_384, %get3A_385] : memref<1x3448x128xf32, #tpu.memory_space<vmem>>, vector<1x812x128xf32>
    %get3A_387 = vector.shape_cast %get3A_386 : vector<1x812x128xf32> to vector<812x128xf32>
    %max3A_388 = arith.constant 0.000000e+00 : f32
    %max3A_389 = vector.broadcast %max3A_388 : f32 to vector<812x128xf32>
    %max3A_390 = arith.maximumf %get3A_387, %max3A_389 : vector<812x128xf32>
    %get3A_391 = arith.constant 0 : index
    %get3A_392 = arith.constant 2561 : index
    %get3A_393 = arith.constant 0 : index
    %get3A_394 = vector.load %arg1[%get3A_391, %get3A_392, %get3A_393] : memref<1x3448x128xf32, #tpu.memory_space<vmem>>, vector<1x812x128xf32>
    %get3A_395 = vector.shape_cast %get3A_394 : vector<1x812x128xf32> to vector<812x128xf32>
    %max3A_396 = arith.constant 0.000000e+00 : f32
    %max3A_397 = vector.broadcast %max3A_396 : f32 to vector<812x128xf32>
    %max3A_398 = arith.maximumf %get3A_395, %max3A_397 : vector<812x128xf32>
    %concatenate3A_399 = tpu.concatenate %max3A_334, %max3A_342, %max3A_350, %max3A_358, %max3A_366, %max3A_374, %max3A_382, %max3A_390, %max3A_398 in 1 : vector<812x128xf32>, vector<812x128xf32>, vector<812x128xf32>, vector<812x128xf32>, vector<812x128xf32>, vector<812x128xf32>, vector<812x128xf32>, vector<812x128xf32>, vector<812x128xf32> -> vector<812x1152xf32>
    %dot_general3A_400 = arith.constant dense<0.000000e+00> : vector<812x32xf32>
    %dot_general3A_401 = tpu.matmul %concatenate3A_399, %reshape3A, %dot_general3A_400 {dimension_numbers = #tpu.dot_dimension_numbers<[1], [0], [0], [1], [0, 0, 1, 1], [], []>, transpose_lhs_hint = false} : vector<812x1152xf32>, vector<1152x32xf32>, vector<812x32xf32> -> vector<812x32xf32>
    %max3A_402 = arith.constant 0.000000e+00 : f32
    %max3A_403 = vector.broadcast %max3A_402 : f32 to vector<812x32xf32>
    %max3A_404 = arith.maximumf %dot_general3A_401, %max3A_403 : vector<812x32xf32>
    %get3A_405 = arith.constant 0 : index
    %get3A_406 = arith.constant 0 : index
    %get3A_407 = vector.load %arg3[%get3A_405, %get3A_406] : memref<32x128xf32, #tpu.memory_space<vmem>>, vector<32x128xf32>
    %dot_general3A_408 = arith.constant dense<0.000000e+00> : vector<812x128xf32>
    %dot_general3A_409 = tpu.matmul %max3A_404, %get3A_407, %dot_general3A_408 {dimension_numbers = #tpu.dot_dimension_numbers<[1], [0], [0], [1], [0, 0, 1, 1], [], []>, transpose_lhs_hint = false} : vector<812x32xf32>, vector<32x128xf32>, vector<812x128xf32> -> vector<812x128xf32>
    %get3A_410 = arith.constant 0 : index
    %get3A_411 = arith.constant 2502 : index
    %get3A_412 = arith.constant 0 : index
    %get3A_413 = vector.load %arg1[%get3A_410, %get3A_411, %get3A_412] : memref<1x3448x128xf32, #tpu.memory_space<vmem>>, vector<1x812x128xf32>
    %get3A_414 = vector.shape_cast %get3A_413 : vector<1x812x128xf32> to vector<812x128xf32>
    %add3A_415 = arith.addf %get3A_414, %dot_general3A_409 : vector<812x128xf32>
    %max3A_416 = arith.constant 0.000000e+00 : f32
    %max3A_417 = vector.broadcast %max3A_416 : f32 to vector<812x128xf32>
    %max3A_418 = arith.maximumf %add3A_415, %max3A_417 : vector<812x128xf32>
    %get3A_419 = arith.constant 0 : index
    %get3A_420 = arith.constant 0 : index
    %get3A_421 = vector.load %arg4[%get3A_419, %get3A_420] : memref<128x64xf32, #tpu.memory_space<vmem>>, vector<128x64xf32>
    %dot_general3A_422 = arith.constant dense<0.000000e+00> : vector<812x64xf32>
    %dot_general3A_423 = tpu.matmul %max3A_418, %get3A_421, %dot_general3A_422 {dimension_numbers = #tpu.dot_dimension_numbers<[1], [0], [0], [1], [0, 0, 1, 1], [], []>, transpose_lhs_hint = false} : vector<812x128xf32>, vector<128x64xf32>, vector<812x64xf32> -> vector<812x64xf32>
    %get3A_424 = arith.constant 0 : index
    %get3A_425 = arith.constant 0 : index
    %get3A_426 = vector.load %arg5[%get3A_424, %get3A_425] : memref<1x64xf32, #tpu.memory_space<vmem>>, vector<1x64xf32>
    %get3A_427 = vector.shape_cast %get3A_426 : vector<1x64xf32> to vector<64xf32>
    %broadcast_in_dim3A_428 = vector.shape_cast %get3A_427 : vector<64xf32> to vector<1x64xf32>
    %add3A_429 = vector.broadcast %broadcast_in_dim3A_428 : vector<1x64xf32> to vector<812x64xf32>
    %add3A_430 = arith.addf %dot_general3A_423, %add3A_429 : vector<812x64xf32>
    %swap3A_431 = arith.constant 0 : index
    %swap3A_432 = arith.constant 2502 : index
    %swap3A_433 = arith.constant 0 : index
    %swap3A_434 = vector.load %arg6[%swap3A_431, %swap3A_432, %swap3A_433] : memref<1x3448x64xf32, #tpu.memory_space<vmem>>, vector<1x812x64xf32>
    %swap3A_435 = vector.shape_cast %swap3A_434 : vector<1x812x64xf32> to vector<812x64xf32>
    %swap3A_436 = vector.shape_cast %add3A_430 : vector<812x64xf32> to vector<1x812x64xf32>
    tpu.vector_store %arg6[%swap3A_431, %swap3A_432, %swap3A_433], %swap3A_436 {strides = array<i32>} : memref<1x3448x64xf32, #tpu.memory_space<vmem>>, vector<1x812x64xf32>,
    %broadcast_in_dim3A_437 = arith.constant 0.000000e+00 : f32
    %broadcast_in_dim3A_438 = vector.broadcast %broadcast_in_dim3A_437 : f32 to vector<66x64xf32>
    %swap3A_439 = arith.constant 0 : index
    %swap3A_440 = arith.constant 0 : index
    %swap3A_441 = arith.constant 0 : index
    %swap3A_442 = vector.load %arg6[%swap3A_439, %swap3A_440, %swap3A_441] : memref<1x3448x64xf32, #tpu.memory_space<vmem>>, vector<1x66x64xf32>
    %swap3A_443 = vector.shape_cast %swap3A_442 : vector<1x66x64xf32> to vector<66x64xf32>
    %swap3A_444 = vector.shape_cast %broadcast_in_dim3A_438 : vector<66x64xf32> to vector<1x66x64xf32>
    tpu.vector_store %arg6[%swap3A_439, %swap3A_440, %swap3A_441], %swap3A_444 {strides = array<i32>} : memref<1x3448x64xf32, #tpu.memory_space<vmem>>, vector<1x66x64xf32>,
    %broadcast_in_dim3A_445 = arith.constant 0.000000e+00 : f32
    %broadcast_in_dim3A_446 = vector.broadcast %broadcast_in_dim3A_445 : f32 to vector<134x64xf32>
    %swap3A_447 = arith.constant 0 : index
    %swap3A_448 = arith.constant 3314 : index
    %swap3A_449 = arith.constant 0 : index
    %swap3A_450 = vector.load %arg6[%swap3A_447, %swap3A_448, %swap3A_449] : memref<1x3448x64xf32, #tpu.memory_space<vmem>>, vector<1x134x64xf32>
    %swap3A_451 = vector.shape_cast %swap3A_450 : vector<1x134x64xf32> to vector<134x64xf32>
    %swap3A_452 = vector.shape_cast %broadcast_in_dim3A_446 : vector<134x64xf32> to vector<1x134x64xf32>
    tpu.vector_store %arg6[%swap3A_447, %swap3A_448, %swap3A_449], %swap3A_452 {strides = array<i32>} : memref<1x3448x64xf32, #tpu.memory_space<vmem>>, vector<1x134x64xf32>,
    return
  }
  func.func @transform_0(%arg0: i32) -> (i32, i32, i32) {
    %c0_i32 = arith.constant 0 : i32
    %c0_i32_0 = arith.constant 0 : i32
    %c0_i32_1 = arith.constant 0 : i32
    return %arg0, %c0_i32, %c0_i32_0 : i32, i32, i32
  }
  func.func @transform_1(%arg0: i32) -> (i32, i32, i32) {
    %c0_i32 = arith.constant 0 : i32
    %c0_i32_0 = arith.constant 0 : i32
    %c0_i32_1 = arith.constant 0 : i32
    %c0_i32_2 = arith.constant 0 : i32
    return %c0_i32, %c0_i32_0, %c0_i32_1 : i32, i32, i32
  }
  func.func @transform_2(%arg0: i32) -> (i32, i32) {
    %c0_i32 = arith.constant 0 : i32
    %c0_i32_0 = arith.constant 0 : i32
    %c0_i32_1 = arith.constant 0 : i32
    return %c0_i32, %c0_i32_0 : i32, i32
  }
  func.func @transform_3(%arg0: i32) -> (i32, i32) {
    %c0_i32 = arith.constant 0 : i32
    %c0_i32_0 = arith.constant 0 : i32
    %c0_i32_1 = arith.constant 0 : i32
    return %c0_i32, %c0_i32_0 : i32, i32
  }
  func.func @transform_4(%arg0: i32) -> (i32, i32) {
    %c0_i32 = arith.constant 0 : i32
    %c0_i32_0 = arith.constant 0 : i32
    %c0_i32_1 = arith.constant 0 : i32
    return %c0_i32, %c0_i32_0 : i32, i32
  }
  func.func @transform_5(%arg0: i32) -> (i32, i32, i32) {
    %c0_i32 = arith.constant 0 : i32
    %c0_i32_0 = arith.constant 0 : i32
    %c0_i32_1 = arith.constant 0 : i32
    return %arg0, %c0_i32, %c0_i32_0 : i32, i32, i32
  }
}

module attributes {stable_mosaic.version = 14 : i64} {
  func.func @_vq_kernel(%arg0: i32, %arg1: memref<512x64xf32, #tpu.memory_space<vmem>>, %arg2: memref<512x64xf32, #tpu.memory_space<vmem>>, %arg3: memref<512x64xf32, #tpu.memory_space<vmem>>, %arg4: memref<1x512xf32, #tpu.memory_space<vmem>>, %arg5: memref<1x1xf32, #tpu.memory_space<vmem>>, %arg6: memref<1x1xf32, #tpu.memory_space<vmem>>) attributes {dimension_semantics = [#tpu.dimension_semantics<arbitrary>], iteration_bounds = array<i64: 49>, scalar_prefetch = 0 : i64, scratch_operands = 0 : i64, tpu.core_type = #tpu.core_type<tc>, window_params = [{transform_indices = @transform_0, window_bounds = array<i64: 512, 64>}, {pipeline_mode = #tpu.pipeline_mode<synchronous>, transform_indices = @transform_1, window_bounds = array<i64: 512, 64>}, {transform_indices = @transform_2, window_bounds = array<i64: 512, 64>}, {pipeline_mode = #tpu.pipeline_mode<synchronous>, transform_indices = @transform_3, window_bounds = array<i64: 1, 512>}, {pipeline_mode = #tpu.pipeline_mode<synchronous>, transform_indices = @transform_4, window_bounds = array<i64: 1, 1>}, {pipeline_mode = #tpu.pipeline_mode<synchronous>, transform_indices = @transform_5, window_bounds = array<i64: 1, 1>}]} {
    %get3A = arith.constant 0 : index
    %get3A_0 = arith.constant 0 : index
    %get3A_1 = vector.load %arg1[%get3A, %get3A_0] : memref<512x64xf32, #tpu.memory_space<vmem>>, vector<512x64xf32>
    %get3A_2 = arith.constant 0 : index
    %get3A_3 = arith.constant 0 : index
    %get3A_4 = vector.load %arg2[%get3A_2, %get3A_3] : memref<512x64xf32, #tpu.memory_space<vmem>>, vector<512x64xf32>
    %mul3A = arith.mulf %get3A_1, %get3A_1 : vector<512x64xf32>
    %reduce_sum3A = arith.constant dense<0.000000e+00> : vector<512xf32>
    %reduce_sum3A_5 = vector.multi_reduction <add>, %mul3A, %reduce_sum3A [1] : vector<512x64xf32> to vector<512xf32>
    %broadcast_in_dim3A = vector.shape_cast %reduce_sum3A_5 : vector<512xf32> to vector<512x1xf32>
    %broadcast_in_dim3A_6 = arith.constant 1.000000e+00 : f32
    %broadcast_in_dim3A_7 = vector.broadcast %broadcast_in_dim3A_6 : f32 to vector<1x64xf32>
    %mul3A_8 = arith.mulf %get3A_4, %get3A_4 : vector<512x64xf32>
    %dot_general3A = arith.constant dense<0.000000e+00> : vector<1x512xf32>
    %dot_general3A_9 = tpu.matmul %broadcast_in_dim3A_7, %mul3A_8, %dot_general3A {dimension_numbers = #tpu.dot_dimension_numbers<[1], [1], [0], [0], [0, 0, 1, 0], [], []>, precision = #tpu.contract_precision<fp32>, transpose_lhs_hint = false} : vector<1x64xf32>, vector<512x64xf32>, vector<1x512xf32> -> vector<1x512xf32>
    %dot_general3A_10 = arith.constant dense<0.000000e+00> : vector<512x512xf32>
    %dot_general3A_11 = tpu.matmul %get3A_1, %get3A_4, %dot_general3A_10 {dimension_numbers = #tpu.dot_dimension_numbers<[1], [1], [0], [0], [0, 0, 1, 0], [], []>, transpose_lhs_hint = false} : vector<512x64xf32>, vector<512x64xf32>, vector<512x512xf32> -> vector<512x512xf32>
    %add3A = vector.broadcast %broadcast_in_dim3A : vector<512x1xf32> to vector<512x512xf32>
    %add3A_12 = vector.broadcast %dot_general3A_9 : vector<1x512xf32> to vector<512x512xf32>
    %add3A_13 = arith.addf %add3A, %add3A_12 : vector<512x512xf32>
    %mul3A_14 = arith.constant 2.000000e+00 : f32
    %mul3A_15 = vector.broadcast %mul3A_14 : f32 to vector<512x512xf32>
    %mul3A_16 = arith.mulf %mul3A_15, %dot_general3A_11 : vector<512x512xf32>
    %sub3A = arith.subf %add3A_13, %mul3A_16 : vector<512x512xf32>
    %reduce_min3A = arith.constant dense<0x7F800000> : vector<512xf32>
    %reduce_min3A_17 = vector.multi_reduction <minimumf>, %sub3A, %reduce_min3A [1] : vector<512x512xf32> to vector<512xf32>
    %broadcast_in_dim3A_18 = vector.shape_cast %reduce_min3A_17 : vector<512xf32> to vector<512x1xf32>
    %iota3A = tpu.iota {dimensions = array<i32: 1>} : vector<512x512xi32>
    %eq3A = vector.broadcast %broadcast_in_dim3A_18 : vector<512x1xf32> to vector<512x512xf32>
    %eq3A_19 = arith.cmpf oeq, %sub3A, %eq3A : vector<512x512xf32>
    %jit3A = arith.constant 512 : i32
    %broadcast_in_dim3A_20 = vector.broadcast %jit3A : i32 to vector<512x512xi32>
    %select_n3A = arith.select %eq3A_19, %iota3A, %broadcast_in_dim3A_20 : vector<512x512xi1>, vector<512x512xi32>
    %reduce_min3A_21 = arith.constant dense<2147483647> : vector<512xi32>
    %reduce_min3A_22 = vector.multi_reduction <minsi>, %select_n3A, %reduce_min3A_21 [1] : vector<512x512xi32> to vector<512xi32>
    %broadcast_in_dim3A_23 = vector.shape_cast %reduce_min3A_22 : vector<512xi32> to vector<512x1xi32>
    %eq3A_24 = vector.broadcast %broadcast_in_dim3A_23 : vector<512x1xi32> to vector<512x512xi32>
    %eq3A_25 = arith.cmpi eq, %iota3A, %eq3A_24 : vector<512x512xi32>
    %convert_element_type3A = arith.extui %eq3A_25 : vector<512x512xi1> to vector<512x512xi32>
    %convert_element_type3A_26 = arith.sitofp %convert_element_type3A : vector<512x512xi32> to vector<512x512xf32>
    %dot_general3A_27 = arith.constant dense<0.000000e+00> : vector<512x64xf32>
    %dot_general3A_28 = tpu.matmul %convert_element_type3A_26, %get3A_4, %dot_general3A_27 {dimension_numbers = #tpu.dot_dimension_numbers<[1], [0], [0], [1], [0, 0, 1, 1], [], []>, transpose_lhs_hint = false} : vector<512x512xf32>, vector<512x64xf32>, vector<512x64xf32> -> vector<512x64xf32>
    %swap3A = arith.constant 0 : index
    %swap3A_29 = arith.constant 0 : index
    %swap3A_30 = vector.load %arg3[%swap3A, %swap3A_29] : memref<512x64xf32, #tpu.memory_space<vmem>>, vector<512x64xf32>
    tpu.vector_store %arg3[%swap3A, %swap3A_29], %dot_general3A_28 {strides = array<i32>} : memref<512x64xf32, #tpu.memory_space<vmem>>, vector<512x64xf32>,
    %reduce_sum3A_31 = arith.constant dense<0.000000e+00> : vector<512xf32>
    %reduce_sum3A_32 = vector.multi_reduction <add>, %convert_element_type3A_26, %reduce_sum3A_31 [0] : vector<512x512xf32> to vector<512xf32>
    %broadcast_in_dim3A_33 = vector.shape_cast %reduce_sum3A_32 : vector<512xf32> to vector<1x512xf32>
    %sub3A_34 = arith.subf %dot_general3A_28, %get3A_1 : vector<512x64xf32>
    %integer_pow3A = arith.mulf %sub3A_34, %sub3A_34 : vector<512x64xf32>
    %reduce_sum3A_35 = vector.shape_cast %integer_pow3A : vector<512x64xf32> to vector<1x512x64xf32>
    %reduce_sum3A_36 = arith.constant dense<0.000000e+00> : vector<1xf32>
    %reduce_sum3A_37 = vector.multi_reduction <add>, %reduce_sum3A_35, %reduce_sum3A_36 [1, 2] : vector<1x512x64xf32> to vector<1xf32>
    %reduce_sum3A_38 = vector.shape_cast %reduce_sum3A_37 : vector<1xf32> to vector<1x1x1xf32>
    %reduce_sum3A_39 = vector.extract %reduce_sum3A_38[0, 0, 0] : f32 from vector<1x1x1xf32>
    %reshape3A = vector.broadcast %reduce_sum3A_39 : f32 to vector<1x1xf32>
    %eq3A_40 = arith.constant 0 : i32
    %eq3A_41 = arith.cmpi eq, %arg0, %eq3A_40 : i32
    %convert_element_type3A_42 = arith.extui %eq3A_41 : i1 to i32
    %cond3A = arith.constant 0 : i32
    %cond3A_43 = arith.cmpi ne, %convert_element_type3A_42, %cond3A : i32
    scf.if %cond3A_43 {
      %swap3A_53 = arith.constant 0 : index
      %swap3A_54 = arith.constant 0 : index
      %swap3A_55 = vector.load %arg4[%swap3A_53, %swap3A_54] : memref<1x512xf32, #tpu.memory_space<vmem>>, vector<1x512xf32>
      tpu.vector_store %arg4[%swap3A_53, %swap3A_54], %broadcast_in_dim3A_33 {strides = array<i32>} : memref<1x512xf32, #tpu.memory_space<vmem>>, vector<1x512xf32>,
      %swap3A_56 = arith.constant 0 : index
      %swap3A_57 = arith.constant 0 : index
      %swap3A_58 = vector.load %arg5[%swap3A_56, %swap3A_57] : memref<1x1xf32, #tpu.memory_space<vmem>>, vector<1x1xf32>
      tpu.vector_store %arg5[%swap3A_56, %swap3A_57], %reshape3A {strides = array<i32>} : memref<1x1xf32, #tpu.memory_space<vmem>>, vector<1x1xf32>,
    } else {
    }
    %gt3A = arith.constant 0 : i32
    %gt3A_44 = arith.cmpi sgt, %arg0, %gt3A : i32
    %convert_element_type3A_45 = arith.extui %gt3A_44 : i1 to i32
    %cond3A_46 = arith.constant 0 : i32
    %cond3A_47 = arith.cmpi ne, %convert_element_type3A_45, %cond3A_46 : i32
    scf.if %cond3A_47 {
      %get3A_53 = arith.constant 0 : index
      %get3A_54 = arith.constant 0 : index
      %get3A_55 = vector.load %arg4[%get3A_53, %get3A_54] : memref<1x512xf32, #tpu.memory_space<vmem>>, vector<1x512xf32>
      %add3A_56 = arith.addf %get3A_55, %broadcast_in_dim3A_33 : vector<1x512xf32>
      %swap3A_57 = arith.constant 0 : index
      %swap3A_58 = arith.constant 0 : index
      %swap3A_59 = vector.load %arg4[%swap3A_57, %swap3A_58] : memref<1x512xf32, #tpu.memory_space<vmem>>, vector<1x512xf32>
      tpu.vector_store %arg4[%swap3A_57, %swap3A_58], %add3A_56 {strides = array<i32>} : memref<1x512xf32, #tpu.memory_space<vmem>>, vector<1x512xf32>,
      %get3A_60 = arith.constant 0 : index
      %get3A_61 = arith.constant 0 : index
      %get3A_62 = vector.load %arg5[%get3A_60, %get3A_61] : memref<1x1xf32, #tpu.memory_space<vmem>>, vector<1x1xf32>
      %add3A_63 = arith.addf %get3A_62, %reshape3A : vector<1x1xf32>
      %swap3A_64 = arith.constant 0 : index
      %swap3A_65 = arith.constant 0 : index
      %swap3A_66 = vector.load %arg5[%swap3A_64, %swap3A_65] : memref<1x1xf32, #tpu.memory_space<vmem>>, vector<1x1xf32>
      tpu.vector_store %arg5[%swap3A_64, %swap3A_65], %add3A_63 {strides = array<i32>} : memref<1x1xf32, #tpu.memory_space<vmem>>, vector<1x1xf32>,
    } else {
    }
    %eq3A_48 = arith.constant 48 : i32
    %eq3A_49 = arith.cmpi eq, %arg0, %eq3A_48 : i32
    %convert_element_type3A_50 = arith.extui %eq3A_49 : i1 to i32
    %cond3A_51 = arith.constant 0 : i32
    %cond3A_52 = arith.cmpi ne, %convert_element_type3A_50, %cond3A_51 : i32
    scf.if %cond3A_52 {
      %get3A_53 = arith.constant 0 : index
      %get3A_54 = arith.constant 0 : index
      %get3A_55 = vector.load %arg4[%get3A_53, %get3A_54] : memref<1x512xf32, #tpu.memory_space<vmem>>, vector<1x512xf32>
      %div3A = arith.constant 2.508800e+04 : f32
      %div3A_56 = vector.broadcast %div3A : f32 to vector<1x512xf32>
      %div3A_57 = arith.divf %get3A_55, %div3A_56 : vector<1x512xf32>
      %add3A_58 = arith.constant 1.000000e-10 : f32
      %add3A_59 = vector.broadcast %add3A_58 : f32 to vector<1x512xf32>
      %add3A_60 = arith.addf %div3A_57, %add3A_59 : vector<1x512xf32>
      %log3A = math.log %add3A_60 : vector<1x512xf32>
      %mul3A_61 = arith.mulf %div3A_57, %log3A : vector<1x512xf32>
      %reduce_sum3A_62 = vector.shape_cast %mul3A_61 : vector<1x512xf32> to vector<1x1x512xf32>
      %reduce_sum3A_63 = arith.constant dense<0.000000e+00> : vector<1xf32>
      %reduce_sum3A_64 = vector.multi_reduction <add>, %reduce_sum3A_62, %reduce_sum3A_63 [1, 2] : vector<1x1x512xf32> to vector<1xf32>
      %reduce_sum3A_65 = vector.shape_cast %reduce_sum3A_64 : vector<1xf32> to vector<1x1x1xf32>
      %reduce_sum3A_66 = vector.extract %reduce_sum3A_65[0, 0, 0] : f32 from vector<1x1x1xf32>
      %neg3A = arith.constant 0.000000e+00 : f32
      %neg3A_67 = arith.subf %neg3A, %reduce_sum3A_66 : f32
      %exp3A = math.exp %neg3A_67 : f32
      %reshape3A_68 = vector.broadcast %exp3A : f32 to vector<1x1xf32>
      %swap3A_69 = arith.constant 0 : index
      %swap3A_70 = arith.constant 0 : index
      %swap3A_71 = vector.load %arg6[%swap3A_69, %swap3A_70] : memref<1x1xf32, #tpu.memory_space<vmem>>, vector<1x1xf32>
      tpu.vector_store %arg6[%swap3A_69, %swap3A_70], %reshape3A_68 {strides = array<i32>} : memref<1x1xf32, #tpu.memory_space<vmem>>, vector<1x1xf32>,
      %get3A_72 = arith.constant 0 : index
      %get3A_73 = arith.constant 0 : index
      %get3A_74 = vector.load %arg5[%get3A_72, %get3A_73] : memref<1x1xf32, #tpu.memory_space<vmem>>, vector<1x1xf32>
      %mul3A_75 = arith.constant 1.55701926E-7 : f32
      %mul3A_76 = vector.broadcast %mul3A_75 : f32 to vector<1x1xf32>
      %mul3A_77 = arith.mulf %get3A_74, %mul3A_76 : vector<1x1xf32>
      %swap3A_78 = arith.constant 0 : index
      %swap3A_79 = arith.constant 0 : index
      %swap3A_80 = vector.load %arg5[%swap3A_78, %swap3A_79] : memref<1x1xf32, #tpu.memory_space<vmem>>, vector<1x1xf32>
      tpu.vector_store %arg5[%swap3A_78, %swap3A_79], %mul3A_77 {strides = array<i32>} : memref<1x1xf32, #tpu.memory_space<vmem>>, vector<1x1xf32>,
    } else {
    }
    return
  }
  func.func @transform_0(%arg0: i32) -> (i32, i32) {
    %c0_i32 = arith.constant 0 : i32
    %c0_i32_0 = arith.constant 0 : i32
    return %arg0, %c0_i32 : i32, i32
  }
  func.func @transform_1(%arg0: i32) -> (i32, i32) {
    %c0_i32 = arith.constant 0 : i32
    %c0_i32_0 = arith.constant 0 : i32
    %c0_i32_1 = arith.constant 0 : i32
    return %c0_i32, %c0_i32_0 : i32, i32
  }
  func.func @transform_2(%arg0: i32) -> (i32, i32) {
    %c0_i32 = arith.constant 0 : i32
    %c0_i32_0 = arith.constant 0 : i32
    return %arg0, %c0_i32 : i32, i32
  }
  func.func @transform_3(%arg0: i32) -> (i32, i32) {
    %c0_i32 = arith.constant 0 : i32
    %c0_i32_0 = arith.constant 0 : i32
    %c0_i32_1 = arith.constant 0 : i32
    return %c0_i32, %c0_i32_0 : i32, i32
  }
  func.func @transform_4(%arg0: i32) -> (i32, i32) {
    %c0_i32 = arith.constant 0 : i32
    %c0_i32_0 = arith.constant 0 : i32
    %c0_i32_1 = arith.constant 0 : i32
    return %c0_i32, %c0_i32_0 : i32, i32
  }
  func.func @transform_5(%arg0: i32) -> (i32, i32) {
    %c0_i32 = arith.constant 0 : i32
    %c0_i32_0 = arith.constant 0 : i32
    %c0_i32_1 = arith.constant 0 : i32
    return %c0_i32, %c0_i32_0 : i32, i32
  }
}

module attributes {stable_mosaic.version = 14 : i64} {
  func.func @_flat_conv_kernel(%arg0: i32, %arg1: memref<1x3448x64xf32, #tpu.memory_space<vmem>>, %arg2: memref<9x64x128xf32, #tpu.memory_space<vmem>>, %arg3: memref<1x128xf32, #tpu.memory_space<vmem>>, %arg4: memref<3448x1xf32, #tpu.memory_space<vmem>>, %arg5: memref<1x3448x128xf32, #tpu.memory_space<vmem>>) attributes {dimension_semantics = [#tpu.dimension_semantics<arbitrary>], iteration_bounds = array<i64: 8>, scalar_prefetch = 0 : i64, scratch_operands = 0 : i64, tpu.core_type = #tpu.core_type<tc>, window_params = [{transform_indices = @transform_0, window_bounds = array<i64: 1, 3448, 64>}, {pipeline_mode = #tpu.pipeline_mode<synchronous>, transform_indices = @transform_1, window_bounds = array<i64: 9, 64, 128>}, {pipeline_mode = #tpu.pipeline_mode<synchronous>, transform_indices = @transform_2, window_bounds = array<i64: 1, 128>}, {pipeline_mode = #tpu.pipeline_mode<synchronous>, transform_indices = @transform_3, window_bounds = array<i64: 3448, 1>}, {transform_indices = @transform_4, window_bounds = array<i64: 1, 3448, 128>}]} {
    %get3A = arith.constant 0 : index
    %get3A_0 = arith.constant 0 : index
    %get3A_1 = arith.constant 0 : index
    %get3A_2 = vector.load %arg2[%get3A, %get3A_0, %get3A_1] : memref<9x64x128xf32, #tpu.memory_space<vmem>>, vector<9x64x128xf32>
    %reshape3A = vector.shape_cast %get3A_2 : vector<9x64x128xf32> to vector<576x128xf32>
    %get3A_3 = arith.constant 0 : index
    %get3A_4 = arith.constant 7 : index
    %get3A_5 = arith.constant 0 : index
    %get3A_6 = vector.load %arg1[%get3A_3, %get3A_4, %get3A_5] : memref<1x3448x64xf32, #tpu.memory_space<vmem>>, vector<1x812x64xf32>
    %get3A_7 = vector.shape_cast %get3A_6 : vector<1x812x64xf32> to vector<812x64xf32>
    %get3A_8 = arith.constant 0 : index
    %get3A_9 = arith.constant 8 : index
    %get3A_10 = arith.constant 0 : index
    %get3A_11 = vector.load %arg1[%get3A_8, %get3A_9, %get3A_10] : memref<1x3448x64xf32, #tpu.memory_space<vmem>>, vector<1x812x64xf32>
    %get3A_12 = vector.shape_cast %get3A_11 : vector<1x812x64xf32> to vector<812x64xf32>
    %get3A_13 = arith.constant 0 : index
    %get3A_14 = arith.constant 9 : index
    %get3A_15 = arith.constant 0 : index
    %get3A_16 = vector.load %arg1[%get3A_13, %get3A_14, %get3A_15] : memref<1x3448x64xf32, #tpu.memory_space<vmem>>, vector<1x812x64xf32>
    %get3A_17 = vector.shape_cast %get3A_16 : vector<1x812x64xf32> to vector<812x64xf32>
    %get3A_18 = arith.constant 0 : index
    %get3A_19 = arith.constant 65 : index
    %get3A_20 = arith.constant 0 : index
    %get3A_21 = vector.load %arg1[%get3A_18, %get3A_19, %get3A_20] : memref<1x3448x64xf32, #tpu.memory_space<vmem>>, vector<1x812x64xf32>
    %get3A_22 = vector.shape_cast %get3A_21 : vector<1x812x64xf32> to vector<812x64xf32>
    %get3A_23 = arith.constant 0 : index
    %get3A_24 = arith.constant 66 : index
    %get3A_25 = arith.constant 0 : index
    %get3A_26 = vector.load %arg1[%get3A_23, %get3A_24, %get3A_25] : memref<1x3448x64xf32, #tpu.memory_space<vmem>>, vector<1x812x64xf32>
    %get3A_27 = vector.shape_cast %get3A_26 : vector<1x812x64xf32> to vector<812x64xf32>
    %get3A_28 = arith.constant 0 : index
    %get3A_29 = arith.constant 67 : index
    %get3A_30 = arith.constant 0 : index
    %get3A_31 = vector.load %arg1[%get3A_28, %get3A_29, %get3A_30] : memref<1x3448x64xf32, #tpu.memory_space<vmem>>, vector<1x812x64xf32>
    %get3A_32 = vector.shape_cast %get3A_31 : vector<1x812x64xf32> to vector<812x64xf32>
    %get3A_33 = arith.constant 0 : index
    %get3A_34 = arith.constant 123 : index
    %get3A_35 = arith.constant 0 : index
    %get3A_36 = vector.load %arg1[%get3A_33, %get3A_34, %get3A_35] : memref<1x3448x64xf32, #tpu.memory_space<vmem>>, vector<1x812x64xf32>
    %get3A_37 = vector.shape_cast %get3A_36 : vector<1x812x64xf32> to vector<812x64xf32>
    %get3A_38 = arith.constant 0 : index
    %get3A_39 = arith.constant 124 : index
    %get3A_40 = arith.constant 0 : index
    %get3A_41 = vector.load %arg1[%get3A_38, %get3A_39, %get3A_40] : memref<1x3448x64xf32, #tpu.memory_space<vmem>>, vector<1x812x64xf32>
    %get3A_42 = vector.shape_cast %get3A_41 : vector<1x812x64xf32> to vector<812x64xf32>
    %get3A_43 = arith.constant 0 : index
    %get3A_44 = arith.constant 125 : index
    %get3A_45 = arith.constant 0 : index
    %get3A_46 = vector.load %arg1[%get3A_43, %get3A_44, %get3A_45] : memref<1x3448x64xf32, #tpu.memory_space<vmem>>, vector<1x812x64xf32>
    %get3A_47 = vector.shape_cast %get3A_46 : vector<1x812x64xf32> to vector<812x64xf32>
    %concatenate3A = tpu.concatenate %get3A_7, %get3A_12, %get3A_17, %get3A_22, %get3A_27, %get3A_32, %get3A_37, %get3A_42, %get3A_47 in 1 : vector<812x64xf32>, vector<812x64xf32>, vector<812x64xf32>, vector<812x64xf32>, vector<812x64xf32>, vector<812x64xf32>, vector<812x64xf32>, vector<812x64xf32>, vector<812x64xf32> -> vector<812x576xf32>
    %dot_general3A = arith.constant dense<0.000000e+00> : vector<812x128xf32>
    %dot_general3A_48 = tpu.matmul %concatenate3A, %reshape3A, %dot_general3A {dimension_numbers = #tpu.dot_dimension_numbers<[1], [0], [0], [1], [0, 0, 1, 1], [], []>, transpose_lhs_hint = false} : vector<812x576xf32>, vector<576x128xf32>, vector<812x128xf32> -> vector<812x128xf32>
    %get3A_49 = arith.constant 0 : index
    %get3A_50 = arith.constant 0 : index
    %get3A_51 = vector.load %arg3[%get3A_49, %get3A_50] : memref<1x128xf32, #tpu.memory_space<vmem>>, vector<1x128xf32>
    %get3A_52 = vector.shape_cast %get3A_51 : vector<1x128xf32> to vector<128xf32>
    %broadcast_in_dim3A = vector.shape_cast %get3A_52 : vector<128xf32> to vector<1x128xf32>
    %add3A = vector.broadcast %broadcast_in_dim3A : vector<1x128xf32> to vector<812x128xf32>
    %add3A_53 = arith.addf %dot_general3A_48, %add3A : vector<812x128xf32>
    %get3A_54 = arith.constant 66 : index
    %get3A_55 = arith.constant 0 : index
    %get3A_56 = vector.load %arg4[%get3A_54, %get3A_55] : memref<3448x1xf32, #tpu.memory_space<vmem>>, vector<812x1xf32>
    %mul3A = vector.broadcast %get3A_56 : vector<812x1xf32> to vector<812x128xf32>
    %mul3A_57 = arith.mulf %add3A_53, %mul3A : vector<812x128xf32>
    %swap3A = arith.constant 0 : index
    %swap3A_58 = arith.constant 66 : index
    %swap3A_59 = arith.constant 0 : index
    %swap3A_60 = vector.load %arg5[%swap3A, %swap3A_58, %swap3A_59] : memref<1x3448x128xf32, #tpu.memory_space<vmem>>, vector<1x812x128xf32>
    %swap3A_61 = vector.shape_cast %swap3A_60 : vector<1x812x128xf32> to vector<812x128xf32>
    %swap3A_62 = vector.shape_cast %mul3A_57 : vector<812x128xf32> to vector<1x812x128xf32>
    tpu.vector_store %arg5[%swap3A, %swap3A_58, %swap3A_59], %swap3A_62 {strides = array<i32>} : memref<1x3448x128xf32, #tpu.memory_space<vmem>>, vector<1x812x128xf32>,
    %get3A_63 = arith.constant 0 : index
    %get3A_64 = arith.constant 819 : index
    %get3A_65 = arith.constant 0 : index
    %get3A_66 = vector.load %arg1[%get3A_63, %get3A_64, %get3A_65] : memref<1x3448x64xf32, #tpu.memory_space<vmem>>, vector<1x812x64xf32>
    %get3A_67 = vector.shape_cast %get3A_66 : vector<1x812x64xf32> to vector<812x64xf32>
    %get3A_68 = arith.constant 0 : index
    %get3A_69 = arith.constant 820 : index
    %get3A_70 = arith.constant 0 : index
    %get3A_71 = vector.load %arg1[%get3A_68, %get3A_69, %get3A_70] : memref<1x3448x64xf32, #tpu.memory_space<vmem>>, vector<1x812x64xf32>
    %get3A_72 = vector.shape_cast %get3A_71 : vector<1x812x64xf32> to vector<812x64xf32>
    %get3A_73 = arith.constant 0 : index
    %get3A_74 = arith.constant 821 : index
    %get3A_75 = arith.constant 0 : index
    %get3A_76 = vector.load %arg1[%get3A_73, %get3A_74, %get3A_75] : memref<1x3448x64xf32, #tpu.memory_space<vmem>>, vector<1x812x64xf32>
    %get3A_77 = vector.shape_cast %get3A_76 : vector<1x812x64xf32> to vector<812x64xf32>
    %get3A_78 = arith.constant 0 : index
    %get3A_79 = arith.constant 877 : index
    %get3A_80 = arith.constant 0 : index
    %get3A_81 = vector.load %arg1[%get3A_78, %get3A_79, %get3A_80] : memref<1x3448x64xf32, #tpu.memory_space<vmem>>, vector<1x812x64xf32>
    %get3A_82 = vector.shape_cast %get3A_81 : vector<1x812x64xf32> to vector<812x64xf32>
    %get3A_83 = arith.constant 0 : index
    %get3A_84 = arith.constant 878 : index
    %get3A_85 = arith.constant 0 : index
    %get3A_86 = vector.load %arg1[%get3A_83, %get3A_84, %get3A_85] : memref<1x3448x64xf32, #tpu.memory_space<vmem>>, vector<1x812x64xf32>
    %get3A_87 = vector.shape_cast %get3A_86 : vector<1x812x64xf32> to vector<812x64xf32>
    %get3A_88 = arith.constant 0 : index
    %get3A_89 = arith.constant 879 : index
    %get3A_90 = arith.constant 0 : index
    %get3A_91 = vector.load %arg1[%get3A_88, %get3A_89, %get3A_90] : memref<1x3448x64xf32, #tpu.memory_space<vmem>>, vector<1x812x64xf32>
    %get3A_92 = vector.shape_cast %get3A_91 : vector<1x812x64xf32> to vector<812x64xf32>
    %get3A_93 = arith.constant 0 : index
    %get3A_94 = arith.constant 935 : index
    %get3A_95 = arith.constant 0 : index
    %get3A_96 = vector.load %arg1[%get3A_93, %get3A_94, %get3A_95] : memref<1x3448x64xf32, #tpu.memory_space<vmem>>, vector<1x812x64xf32>
    %get3A_97 = vector.shape_cast %get3A_96 : vector<1x812x64xf32> to vector<812x64xf32>
    %get3A_98 = arith.constant 0 : index
    %get3A_99 = arith.constant 936 : index
    %get3A_100 = arith.constant 0 : index
    %get3A_101 = vector.load %arg1[%get3A_98, %get3A_99, %get3A_100] : memref<1x3448x64xf32, #tpu.memory_space<vmem>>, vector<1x812x64xf32>
    %get3A_102 = vector.shape_cast %get3A_101 : vector<1x812x64xf32> to vector<812x64xf32>
    %get3A_103 = arith.constant 0 : index
    %get3A_104 = arith.constant 937 : index
    %get3A_105 = arith.constant 0 : index
    %get3A_106 = vector.load %arg1[%get3A_103, %get3A_104, %get3A_105] : memref<1x3448x64xf32, #tpu.memory_space<vmem>>, vector<1x812x64xf32>
    %get3A_107 = vector.shape_cast %get3A_106 : vector<1x812x64xf32> to vector<812x64xf32>
    %concatenate3A_108 = tpu.concatenate %get3A_67, %get3A_72, %get3A_77, %get3A_82, %get3A_87, %get3A_92, %get3A_97, %get3A_102, %get3A_107 in 1 : vector<812x64xf32>, vector<812x64xf32>, vector<812x64xf32>, vector<812x64xf32>, vector<812x64xf32>, vector<812x64xf32>, vector<812x64xf32>, vector<812x64xf32>, vector<812x64xf32> -> vector<812x576xf32>
    %dot_general3A_109 = arith.constant dense<0.000000e+00> : vector<812x128xf32>
    %dot_general3A_110 = tpu.matmul %concatenate3A_108, %reshape3A, %dot_general3A_109 {dimension_numbers = #tpu.dot_dimension_numbers<[1], [0], [0], [1], [0, 0, 1, 1], [], []>, transpose_lhs_hint = false} : vector<812x576xf32>, vector<576x128xf32>, vector<812x128xf32> -> vector<812x128xf32>
    %get3A_111 = arith.constant 0 : index
    %get3A_112 = arith.constant 0 : index
    %get3A_113 = vector.load %arg3[%get3A_111, %get3A_112] : memref<1x128xf32, #tpu.memory_space<vmem>>, vector<1x128xf32>
    %get3A_114 = vector.shape_cast %get3A_113 : vector<1x128xf32> to vector<128xf32>
    %broadcast_in_dim3A_115 = vector.shape_cast %get3A_114 : vector<128xf32> to vector<1x128xf32>
    %add3A_116 = vector.broadcast %broadcast_in_dim3A_115 : vector<1x128xf32> to vector<812x128xf32>
    %add3A_117 = arith.addf %dot_general3A_110, %add3A_116 : vector<812x128xf32>
    %get3A_118 = arith.constant 878 : index
    %get3A_119 = arith.constant 0 : index
    %get3A_120 = vector.load %arg4[%get3A_118, %get3A_119] : memref<3448x1xf32, #tpu.memory_space<vmem>>, vector<812x1xf32>
    %mul3A_121 = vector.broadcast %get3A_120 : vector<812x1xf32> to vector<812x128xf32>
    %mul3A_122 = arith.mulf %add3A_117, %mul3A_121 : vector<812x128xf32>
    %swap3A_123 = arith.constant 0 : index
    %swap3A_124 = arith.constant 878 : index
    %swap3A_125 = arith.constant 0 : index
    %swap3A_126 = vector.load %arg5[%swap3A_123, %swap3A_124, %swap3A_125] : memref<1x3448x128xf32, #tpu.memory_space<vmem>>, vector<1x812x128xf32>
    %swap3A_127 = vector.shape_cast %swap3A_126 : vector<1x812x128xf32> to vector<812x128xf32>
    %swap3A_128 = vector.shape_cast %mul3A_122 : vector<812x128xf32> to vector<1x812x128xf32>
    tpu.vector_store %arg5[%swap3A_123, %swap3A_124, %swap3A_125], %swap3A_128 {strides = array<i32>} : memref<1x3448x128xf32, #tpu.memory_space<vmem>>, vector<1x812x128xf32>,
    %get3A_129 = arith.constant 0 : index
    %get3A_130 = arith.constant 1631 : index
    %get3A_131 = arith.constant 0 : index
    %get3A_132 = vector.load %arg1[%get3A_129, %get3A_130, %get3A_131] : memref<1x3448x64xf32, #tpu.memory_space<vmem>>, vector<1x812x64xf32>
    %get3A_133 = vector.shape_cast %get3A_132 : vector<1x812x64xf32> to vector<812x64xf32>
    %get3A_134 = arith.constant 0 : index
    %get3A_135 = arith.constant 1632 : index
    %get3A_136 = arith.constant 0 : index
    %get3A_137 = vector.load %arg1[%get3A_134, %get3A_135, %get3A_136] : memref<1x3448x64xf32, #tpu.memory_space<vmem>>, vector<1x812x64xf32>
    %get3A_138 = vector.shape_cast %get3A_137 : vector<1x812x64xf32> to vector<812x64xf32>
    %get3A_139 = arith.constant 0 : index
    %get3A_140 = arith.constant 1633 : index
    %get3A_141 = arith.constant 0 : index
    %get3A_142 = vector.load %arg1[%get3A_139, %get3A_140, %get3A_141] : memref<1x3448x64xf32, #tpu.memory_space<vmem>>, vector<1x812x64xf32>
    %get3A_143 = vector.shape_cast %get3A_142 : vector<1x812x64xf32> to vector<812x64xf32>
    %get3A_144 = arith.constant 0 : index
    %get3A_145 = arith.constant 1689 : index
    %get3A_146 = arith.constant 0 : index
    %get3A_147 = vector.load %arg1[%get3A_144, %get3A_145, %get3A_146] : memref<1x3448x64xf32, #tpu.memory_space<vmem>>, vector<1x812x64xf32>
    %get3A_148 = vector.shape_cast %get3A_147 : vector<1x812x64xf32> to vector<812x64xf32>
    %get3A_149 = arith.constant 0 : index
    %get3A_150 = arith.constant 1690 : index
    %get3A_151 = arith.constant 0 : index
    %get3A_152 = vector.load %arg1[%get3A_149, %get3A_150, %get3A_151] : memref<1x3448x64xf32, #tpu.memory_space<vmem>>, vector<1x812x64xf32>
    %get3A_153 = vector.shape_cast %get3A_152 : vector<1x812x64xf32> to vector<812x64xf32>
    %get3A_154 = arith.constant 0 : index
    %get3A_155 = arith.constant 1691 : index
    %get3A_156 = arith.constant 0 : index
    %get3A_157 = vector.load %arg1[%get3A_154, %get3A_155, %get3A_156] : memref<1x3448x64xf32, #tpu.memory_space<vmem>>, vector<1x812x64xf32>
    %get3A_158 = vector.shape_cast %get3A_157 : vector<1x812x64xf32> to vector<812x64xf32>
    %get3A_159 = arith.constant 0 : index
    %get3A_160 = arith.constant 1747 : index
    %get3A_161 = arith.constant 0 : index
    %get3A_162 = vector.load %arg1[%get3A_159, %get3A_160, %get3A_161] : memref<1x3448x64xf32, #tpu.memory_space<vmem>>, vector<1x812x64xf32>
    %get3A_163 = vector.shape_cast %get3A_162 : vector<1x812x64xf32> to vector<812x64xf32>
    %get3A_164 = arith.constant 0 : index
    %get3A_165 = arith.constant 1748 : index
    %get3A_166 = arith.constant 0 : index
    %get3A_167 = vector.load %arg1[%get3A_164, %get3A_165, %get3A_166] : memref<1x3448x64xf32, #tpu.memory_space<vmem>>, vector<1x812x64xf32>
    %get3A_168 = vector.shape_cast %get3A_167 : vector<1x812x64xf32> to vector<812x64xf32>
    %get3A_169 = arith.constant 0 : index
    %get3A_170 = arith.constant 1749 : index
    %get3A_171 = arith.constant 0 : index
    %get3A_172 = vector.load %arg1[%get3A_169, %get3A_170, %get3A_171] : memref<1x3448x64xf32, #tpu.memory_space<vmem>>, vector<1x812x64xf32>
    %get3A_173 = vector.shape_cast %get3A_172 : vector<1x812x64xf32> to vector<812x64xf32>
    %concatenate3A_174 = tpu.concatenate %get3A_133, %get3A_138, %get3A_143, %get3A_148, %get3A_153, %get3A_158, %get3A_163, %get3A_168, %get3A_173 in 1 : vector<812x64xf32>, vector<812x64xf32>, vector<812x64xf32>, vector<812x64xf32>, vector<812x64xf32>, vector<812x64xf32>, vector<812x64xf32>, vector<812x64xf32>, vector<812x64xf32> -> vector<812x576xf32>
    %dot_general3A_175 = arith.constant dense<0.000000e+00> : vector<812x128xf32>
    %dot_general3A_176 = tpu.matmul %concatenate3A_174, %reshape3A, %dot_general3A_175 {dimension_numbers = #tpu.dot_dimension_numbers<[1], [0], [0], [1], [0, 0, 1, 1], [], []>, transpose_lhs_hint = false} : vector<812x576xf32>, vector<576x128xf32>, vector<812x128xf32> -> vector<812x128xf32>
    %get3A_177 = arith.constant 0 : index
    %get3A_178 = arith.constant 0 : index
    %get3A_179 = vector.load %arg3[%get3A_177, %get3A_178] : memref<1x128xf32, #tpu.memory_space<vmem>>, vector<1x128xf32>
    %get3A_180 = vector.shape_cast %get3A_179 : vector<1x128xf32> to vector<128xf32>
    %broadcast_in_dim3A_181 = vector.shape_cast %get3A_180 : vector<128xf32> to vector<1x128xf32>
    %add3A_182 = vector.broadcast %broadcast_in_dim3A_181 : vector<1x128xf32> to vector<812x128xf32>
    %add3A_183 = arith.addf %dot_general3A_176, %add3A_182 : vector<812x128xf32>
    %get3A_184 = arith.constant 1690 : index
    %get3A_185 = arith.constant 0 : index
    %get3A_186 = vector.load %arg4[%get3A_184, %get3A_185] : memref<3448x1xf32, #tpu.memory_space<vmem>>, vector<812x1xf32>
    %mul3A_187 = vector.broadcast %get3A_186 : vector<812x1xf32> to vector<812x128xf32>
    %mul3A_188 = arith.mulf %add3A_183, %mul3A_187 : vector<812x128xf32>
    %swap3A_189 = arith.constant 0 : index
    %swap3A_190 = arith.constant 1690 : index
    %swap3A_191 = arith.constant 0 : index
    %swap3A_192 = vector.load %arg5[%swap3A_189, %swap3A_190, %swap3A_191] : memref<1x3448x128xf32, #tpu.memory_space<vmem>>, vector<1x812x128xf32>
    %swap3A_193 = vector.shape_cast %swap3A_192 : vector<1x812x128xf32> to vector<812x128xf32>
    %swap3A_194 = vector.shape_cast %mul3A_188 : vector<812x128xf32> to vector<1x812x128xf32>
    tpu.vector_store %arg5[%swap3A_189, %swap3A_190, %swap3A_191], %swap3A_194 {strides = array<i32>} : memref<1x3448x128xf32, #tpu.memory_space<vmem>>, vector<1x812x128xf32>,
    %get3A_195 = arith.constant 0 : index
    %get3A_196 = arith.constant 2443 : index
    %get3A_197 = arith.constant 0 : index
    %get3A_198 = vector.load %arg1[%get3A_195, %get3A_196, %get3A_197] : memref<1x3448x64xf32, #tpu.memory_space<vmem>>, vector<1x812x64xf32>
    %get3A_199 = vector.shape_cast %get3A_198 : vector<1x812x64xf32> to vector<812x64xf32>
    %get3A_200 = arith.constant 0 : index
    %get3A_201 = arith.constant 2444 : index
    %get3A_202 = arith.constant 0 : index
    %get3A_203 = vector.load %arg1[%get3A_200, %get3A_201, %get3A_202] : memref<1x3448x64xf32, #tpu.memory_space<vmem>>, vector<1x812x64xf32>
    %get3A_204 = vector.shape_cast %get3A_203 : vector<1x812x64xf32> to vector<812x64xf32>
    %get3A_205 = arith.constant 0 : index
    %get3A_206 = arith.constant 2445 : index
    %get3A_207 = arith.constant 0 : index
    %get3A_208 = vector.load %arg1[%get3A_205, %get3A_206, %get3A_207] : memref<1x3448x64xf32, #tpu.memory_space<vmem>>, vector<1x812x64xf32>
    %get3A_209 = vector.shape_cast %get3A_208 : vector<1x812x64xf32> to vector<812x64xf32>
    %get3A_210 = arith.constant 0 : index
    %get3A_211 = arith.constant 2501 : index
    %get3A_212 = arith.constant 0 : index
    %get3A_213 = vector.load %arg1[%get3A_210, %get3A_211, %get3A_212] : memref<1x3448x64xf32, #tpu.memory_space<vmem>>, vector<1x812x64xf32>
    %get3A_214 = vector.shape_cast %get3A_213 : vector<1x812x64xf32> to vector<812x64xf32>
    %get3A_215 = arith.constant 0 : index
    %get3A_216 = arith.constant 2502 : index
    %get3A_217 = arith.constant 0 : index
    %get3A_218 = vector.load %arg1[%get3A_215, %get3A_216, %get3A_217] : memref<1x3448x64xf32, #tpu.memory_space<vmem>>, vector<1x812x64xf32>
    %get3A_219 = vector.shape_cast %get3A_218 : vector<1x812x64xf32> to vector<812x64xf32>
    %get3A_220 = arith.constant 0 : index
    %get3A_221 = arith.constant 2503 : index
    %get3A_222 = arith.constant 0 : index
    %get3A_223 = vector.load %arg1[%get3A_220, %get3A_221, %get3A_222] : memref<1x3448x64xf32, #tpu.memory_space<vmem>>, vector<1x812x64xf32>
    %get3A_224 = vector.shape_cast %get3A_223 : vector<1x812x64xf32> to vector<812x64xf32>
    %get3A_225 = arith.constant 0 : index
    %get3A_226 = arith.constant 2559 : index
    %get3A_227 = arith.constant 0 : index
    %get3A_228 = vector.load %arg1[%get3A_225, %get3A_226, %get3A_227] : memref<1x3448x64xf32, #tpu.memory_space<vmem>>, vector<1x812x64xf32>
    %get3A_229 = vector.shape_cast %get3A_228 : vector<1x812x64xf32> to vector<812x64xf32>
    %get3A_230 = arith.constant 0 : index
    %get3A_231 = arith.constant 2560 : index
    %get3A_232 = arith.constant 0 : index
    %get3A_233 = vector.load %arg1[%get3A_230, %get3A_231, %get3A_232] : memref<1x3448x64xf32, #tpu.memory_space<vmem>>, vector<1x812x64xf32>
    %get3A_234 = vector.shape_cast %get3A_233 : vector<1x812x64xf32> to vector<812x64xf32>
    %get3A_235 = arith.constant 0 : index
    %get3A_236 = arith.constant 2561 : index
    %get3A_237 = arith.constant 0 : index
    %get3A_238 = vector.load %arg1[%get3A_235, %get3A_236, %get3A_237] : memref<1x3448x64xf32, #tpu.memory_space<vmem>>, vector<1x812x64xf32>
    %get3A_239 = vector.shape_cast %get3A_238 : vector<1x812x64xf32> to vector<812x64xf32>
    %concatenate3A_240 = tpu.concatenate %get3A_199, %get3A_204, %get3A_209, %get3A_214, %get3A_219, %get3A_224, %get3A_229, %get3A_234, %get3A_239 in 1 : vector<812x64xf32>, vector<812x64xf32>, vector<812x64xf32>, vector<812x64xf32>, vector<812x64xf32>, vector<812x64xf32>, vector<812x64xf32>, vector<812x64xf32>, vector<812x64xf32> -> vector<812x576xf32>
    %dot_general3A_241 = arith.constant dense<0.000000e+00> : vector<812x128xf32>
    %dot_general3A_242 = tpu.matmul %concatenate3A_240, %reshape3A, %dot_general3A_241 {dimension_numbers = #tpu.dot_dimension_numbers<[1], [0], [0], [1], [0, 0, 1, 1], [], []>, transpose_lhs_hint = false} : vector<812x576xf32>, vector<576x128xf32>, vector<812x128xf32> -> vector<812x128xf32>
    %get3A_243 = arith.constant 0 : index
    %get3A_244 = arith.constant 0 : index
    %get3A_245 = vector.load %arg3[%get3A_243, %get3A_244] : memref<1x128xf32, #tpu.memory_space<vmem>>, vector<1x128xf32>
    %get3A_246 = vector.shape_cast %get3A_245 : vector<1x128xf32> to vector<128xf32>
    %broadcast_in_dim3A_247 = vector.shape_cast %get3A_246 : vector<128xf32> to vector<1x128xf32>
    %add3A_248 = vector.broadcast %broadcast_in_dim3A_247 : vector<1x128xf32> to vector<812x128xf32>
    %add3A_249 = arith.addf %dot_general3A_242, %add3A_248 : vector<812x128xf32>
    %get3A_250 = arith.constant 2502 : index
    %get3A_251 = arith.constant 0 : index
    %get3A_252 = vector.load %arg4[%get3A_250, %get3A_251] : memref<3448x1xf32, #tpu.memory_space<vmem>>, vector<812x1xf32>
    %mul3A_253 = vector.broadcast %get3A_252 : vector<812x1xf32> to vector<812x128xf32>
    %mul3A_254 = arith.mulf %add3A_249, %mul3A_253 : vector<812x128xf32>
    %swap3A_255 = arith.constant 0 : index
    %swap3A_256 = arith.constant 2502 : index
    %swap3A_257 = arith.constant 0 : index
    %swap3A_258 = vector.load %arg5[%swap3A_255, %swap3A_256, %swap3A_257] : memref<1x3448x128xf32, #tpu.memory_space<vmem>>, vector<1x812x128xf32>
    %swap3A_259 = vector.shape_cast %swap3A_258 : vector<1x812x128xf32> to vector<812x128xf32>
    %swap3A_260 = vector.shape_cast %mul3A_254 : vector<812x128xf32> to vector<1x812x128xf32>
    tpu.vector_store %arg5[%swap3A_255, %swap3A_256, %swap3A_257], %swap3A_260 {strides = array<i32>} : memref<1x3448x128xf32, #tpu.memory_space<vmem>>, vector<1x812x128xf32>,
    %broadcast_in_dim3A_261 = arith.constant 0.000000e+00 : f32
    %broadcast_in_dim3A_262 = vector.broadcast %broadcast_in_dim3A_261 : f32 to vector<66x128xf32>
    %swap3A_263 = arith.constant 0 : index
    %swap3A_264 = arith.constant 0 : index
    %swap3A_265 = arith.constant 0 : index
    %swap3A_266 = vector.load %arg5[%swap3A_263, %swap3A_264, %swap3A_265] : memref<1x3448x128xf32, #tpu.memory_space<vmem>>, vector<1x66x128xf32>
    %swap3A_267 = vector.shape_cast %swap3A_266 : vector<1x66x128xf32> to vector<66x128xf32>
    %swap3A_268 = vector.shape_cast %broadcast_in_dim3A_262 : vector<66x128xf32> to vector<1x66x128xf32>
    tpu.vector_store %arg5[%swap3A_263, %swap3A_264, %swap3A_265], %swap3A_268 {strides = array<i32>} : memref<1x3448x128xf32, #tpu.memory_space<vmem>>, vector<1x66x128xf32>,
    %broadcast_in_dim3A_269 = arith.constant 0.000000e+00 : f32
    %broadcast_in_dim3A_270 = vector.broadcast %broadcast_in_dim3A_269 : f32 to vector<134x128xf32>
    %swap3A_271 = arith.constant 0 : index
    %swap3A_272 = arith.constant 3314 : index
    %swap3A_273 = arith.constant 0 : index
    %swap3A_274 = vector.load %arg5[%swap3A_271, %swap3A_272, %swap3A_273] : memref<1x3448x128xf32, #tpu.memory_space<vmem>>, vector<1x134x128xf32>
    %swap3A_275 = vector.shape_cast %swap3A_274 : vector<1x134x128xf32> to vector<134x128xf32>
    %swap3A_276 = vector.shape_cast %broadcast_in_dim3A_270 : vector<134x128xf32> to vector<1x134x128xf32>
    tpu.vector_store %arg5[%swap3A_271, %swap3A_272, %swap3A_273], %swap3A_276 {strides = array<i32>} : memref<1x3448x128xf32, #tpu.memory_space<vmem>>, vector<1x134x128xf32>,
    return
  }
  func.func @transform_0(%arg0: i32) -> (i32, i32, i32) {
    %c0_i32 = arith.constant 0 : i32
    %c0_i32_0 = arith.constant 0 : i32
    %c0_i32_1 = arith.constant 0 : i32
    return %arg0, %c0_i32, %c0_i32_0 : i32, i32, i32
  }
  func.func @transform_1(%arg0: i32) -> (i32, i32, i32) {
    %c0_i32 = arith.constant 0 : i32
    %c0_i32_0 = arith.constant 0 : i32
    %c0_i32_1 = arith.constant 0 : i32
    %c0_i32_2 = arith.constant 0 : i32
    return %c0_i32, %c0_i32_0, %c0_i32_1 : i32, i32, i32
  }
  func.func @transform_2(%arg0: i32) -> (i32, i32) {
    %c0_i32 = arith.constant 0 : i32
    %c0_i32_0 = arith.constant 0 : i32
    %c0_i32_1 = arith.constant 0 : i32
    return %c0_i32, %c0_i32_0 : i32, i32
  }
  func.func @transform_3(%arg0: i32) -> (i32, i32) {
    %c0_i32 = arith.constant 0 : i32
    %c0_i32_0 = arith.constant 0 : i32
    %c0_i32_1 = arith.constant 0 : i32
    return %c0_i32, %c0_i32_0 : i32, i32
  }
  func.func @transform_4(%arg0: i32) -> (i32, i32, i32) {
    %c0_i32 = arith.constant 0 : i32
    %c0_i32_0 = arith.constant 0 : i32
    %c0_i32_1 = arith.constant 0 : i32
    return %arg0, %c0_i32, %c0_i32_0 : i32, i32, i32
  }
}

module attributes {stable_mosaic.version = 14 : i64} {
  func.func @_flat_res_kernel(%arg0: i32, %arg1: memref<1x3448x128xf32, #tpu.memory_space<vmem>>, %arg2: memref<9x128x32xf32, #tpu.memory_space<vmem>>, %arg3: memref<32x128xf32, #tpu.memory_space<vmem>>, %arg4: memref<3448x1xf32, #tpu.memory_space<vmem>>, %arg5: memref<1x3448x128xf32, #tpu.memory_space<vmem>>) attributes {dimension_semantics = [#tpu.dimension_semantics<arbitrary>], iteration_bounds = array<i64: 8>, scalar_prefetch = 0 : i64, scratch_operands = 0 : i64, tpu.core_type = #tpu.core_type<tc>, window_params = [{transform_indices = @transform_0, window_bounds = array<i64: 1, 3448, 128>}, {pipeline_mode = #tpu.pipeline_mode<synchronous>, transform_indices = @transform_1, window_bounds = array<i64: 9, 128, 32>}, {pipeline_mode = #tpu.pipeline_mode<synchronous>, transform_indices = @transform_2, window_bounds = array<i64: 32, 128>}, {pipeline_mode = #tpu.pipeline_mode<synchronous>, transform_indices = @transform_3, window_bounds = array<i64: 3448, 1>}, {transform_indices = @transform_4, window_bounds = array<i64: 1, 3448, 128>}]} {
    %get3A = arith.constant 0 : index
    %get3A_0 = arith.constant 0 : index
    %get3A_1 = arith.constant 0 : index
    %get3A_2 = vector.load %arg2[%get3A, %get3A_0, %get3A_1] : memref<9x128x32xf32, #tpu.memory_space<vmem>>, vector<9x128x32xf32>
    %reshape3A = vector.shape_cast %get3A_2 : vector<9x128x32xf32> to vector<1152x32xf32>
    %get3A_3 = arith.constant 0 : index
    %get3A_4 = arith.constant 7 : index
    %get3A_5 = arith.constant 0 : index
    %get3A_6 = vector.load %arg1[%get3A_3, %get3A_4, %get3A_5] : memref<1x3448x128xf32, #tpu.memory_space<vmem>>, vector<1x812x128xf32>
    %get3A_7 = vector.shape_cast %get3A_6 : vector<1x812x128xf32> to vector<812x128xf32>
    %max3A = arith.constant 0.000000e+00 : f32
    %max3A_8 = vector.broadcast %max3A : f32 to vector<812x128xf32>
    %max3A_9 = arith.maximumf %get3A_7, %max3A_8 : vector<812x128xf32>
    %get3A_10 = arith.constant 0 : index
    %get3A_11 = arith.constant 8 : index
    %get3A_12 = arith.constant 0 : index
    %get3A_13 = vector.load %arg1[%get3A_10, %get3A_11, %get3A_12] : memref<1x3448x128xf32, #tpu.memory_space<vmem>>, vector<1x812x128xf32>
    %get3A_14 = vector.shape_cast %get3A_13 : vector<1x812x128xf32> to vector<812x128xf32>
    %max3A_15 = arith.constant 0.000000e+00 : f32
    %max3A_16 = vector.broadcast %max3A_15 : f32 to vector<812x128xf32>
    %max3A_17 = arith.maximumf %get3A_14, %max3A_16 : vector<812x128xf32>
    %get3A_18 = arith.constant 0 : index
    %get3A_19 = arith.constant 9 : index
    %get3A_20 = arith.constant 0 : index
    %get3A_21 = vector.load %arg1[%get3A_18, %get3A_19, %get3A_20] : memref<1x3448x128xf32, #tpu.memory_space<vmem>>, vector<1x812x128xf32>
    %get3A_22 = vector.shape_cast %get3A_21 : vector<1x812x128xf32> to vector<812x128xf32>
    %max3A_23 = arith.constant 0.000000e+00 : f32
    %max3A_24 = vector.broadcast %max3A_23 : f32 to vector<812x128xf32>
    %max3A_25 = arith.maximumf %get3A_22, %max3A_24 : vector<812x128xf32>
    %get3A_26 = arith.constant 0 : index
    %get3A_27 = arith.constant 65 : index
    %get3A_28 = arith.constant 0 : index
    %get3A_29 = vector.load %arg1[%get3A_26, %get3A_27, %get3A_28] : memref<1x3448x128xf32, #tpu.memory_space<vmem>>, vector<1x812x128xf32>
    %get3A_30 = vector.shape_cast %get3A_29 : vector<1x812x128xf32> to vector<812x128xf32>
    %max3A_31 = arith.constant 0.000000e+00 : f32
    %max3A_32 = vector.broadcast %max3A_31 : f32 to vector<812x128xf32>
    %max3A_33 = arith.maximumf %get3A_30, %max3A_32 : vector<812x128xf32>
    %get3A_34 = arith.constant 0 : index
    %get3A_35 = arith.constant 66 : index
    %get3A_36 = arith.constant 0 : index
    %get3A_37 = vector.load %arg1[%get3A_34, %get3A_35, %get3A_36] : memref<1x3448x128xf32, #tpu.memory_space<vmem>>, vector<1x812x128xf32>
    %get3A_38 = vector.shape_cast %get3A_37 : vector<1x812x128xf32> to vector<812x128xf32>
    %max3A_39 = arith.constant 0.000000e+00 : f32
    %max3A_40 = vector.broadcast %max3A_39 : f32 to vector<812x128xf32>
    %max3A_41 = arith.maximumf %get3A_38, %max3A_40 : vector<812x128xf32>
    %get3A_42 = arith.constant 0 : index
    %get3A_43 = arith.constant 67 : index
    %get3A_44 = arith.constant 0 : index
    %get3A_45 = vector.load %arg1[%get3A_42, %get3A_43, %get3A_44] : memref<1x3448x128xf32, #tpu.memory_space<vmem>>, vector<1x812x128xf32>
    %get3A_46 = vector.shape_cast %get3A_45 : vector<1x812x128xf32> to vector<812x128xf32>
    %max3A_47 = arith.constant 0.000000e+00 : f32
    %max3A_48 = vector.broadcast %max3A_47 : f32 to vector<812x128xf32>
    %max3A_49 = arith.maximumf %get3A_46, %max3A_48 : vector<812x128xf32>
    %get3A_50 = arith.constant 0 : index
    %get3A_51 = arith.constant 123 : index
    %get3A_52 = arith.constant 0 : index
    %get3A_53 = vector.load %arg1[%get3A_50, %get3A_51, %get3A_52] : memref<1x3448x128xf32, #tpu.memory_space<vmem>>, vector<1x812x128xf32>
    %get3A_54 = vector.shape_cast %get3A_53 : vector<1x812x128xf32> to vector<812x128xf32>
    %max3A_55 = arith.constant 0.000000e+00 : f32
    %max3A_56 = vector.broadcast %max3A_55 : f32 to vector<812x128xf32>
    %max3A_57 = arith.maximumf %get3A_54, %max3A_56 : vector<812x128xf32>
    %get3A_58 = arith.constant 0 : index
    %get3A_59 = arith.constant 124 : index
    %get3A_60 = arith.constant 0 : index
    %get3A_61 = vector.load %arg1[%get3A_58, %get3A_59, %get3A_60] : memref<1x3448x128xf32, #tpu.memory_space<vmem>>, vector<1x812x128xf32>
    %get3A_62 = vector.shape_cast %get3A_61 : vector<1x812x128xf32> to vector<812x128xf32>
    %max3A_63 = arith.constant 0.000000e+00 : f32
    %max3A_64 = vector.broadcast %max3A_63 : f32 to vector<812x128xf32>
    %max3A_65 = arith.maximumf %get3A_62, %max3A_64 : vector<812x128xf32>
    %get3A_66 = arith.constant 0 : index
    %get3A_67 = arith.constant 125 : index
    %get3A_68 = arith.constant 0 : index
    %get3A_69 = vector.load %arg1[%get3A_66, %get3A_67, %get3A_68] : memref<1x3448x128xf32, #tpu.memory_space<vmem>>, vector<1x812x128xf32>
    %get3A_70 = vector.shape_cast %get3A_69 : vector<1x812x128xf32> to vector<812x128xf32>
    %max3A_71 = arith.constant 0.000000e+00 : f32
    %max3A_72 = vector.broadcast %max3A_71 : f32 to vector<812x128xf32>
    %max3A_73 = arith.maximumf %get3A_70, %max3A_72 : vector<812x128xf32>
    %concatenate3A = tpu.concatenate %max3A_9, %max3A_17, %max3A_25, %max3A_33, %max3A_41, %max3A_49, %max3A_57, %max3A_65, %max3A_73 in 1 : vector<812x128xf32>, vector<812x128xf32>, vector<812x128xf32>, vector<812x128xf32>, vector<812x128xf32>, vector<812x128xf32>, vector<812x128xf32>, vector<812x128xf32>, vector<812x128xf32> -> vector<812x1152xf32>
    %dot_general3A = arith.constant dense<0.000000e+00> : vector<812x32xf32>
    %dot_general3A_74 = tpu.matmul %concatenate3A, %reshape3A, %dot_general3A {dimension_numbers = #tpu.dot_dimension_numbers<[1], [0], [0], [1], [0, 0, 1, 1], [], []>, transpose_lhs_hint = false} : vector<812x1152xf32>, vector<1152x32xf32>, vector<812x32xf32> -> vector<812x32xf32>
    %max3A_75 = arith.constant 0.000000e+00 : f32
    %max3A_76 = vector.broadcast %max3A_75 : f32 to vector<812x32xf32>
    %max3A_77 = arith.maximumf %dot_general3A_74, %max3A_76 : vector<812x32xf32>
    %get3A_78 = arith.constant 0 : index
    %get3A_79 = arith.constant 0 : index
    %get3A_80 = vector.load %arg3[%get3A_78, %get3A_79] : memref<32x128xf32, #tpu.memory_space<vmem>>, vector<32x128xf32>
    %dot_general3A_81 = arith.constant dense<0.000000e+00> : vector<812x128xf32>
    %dot_general3A_82 = tpu.matmul %max3A_77, %get3A_80, %dot_general3A_81 {dimension_numbers = #tpu.dot_dimension_numbers<[1], [0], [0], [1], [0, 0, 1, 1], [], []>, transpose_lhs_hint = false} : vector<812x32xf32>, vector<32x128xf32>, vector<812x128xf32> -> vector<812x128xf32>
    %get3A_83 = arith.constant 0 : index
    %get3A_84 = arith.constant 66 : index
    %get3A_85 = arith.constant 0 : index
    %get3A_86 = vector.load %arg1[%get3A_83, %get3A_84, %get3A_85] : memref<1x3448x128xf32, #tpu.memory_space<vmem>>, vector<1x812x128xf32>
    %get3A_87 = vector.shape_cast %get3A_86 : vector<1x812x128xf32> to vector<812x128xf32>
    %add3A = arith.addf %get3A_87, %dot_general3A_82 : vector<812x128xf32>
    %max3A_88 = arith.constant 0.000000e+00 : f32
    %max3A_89 = vector.broadcast %max3A_88 : f32 to vector<812x128xf32>
    %max3A_90 = arith.maximumf %add3A, %max3A_89 : vector<812x128xf32>
    %get3A_91 = arith.constant 66 : index
    %get3A_92 = arith.constant 0 : index
    %get3A_93 = vector.load %arg4[%get3A_91, %get3A_92] : memref<3448x1xf32, #tpu.memory_space<vmem>>, vector<812x1xf32>
    %mul3A = vector.broadcast %get3A_93 : vector<812x1xf32> to vector<812x128xf32>
    %mul3A_94 = arith.mulf %max3A_90, %mul3A : vector<812x128xf32>
    %swap3A = arith.constant 0 : index
    %swap3A_95 = arith.constant 66 : index
    %swap3A_96 = arith.constant 0 : index
    %swap3A_97 = vector.load %arg5[%swap3A, %swap3A_95, %swap3A_96] : memref<1x3448x128xf32, #tpu.memory_space<vmem>>, vector<1x812x128xf32>
    %swap3A_98 = vector.shape_cast %swap3A_97 : vector<1x812x128xf32> to vector<812x128xf32>
    %swap3A_99 = vector.shape_cast %mul3A_94 : vector<812x128xf32> to vector<1x812x128xf32>
    tpu.vector_store %arg5[%swap3A, %swap3A_95, %swap3A_96], %swap3A_99 {strides = array<i32>} : memref<1x3448x128xf32, #tpu.memory_space<vmem>>, vector<1x812x128xf32>,
    %get3A_100 = arith.constant 0 : index
    %get3A_101 = arith.constant 819 : index
    %get3A_102 = arith.constant 0 : index
    %get3A_103 = vector.load %arg1[%get3A_100, %get3A_101, %get3A_102] : memref<1x3448x128xf32, #tpu.memory_space<vmem>>, vector<1x812x128xf32>
    %get3A_104 = vector.shape_cast %get3A_103 : vector<1x812x128xf32> to vector<812x128xf32>
    %max3A_105 = arith.constant 0.000000e+00 : f32
    %max3A_106 = vector.broadcast %max3A_105 : f32 to vector<812x128xf32>
    %max3A_107 = arith.maximumf %get3A_104, %max3A_106 : vector<812x128xf32>
    %get3A_108 = arith.constant 0 : index
    %get3A_109 = arith.constant 820 : index
    %get3A_110 = arith.constant 0 : index
    %get3A_111 = vector.load %arg1[%get3A_108, %get3A_109, %get3A_110] : memref<1x3448x128xf32, #tpu.memory_space<vmem>>, vector<1x812x128xf32>
    %get3A_112 = vector.shape_cast %get3A_111 : vector<1x812x128xf32> to vector<812x128xf32>
    %max3A_113 = arith.constant 0.000000e+00 : f32
    %max3A_114 = vector.broadcast %max3A_113 : f32 to vector<812x128xf32>
    %max3A_115 = arith.maximumf %get3A_112, %max3A_114 : vector<812x128xf32>
    %get3A_116 = arith.constant 0 : index
    %get3A_117 = arith.constant 821 : index
    %get3A_118 = arith.constant 0 : index
    %get3A_119 = vector.load %arg1[%get3A_116, %get3A_117, %get3A_118] : memref<1x3448x128xf32, #tpu.memory_space<vmem>>, vector<1x812x128xf32>
    %get3A_120 = vector.shape_cast %get3A_119 : vector<1x812x128xf32> to vector<812x128xf32>
    %max3A_121 = arith.constant 0.000000e+00 : f32
    %max3A_122 = vector.broadcast %max3A_121 : f32 to vector<812x128xf32>
    %max3A_123 = arith.maximumf %get3A_120, %max3A_122 : vector<812x128xf32>
    %get3A_124 = arith.constant 0 : index
    %get3A_125 = arith.constant 877 : index
    %get3A_126 = arith.constant 0 : index
    %get3A_127 = vector.load %arg1[%get3A_124, %get3A_125, %get3A_126] : memref<1x3448x128xf32, #tpu.memory_space<vmem>>, vector<1x812x128xf32>
    %get3A_128 = vector.shape_cast %get3A_127 : vector<1x812x128xf32> to vector<812x128xf32>
    %max3A_129 = arith.constant 0.000000e+00 : f32
    %max3A_130 = vector.broadcast %max3A_129 : f32 to vector<812x128xf32>
    %max3A_131 = arith.maximumf %get3A_128, %max3A_130 : vector<812x128xf32>
    %get3A_132 = arith.constant 0 : index
    %get3A_133 = arith.constant 878 : index
    %get3A_134 = arith.constant 0 : index
    %get3A_135 = vector.load %arg1[%get3A_132, %get3A_133, %get3A_134] : memref<1x3448x128xf32, #tpu.memory_space<vmem>>, vector<1x812x128xf32>
    %get3A_136 = vector.shape_cast %get3A_135 : vector<1x812x128xf32> to vector<812x128xf32>
    %max3A_137 = arith.constant 0.000000e+00 : f32
    %max3A_138 = vector.broadcast %max3A_137 : f32 to vector<812x128xf32>
    %max3A_139 = arith.maximumf %get3A_136, %max3A_138 : vector<812x128xf32>
    %get3A_140 = arith.constant 0 : index
    %get3A_141 = arith.constant 879 : index
    %get3A_142 = arith.constant 0 : index
    %get3A_143 = vector.load %arg1[%get3A_140, %get3A_141, %get3A_142] : memref<1x3448x128xf32, #tpu.memory_space<vmem>>, vector<1x812x128xf32>
    %get3A_144 = vector.shape_cast %get3A_143 : vector<1x812x128xf32> to vector<812x128xf32>
    %max3A_145 = arith.constant 0.000000e+00 : f32
    %max3A_146 = vector.broadcast %max3A_145 : f32 to vector<812x128xf32>
    %max3A_147 = arith.maximumf %get3A_144, %max3A_146 : vector<812x128xf32>
    %get3A_148 = arith.constant 0 : index
    %get3A_149 = arith.constant 935 : index
    %get3A_150 = arith.constant 0 : index
    %get3A_151 = vector.load %arg1[%get3A_148, %get3A_149, %get3A_150] : memref<1x3448x128xf32, #tpu.memory_space<vmem>>, vector<1x812x128xf32>
    %get3A_152 = vector.shape_cast %get3A_151 : vector<1x812x128xf32> to vector<812x128xf32>
    %max3A_153 = arith.constant 0.000000e+00 : f32
    %max3A_154 = vector.broadcast %max3A_153 : f32 to vector<812x128xf32>
    %max3A_155 = arith.maximumf %get3A_152, %max3A_154 : vector<812x128xf32>
    %get3A_156 = arith.constant 0 : index
    %get3A_157 = arith.constant 936 : index
    %get3A_158 = arith.constant 0 : index
    %get3A_159 = vector.load %arg1[%get3A_156, %get3A_157, %get3A_158] : memref<1x3448x128xf32, #tpu.memory_space<vmem>>, vector<1x812x128xf32>
    %get3A_160 = vector.shape_cast %get3A_159 : vector<1x812x128xf32> to vector<812x128xf32>
    %max3A_161 = arith.constant 0.000000e+00 : f32
    %max3A_162 = vector.broadcast %max3A_161 : f32 to vector<812x128xf32>
    %max3A_163 = arith.maximumf %get3A_160, %max3A_162 : vector<812x128xf32>
    %get3A_164 = arith.constant 0 : index
    %get3A_165 = arith.constant 937 : index
    %get3A_166 = arith.constant 0 : index
    %get3A_167 = vector.load %arg1[%get3A_164, %get3A_165, %get3A_166] : memref<1x3448x128xf32, #tpu.memory_space<vmem>>, vector<1x812x128xf32>
    %get3A_168 = vector.shape_cast %get3A_167 : vector<1x812x128xf32> to vector<812x128xf32>
    %max3A_169 = arith.constant 0.000000e+00 : f32
    %max3A_170 = vector.broadcast %max3A_169 : f32 to vector<812x128xf32>
    %max3A_171 = arith.maximumf %get3A_168, %max3A_170 : vector<812x128xf32>
    %concatenate3A_172 = tpu.concatenate %max3A_107, %max3A_115, %max3A_123, %max3A_131, %max3A_139, %max3A_147, %max3A_155, %max3A_163, %max3A_171 in 1 : vector<812x128xf32>, vector<812x128xf32>, vector<812x128xf32>, vector<812x128xf32>, vector<812x128xf32>, vector<812x128xf32>, vector<812x128xf32>, vector<812x128xf32>, vector<812x128xf32> -> vector<812x1152xf32>
    %dot_general3A_173 = arith.constant dense<0.000000e+00> : vector<812x32xf32>
    %dot_general3A_174 = tpu.matmul %concatenate3A_172, %reshape3A, %dot_general3A_173 {dimension_numbers = #tpu.dot_dimension_numbers<[1], [0], [0], [1], [0, 0, 1, 1], [], []>, transpose_lhs_hint = false} : vector<812x1152xf32>, vector<1152x32xf32>, vector<812x32xf32> -> vector<812x32xf32>
    %max3A_175 = arith.constant 0.000000e+00 : f32
    %max3A_176 = vector.broadcast %max3A_175 : f32 to vector<812x32xf32>
    %max3A_177 = arith.maximumf %dot_general3A_174, %max3A_176 : vector<812x32xf32>
    %get3A_178 = arith.constant 0 : index
    %get3A_179 = arith.constant 0 : index
    %get3A_180 = vector.load %arg3[%get3A_178, %get3A_179] : memref<32x128xf32, #tpu.memory_space<vmem>>, vector<32x128xf32>
    %dot_general3A_181 = arith.constant dense<0.000000e+00> : vector<812x128xf32>
    %dot_general3A_182 = tpu.matmul %max3A_177, %get3A_180, %dot_general3A_181 {dimension_numbers = #tpu.dot_dimension_numbers<[1], [0], [0], [1], [0, 0, 1, 1], [], []>, transpose_lhs_hint = false} : vector<812x32xf32>, vector<32x128xf32>, vector<812x128xf32> -> vector<812x128xf32>
    %get3A_183 = arith.constant 0 : index
    %get3A_184 = arith.constant 878 : index
    %get3A_185 = arith.constant 0 : index
    %get3A_186 = vector.load %arg1[%get3A_183, %get3A_184, %get3A_185] : memref<1x3448x128xf32, #tpu.memory_space<vmem>>, vector<1x812x128xf32>
    %get3A_187 = vector.shape_cast %get3A_186 : vector<1x812x128xf32> to vector<812x128xf32>
    %add3A_188 = arith.addf %get3A_187, %dot_general3A_182 : vector<812x128xf32>
    %max3A_189 = arith.constant 0.000000e+00 : f32
    %max3A_190 = vector.broadcast %max3A_189 : f32 to vector<812x128xf32>
    %max3A_191 = arith.maximumf %add3A_188, %max3A_190 : vector<812x128xf32>
    %get3A_192 = arith.constant 878 : index
    %get3A_193 = arith.constant 0 : index
    %get3A_194 = vector.load %arg4[%get3A_192, %get3A_193] : memref<3448x1xf32, #tpu.memory_space<vmem>>, vector<812x1xf32>
    %mul3A_195 = vector.broadcast %get3A_194 : vector<812x1xf32> to vector<812x128xf32>
    %mul3A_196 = arith.mulf %max3A_191, %mul3A_195 : vector<812x128xf32>
    %swap3A_197 = arith.constant 0 : index
    %swap3A_198 = arith.constant 878 : index
    %swap3A_199 = arith.constant 0 : index
    %swap3A_200 = vector.load %arg5[%swap3A_197, %swap3A_198, %swap3A_199] : memref<1x3448x128xf32, #tpu.memory_space<vmem>>, vector<1x812x128xf32>
    %swap3A_201 = vector.shape_cast %swap3A_200 : vector<1x812x128xf32> to vector<812x128xf32>
    %swap3A_202 = vector.shape_cast %mul3A_196 : vector<812x128xf32> to vector<1x812x128xf32>
    tpu.vector_store %arg5[%swap3A_197, %swap3A_198, %swap3A_199], %swap3A_202 {strides = array<i32>} : memref<1x3448x128xf32, #tpu.memory_space<vmem>>, vector<1x812x128xf32>,
    %get3A_203 = arith.constant 0 : index
    %get3A_204 = arith.constant 1631 : index
    %get3A_205 = arith.constant 0 : index
    %get3A_206 = vector.load %arg1[%get3A_203, %get3A_204, %get3A_205] : memref<1x3448x128xf32, #tpu.memory_space<vmem>>, vector<1x812x128xf32>
    %get3A_207 = vector.shape_cast %get3A_206 : vector<1x812x128xf32> to vector<812x128xf32>
    %max3A_208 = arith.constant 0.000000e+00 : f32
    %max3A_209 = vector.broadcast %max3A_208 : f32 to vector<812x128xf32>
    %max3A_210 = arith.maximumf %get3A_207, %max3A_209 : vector<812x128xf32>
    %get3A_211 = arith.constant 0 : index
    %get3A_212 = arith.constant 1632 : index
    %get3A_213 = arith.constant 0 : index
    %get3A_214 = vector.load %arg1[%get3A_211, %get3A_212, %get3A_213] : memref<1x3448x128xf32, #tpu.memory_space<vmem>>, vector<1x812x128xf32>
    %get3A_215 = vector.shape_cast %get3A_214 : vector<1x812x128xf32> to vector<812x128xf32>
    %max3A_216 = arith.constant 0.000000e+00 : f32
    %max3A_217 = vector.broadcast %max3A_216 : f32 to vector<812x128xf32>
    %max3A_218 = arith.maximumf %get3A_215, %max3A_217 : vector<812x128xf32>
    %get3A_219 = arith.constant 0 : index
    %get3A_220 = arith.constant 1633 : index
    %get3A_221 = arith.constant 0 : index
    %get3A_222 = vector.load %arg1[%get3A_219, %get3A_220, %get3A_221] : memref<1x3448x128xf32, #tpu.memory_space<vmem>>, vector<1x812x128xf32>
    %get3A_223 = vector.shape_cast %get3A_222 : vector<1x812x128xf32> to vector<812x128xf32>
    %max3A_224 = arith.constant 0.000000e+00 : f32
    %max3A_225 = vector.broadcast %max3A_224 : f32 to vector<812x128xf32>
    %max3A_226 = arith.maximumf %get3A_223, %max3A_225 : vector<812x128xf32>
    %get3A_227 = arith.constant 0 : index
    %get3A_228 = arith.constant 1689 : index
    %get3A_229 = arith.constant 0 : index
    %get3A_230 = vector.load %arg1[%get3A_227, %get3A_228, %get3A_229] : memref<1x3448x128xf32, #tpu.memory_space<vmem>>, vector<1x812x128xf32>
    %get3A_231 = vector.shape_cast %get3A_230 : vector<1x812x128xf32> to vector<812x128xf32>
    %max3A_232 = arith.constant 0.000000e+00 : f32
    %max3A_233 = vector.broadcast %max3A_232 : f32 to vector<812x128xf32>
    %max3A_234 = arith.maximumf %get3A_231, %max3A_233 : vector<812x128xf32>
    %get3A_235 = arith.constant 0 : index
    %get3A_236 = arith.constant 1690 : index
    %get3A_237 = arith.constant 0 : index
    %get3A_238 = vector.load %arg1[%get3A_235, %get3A_236, %get3A_237] : memref<1x3448x128xf32, #tpu.memory_space<vmem>>, vector<1x812x128xf32>
    %get3A_239 = vector.shape_cast %get3A_238 : vector<1x812x128xf32> to vector<812x128xf32>
    %max3A_240 = arith.constant 0.000000e+00 : f32
    %max3A_241 = vector.broadcast %max3A_240 : f32 to vector<812x128xf32>
    %max3A_242 = arith.maximumf %get3A_239, %max3A_241 : vector<812x128xf32>
    %get3A_243 = arith.constant 0 : index
    %get3A_244 = arith.constant 1691 : index
    %get3A_245 = arith.constant 0 : index
    %get3A_246 = vector.load %arg1[%get3A_243, %get3A_244, %get3A_245] : memref<1x3448x128xf32, #tpu.memory_space<vmem>>, vector<1x812x128xf32>
    %get3A_247 = vector.shape_cast %get3A_246 : vector<1x812x128xf32> to vector<812x128xf32>
    %max3A_248 = arith.constant 0.000000e+00 : f32
    %max3A_249 = vector.broadcast %max3A_248 : f32 to vector<812x128xf32>
    %max3A_250 = arith.maximumf %get3A_247, %max3A_249 : vector<812x128xf32>
    %get3A_251 = arith.constant 0 : index
    %get3A_252 = arith.constant 1747 : index
    %get3A_253 = arith.constant 0 : index
    %get3A_254 = vector.load %arg1[%get3A_251, %get3A_252, %get3A_253] : memref<1x3448x128xf32, #tpu.memory_space<vmem>>, vector<1x812x128xf32>
    %get3A_255 = vector.shape_cast %get3A_254 : vector<1x812x128xf32> to vector<812x128xf32>
    %max3A_256 = arith.constant 0.000000e+00 : f32
    %max3A_257 = vector.broadcast %max3A_256 : f32 to vector<812x128xf32>
    %max3A_258 = arith.maximumf %get3A_255, %max3A_257 : vector<812x128xf32>
    %get3A_259 = arith.constant 0 : index
    %get3A_260 = arith.constant 1748 : index
    %get3A_261 = arith.constant 0 : index
    %get3A_262 = vector.load %arg1[%get3A_259, %get3A_260, %get3A_261] : memref<1x3448x128xf32, #tpu.memory_space<vmem>>, vector<1x812x128xf32>
    %get3A_263 = vector.shape_cast %get3A_262 : vector<1x812x128xf32> to vector<812x128xf32>
    %max3A_264 = arith.constant 0.000000e+00 : f32
    %max3A_265 = vector.broadcast %max3A_264 : f32 to vector<812x128xf32>
    %max3A_266 = arith.maximumf %get3A_263, %max3A_265 : vector<812x128xf32>
    %get3A_267 = arith.constant 0 : index
    %get3A_268 = arith.constant 1749 : index
    %get3A_269 = arith.constant 0 : index
    %get3A_270 = vector.load %arg1[%get3A_267, %get3A_268, %get3A_269] : memref<1x3448x128xf32, #tpu.memory_space<vmem>>, vector<1x812x128xf32>
    %get3A_271 = vector.shape_cast %get3A_270 : vector<1x812x128xf32> to vector<812x128xf32>
    %max3A_272 = arith.constant 0.000000e+00 : f32
    %max3A_273 = vector.broadcast %max3A_272 : f32 to vector<812x128xf32>
    %max3A_274 = arith.maximumf %get3A_271, %max3A_273 : vector<812x128xf32>
    %concatenate3A_275 = tpu.concatenate %max3A_210, %max3A_218, %max3A_226, %max3A_234, %max3A_242, %max3A_250, %max3A_258, %max3A_266, %max3A_274 in 1 : vector<812x128xf32>, vector<812x128xf32>, vector<812x128xf32>, vector<812x128xf32>, vector<812x128xf32>, vector<812x128xf32>, vector<812x128xf32>, vector<812x128xf32>, vector<812x128xf32> -> vector<812x1152xf32>
    %dot_general3A_276 = arith.constant dense<0.000000e+00> : vector<812x32xf32>
    %dot_general3A_277 = tpu.matmul %concatenate3A_275, %reshape3A, %dot_general3A_276 {dimension_numbers = #tpu.dot_dimension_numbers<[1], [0], [0], [1], [0, 0, 1, 1], [], []>, transpose_lhs_hint = false} : vector<812x1152xf32>, vector<1152x32xf32>, vector<812x32xf32> -> vector<812x32xf32>
    %max3A_278 = arith.constant 0.000000e+00 : f32
    %max3A_279 = vector.broadcast %max3A_278 : f32 to vector<812x32xf32>
    %max3A_280 = arith.maximumf %dot_general3A_277, %max3A_279 : vector<812x32xf32>
    %get3A_281 = arith.constant 0 : index
    %get3A_282 = arith.constant 0 : index
    %get3A_283 = vector.load %arg3[%get3A_281, %get3A_282] : memref<32x128xf32, #tpu.memory_space<vmem>>, vector<32x128xf32>
    %dot_general3A_284 = arith.constant dense<0.000000e+00> : vector<812x128xf32>
    %dot_general3A_285 = tpu.matmul %max3A_280, %get3A_283, %dot_general3A_284 {dimension_numbers = #tpu.dot_dimension_numbers<[1], [0], [0], [1], [0, 0, 1, 1], [], []>, transpose_lhs_hint = false} : vector<812x32xf32>, vector<32x128xf32>, vector<812x128xf32> -> vector<812x128xf32>
    %get3A_286 = arith.constant 0 : index
    %get3A_287 = arith.constant 1690 : index
    %get3A_288 = arith.constant 0 : index
    %get3A_289 = vector.load %arg1[%get3A_286, %get3A_287, %get3A_288] : memref<1x3448x128xf32, #tpu.memory_space<vmem>>, vector<1x812x128xf32>
    %get3A_290 = vector.shape_cast %get3A_289 : vector<1x812x128xf32> to vector<812x128xf32>
    %add3A_291 = arith.addf %get3A_290, %dot_general3A_285 : vector<812x128xf32>
    %max3A_292 = arith.constant 0.000000e+00 : f32
    %max3A_293 = vector.broadcast %max3A_292 : f32 to vector<812x128xf32>
    %max3A_294 = arith.maximumf %add3A_291, %max3A_293 : vector<812x128xf32>
    %get3A_295 = arith.constant 1690 : index
    %get3A_296 = arith.constant 0 : index
    %get3A_297 = vector.load %arg4[%get3A_295, %get3A_296] : memref<3448x1xf32, #tpu.memory_space<vmem>>, vector<812x1xf32>
    %mul3A_298 = vector.broadcast %get3A_297 : vector<812x1xf32> to vector<812x128xf32>
    %mul3A_299 = arith.mulf %max3A_294, %mul3A_298 : vector<812x128xf32>
    %swap3A_300 = arith.constant 0 : index
    %swap3A_301 = arith.constant 1690 : index
    %swap3A_302 = arith.constant 0 : index
    %swap3A_303 = vector.load %arg5[%swap3A_300, %swap3A_301, %swap3A_302] : memref<1x3448x128xf32, #tpu.memory_space<vmem>>, vector<1x812x128xf32>
    %swap3A_304 = vector.shape_cast %swap3A_303 : vector<1x812x128xf32> to vector<812x128xf32>
    %swap3A_305 = vector.shape_cast %mul3A_299 : vector<812x128xf32> to vector<1x812x128xf32>
    tpu.vector_store %arg5[%swap3A_300, %swap3A_301, %swap3A_302], %swap3A_305 {strides = array<i32>} : memref<1x3448x128xf32, #tpu.memory_space<vmem>>, vector<1x812x128xf32>,
    %get3A_306 = arith.constant 0 : index
    %get3A_307 = arith.constant 2443 : index
    %get3A_308 = arith.constant 0 : index
    %get3A_309 = vector.load %arg1[%get3A_306, %get3A_307, %get3A_308] : memref<1x3448x128xf32, #tpu.memory_space<vmem>>, vector<1x812x128xf32>
    %get3A_310 = vector.shape_cast %get3A_309 : vector<1x812x128xf32> to vector<812x128xf32>
    %max3A_311 = arith.constant 0.000000e+00 : f32
    %max3A_312 = vector.broadcast %max3A_311 : f32 to vector<812x128xf32>
    %max3A_313 = arith.maximumf %get3A_310, %max3A_312 : vector<812x128xf32>
    %get3A_314 = arith.constant 0 : index
    %get3A_315 = arith.constant 2444 : index
    %get3A_316 = arith.constant 0 : index
    %get3A_317 = vector.load %arg1[%get3A_314, %get3A_315, %get3A_316] : memref<1x3448x128xf32, #tpu.memory_space<vmem>>, vector<1x812x128xf32>
    %get3A_318 = vector.shape_cast %get3A_317 : vector<1x812x128xf32> to vector<812x128xf32>
    %max3A_319 = arith.constant 0.000000e+00 : f32
    %max3A_320 = vector.broadcast %max3A_319 : f32 to vector<812x128xf32>
    %max3A_321 = arith.maximumf %get3A_318, %max3A_320 : vector<812x128xf32>
    %get3A_322 = arith.constant 0 : index
    %get3A_323 = arith.constant 2445 : index
    %get3A_324 = arith.constant 0 : index
    %get3A_325 = vector.load %arg1[%get3A_322, %get3A_323, %get3A_324] : memref<1x3448x128xf32, #tpu.memory_space<vmem>>, vector<1x812x128xf32>
    %get3A_326 = vector.shape_cast %get3A_325 : vector<1x812x128xf32> to vector<812x128xf32>
    %max3A_327 = arith.constant 0.000000e+00 : f32
    %max3A_328 = vector.broadcast %max3A_327 : f32 to vector<812x128xf32>
    %max3A_329 = arith.maximumf %get3A_326, %max3A_328 : vector<812x128xf32>
    %get3A_330 = arith.constant 0 : index
    %get3A_331 = arith.constant 2501 : index
    %get3A_332 = arith.constant 0 : index
    %get3A_333 = vector.load %arg1[%get3A_330, %get3A_331, %get3A_332] : memref<1x3448x128xf32, #tpu.memory_space<vmem>>, vector<1x812x128xf32>
    %get3A_334 = vector.shape_cast %get3A_333 : vector<1x812x128xf32> to vector<812x128xf32>
    %max3A_335 = arith.constant 0.000000e+00 : f32
    %max3A_336 = vector.broadcast %max3A_335 : f32 to vector<812x128xf32>
    %max3A_337 = arith.maximumf %get3A_334, %max3A_336 : vector<812x128xf32>
    %get3A_338 = arith.constant 0 : index
    %get3A_339 = arith.constant 2502 : index
    %get3A_340 = arith.constant 0 : index
    %get3A_341 = vector.load %arg1[%get3A_338, %get3A_339, %get3A_340] : memref<1x3448x128xf32, #tpu.memory_space<vmem>>, vector<1x812x128xf32>
    %get3A_342 = vector.shape_cast %get3A_341 : vector<1x812x128xf32> to vector<812x128xf32>
    %max3A_343 = arith.constant 0.000000e+00 : f32
    %max3A_344 = vector.broadcast %max3A_343 : f32 to vector<812x128xf32>
    %max3A_345 = arith.maximumf %get3A_342, %max3A_344 : vector<812x128xf32>
    %get3A_346 = arith.constant 0 : index
    %get3A_347 = arith.constant 2503 : index
    %get3A_348 = arith.constant 0 : index
    %get3A_349 = vector.load %arg1[%get3A_346, %get3A_347, %get3A_348] : memref<1x3448x128xf32, #tpu.memory_space<vmem>>, vector<1x812x128xf32>
    %get3A_350 = vector.shape_cast %get3A_349 : vector<1x812x128xf32> to vector<812x128xf32>
    %max3A_351 = arith.constant 0.000000e+00 : f32
    %max3A_352 = vector.broadcast %max3A_351 : f32 to vector<812x128xf32>
    %max3A_353 = arith.maximumf %get3A_350, %max3A_352 : vector<812x128xf32>
    %get3A_354 = arith.constant 0 : index
    %get3A_355 = arith.constant 2559 : index
    %get3A_356 = arith.constant 0 : index
    %get3A_357 = vector.load %arg1[%get3A_354, %get3A_355, %get3A_356] : memref<1x3448x128xf32, #tpu.memory_space<vmem>>, vector<1x812x128xf32>
    %get3A_358 = vector.shape_cast %get3A_357 : vector<1x812x128xf32> to vector<812x128xf32>
    %max3A_359 = arith.constant 0.000000e+00 : f32
    %max3A_360 = vector.broadcast %max3A_359 : f32 to vector<812x128xf32>
    %max3A_361 = arith.maximumf %get3A_358, %max3A_360 : vector<812x128xf32>
    %get3A_362 = arith.constant 0 : index
    %get3A_363 = arith.constant 2560 : index
    %get3A_364 = arith.constant 0 : index
    %get3A_365 = vector.load %arg1[%get3A_362, %get3A_363, %get3A_364] : memref<1x3448x128xf32, #tpu.memory_space<vmem>>, vector<1x812x128xf32>
    %get3A_366 = vector.shape_cast %get3A_365 : vector<1x812x128xf32> to vector<812x128xf32>
    %max3A_367 = arith.constant 0.000000e+00 : f32
    %max3A_368 = vector.broadcast %max3A_367 : f32 to vector<812x128xf32>
    %max3A_369 = arith.maximumf %get3A_366, %max3A_368 : vector<812x128xf32>
    %get3A_370 = arith.constant 0 : index
    %get3A_371 = arith.constant 2561 : index
    %get3A_372 = arith.constant 0 : index
    %get3A_373 = vector.load %arg1[%get3A_370, %get3A_371, %get3A_372] : memref<1x3448x128xf32, #tpu.memory_space<vmem>>, vector<1x812x128xf32>
    %get3A_374 = vector.shape_cast %get3A_373 : vector<1x812x128xf32> to vector<812x128xf32>
    %max3A_375 = arith.constant 0.000000e+00 : f32
    %max3A_376 = vector.broadcast %max3A_375 : f32 to vector<812x128xf32>
    %max3A_377 = arith.maximumf %get3A_374, %max3A_376 : vector<812x128xf32>
    %concatenate3A_378 = tpu.concatenate %max3A_313, %max3A_321, %max3A_329, %max3A_337, %max3A_345, %max3A_353, %max3A_361, %max3A_369, %max3A_377 in 1 : vector<812x128xf32>, vector<812x128xf32>, vector<812x128xf32>, vector<812x128xf32>, vector<812x128xf32>, vector<812x128xf32>, vector<812x128xf32>, vector<812x128xf32>, vector<812x128xf32> -> vector<812x1152xf32>
    %dot_general3A_379 = arith.constant dense<0.000000e+00> : vector<812x32xf32>
    %dot_general3A_380 = tpu.matmul %concatenate3A_378, %reshape3A, %dot_general3A_379 {dimension_numbers = #tpu.dot_dimension_numbers<[1], [0], [0], [1], [0, 0, 1, 1], [], []>, transpose_lhs_hint = false} : vector<812x1152xf32>, vector<1152x32xf32>, vector<812x32xf32> -> vector<812x32xf32>
    %max3A_381 = arith.constant 0.000000e+00 : f32
    %max3A_382 = vector.broadcast %max3A_381 : f32 to vector<812x32xf32>
    %max3A_383 = arith.maximumf %dot_general3A_380, %max3A_382 : vector<812x32xf32>
    %get3A_384 = arith.constant 0 : index
    %get3A_385 = arith.constant 0 : index
    %get3A_386 = vector.load %arg3[%get3A_384, %get3A_385] : memref<32x128xf32, #tpu.memory_space<vmem>>, vector<32x128xf32>
    %dot_general3A_387 = arith.constant dense<0.000000e+00> : vector<812x128xf32>
    %dot_general3A_388 = tpu.matmul %max3A_383, %get3A_386, %dot_general3A_387 {dimension_numbers = #tpu.dot_dimension_numbers<[1], [0], [0], [1], [0, 0, 1, 1], [], []>, transpose_lhs_hint = false} : vector<812x32xf32>, vector<32x128xf32>, vector<812x128xf32> -> vector<812x128xf32>
    %get3A_389 = arith.constant 0 : index
    %get3A_390 = arith.constant 2502 : index
    %get3A_391 = arith.constant 0 : index
    %get3A_392 = vector.load %arg1[%get3A_389, %get3A_390, %get3A_391] : memref<1x3448x128xf32, #tpu.memory_space<vmem>>, vector<1x812x128xf32>
    %get3A_393 = vector.shape_cast %get3A_392 : vector<1x812x128xf32> to vector<812x128xf32>
    %add3A_394 = arith.addf %get3A_393, %dot_general3A_388 : vector<812x128xf32>
    %max3A_395 = arith.constant 0.000000e+00 : f32
    %max3A_396 = vector.broadcast %max3A_395 : f32 to vector<812x128xf32>
    %max3A_397 = arith.maximumf %add3A_394, %max3A_396 : vector<812x128xf32>
    %get3A_398 = arith.constant 2502 : index
    %get3A_399 = arith.constant 0 : index
    %get3A_400 = vector.load %arg4[%get3A_398, %get3A_399] : memref<3448x1xf32, #tpu.memory_space<vmem>>, vector<812x1xf32>
    %mul3A_401 = vector.broadcast %get3A_400 : vector<812x1xf32> to vector<812x128xf32>
    %mul3A_402 = arith.mulf %max3A_397, %mul3A_401 : vector<812x128xf32>
    %swap3A_403 = arith.constant 0 : index
    %swap3A_404 = arith.constant 2502 : index
    %swap3A_405 = arith.constant 0 : index
    %swap3A_406 = vector.load %arg5[%swap3A_403, %swap3A_404, %swap3A_405] : memref<1x3448x128xf32, #tpu.memory_space<vmem>>, vector<1x812x128xf32>
    %swap3A_407 = vector.shape_cast %swap3A_406 : vector<1x812x128xf32> to vector<812x128xf32>
    %swap3A_408 = vector.shape_cast %mul3A_402 : vector<812x128xf32> to vector<1x812x128xf32>
    tpu.vector_store %arg5[%swap3A_403, %swap3A_404, %swap3A_405], %swap3A_408 {strides = array<i32>} : memref<1x3448x128xf32, #tpu.memory_space<vmem>>, vector<1x812x128xf32>,
    %broadcast_in_dim3A = arith.constant 0.000000e+00 : f32
    %broadcast_in_dim3A_409 = vector.broadcast %broadcast_in_dim3A : f32 to vector<66x128xf32>
    %swap3A_410 = arith.constant 0 : index
    %swap3A_411 = arith.constant 0 : index
    %swap3A_412 = arith.constant 0 : index
    %swap3A_413 = vector.load %arg5[%swap3A_410, %swap3A_411, %swap3A_412] : memref<1x3448x128xf32, #tpu.memory_space<vmem>>, vector<1x66x128xf32>
    %swap3A_414 = vector.shape_cast %swap3A_413 : vector<1x66x128xf32> to vector<66x128xf32>
    %swap3A_415 = vector.shape_cast %broadcast_in_dim3A_409 : vector<66x128xf32> to vector<1x66x128xf32>
    tpu.vector_store %arg5[%swap3A_410, %swap3A_411, %swap3A_412], %swap3A_415 {strides = array<i32>} : memref<1x3448x128xf32, #tpu.memory_space<vmem>>, vector<1x66x128xf32>,
    %broadcast_in_dim3A_416 = arith.constant 0.000000e+00 : f32
    %broadcast_in_dim3A_417 = vector.broadcast %broadcast_in_dim3A_416 : f32 to vector<134x128xf32>
    %swap3A_418 = arith.constant 0 : index
    %swap3A_419 = arith.constant 3314 : index
    %swap3A_420 = arith.constant 0 : index
    %swap3A_421 = vector.load %arg5[%swap3A_418, %swap3A_419, %swap3A_420] : memref<1x3448x128xf32, #tpu.memory_space<vmem>>, vector<1x134x128xf32>
    %swap3A_422 = vector.shape_cast %swap3A_421 : vector<1x134x128xf32> to vector<134x128xf32>
    %swap3A_423 = vector.shape_cast %broadcast_in_dim3A_417 : vector<134x128xf32> to vector<1x134x128xf32>
    tpu.vector_store %arg5[%swap3A_418, %swap3A_419, %swap3A_420], %swap3A_423 {strides = array<i32>} : memref<1x3448x128xf32, #tpu.memory_space<vmem>>, vector<1x134x128xf32>,
    return
  }
  func.func @transform_0(%arg0: i32) -> (i32, i32, i32) {
    %c0_i32 = arith.constant 0 : i32
    %c0_i32_0 = arith.constant 0 : i32
    %c0_i32_1 = arith.constant 0 : i32
    return %arg0, %c0_i32, %c0_i32_0 : i32, i32, i32
  }
  func.func @transform_1(%arg0: i32) -> (i32, i32, i32) {
    %c0_i32 = arith.constant 0 : i32
    %c0_i32_0 = arith.constant 0 : i32
    %c0_i32_1 = arith.constant 0 : i32
    %c0_i32_2 = arith.constant 0 : i32
    return %c0_i32, %c0_i32_0, %c0_i32_1 : i32, i32, i32
  }
  func.func @transform_2(%arg0: i32) -> (i32, i32) {
    %c0_i32 = arith.constant 0 : i32
    %c0_i32_0 = arith.constant 0 : i32
    %c0_i32_1 = arith.constant 0 : i32
    return %c0_i32, %c0_i32_0 : i32, i32
  }
  func.func @transform_3(%arg0: i32) -> (i32, i32) {
    %c0_i32 = arith.constant 0 : i32
    %c0_i32_0 = arith.constant 0 : i32
    %c0_i32_1 = arith.constant 0 : i32
    return %c0_i32, %c0_i32_0 : i32, i32
  }
  func.func @transform_4(%arg0: i32) -> (i32, i32, i32) {
    %c0_i32 = arith.constant 0 : i32
    %c0_i32_0 = arith.constant 0 : i32
    %c0_i32_1 = arith.constant 0 : i32
    return %arg0, %c0_i32, %c0_i32_0 : i32, i32, i32
  }
}

module attributes {stable_mosaic.version = 14 : i64} {
  func.func @_flat_convt_kernel(%arg0: i32, %arg1: memref<1x3448x128xf32, #tpu.memory_space<vmem>>, %arg2: memref<2x2x2x2x128x64xf32, #tpu.memory_space<vmem>>, %arg3: memref<1x64xf32, #tpu.memory_space<vmem>>, %arg4: memref<1x3448x64xf32, #tpu.memory_space<vmem>>, %arg5: memref<1x3448x64xf32, #tpu.memory_space<vmem>>, %arg6: memref<1x3448x64xf32, #tpu.memory_space<vmem>>, %arg7: memref<1x3448x64xf32, #tpu.memory_space<vmem>>) attributes {dimension_semantics = [#tpu.dimension_semantics<arbitrary>], iteration_bounds = array<i64: 8>, scalar_prefetch = 0 : i64, scratch_operands = 0 : i64, tpu.core_type = #tpu.core_type<tc>, window_params = [{transform_indices = @transform_0, window_bounds = array<i64: 1, 3448, 128>}, {pipeline_mode = #tpu.pipeline_mode<synchronous>, transform_indices = @transform_1, window_bounds = array<i64: 2, 2, 2, 2, 128, 64>}, {pipeline_mode = #tpu.pipeline_mode<synchronous>, transform_indices = @transform_2, window_bounds = array<i64: 1, 64>}, {transform_indices = @transform_3, window_bounds = array<i64: 1, 3448, 64>}, {transform_indices = @transform_4, window_bounds = array<i64: 1, 3448, 64>}, {transform_indices = @transform_5, window_bounds = array<i64: 1, 3448, 64>}, {transform_indices = @transform_6, window_bounds = array<i64: 1, 3448, 64>}]} {
    %get3A = arith.constant 0 : index
    %get3A_0 = arith.constant 7 : index
    %get3A_1 = arith.constant 0 : index
    %get3A_2 = vector.load %arg1[%get3A, %get3A_0, %get3A_1] : memref<1x3448x128xf32, #tpu.memory_space<vmem>>, vector<1x812x128xf32>
    %get3A_3 = vector.shape_cast %get3A_2 : vector<1x812x128xf32> to vector<812x128xf32>
    %get3A_4 = arith.constant 0 : index
    %get3A_5 = arith.constant 0 : index
    %get3A_6 = arith.constant 0 : index
    %get3A_7 = arith.constant 0 : index
    %get3A_8 = arith.constant 0 : index
    %get3A_9 = arith.constant 0 : index
    %get3A_10 = vector.load %arg2[%get3A_4, %get3A_5, %get3A_6, %get3A_7, %get3A_8, %get3A_9] : memref<2x2x2x2x128x64xf32, #tpu.memory_space<vmem>>, vector<1x1x1x1x128x64xf32>
    %get3A_11 = vector.shape_cast %get3A_10 : vector<1x1x1x1x128x64xf32> to vector<128x64xf32>
    %dot_general3A = arith.constant dense<0.000000e+00> : vector<812x64xf32>
    %dot_general3A_12 = tpu.matmul %get3A_3, %get3A_11, %dot_general3A {dimension_numbers = #tpu.dot_dimension_numbers<[1], [0], [0], [1], [0, 0, 1, 1], [], []>, transpose_lhs_hint = false} : vector<812x128xf32>, vector<128x64xf32>, vector<812x64xf32> -> vector<812x64xf32>
    %get3A_13 = arith.constant 0 : index
    %get3A_14 = arith.constant 8 : index
    %get3A_15 = arith.constant 0 : index
    %get3A_16 = vector.load %arg1[%get3A_13, %get3A_14, %get3A_15] : memref<1x3448x128xf32, #tpu.memory_space<vmem>>, vector<1x812x128xf32>
    %get3A_17 = vector.shape_cast %get3A_16 : vector<1x812x128xf32> to vector<812x128xf32>
    %get3A_18 = arith.constant 0 : index
    %get3A_19 = arith.constant 0 : index
    %get3A_20 = arith.constant 0 : index
    %get3A_21 = arith.constant 1 : index
    %get3A_22 = arith.constant 0 : index
    %get3A_23 = arith.constant 0 : index
    %get3A_24 = vector.load %arg2[%get3A_18, %get3A_19, %get3A_20, %get3A_21, %get3A_22, %get3A_23] : memref<2x2x2x2x128x64xf32, #tpu.memory_space<vmem>>, vector<1x1x1x1x128x64xf32>
    %get3A_25 = vector.shape_cast %get3A_24 : vector<1x1x1x1x128x64xf32> to vector<128x64xf32>
    %dot_general3A_26 = arith.constant dense<0.000000e+00> : vector<812x64xf32>
    %dot_general3A_27 = tpu.matmul %get3A_17, %get3A_25, %dot_general3A_26 {dimension_numbers = #tpu.dot_dimension_numbers<[1], [0], [0], [1], [0, 0, 1, 1], [], []>, transpose_lhs_hint = false} : vector<812x128xf32>, vector<128x64xf32>, vector<812x64xf32> -> vector<812x64xf32>
    %add3A = arith.addf %dot_general3A_12, %dot_general3A_27 : vector<812x64xf32>
    %get3A_28 = arith.constant 0 : index
    %get3A_29 = arith.constant 65 : index
    %get3A_30 = arith.constant 0 : index
    %get3A_31 = vector.load %arg1[%get3A_28, %get3A_29, %get3A_30] : memref<1x3448x128xf32, #tpu.memory_space<vmem>>, vector<1x812x128xf32>
    %get3A_32 = vector.shape_cast %get3A_31 : vector<1x812x128xf32> to vector<812x128xf32>
    %get3A_33 = arith.constant 0 : index
    %get3A_34 = arith.constant 0 : index
    %get3A_35 = arith.constant 1 : index
    %get3A_36 = arith.constant 0 : index
    %get3A_37 = arith.constant 0 : index
    %get3A_38 = arith.constant 0 : index
    %get3A_39 = vector.load %arg2[%get3A_33, %get3A_34, %get3A_35, %get3A_36, %get3A_37, %get3A_38] : memref<2x2x2x2x128x64xf32, #tpu.memory_space<vmem>>, vector<1x1x1x1x128x64xf32>
    %get3A_40 = vector.shape_cast %get3A_39 : vector<1x1x1x1x128x64xf32> to vector<128x64xf32>
    %dot_general3A_41 = arith.constant dense<0.000000e+00> : vector<812x64xf32>
    %dot_general3A_42 = tpu.matmul %get3A_32, %get3A_40, %dot_general3A_41 {dimension_numbers = #tpu.dot_dimension_numbers<[1], [0], [0], [1], [0, 0, 1, 1], [], []>, transpose_lhs_hint = false} : vector<812x128xf32>, vector<128x64xf32>, vector<812x64xf32> -> vector<812x64xf32>
    %add3A_43 = arith.addf %add3A, %dot_general3A_42 : vector<812x64xf32>
    %get3A_44 = arith.constant 0 : index
    %get3A_45 = arith.constant 66 : index
    %get3A_46 = arith.constant 0 : index
    %get3A_47 = vector.load %arg1[%get3A_44, %get3A_45, %get3A_46] : memref<1x3448x128xf32, #tpu.memory_space<vmem>>, vector<1x812x128xf32>
    %get3A_48 = vector.shape_cast %get3A_47 : vector<1x812x128xf32> to vector<812x128xf32>
    %get3A_49 = arith.constant 0 : index
    %get3A_50 = arith.constant 0 : index
    %get3A_51 = arith.constant 1 : index
    %get3A_52 = arith.constant 1 : index
    %get3A_53 = arith.constant 0 : index
    %get3A_54 = arith.constant 0 : index
    %get3A_55 = vector.load %arg2[%get3A_49, %get3A_50, %get3A_51, %get3A_52, %get3A_53, %get3A_54] : memref<2x2x2x2x128x64xf32, #tpu.memory_space<vmem>>, vector<1x1x1x1x128x64xf32>
    %get3A_56 = vector.shape_cast %get3A_55 : vector<1x1x1x1x128x64xf32> to vector<128x64xf32>
    %dot_general3A_57 = arith.constant dense<0.000000e+00> : vector<812x64xf32>
    %dot_general3A_58 = tpu.matmul %get3A_48, %get3A_56, %dot_general3A_57 {dimension_numbers = #tpu.dot_dimension_numbers<[1], [0], [0], [1], [0, 0, 1, 1], [], []>, transpose_lhs_hint = false} : vector<812x128xf32>, vector<128x64xf32>, vector<812x64xf32> -> vector<812x64xf32>
    %add3A_59 = arith.addf %add3A_43, %dot_general3A_58 : vector<812x64xf32>
    %get3A_60 = arith.constant 0 : index
    %get3A_61 = arith.constant 0 : index
    %get3A_62 = vector.load %arg3[%get3A_60, %get3A_61] : memref<1x64xf32, #tpu.memory_space<vmem>>, vector<1x64xf32>
    %get3A_63 = vector.shape_cast %get3A_62 : vector<1x64xf32> to vector<64xf32>
    %broadcast_in_dim3A = vector.shape_cast %get3A_63 : vector<64xf32> to vector<1x64xf32>
    %add3A_64 = vector.broadcast %broadcast_in_dim3A : vector<1x64xf32> to vector<812x64xf32>
    %add3A_65 = arith.addf %add3A_59, %add3A_64 : vector<812x64xf32>
    %max3A = arith.constant 0.000000e+00 : f32
    %max3A_66 = vector.broadcast %max3A : f32 to vector<812x64xf32>
    %max3A_67 = arith.maximumf %add3A_65, %max3A_66 : vector<812x64xf32>
    %swap3A = arith.constant 0 : index
    %swap3A_68 = arith.constant 66 : index
    %swap3A_69 = arith.constant 0 : index
    %swap3A_70 = vector.load %arg4[%swap3A, %swap3A_68, %swap3A_69] : memref<1x3448x64xf32, #tpu.memory_space<vmem>>, vector<1x812x64xf32>
    %swap3A_71 = vector.shape_cast %swap3A_70 : vector<1x812x64xf32> to vector<812x64xf32>
    %swap3A_72 = vector.shape_cast %max3A_67 : vector<812x64xf32> to vector<1x812x64xf32>
    tpu.vector_store %arg4[%swap3A, %swap3A_68, %swap3A_69], %swap3A_72 {strides = array<i32>} : memref<1x3448x64xf32, #tpu.memory_space<vmem>>, vector<1x812x64xf32>,
    %get3A_73 = arith.constant 0 : index
    %get3A_74 = arith.constant 819 : index
    %get3A_75 = arith.constant 0 : index
    %get3A_76 = vector.load %arg1[%get3A_73, %get3A_74, %get3A_75] : memref<1x3448x128xf32, #tpu.memory_space<vmem>>, vector<1x812x128xf32>
    %get3A_77 = vector.shape_cast %get3A_76 : vector<1x812x128xf32> to vector<812x128xf32>
    %get3A_78 = arith.constant 0 : index
    %get3A_79 = arith.constant 0 : index
    %get3A_80 = arith.constant 0 : index
    %get3A_81 = arith.constant 0 : index
    %get3A_82 = arith.constant 0 : index
    %get3A_83 = arith.constant 0 : index
    %get3A_84 = vector.load %arg2[%get3A_78, %get3A_79, %get3A_80, %get3A_81, %get3A_82, %get3A_83] : memref<2x2x2x2x128x64xf32, #tpu.memory_space<vmem>>, vector<1x1x1x1x128x64xf32>
    %get3A_85 = vector.shape_cast %get3A_84 : vector<1x1x1x1x128x64xf32> to vector<128x64xf32>
    %dot_general3A_86 = arith.constant dense<0.000000e+00> : vector<812x64xf32>
    %dot_general3A_87 = tpu.matmul %get3A_77, %get3A_85, %dot_general3A_86 {dimension_numbers = #tpu.dot_dimension_numbers<[1], [0], [0], [1], [0, 0, 1, 1], [], []>, transpose_lhs_hint = false} : vector<812x128xf32>, vector<128x64xf32>, vector<812x64xf32> -> vector<812x64xf32>
    %get3A_88 = arith.constant 0 : index
    %get3A_89 = arith.constant 820 : index
    %get3A_90 = arith.constant 0 : index
    %get3A_91 = vector.load %arg1[%get3A_88, %get3A_89, %get3A_90] : memref<1x3448x128xf32, #tpu.memory_space<vmem>>, vector<1x812x128xf32>
    %get3A_92 = vector.shape_cast %get3A_91 : vector<1x812x128xf32> to vector<812x128xf32>
    %get3A_93 = arith.constant 0 : index
    %get3A_94 = arith.constant 0 : index
    %get3A_95 = arith.constant 0 : index
    %get3A_96 = arith.constant 1 : index
    %get3A_97 = arith.constant 0 : index
    %get3A_98 = arith.constant 0 : index
    %get3A_99 = vector.load %arg2[%get3A_93, %get3A_94, %get3A_95, %get3A_96, %get3A_97, %get3A_98] : memref<2x2x2x2x128x64xf32, #tpu.memory_space<vmem>>, vector<1x1x1x1x128x64xf32>
    %get3A_100 = vector.shape_cast %get3A_99 : vector<1x1x1x1x128x64xf32> to vector<128x64xf32>
    %dot_general3A_101 = arith.constant dense<0.000000e+00> : vector<812x64xf32>
    %dot_general3A_102 = tpu.matmul %get3A_92, %get3A_100, %dot_general3A_101 {dimension_numbers = #tpu.dot_dimension_numbers<[1], [0], [0], [1], [0, 0, 1, 1], [], []>, transpose_lhs_hint = false} : vector<812x128xf32>, vector<128x64xf32>, vector<812x64xf32> -> vector<812x64xf32>
    %add3A_103 = arith.addf %dot_general3A_87, %dot_general3A_102 : vector<812x64xf32>
    %get3A_104 = arith.constant 0 : index
    %get3A_105 = arith.constant 877 : index
    %get3A_106 = arith.constant 0 : index
    %get3A_107 = vector.load %arg1[%get3A_104, %get3A_105, %get3A_106] : memref<1x3448x128xf32, #tpu.memory_space<vmem>>, vector<1x812x128xf32>
    %get3A_108 = vector.shape_cast %get3A_107 : vector<1x812x128xf32> to vector<812x128xf32>
    %get3A_109 = arith.constant 0 : index
    %get3A_110 = arith.constant 0 : index
    %get3A_111 = arith.constant 1 : index
    %get3A_112 = arith.constant 0 : index
    %get3A_113 = arith.constant 0 : index
    %get3A_114 = arith.constant 0 : index
    %get3A_115 = vector.load %arg2[%get3A_109, %get3A_110, %get3A_111, %get3A_112, %get3A_113, %get3A_114] : memref<2x2x2x2x128x64xf32, #tpu.memory_space<vmem>>, vector<1x1x1x1x128x64xf32>
    %get3A_116 = vector.shape_cast %get3A_115 : vector<1x1x1x1x128x64xf32> to vector<128x64xf32>
    %dot_general3A_117 = arith.constant dense<0.000000e+00> : vector<812x64xf32>
    %dot_general3A_118 = tpu.matmul %get3A_108, %get3A_116, %dot_general3A_117 {dimension_numbers = #tpu.dot_dimension_numbers<[1], [0], [0], [1], [0, 0, 1, 1], [], []>, transpose_lhs_hint = false} : vector<812x128xf32>, vector<128x64xf32>, vector<812x64xf32> -> vector<812x64xf32>
    %add3A_119 = arith.addf %add3A_103, %dot_general3A_118 : vector<812x64xf32>
    %get3A_120 = arith.constant 0 : index
    %get3A_121 = arith.constant 878 : index
    %get3A_122 = arith.constant 0 : index
    %get3A_123 = vector.load %arg1[%get3A_120, %get3A_121, %get3A_122] : memref<1x3448x128xf32, #tpu.memory_space<vmem>>, vector<1x812x128xf32>
    %get3A_124 = vector.shape_cast %get3A_123 : vector<1x812x128xf32> to vector<812x128xf32>
    %get3A_125 = arith.constant 0 : index
    %get3A_126 = arith.constant 0 : index
    %get3A_127 = arith.constant 1 : index
    %get3A_128 = arith.constant 1 : index
    %get3A_129 = arith.constant 0 : index
    %get3A_130 = arith.constant 0 : index
    %get3A_131 = vector.load %arg2[%get3A_125, %get3A_126, %get3A_127, %get3A_128, %get3A_129, %get3A_130] : memref<2x2x2x2x128x64xf32, #tpu.memory_space<vmem>>, vector<1x1x1x1x128x64xf32>
    %get3A_132 = vector.shape_cast %get3A_131 : vector<1x1x1x1x128x64xf32> to vector<128x64xf32>
    %dot_general3A_133 = arith.constant dense<0.000000e+00> : vector<812x64xf32>
    %dot_general3A_134 = tpu.matmul %get3A_124, %get3A_132, %dot_general3A_133 {dimension_numbers = #tpu.dot_dimension_numbers<[1], [0], [0], [1], [0, 0, 1, 1], [], []>, transpose_lhs_hint = false} : vector<812x128xf32>, vector<128x64xf32>, vector<812x64xf32> -> vector<812x64xf32>
    %add3A_135 = arith.addf %add3A_119, %dot_general3A_134 : vector<812x64xf32>
    %get3A_136 = arith.constant 0 : index
    %get3A_137 = arith.constant 0 : index
    %get3A_138 = vector.load %arg3[%get3A_136, %get3A_137] : memref<1x64xf32, #tpu.memory_space<vmem>>, vector<1x64xf32>
    %get3A_139 = vector.shape_cast %get3A_138 : vector<1x64xf32> to vector<64xf32>
    %broadcast_in_dim3A_140 = vector.shape_cast %get3A_139 : vector<64xf32> to vector<1x64xf32>
    %add3A_141 = vector.broadcast %broadcast_in_dim3A_140 : vector<1x64xf32> to vector<812x64xf32>
    %add3A_142 = arith.addf %add3A_135, %add3A_141 : vector<812x64xf32>
    %max3A_143 = arith.constant 0.000000e+00 : f32
    %max3A_144 = vector.broadcast %max3A_143 : f32 to vector<812x64xf32>
    %max3A_145 = arith.maximumf %add3A_142, %max3A_144 : vector<812x64xf32>
    %swap3A_146 = arith.constant 0 : index
    %swap3A_147 = arith.constant 878 : index
    %swap3A_148 = arith.constant 0 : index
    %swap3A_149 = vector.load %arg4[%swap3A_146, %swap3A_147, %swap3A_148] : memref<1x3448x64xf32, #tpu.memory_space<vmem>>, vector<1x812x64xf32>
    %swap3A_150 = vector.shape_cast %swap3A_149 : vector<1x812x64xf32> to vector<812x64xf32>
    %swap3A_151 = vector.shape_cast %max3A_145 : vector<812x64xf32> to vector<1x812x64xf32>
    tpu.vector_store %arg4[%swap3A_146, %swap3A_147, %swap3A_148], %swap3A_151 {strides = array<i32>} : memref<1x3448x64xf32, #tpu.memory_space<vmem>>, vector<1x812x64xf32>,
    %get3A_152 = arith.constant 0 : index
    %get3A_153 = arith.constant 1631 : index
    %get3A_154 = arith.constant 0 : index
    %get3A_155 = vector.load %arg1[%get3A_152, %get3A_153, %get3A_154] : memref<1x3448x128xf32, #tpu.memory_space<vmem>>, vector<1x812x128xf32>
    %get3A_156 = vector.shape_cast %get3A_155 : vector<1x812x128xf32> to vector<812x128xf32>
    %get3A_157 = arith.constant 0 : index
    %get3A_158 = arith.constant 0 : index
    %get3A_159 = arith.constant 0 : index
    %get3A_160 = arith.constant 0 : index
    %get3A_161 = arith.constant 0 : index
    %get3A_162 = arith.constant 0 : index
    %get3A_163 = vector.load %arg2[%get3A_157, %get3A_158, %get3A_159, %get3A_160, %get3A_161, %get3A_162] : memref<2x2x2x2x128x64xf32, #tpu.memory_space<vmem>>, vector<1x1x1x1x128x64xf32>
    %get3A_164 = vector.shape_cast %get3A_163 : vector<1x1x1x1x128x64xf32> to vector<128x64xf32>
    %dot_general3A_165 = arith.constant dense<0.000000e+00> : vector<812x64xf32>
    %dot_general3A_166 = tpu.matmul %get3A_156, %get3A_164, %dot_general3A_165 {dimension_numbers = #tpu.dot_dimension_numbers<[1], [0], [0], [1], [0, 0, 1, 1], [], []>, transpose_lhs_hint = false} : vector<812x128xf32>, vector<128x64xf32>, vector<812x64xf32> -> vector<812x64xf32>
    %get3A_167 = arith.constant 0 : index
    %get3A_168 = arith.constant 1632 : index
    %get3A_169 = arith.constant 0 : index
    %get3A_170 = vector.load %arg1[%get3A_167, %get3A_168, %get3A_169] : memref<1x3448x128xf32, #tpu.memory_space<vmem>>, vector<1x812x128xf32>
    %get3A_171 = vector.shape_cast %get3A_170 : vector<1x812x128xf32> to vector<812x128xf32>
    %get3A_172 = arith.constant 0 : index
    %get3A_173 = arith.constant 0 : index
    %get3A_174 = arith.constant 0 : index
    %get3A_175 = arith.constant 1 : index
    %get3A_176 = arith.constant 0 : index
    %get3A_177 = arith.constant 0 : index
    %get3A_178 = vector.load %arg2[%get3A_172, %get3A_173, %get3A_174, %get3A_175, %get3A_176, %get3A_177] : memref<2x2x2x2x128x64xf32, #tpu.memory_space<vmem>>, vector<1x1x1x1x128x64xf32>
    %get3A_179 = vector.shape_cast %get3A_178 : vector<1x1x1x1x128x64xf32> to vector<128x64xf32>
    %dot_general3A_180 = arith.constant dense<0.000000e+00> : vector<812x64xf32>
    %dot_general3A_181 = tpu.matmul %get3A_171, %get3A_179, %dot_general3A_180 {dimension_numbers = #tpu.dot_dimension_numbers<[1], [0], [0], [1], [0, 0, 1, 1], [], []>, transpose_lhs_hint = false} : vector<812x128xf32>, vector<128x64xf32>, vector<812x64xf32> -> vector<812x64xf32>
    %add3A_182 = arith.addf %dot_general3A_166, %dot_general3A_181 : vector<812x64xf32>
    %get3A_183 = arith.constant 0 : index
    %get3A_184 = arith.constant 1689 : index
    %get3A_185 = arith.constant 0 : index
    %get3A_186 = vector.load %arg1[%get3A_183, %get3A_184, %get3A_185] : memref<1x3448x128xf32, #tpu.memory_space<vmem>>, vector<1x812x128xf32>
    %get3A_187 = vector.shape_cast %get3A_186 : vector<1x812x128xf32> to vector<812x128xf32>
    %get3A_188 = arith.constant 0 : index
    %get3A_189 = arith.constant 0 : index
    %get3A_190 = arith.constant 1 : index
    %get3A_191 = arith.constant 0 : index
    %get3A_192 = arith.constant 0 : index
    %get3A_193 = arith.constant 0 : index
    %get3A_194 = vector.load %arg2[%get3A_188, %get3A_189, %get3A_190, %get3A_191, %get3A_192, %get3A_193] : memref<2x2x2x2x128x64xf32, #tpu.memory_space<vmem>>, vector<1x1x1x1x128x64xf32>
    %get3A_195 = vector.shape_cast %get3A_194 : vector<1x1x1x1x128x64xf32> to vector<128x64xf32>
    %dot_general3A_196 = arith.constant dense<0.000000e+00> : vector<812x64xf32>
    %dot_general3A_197 = tpu.matmul %get3A_187, %get3A_195, %dot_general3A_196 {dimension_numbers = #tpu.dot_dimension_numbers<[1], [0], [0], [1], [0, 0, 1, 1], [], []>, transpose_lhs_hint = false} : vector<812x128xf32>, vector<128x64xf32>, vector<812x64xf32> -> vector<812x64xf32>
    %add3A_198 = arith.addf %add3A_182, %dot_general3A_197 : vector<812x64xf32>
    %get3A_199 = arith.constant 0 : index
    %get3A_200 = arith.constant 1690 : index
    %get3A_201 = arith.constant 0 : index
    %get3A_202 = vector.load %arg1[%get3A_199, %get3A_200, %get3A_201] : memref<1x3448x128xf32, #tpu.memory_space<vmem>>, vector<1x812x128xf32>
    %get3A_203 = vector.shape_cast %get3A_202 : vector<1x812x128xf32> to vector<812x128xf32>
    %get3A_204 = arith.constant 0 : index
    %get3A_205 = arith.constant 0 : index
    %get3A_206 = arith.constant 1 : index
    %get3A_207 = arith.constant 1 : index
    %get3A_208 = arith.constant 0 : index
    %get3A_209 = arith.constant 0 : index
    %get3A_210 = vector.load %arg2[%get3A_204, %get3A_205, %get3A_206, %get3A_207, %get3A_208, %get3A_209] : memref<2x2x2x2x128x64xf32, #tpu.memory_space<vmem>>, vector<1x1x1x1x128x64xf32>
    %get3A_211 = vector.shape_cast %get3A_210 : vector<1x1x1x1x128x64xf32> to vector<128x64xf32>
    %dot_general3A_212 = arith.constant dense<0.000000e+00> : vector<812x64xf32>
    %dot_general3A_213 = tpu.matmul %get3A_203, %get3A_211, %dot_general3A_212 {dimension_numbers = #tpu.dot_dimension_numbers<[1], [0], [0], [1], [0, 0, 1, 1], [], []>, transpose_lhs_hint = false} : vector<812x128xf32>, vector<128x64xf32>, vector<812x64xf32> -> vector<812x64xf32>
    %add3A_214 = arith.addf %add3A_198, %dot_general3A_213 : vector<812x64xf32>
    %get3A_215 = arith.constant 0 : index
    %get3A_216 = arith.constant 0 : index
    %get3A_217 = vector.load %arg3[%get3A_215, %get3A_216] : memref<1x64xf32, #tpu.memory_space<vmem>>, vector<1x64xf32>
    %get3A_218 = vector.shape_cast %get3A_217 : vector<1x64xf32> to vector<64xf32>
    %broadcast_in_dim3A_219 = vector.shape_cast %get3A_218 : vector<64xf32> to vector<1x64xf32>
    %add3A_220 = vector.broadcast %broadcast_in_dim3A_219 : vector<1x64xf32> to vector<812x64xf32>
    %add3A_221 = arith.addf %add3A_214, %add3A_220 : vector<812x64xf32>
    %max3A_222 = arith.constant 0.000000e+00 : f32
    %max3A_223 = vector.broadcast %max3A_222 : f32 to vector<812x64xf32>
    %max3A_224 = arith.maximumf %add3A_221, %max3A_223 : vector<812x64xf32>
    %swap3A_225 = arith.constant 0 : index
    %swap3A_226 = arith.constant 1690 : index
    %swap3A_227 = arith.constant 0 : index
    %swap3A_228 = vector.load %arg4[%swap3A_225, %swap3A_226, %swap3A_227] : memref<1x3448x64xf32, #tpu.memory_space<vmem>>, vector<1x812x64xf32>
    %swap3A_229 = vector.shape_cast %swap3A_228 : vector<1x812x64xf32> to vector<812x64xf32>
    %swap3A_230 = vector.shape_cast %max3A_224 : vector<812x64xf32> to vector<1x812x64xf32>
    tpu.vector_store %arg4[%swap3A_225, %swap3A_226, %swap3A_227], %swap3A_230 {strides = array<i32>} : memref<1x3448x64xf32, #tpu.memory_space<vmem>>, vector<1x812x64xf32>,
    %get3A_231 = arith.constant 0 : index
    %get3A_232 = arith.constant 2443 : index
    %get3A_233 = arith.constant 0 : index
    %get3A_234 = vector.load %arg1[%get3A_231, %get3A_232, %get3A_233] : memref<1x3448x128xf32, #tpu.memory_space<vmem>>, vector<1x812x128xf32>
    %get3A_235 = vector.shape_cast %get3A_234 : vector<1x812x128xf32> to vector<812x128xf32>
    %get3A_236 = arith.constant 0 : index
    %get3A_237 = arith.constant 0 : index
    %get3A_238 = arith.constant 0 : index
    %get3A_239 = arith.constant 0 : index
    %get3A_240 = arith.constant 0 : index
    %get3A_241 = arith.constant 0 : index
    %get3A_242 = vector.load %arg2[%get3A_236, %get3A_237, %get3A_238, %get3A_239, %get3A_240, %get3A_241] : memref<2x2x2x2x128x64xf32, #tpu.memory_space<vmem>>, vector<1x1x1x1x128x64xf32>
    %get3A_243 = vector.shape_cast %get3A_242 : vector<1x1x1x1x128x64xf32> to vector<128x64xf32>
    %dot_general3A_244 = arith.constant dense<0.000000e+00> : vector<812x64xf32>
    %dot_general3A_245 = tpu.matmul %get3A_235, %get3A_243, %dot_general3A_244 {dimension_numbers = #tpu.dot_dimension_numbers<[1], [0], [0], [1], [0, 0, 1, 1], [], []>, transpose_lhs_hint = false} : vector<812x128xf32>, vector<128x64xf32>, vector<812x64xf32> -> vector<812x64xf32>
    %get3A_246 = arith.constant 0 : index
    %get3A_247 = arith.constant 2444 : index
    %get3A_248 = arith.constant 0 : index
    %get3A_249 = vector.load %arg1[%get3A_246, %get3A_247, %get3A_248] : memref<1x3448x128xf32, #tpu.memory_space<vmem>>, vector<1x812x128xf32>
    %get3A_250 = vector.shape_cast %get3A_249 : vector<1x812x128xf32> to vector<812x128xf32>
    %get3A_251 = arith.constant 0 : index
    %get3A_252 = arith.constant 0 : index
    %get3A_253 = arith.constant 0 : index
    %get3A_254 = arith.constant 1 : index
    %get3A_255 = arith.constant 0 : index
    %get3A_256 = arith.constant 0 : index
    %get3A_257 = vector.load %arg2[%get3A_251, %get3A_252, %get3A_253, %get3A_254, %get3A_255, %get3A_256] : memref<2x2x2x2x128x64xf32, #tpu.memory_space<vmem>>, vector<1x1x1x1x128x64xf32>
    %get3A_258 = vector.shape_cast %get3A_257 : vector<1x1x1x1x128x64xf32> to vector<128x64xf32>
    %dot_general3A_259 = arith.constant dense<0.000000e+00> : vector<812x64xf32>
    %dot_general3A_260 = tpu.matmul %get3A_250, %get3A_258, %dot_general3A_259 {dimension_numbers = #tpu.dot_dimension_numbers<[1], [0], [0], [1], [0, 0, 1, 1], [], []>, transpose_lhs_hint = false} : vector<812x128xf32>, vector<128x64xf32>, vector<812x64xf32> -> vector<812x64xf32>
    %add3A_261 = arith.addf %dot_general3A_245, %dot_general3A_260 : vector<812x64xf32>
    %get3A_262 = arith.constant 0 : index
    %get3A_263 = arith.constant 2501 : index
    %get3A_264 = arith.constant 0 : index
    %get3A_265 = vector.load %arg1[%get3A_262, %get3A_263, %get3A_264] : memref<1x3448x128xf32, #tpu.memory_space<vmem>>, vector<1x812x128xf32>
    %get3A_266 = vector.shape_cast %get3A_265 : vector<1x812x128xf32> to vector<812x128xf32>
    %get3A_267 = arith.constant 0 : index
    %get3A_268 = arith.constant 0 : index
    %get3A_269 = arith.constant 1 : index
    %get3A_270 = arith.constant 0 : index
    %get3A_271 = arith.constant 0 : index
    %get3A_272 = arith.constant 0 : index
    %get3A_273 = vector.load %arg2[%get3A_267, %get3A_268, %get3A_269, %get3A_270, %get3A_271, %get3A_272] : memref<2x2x2x2x128x64xf32, #tpu.memory_space<vmem>>, vector<1x1x1x1x128x64xf32>
    %get3A_274 = vector.shape_cast %get3A_273 : vector<1x1x1x1x128x64xf32> to vector<128x64xf32>
    %dot_general3A_275 = arith.constant dense<0.000000e+00> : vector<812x64xf32>
    %dot_general3A_276 = tpu.matmul %get3A_266, %get3A_274, %dot_general3A_275 {dimension_numbers = #tpu.dot_dimension_numbers<[1], [0], [0], [1], [0, 0, 1, 1], [], []>, transpose_lhs_hint = false} : vector<812x128xf32>, vector<128x64xf32>, vector<812x64xf32> -> vector<812x64xf32>
    %add3A_277 = arith.addf %add3A_261, %dot_general3A_276 : vector<812x64xf32>
    %get3A_278 = arith.constant 0 : index
    %get3A_279 = arith.constant 2502 : index
    %get3A_280 = arith.constant 0 : index
    %get3A_281 = vector.load %arg1[%get3A_278, %get3A_279, %get3A_280] : memref<1x3448x128xf32, #tpu.memory_space<vmem>>, vector<1x812x128xf32>
    %get3A_282 = vector.shape_cast %get3A_281 : vector<1x812x128xf32> to vector<812x128xf32>
    %get3A_283 = arith.constant 0 : index
    %get3A_284 = arith.constant 0 : index
    %get3A_285 = arith.constant 1 : index
    %get3A_286 = arith.constant 1 : index
    %get3A_287 = arith.constant 0 : index
    %get3A_288 = arith.constant 0 : index
    %get3A_289 = vector.load %arg2[%get3A_283, %get3A_284, %get3A_285, %get3A_286, %get3A_287, %get3A_288] : memref<2x2x2x2x128x64xf32, #tpu.memory_space<vmem>>, vector<1x1x1x1x128x64xf32>
    %get3A_290 = vector.shape_cast %get3A_289 : vector<1x1x1x1x128x64xf32> to vector<128x64xf32>
    %dot_general3A_291 = arith.constant dense<0.000000e+00> : vector<812x64xf32>
    %dot_general3A_292 = tpu.matmul %get3A_282, %get3A_290, %dot_general3A_291 {dimension_numbers = #tpu.dot_dimension_numbers<[1], [0], [0], [1], [0, 0, 1, 1], [], []>, transpose_lhs_hint = false} : vector<812x128xf32>, vector<128x64xf32>, vector<812x64xf32> -> vector<812x64xf32>
    %add3A_293 = arith.addf %add3A_277, %dot_general3A_292 : vector<812x64xf32>
    %get3A_294 = arith.constant 0 : index
    %get3A_295 = arith.constant 0 : index
    %get3A_296 = vector.load %arg3[%get3A_294, %get3A_295] : memref<1x64xf32, #tpu.memory_space<vmem>>, vector<1x64xf32>
    %get3A_297 = vector.shape_cast %get3A_296 : vector<1x64xf32> to vector<64xf32>
    %broadcast_in_dim3A_298 = vector.shape_cast %get3A_297 : vector<64xf32> to vector<1x64xf32>
    %add3A_299 = vector.broadcast %broadcast_in_dim3A_298 : vector<1x64xf32> to vector<812x64xf32>
    %add3A_300 = arith.addf %add3A_293, %add3A_299 : vector<812x64xf32>
    %max3A_301 = arith.constant 0.000000e+00 : f32
    %max3A_302 = vector.broadcast %max3A_301 : f32 to vector<812x64xf32>
    %max3A_303 = arith.maximumf %add3A_300, %max3A_302 : vector<812x64xf32>
    %swap3A_304 = arith.constant 0 : index
    %swap3A_305 = arith.constant 2502 : index
    %swap3A_306 = arith.constant 0 : index
    %swap3A_307 = vector.load %arg4[%swap3A_304, %swap3A_305, %swap3A_306] : memref<1x3448x64xf32, #tpu.memory_space<vmem>>, vector<1x812x64xf32>
    %swap3A_308 = vector.shape_cast %swap3A_307 : vector<1x812x64xf32> to vector<812x64xf32>
    %swap3A_309 = vector.shape_cast %max3A_303 : vector<812x64xf32> to vector<1x812x64xf32>
    tpu.vector_store %arg4[%swap3A_304, %swap3A_305, %swap3A_306], %swap3A_309 {strides = array<i32>} : memref<1x3448x64xf32, #tpu.memory_space<vmem>>, vector<1x812x64xf32>,
    %get3A_310 = arith.constant 0 : index
    %get3A_311 = arith.constant 8 : index
    %get3A_312 = arith.constant 0 : index
    %get3A_313 = vector.load %arg1[%get3A_310, %get3A_311, %get3A_312] : memref<1x3448x128xf32, #tpu.memory_space<vmem>>, vector<1x812x128xf32>
    %get3A_314 = vector.shape_cast %get3A_313 : vector<1x812x128xf32> to vector<812x128xf32>
    %get3A_315 = arith.constant 0 : index
    %get3A_316 = arith.constant 1 : index
    %get3A_317 = arith.constant 0 : index
    %get3A_318 = arith.constant 0 : index
    %get3A_319 = arith.constant 0 : index
    %get3A_320 = arith.constant 0 : index
    %get3A_321 = vector.load %arg2[%get3A_315, %get3A_316, %get3A_317, %get3A_318, %get3A_319, %get3A_320] : memref<2x2x2x2x128x64xf32, #tpu.memory_space<vmem>>, vector<1x1x1x1x128x64xf32>
    %get3A_322 = vector.shape_cast %get3A_321 : vector<1x1x1x1x128x64xf32> to vector<128x64xf32>
    %dot_general3A_323 = arith.constant dense<0.000000e+00> : vector<812x64xf32>
    %dot_general3A_324 = tpu.matmul %get3A_314, %get3A_322, %dot_general3A_323 {dimension_numbers = #tpu.dot_dimension_numbers<[1], [0], [0], [1], [0, 0, 1, 1], [], []>, transpose_lhs_hint = false} : vector<812x128xf32>, vector<128x64xf32>, vector<812x64xf32> -> vector<812x64xf32>
    %get3A_325 = arith.constant 0 : index
    %get3A_326 = arith.constant 9 : index
    %get3A_327 = arith.constant 0 : index
    %get3A_328 = vector.load %arg1[%get3A_325, %get3A_326, %get3A_327] : memref<1x3448x128xf32, #tpu.memory_space<vmem>>, vector<1x812x128xf32>
    %get3A_329 = vector.shape_cast %get3A_328 : vector<1x812x128xf32> to vector<812x128xf32>
    %get3A_330 = arith.constant 0 : index
    %get3A_331 = arith.constant 1 : index
    %get3A_332 = arith.constant 0 : index
    %get3A_333 = arith.constant 1 : index
    %get3A_334 = arith.constant 0 : index
    %get3A_335 = arith.constant 0 : index
    %get3A_336 = vector.load %arg2[%get3A_330, %get3A_331, %get3A_332, %get3A_333, %get3A_334, %get3A_335] : memref<2x2x2x2x128x64xf32, #tpu.memory_space<vmem>>, vector<1x1x1x1x128x64xf32>
    %get3A_337 = vector.shape_cast %get3A_336 : vector<1x1x1x1x128x64xf32> to vector<128x64xf32>
    %dot_general3A_338 = arith.constant dense<0.000000e+00> : vector<812x64xf32>
    %dot_general3A_339 = tpu.matmul %get3A_329, %get3A_337, %dot_general3A_338 {dimension_numbers = #tpu.dot_dimension_numbers<[1], [0], [0], [1], [0, 0, 1, 1], [], []>, transpose_lhs_hint = false} : vector<812x128xf32>, vector<128x64xf32>, vector<812x64xf32> -> vector<812x64xf32>
    %add3A_340 = arith.addf %dot_general3A_324, %dot_general3A_339 : vector<812x64xf32>
    %get3A_341 = arith.constant 0 : index
    %get3A_342 = arith.constant 66 : index
    %get3A_343 = arith.constant 0 : index
    %get3A_344 = vector.load %arg1[%get3A_341, %get3A_342, %get3A_343] : memref<1x3448x128xf32, #tpu.memory_space<vmem>>, vector<1x812x128xf32>
    %get3A_345 = vector.shape_cast %get3A_344 : vector<1x812x128xf32> to vector<812x128xf32>
    %get3A_346 = arith.constant 0 : index
    %get3A_347 = arith.constant 1 : index
    %get3A_348 = arith.constant 1 : index
    %get3A_349 = arith.constant 0 : index
    %get3A_350 = arith.constant 0 : index
    %get3A_351 = arith.constant 0 : index
    %get3A_352 = vector.load %arg2[%get3A_346, %get3A_347, %get3A_348, %get3A_349, %get3A_350, %get3A_351] : memref<2x2x2x2x128x64xf32, #tpu.memory_space<vmem>>, vector<1x1x1x1x128x64xf32>
    %get3A_353 = vector.shape_cast %get3A_352 : vector<1x1x1x1x128x64xf32> to vector<128x64xf32>
    %dot_general3A_354 = arith.constant dense<0.000000e+00> : vector<812x64xf32>
    %dot_general3A_355 = tpu.matmul %get3A_345, %get3A_353, %dot_general3A_354 {dimension_numbers = #tpu.dot_dimension_numbers<[1], [0], [0], [1], [0, 0, 1, 1], [], []>, transpose_lhs_hint = false} : vector<812x128xf32>, vector<128x64xf32>, vector<812x64xf32> -> vector<812x64xf32>
    %add3A_356 = arith.addf %add3A_340, %dot_general3A_355 : vector<812x64xf32>
    %get3A_357 = arith.constant 0 : index
    %get3A_358 = arith.constant 67 : index
    %get3A_359 = arith.constant 0 : index
    %get3A_360 = vector.load %arg1[%get3A_357, %get3A_358, %get3A_359] : memref<1x3448x128xf32, #tpu.memory_space<vmem>>, vector<1x812x128xf32>
    %get3A_361 = vector.shape_cast %get3A_360 : vector<1x812x128xf32> to vector<812x128xf32>
    %get3A_362 = arith.constant 0 : index
    %get3A_363 = arith.constant 1 : index
    %get3A_364 = arith.constant 1 : index
    %get3A_365 = arith.constant 1 : index
    %get3A_366 = arith.constant 0 : index
    %get3A_367 = arith.constant 0 : index
    %get3A_368 = vector.load %arg2[%get3A_362, %get3A_363, %get3A_364, %get3A_365, %get3A_366, %get3A_367] : memref<2x2x2x2x128x64xf32, #tpu.memory_space<vmem>>, vector<1x1x1x1x128x64xf32>
    %get3A_369 = vector.shape_cast %get3A_368 : vector<1x1x1x1x128x64xf32> to vector<128x64xf32>
    %dot_general3A_370 = arith.constant dense<0.000000e+00> : vector<812x64xf32>
    %dot_general3A_371 = tpu.matmul %get3A_361, %get3A_369, %dot_general3A_370 {dimension_numbers = #tpu.dot_dimension_numbers<[1], [0], [0], [1], [0, 0, 1, 1], [], []>, transpose_lhs_hint = false} : vector<812x128xf32>, vector<128x64xf32>, vector<812x64xf32> -> vector<812x64xf32>
    %add3A_372 = arith.addf %add3A_356, %dot_general3A_371 : vector<812x64xf32>
    %get3A_373 = arith.constant 0 : index
    %get3A_374 = arith.constant 0 : index
    %get3A_375 = vector.load %arg3[%get3A_373, %get3A_374] : memref<1x64xf32, #tpu.memory_space<vmem>>, vector<1x64xf32>
    %get3A_376 = vector.shape_cast %get3A_375 : vector<1x64xf32> to vector<64xf32>
    %broadcast_in_dim3A_377 = vector.shape_cast %get3A_376 : vector<64xf32> to vector<1x64xf32>
    %add3A_378 = vector.broadcast %broadcast_in_dim3A_377 : vector<1x64xf32> to vector<812x64xf32>
    %add3A_379 = arith.addf %add3A_372, %add3A_378 : vector<812x64xf32>
    %max3A_380 = arith.constant 0.000000e+00 : f32
    %max3A_381 = vector.broadcast %max3A_380 : f32 to vector<812x64xf32>
    %max3A_382 = arith.maximumf %add3A_379, %max3A_381 : vector<812x64xf32>
    %swap3A_383 = arith.constant 0 : index
    %swap3A_384 = arith.constant 66 : index
    %swap3A_385 = arith.constant 0 : index
    %swap3A_386 = vector.load %arg5[%swap3A_383, %swap3A_384, %swap3A_385] : memref<1x3448x64xf32, #tpu.memory_space<vmem>>, vector<1x812x64xf32>
    %swap3A_387 = vector.shape_cast %swap3A_386 : vector<1x812x64xf32> to vector<812x64xf32>
    %swap3A_388 = vector.shape_cast %max3A_382 : vector<812x64xf32> to vector<1x812x64xf32>
    tpu.vector_store %arg5[%swap3A_383, %swap3A_384, %swap3A_385], %swap3A_388 {strides = array<i32>} : memref<1x3448x64xf32, #tpu.memory_space<vmem>>, vector<1x812x64xf32>,
    %get3A_389 = arith.constant 0 : index
    %get3A_390 = arith.constant 820 : index
    %get3A_391 = arith.constant 0 : index
    %get3A_392 = vector.load %arg1[%get3A_389, %get3A_390, %get3A_391] : memref<1x3448x128xf32, #tpu.memory_space<vmem>>, vector<1x812x128xf32>
    %get3A_393 = vector.shape_cast %get3A_392 : vector<1x812x128xf32> to vector<812x128xf32>
    %get3A_394 = arith.constant 0 : index
    %get3A_395 = arith.constant 1 : index
    %get3A_396 = arith.constant 0 : index
    %get3A_397 = arith.constant 0 : index
    %get3A_398 = arith.constant 0 : index
    %get3A_399 = arith.constant 0 : index
    %get3A_400 = vector.load %arg2[%get3A_394, %get3A_395, %get3A_396, %get3A_397, %get3A_398, %get3A_399] : memref<2x2x2x2x128x64xf32, #tpu.memory_space<vmem>>, vector<1x1x1x1x128x64xf32>
    %get3A_401 = vector.shape_cast %get3A_400 : vector<1x1x1x1x128x64xf32> to vector<128x64xf32>
    %dot_general3A_402 = arith.constant dense<0.000000e+00> : vector<812x64xf32>
    %dot_general3A_403 = tpu.matmul %get3A_393, %get3A_401, %dot_general3A_402 {dimension_numbers = #tpu.dot_dimension_numbers<[1], [0], [0], [1], [0, 0, 1, 1], [], []>, transpose_lhs_hint = false} : vector<812x128xf32>, vector<128x64xf32>, vector<812x64xf32> -> vector<812x64xf32>
    %get3A_404 = arith.constant 0 : index
    %get3A_405 = arith.constant 821 : index
    %get3A_406 = arith.constant 0 : index
    %get3A_407 = vector.load %arg1[%get3A_404, %get3A_405, %get3A_406] : memref<1x3448x128xf32, #tpu.memory_space<vmem>>, vector<1x812x128xf32>
    %get3A_408 = vector.shape_cast %get3A_407 : vector<1x812x128xf32> to vector<812x128xf32>
    %get3A_409 = arith.constant 0 : index
    %get3A_410 = arith.constant 1 : index
    %get3A_411 = arith.constant 0 : index
    %get3A_412 = arith.constant 1 : index
    %get3A_413 = arith.constant 0 : index
    %get3A_414 = arith.constant 0 : index
    %get3A_415 = vector.load %arg2[%get3A_409, %get3A_410, %get3A_411, %get3A_412, %get3A_413, %get3A_414] : memref<2x2x2x2x128x64xf32, #tpu.memory_space<vmem>>, vector<1x1x1x1x128x64xf32>
    %get3A_416 = vector.shape_cast %get3A_415 : vector<1x1x1x1x128x64xf32> to vector<128x64xf32>
    %dot_general3A_417 = arith.constant dense<0.000000e+00> : vector<812x64xf32>
    %dot_general3A_418 = tpu.matmul %get3A_408, %get3A_416, %dot_general3A_417 {dimension_numbers = #tpu.dot_dimension_numbers<[1], [0], [0], [1], [0, 0, 1, 1], [], []>, transpose_lhs_hint = false} : vector<812x128xf32>, vector<128x64xf32>, vector<812x64xf32> -> vector<812x64xf32>
    %add3A_419 = arith.addf %dot_general3A_403, %dot_general3A_418 : vector<812x64xf32>
    %get3A_420 = arith.constant 0 : index
    %get3A_421 = arith.constant 878 : index
    %get3A_422 = arith.constant 0 : index
    %get3A_423 = vector.load %arg1[%get3A_420, %get3A_421, %get3A_422] : memref<1x3448x128xf32, #tpu.memory_space<vmem>>, vector<1x812x128xf32>
    %get3A_424 = vector.shape_cast %get3A_423 : vector<1x812x128xf32> to vector<812x128xf32>
    %get3A_425 = arith.constant 0 : index
    %get3A_426 = arith.constant 1 : index
    %get3A_427 = arith.constant 1 : index
    %get3A_428 = arith.constant 0 : index
    %get3A_429 = arith.constant 0 : index
    %get3A_430 = arith.constant 0 : index
    %get3A_431 = vector.load %arg2[%get3A_425, %get3A_426, %get3A_427, %get3A_428, %get3A_429, %get3A_430] : memref<2x2x2x2x128x64xf32, #tpu.memory_space<vmem>>, vector<1x1x1x1x128x64xf32>
    %get3A_432 = vector.shape_cast %get3A_431 : vector<1x1x1x1x128x64xf32> to vector<128x64xf32>
    %dot_general3A_433 = arith.constant dense<0.000000e+00> : vector<812x64xf32>
    %dot_general3A_434 = tpu.matmul %get3A_424, %get3A_432, %dot_general3A_433 {dimension_numbers = #tpu.dot_dimension_numbers<[1], [0], [0], [1], [0, 0, 1, 1], [], []>, transpose_lhs_hint = false} : vector<812x128xf32>, vector<128x64xf32>, vector<812x64xf32> -> vector<812x64xf32>
    %add3A_435 = arith.addf %add3A_419, %dot_general3A_434 : vector<812x64xf32>
    %get3A_436 = arith.constant 0 : index
    %get3A_437 = arith.constant 879 : index
    %get3A_438 = arith.constant 0 : index
    %get3A_439 = vector.load %arg1[%get3A_436, %get3A_437, %get3A_438] : memref<1x3448x128xf32, #tpu.memory_space<vmem>>, vector<1x812x128xf32>
    %get3A_440 = vector.shape_cast %get3A_439 : vector<1x812x128xf32> to vector<812x128xf32>
    %get3A_441 = arith.constant 0 : index
    %get3A_442 = arith.constant 1 : index
    %get3A_443 = arith.constant 1 : index
    %get3A_444 = arith.constant 1 : index
    %get3A_445 = arith.constant 0 : index
    %get3A_446 = arith.constant 0 : index
    %get3A_447 = vector.load %arg2[%get3A_441, %get3A_442, %get3A_443, %get3A_444, %get3A_445, %get3A_446] : memref<2x2x2x2x128x64xf32, #tpu.memory_space<vmem>>, vector<1x1x1x1x128x64xf32>
    %get3A_448 = vector.shape_cast %get3A_447 : vector<1x1x1x1x128x64xf32> to vector<128x64xf32>
    %dot_general3A_449 = arith.constant dense<0.000000e+00> : vector<812x64xf32>
    %dot_general3A_450 = tpu.matmul %get3A_440, %get3A_448, %dot_general3A_449 {dimension_numbers = #tpu.dot_dimension_numbers<[1], [0], [0], [1], [0, 0, 1, 1], [], []>, transpose_lhs_hint = false} : vector<812x128xf32>, vector<128x64xf32>, vector<812x64xf32> -> vector<812x64xf32>
    %add3A_451 = arith.addf %add3A_435, %dot_general3A_450 : vector<812x64xf32>
    %get3A_452 = arith.constant 0 : index
    %get3A_453 = arith.constant 0 : index
    %get3A_454 = vector.load %arg3[%get3A_452, %get3A_453] : memref<1x64xf32, #tpu.memory_space<vmem>>, vector<1x64xf32>
    %get3A_455 = vector.shape_cast %get3A_454 : vector<1x64xf32> to vector<64xf32>
    %broadcast_in_dim3A_456 = vector.shape_cast %get3A_455 : vector<64xf32> to vector<1x64xf32>
    %add3A_457 = vector.broadcast %broadcast_in_dim3A_456 : vector<1x64xf32> to vector<812x64xf32>
    %add3A_458 = arith.addf %add3A_451, %add3A_457 : vector<812x64xf32>
    %max3A_459 = arith.constant 0.000000e+00 : f32
    %max3A_460 = vector.broadcast %max3A_459 : f32 to vector<812x64xf32>
    %max3A_461 = arith.maximumf %add3A_458, %max3A_460 : vector<812x64xf32>
    %swap3A_462 = arith.constant 0 : index
    %swap3A_463 = arith.constant 878 : index
    %swap3A_464 = arith.constant 0 : index
    %swap3A_465 = vector.load %arg5[%swap3A_462, %swap3A_463, %swap3A_464] : memref<1x3448x64xf32, #tpu.memory_space<vmem>>, vector<1x812x64xf32>
    %swap3A_466 = vector.shape_cast %swap3A_465 : vector<1x812x64xf32> to vector<812x64xf32>
    %swap3A_467 = vector.shape_cast %max3A_461 : vector<812x64xf32> to vector<1x812x64xf32>
    tpu.vector_store %arg5[%swap3A_462, %swap3A_463, %swap3A_464], %swap3A_467 {strides = array<i32>} : memref<1x3448x64xf32, #tpu.memory_space<vmem>>, vector<1x812x64xf32>,
    %get3A_468 = arith.constant 0 : index
    %get3A_469 = arith.constant 1632 : index
    %get3A_470 = arith.constant 0 : index
    %get3A_471 = vector.load %arg1[%get3A_468, %get3A_469, %get3A_470] : memref<1x3448x128xf32, #tpu.memory_space<vmem>>, vector<1x812x128xf32>
    %get3A_472 = vector.shape_cast %get3A_471 : vector<1x812x128xf32> to vector<812x128xf32>
    %get3A_473 = arith.constant 0 : index
    %get3A_474 = arith.constant 1 : index
    %get3A_475 = arith.constant 0 : index
    %get3A_476 = arith.constant 0 : index
    %get3A_477 = arith.constant 0 : index
    %get3A_478 = arith.constant 0 : index
    %get3A_479 = vector.load %arg2[%get3A_473, %get3A_474, %get3A_475, %get3A_476, %get3A_477, %get3A_478] : memref<2x2x2x2x128x64xf32, #tpu.memory_space<vmem>>, vector<1x1x1x1x128x64xf32>
    %get3A_480 = vector.shape_cast %get3A_479 : vector<1x1x1x1x128x64xf32> to vector<128x64xf32>
    %dot_general3A_481 = arith.constant dense<0.000000e+00> : vector<812x64xf32>
    %dot_general3A_482 = tpu.matmul %get3A_472, %get3A_480, %dot_general3A_481 {dimension_numbers = #tpu.dot_dimension_numbers<[1], [0], [0], [1], [0, 0, 1, 1], [], []>, transpose_lhs_hint = false} : vector<812x128xf32>, vector<128x64xf32>, vector<812x64xf32> -> vector<812x64xf32>
    %get3A_483 = arith.constant 0 : index
    %get3A_484 = arith.constant 1633 : index
    %get3A_485 = arith.constant 0 : index
    %get3A_486 = vector.load %arg1[%get3A_483, %get3A_484, %get3A_485] : memref<1x3448x128xf32, #tpu.memory_space<vmem>>, vector<1x812x128xf32>
    %get3A_487 = vector.shape_cast %get3A_486 : vector<1x812x128xf32> to vector<812x128xf32>
    %get3A_488 = arith.constant 0 : index
    %get3A_489 = arith.constant 1 : index
    %get3A_490 = arith.constant 0 : index
    %get3A_491 = arith.constant 1 : index
    %get3A_492 = arith.constant 0 : index
    %get3A_493 = arith.constant 0 : index
    %get3A_494 = vector.load %arg2[%get3A_488, %get3A_489, %get3A_490, %get3A_491, %get3A_492, %get3A_493] : memref<2x2x2x2x128x64xf32, #tpu.memory_space<vmem>>, vector<1x1x1x1x128x64xf32>
    %get3A_495 = vector.shape_cast %get3A_494 : vector<1x1x1x1x128x64xf32> to vector<128x64xf32>
    %dot_general3A_496 = arith.constant dense<0.000000e+00> : vector<812x64xf32>
    %dot_general3A_497 = tpu.matmul %get3A_487, %get3A_495, %dot_general3A_496 {dimension_numbers = #tpu.dot_dimension_numbers<[1], [0], [0], [1], [0, 0, 1, 1], [], []>, transpose_lhs_hint = false} : vector<812x128xf32>, vector<128x64xf32>, vector<812x64xf32> -> vector<812x64xf32>
    %add3A_498 = arith.addf %dot_general3A_482, %dot_general3A_497 : vector<812x64xf32>
    %get3A_499 = arith.constant 0 : index
    %get3A_500 = arith.constant 1690 : index
    %get3A_501 = arith.constant 0 : index
    %get3A_502 = vector.load %arg1[%get3A_499, %get3A_500, %get3A_501] : memref<1x3448x128xf32, #tpu.memory_space<vmem>>, vector<1x812x128xf32>
    %get3A_503 = vector.shape_cast %get3A_502 : vector<1x812x128xf32> to vector<812x128xf32>
    %get3A_504 = arith.constant 0 : index
    %get3A_505 = arith.constant 1 : index
    %get3A_506 = arith.constant 1 : index
    %get3A_507 = arith.constant 0 : index
    %get3A_508 = arith.constant 0 : index
    %get3A_509 = arith.constant 0 : index
    %get3A_510 = vector.load %arg2[%get3A_504, %get3A_505, %get3A_506, %get3A_507, %get3A_508, %get3A_509] : memref<2x2x2x2x128x64xf32, #tpu.memory_space<vmem>>, vector<1x1x1x1x128x64xf32>
    %get3A_511 = vector.shape_cast %get3A_510 : vector<1x1x1x1x128x64xf32> to vector<128x64xf32>
    %dot_general3A_512 = arith.constant dense<0.000000e+00> : vector<812x64xf32>
    %dot_general3A_513 = tpu.matmul %get3A_503, %get3A_511, %dot_general3A_512 {dimension_numbers = #tpu.dot_dimension_numbers<[1], [0], [0], [1], [0, 0, 1, 1], [], []>, transpose_lhs_hint = false} : vector<812x128xf32>, vector<128x64xf32>, vector<812x64xf32> -> vector<812x64xf32>
    %add3A_514 = arith.addf %add3A_498, %dot_general3A_513 : vector<812x64xf32>
    %get3A_515 = arith.constant 0 : index
    %get3A_516 = arith.constant 1691 : index
    %get3A_517 = arith.constant 0 : index
    %get3A_518 = vector.load %arg1[%get3A_515, %get3A_516, %get3A_517] : memref<1x3448x128xf32, #tpu.memory_space<vmem>>, vector<1x812x128xf32>
    %get3A_519 = vector.shape_cast %get3A_518 : vector<1x812x128xf32> to vector<812x128xf32>
    %get3A_520 = arith.constant 0 : index
    %get3A_521 = arith.constant 1 : index
    %get3A_522 = arith.constant 1 : index
    %get3A_523 = arith.constant 1 : index
    %get3A_524 = arith.constant 0 : index
    %get3A_525 = arith.constant 0 : index
    %get3A_526 = vector.load %arg2[%get3A_520, %get3A_521, %get3A_522, %get3A_523, %get3A_524, %get3A_525] : memref<2x2x2x2x128x64xf32, #tpu.memory_space<vmem>>, vector<1x1x1x1x128x64xf32>
    %get3A_527 = vector.shape_cast %get3A_526 : vector<1x1x1x1x128x64xf32> to vector<128x64xf32>
    %dot_general3A_528 = arith.constant dense<0.000000e+00> : vector<812x64xf32>
    %dot_general3A_529 = tpu.matmul %get3A_519, %get3A_527, %dot_general3A_528 {dimension_numbers = #tpu.dot_dimension_numbers<[1], [0], [0], [1], [0, 0, 1, 1], [], []>, transpose_lhs_hint = false} : vector<812x128xf32>, vector<128x64xf32>, vector<812x64xf32> -> vector<812x64xf32>
    %add3A_530 = arith.addf %add3A_514, %dot_general3A_529 : vector<812x64xf32>
    %get3A_531 = arith.constant 0 : index
    %get3A_532 = arith.constant 0 : index
    %get3A_533 = vector.load %arg3[%get3A_531, %get3A_532] : memref<1x64xf32, #tpu.memory_space<vmem>>, vector<1x64xf32>
    %get3A_534 = vector.shape_cast %get3A_533 : vector<1x64xf32> to vector<64xf32>
    %broadcast_in_dim3A_535 = vector.shape_cast %get3A_534 : vector<64xf32> to vector<1x64xf32>
    %add3A_536 = vector.broadcast %broadcast_in_dim3A_535 : vector<1x64xf32> to vector<812x64xf32>
    %add3A_537 = arith.addf %add3A_530, %add3A_536 : vector<812x64xf32>
    %max3A_538 = arith.constant 0.000000e+00 : f32
    %max3A_539 = vector.broadcast %max3A_538 : f32 to vector<812x64xf32>
    %max3A_540 = arith.maximumf %add3A_537, %max3A_539 : vector<812x64xf32>
    %swap3A_541 = arith.constant 0 : index
    %swap3A_542 = arith.constant 1690 : index
    %swap3A_543 = arith.constant 0 : index
    %swap3A_544 = vector.load %arg5[%swap3A_541, %swap3A_542, %swap3A_543] : memref<1x3448x64xf32, #tpu.memory_space<vmem>>, vector<1x812x64xf32>
    %swap3A_545 = vector.shape_cast %swap3A_544 : vector<1x812x64xf32> to vector<812x64xf32>
    %swap3A_546 = vector.shape_cast %max3A_540 : vector<812x64xf32> to vector<1x812x64xf32>
    tpu.vector_store %arg5[%swap3A_541, %swap3A_542, %swap3A_543], %swap3A_546 {strides = array<i32>} : memref<1x3448x64xf32, #tpu.memory_space<vmem>>, vector<1x812x64xf32>,
    %get3A_547 = arith.constant 0 : index
    %get3A_548 = arith.constant 2444 : index
    %get3A_549 = arith.constant 0 : index
    %get3A_550 = vector.load %arg1[%get3A_547, %get3A_548, %get3A_549] : memref<1x3448x128xf32, #tpu.memory_space<vmem>>, vector<1x812x128xf32>
    %get3A_551 = vector.shape_cast %get3A_550 : vector<1x812x128xf32> to vector<812x128xf32>
    %get3A_552 = arith.constant 0 : index
    %get3A_553 = arith.constant 1 : index
    %get3A_554 = arith.constant 0 : index
    %get3A_555 = arith.constant 0 : index
    %get3A_556 = arith.constant 0 : index
    %get3A_557 = arith.constant 0 : index
    %get3A_558 = vector.load %arg2[%get3A_552, %get3A_553, %get3A_554, %get3A_555, %get3A_556, %get3A_557] : memref<2x2x2x2x128x64xf32, #tpu.memory_space<vmem>>, vector<1x1x1x1x128x64xf32>
    %get3A_559 = vector.shape_cast %get3A_558 : vector<1x1x1x1x128x64xf32> to vector<128x64xf32>
    %dot_general3A_560 = arith.constant dense<0.000000e+00> : vector<812x64xf32>
    %dot_general3A_561 = tpu.matmul %get3A_551, %get3A_559, %dot_general3A_560 {dimension_numbers = #tpu.dot_dimension_numbers<[1], [0], [0], [1], [0, 0, 1, 1], [], []>, transpose_lhs_hint = false} : vector<812x128xf32>, vector<128x64xf32>, vector<812x64xf32> -> vector<812x64xf32>
    %get3A_562 = arith.constant 0 : index
    %get3A_563 = arith.constant 2445 : index
    %get3A_564 = arith.constant 0 : index
    %get3A_565 = vector.load %arg1[%get3A_562, %get3A_563, %get3A_564] : memref<1x3448x128xf32, #tpu.memory_space<vmem>>, vector<1x812x128xf32>
    %get3A_566 = vector.shape_cast %get3A_565 : vector<1x812x128xf32> to vector<812x128xf32>
    %get3A_567 = arith.constant 0 : index
    %get3A_568 = arith.constant 1 : index
    %get3A_569 = arith.constant 0 : index
    %get3A_570 = arith.constant 1 : index
    %get3A_571 = arith.constant 0 : index
    %get3A_572 = arith.constant 0 : index
    %get3A_573 = vector.load %arg2[%get3A_567, %get3A_568, %get3A_569, %get3A_570, %get3A_571, %get3A_572] : memref<2x2x2x2x128x64xf32, #tpu.memory_space<vmem>>, vector<1x1x1x1x128x64xf32>
    %get3A_574 = vector.shape_cast %get3A_573 : vector<1x1x1x1x128x64xf32> to vector<128x64xf32>
    %dot_general3A_575 = arith.constant dense<0.000000e+00> : vector<812x64xf32>
    %dot_general3A_576 = tpu.matmul %get3A_566, %get3A_574, %dot_general3A_575 {dimension_numbers = #tpu.dot_dimension_numbers<[1], [0], [0], [1], [0, 0, 1, 1], [], []>, transpose_lhs_hint = false} : vector<812x128xf32>, vector<128x64xf32>, vector<812x64xf32> -> vector<812x64xf32>
    %add3A_577 = arith.addf %dot_general3A_561, %dot_general3A_576 : vector<812x64xf32>
    %get3A_578 = arith.constant 0 : index
    %get3A_579 = arith.constant 2502 : index
    %get3A_580 = arith.constant 0 : index
    %get3A_581 = vector.load %arg1[%get3A_578, %get3A_579, %get3A_580] : memref<1x3448x128xf32, #tpu.memory_space<vmem>>, vector<1x812x128xf32>
    %get3A_582 = vector.shape_cast %get3A_581 : vector<1x812x128xf32> to vector<812x128xf32>
    %get3A_583 = arith.constant 0 : index
    %get3A_584 = arith.constant 1 : index
    %get3A_585 = arith.constant 1 : index
    %get3A_586 = arith.constant 0 : index
    %get3A_587 = arith.constant 0 : index
    %get3A_588 = arith.constant 0 : index
    %get3A_589 = vector.load %arg2[%get3A_583, %get3A_584, %get3A_585, %get3A_586, %get3A_587, %get3A_588] : memref<2x2x2x2x128x64xf32, #tpu.memory_space<vmem>>, vector<1x1x1x1x128x64xf32>
    %get3A_590 = vector.shape_cast %get3A_589 : vector<1x1x1x1x128x64xf32> to vector<128x64xf32>
    %dot_general3A_591 = arith.constant dense<0.000000e+00> : vector<812x64xf32>
    %dot_general3A_592 = tpu.matmul %get3A_582, %get3A_590, %dot_general3A_591 {dimension_numbers = #tpu.dot_dimension_numbers<[1], [0], [0], [1], [0, 0, 1, 1], [], []>, transpose_lhs_hint = false} : vector<812x128xf32>, vector<128x64xf32>, vector<812x64xf32> -> vector<812x64xf32>
    %add3A_593 = arith.addf %add3A_577, %dot_general3A_592 : vector<812x64xf32>
    %get3A_594 = arith.constant 0 : index
    %get3A_595 = arith.constant 2503 : index
    %get3A_596 = arith.constant 0 : index
    %get3A_597 = vector.load %arg1[%get3A_594, %get3A_595, %get3A_596] : memref<1x3448x128xf32, #tpu.memory_space<vmem>>, vector<1x812x128xf32>
    %get3A_598 = vector.shape_cast %get3A_597 : vector<1x812x128xf32> to vector<812x128xf32>
    %get3A_599 = arith.constant 0 : index
    %get3A_600 = arith.constant 1 : index
    %get3A_601 = arith.constant 1 : index
    %get3A_602 = arith.constant 1 : index
    %get3A_603 = arith.constant 0 : index
    %get3A_604 = arith.constant 0 : index
    %get3A_605 = vector.load %arg2[%get3A_599, %get3A_600, %get3A_601, %get3A_602, %get3A_603, %get3A_604] : memref<2x2x2x2x128x64xf32, #tpu.memory_space<vmem>>, vector<1x1x1x1x128x64xf32>
    %get3A_606 = vector.shape_cast %get3A_605 : vector<1x1x1x1x128x64xf32> to vector<128x64xf32>
    %dot_general3A_607 = arith.constant dense<0.000000e+00> : vector<812x64xf32>
    %dot_general3A_608 = tpu.matmul %get3A_598, %get3A_606, %dot_general3A_607 {dimension_numbers = #tpu.dot_dimension_numbers<[1], [0], [0], [1], [0, 0, 1, 1], [], []>, transpose_lhs_hint = false} : vector<812x128xf32>, vector<128x64xf32>, vector<812x64xf32> -> vector<812x64xf32>
    %add3A_609 = arith.addf %add3A_593, %dot_general3A_608 : vector<812x64xf32>
    %get3A_610 = arith.constant 0 : index
    %get3A_611 = arith.constant 0 : index
    %get3A_612 = vector.load %arg3[%get3A_610, %get3A_611] : memref<1x64xf32, #tpu.memory_space<vmem>>, vector<1x64xf32>
    %get3A_613 = vector.shape_cast %get3A_612 : vector<1x64xf32> to vector<64xf32>
    %broadcast_in_dim3A_614 = vector.shape_cast %get3A_613 : vector<64xf32> to vector<1x64xf32>
    %add3A_615 = vector.broadcast %broadcast_in_dim3A_614 : vector<1x64xf32> to vector<812x64xf32>
    %add3A_616 = arith.addf %add3A_609, %add3A_615 : vector<812x64xf32>
    %max3A_617 = arith.constant 0.000000e+00 : f32
    %max3A_618 = vector.broadcast %max3A_617 : f32 to vector<812x64xf32>
    %max3A_619 = arith.maximumf %add3A_616, %max3A_618 : vector<812x64xf32>
    %swap3A_620 = arith.constant 0 : index
    %swap3A_621 = arith.constant 2502 : index
    %swap3A_622 = arith.constant 0 : index
    %swap3A_623 = vector.load %arg5[%swap3A_620, %swap3A_621, %swap3A_622] : memref<1x3448x64xf32, #tpu.memory_space<vmem>>, vector<1x812x64xf32>
    %swap3A_624 = vector.shape_cast %swap3A_623 : vector<1x812x64xf32> to vector<812x64xf32>
    %swap3A_625 = vector.shape_cast %max3A_619 : vector<812x64xf32> to vector<1x812x64xf32>
    tpu.vector_store %arg5[%swap3A_620, %swap3A_621, %swap3A_622], %swap3A_625 {strides = array<i32>} : memref<1x3448x64xf32, #tpu.memory_space<vmem>>, vector<1x812x64xf32>,
    %get3A_626 = arith.constant 0 : index
    %get3A_627 = arith.constant 65 : index
    %get3A_628 = arith.constant 0 : index
    %get3A_629 = vector.load %arg1[%get3A_626, %get3A_627, %get3A_628] : memref<1x3448x128xf32, #tpu.memory_space<vmem>>, vector<1x812x128xf32>
    %get3A_630 = vector.shape_cast %get3A_629 : vector<1x812x128xf32> to vector<812x128xf32>
    %get3A_631 = arith.constant 1 : index
    %get3A_632 = arith.constant 0 : index
    %get3A_633 = arith.constant 0 : index
    %get3A_634 = arith.constant 0 : index
    %get3A_635 = arith.constant 0 : index
    %get3A_636 = arith.constant 0 : index
    %get3A_637 = vector.load %arg2[%get3A_631, %get3A_632, %get3A_633, %get3A_634, %get3A_635, %get3A_636] : memref<2x2x2x2x128x64xf32, #tpu.memory_space<vmem>>, vector<1x1x1x1x128x64xf32>
    %get3A_638 = vector.shape_cast %get3A_637 : vector<1x1x1x1x128x64xf32> to vector<128x64xf32>
    %dot_general3A_639 = arith.constant dense<0.000000e+00> : vector<812x64xf32>
    %dot_general3A_640 = tpu.matmul %get3A_630, %get3A_638, %dot_general3A_639 {dimension_numbers = #tpu.dot_dimension_numbers<[1], [0], [0], [1], [0, 0, 1, 1], [], []>, transpose_lhs_hint = false} : vector<812x128xf32>, vector<128x64xf32>, vector<812x64xf32> -> vector<812x64xf32>
    %get3A_641 = arith.constant 0 : index
    %get3A_642 = arith.constant 66 : index
    %get3A_643 = arith.constant 0 : index
    %get3A_644 = vector.load %arg1[%get3A_641, %get3A_642, %get3A_643] : memref<1x3448x128xf32, #tpu.memory_space<vmem>>, vector<1x812x128xf32>
    %get3A_645 = vector.shape_cast %get3A_644 : vector<1x812x128xf32> to vector<812x128xf32>
    %get3A_646 = arith.constant 1 : index
    %get3A_647 = arith.constant 0 : index
    %get3A_648 = arith.constant 0 : index
    %get3A_649 = arith.constant 1 : index
    %get3A_650 = arith.constant 0 : index
    %get3A_651 = arith.constant 0 : index
    %get3A_652 = vector.load %arg2[%get3A_646, %get3A_647, %get3A_648, %get3A_649, %get3A_650, %get3A_651] : memref<2x2x2x2x128x64xf32, #tpu.memory_space<vmem>>, vector<1x1x1x1x128x64xf32>
    %get3A_653 = vector.shape_cast %get3A_652 : vector<1x1x1x1x128x64xf32> to vector<128x64xf32>
    %dot_general3A_654 = arith.constant dense<0.000000e+00> : vector<812x64xf32>
    %dot_general3A_655 = tpu.matmul %get3A_645, %get3A_653, %dot_general3A_654 {dimension_numbers = #tpu.dot_dimension_numbers<[1], [0], [0], [1], [0, 0, 1, 1], [], []>, transpose_lhs_hint = false} : vector<812x128xf32>, vector<128x64xf32>, vector<812x64xf32> -> vector<812x64xf32>
    %add3A_656 = arith.addf %dot_general3A_640, %dot_general3A_655 : vector<812x64xf32>
    %get3A_657 = arith.constant 0 : index
    %get3A_658 = arith.constant 123 : index
    %get3A_659 = arith.constant 0 : index
    %get3A_660 = vector.load %arg1[%get3A_657, %get3A_658, %get3A_659] : memref<1x3448x128xf32, #tpu.memory_space<vmem>>, vector<1x812x128xf32>
    %get3A_661 = vector.shape_cast %get3A_660 : vector<1x812x128xf32> to vector<812x128xf32>
    %get3A_662 = arith.constant 1 : index
    %get3A_663 = arith.constant 0 : index
    %get3A_664 = arith.constant 1 : index
    %get3A_665 = arith.constant 0 : index
    %get3A_666 = arith.constant 0 : index
    %get3A_667 = arith.constant 0 : index
    %get3A_668 = vector.load %arg2[%get3A_662, %get3A_663, %get3A_664, %get3A_665, %get3A_666, %get3A_667] : memref<2x2x2x2x128x64xf32, #tpu.memory_space<vmem>>, vector<1x1x1x1x128x64xf32>
    %get3A_669 = vector.shape_cast %get3A_668 : vector<1x1x1x1x128x64xf32> to vector<128x64xf32>
    %dot_general3A_670 = arith.constant dense<0.000000e+00> : vector<812x64xf32>
    %dot_general3A_671 = tpu.matmul %get3A_661, %get3A_669, %dot_general3A_670 {dimension_numbers = #tpu.dot_dimension_numbers<[1], [0], [0], [1], [0, 0, 1, 1], [], []>, transpose_lhs_hint = false} : vector<812x128xf32>, vector<128x64xf32>, vector<812x64xf32> -> vector<812x64xf32>
    %add3A_672 = arith.addf %add3A_656, %dot_general3A_671 : vector<812x64xf32>
    %get3A_673 = arith.constant 0 : index
    %get3A_674 = arith.constant 124 : index
    %get3A_675 = arith.constant 0 : index
    %get3A_676 = vector.load %arg1[%get3A_673, %get3A_674, %get3A_675] : memref<1x3448x128xf32, #tpu.memory_space<vmem>>, vector<1x812x128xf32>
    %get3A_677 = vector.shape_cast %get3A_676 : vector<1x812x128xf32> to vector<812x128xf32>
    %get3A_678 = arith.constant 1 : index
    %get3A_679 = arith.constant 0 : index
    %get3A_680 = arith.constant 1 : index
    %get3A_681 = arith.constant 1 : index
    %get3A_682 = arith.constant 0 : index
    %get3A_683 = arith.constant 0 : index
    %get3A_684 = vector.load %arg2[%get3A_678, %get3A_679, %get3A_680, %get3A_681, %get3A_682, %get3A_683] : memref<2x2x2x2x128x64xf32, #tpu.memory_space<vmem>>, vector<1x1x1x1x128x64xf32>
    %get3A_685 = vector.shape_cast %get3A_684 : vector<1x1x1x1x128x64xf32> to vector<128x64xf32>
    %dot_general3A_686 = arith.constant dense<0.000000e+00> : vector<812x64xf32>
    %dot_general3A_687 = tpu.matmul %get3A_677, %get3A_685, %dot_general3A_686 {dimension_numbers = #tpu.dot_dimension_numbers<[1], [0], [0], [1], [0, 0, 1, 1], [], []>, transpose_lhs_hint = false} : vector<812x128xf32>, vector<128x64xf32>, vector<812x64xf32> -> vector<812x64xf32>
    %add3A_688 = arith.addf %add3A_672, %dot_general3A_687 : vector<812x64xf32>
    %get3A_689 = arith.constant 0 : index
    %get3A_690 = arith.constant 0 : index
    %get3A_691 = vector.load %arg3[%get3A_689, %get3A_690] : memref<1x64xf32, #tpu.memory_space<vmem>>, vector<1x64xf32>
    %get3A_692 = vector.shape_cast %get3A_691 : vector<1x64xf32> to vector<64xf32>
    %broadcast_in_dim3A_693 = vector.shape_cast %get3A_692 : vector<64xf32> to vector<1x64xf32>
    %add3A_694 = vector.broadcast %broadcast_in_dim3A_693 : vector<1x64xf32> to vector<812x64xf32>
    %add3A_695 = arith.addf %add3A_688, %add3A_694 : vector<812x64xf32>
    %max3A_696 = arith.constant 0.000000e+00 : f32
    %max3A_697 = vector.broadcast %max3A_696 : f32 to vector<812x64xf32>
    %max3A_698 = arith.maximumf %add3A_695, %max3A_697 : vector<812x64xf32>
    %swap3A_699 = arith.constant 0 : index
    %swap3A_700 = arith.constant 66 : index
    %swap3A_701 = arith.constant 0 : index
    %swap3A_702 = vector.load %arg6[%swap3A_699, %swap3A_700, %swap3A_701] : memref<1x3448x64xf32, #tpu.memory_space<vmem>>, vector<1x812x64xf32>
    %swap3A_703 = vector.shape_cast %swap3A_702 : vector<1x812x64xf32> to vector<812x64xf32>
    %swap3A_704 = vector.shape_cast %max3A_698 : vector<812x64xf32> to vector<1x812x64xf32>
    tpu.vector_store %arg6[%swap3A_699, %swap3A_700, %swap3A_701], %swap3A_704 {strides = array<i32>} : memref<1x3448x64xf32, #tpu.memory_space<vmem>>, vector<1x812x64xf32>,
    %get3A_705 = arith.constant 0 : index
    %get3A_706 = arith.constant 877 : index
    %get3A_707 = arith.constant 0 : index
    %get3A_708 = vector.load %arg1[%get3A_705, %get3A_706, %get3A_707] : memref<1x3448x128xf32, #tpu.memory_space<vmem>>, vector<1x812x128xf32>
    %get3A_709 = vector.shape_cast %get3A_708 : vector<1x812x128xf32> to vector<812x128xf32>
    %get3A_710 = arith.constant 1 : index
    %get3A_711 = arith.constant 0 : index
    %get3A_712 = arith.constant 0 : index
    %get3A_713 = arith.constant 0 : index
    %get3A_714 = arith.constant 0 : index
    %get3A_715 = arith.constant 0 : index
    %get3A_716 = vector.load %arg2[%get3A_710, %get3A_711, %get3A_712, %get3A_713, %get3A_714, %get3A_715] : memref<2x2x2x2x128x64xf32, #tpu.memory_space<vmem>>, vector<1x1x1x1x128x64xf32>
    %get3A_717 = vector.shape_cast %get3A_716 : vector<1x1x1x1x128x64xf32> to vector<128x64xf32>
    %dot_general3A_718 = arith.constant dense<0.000000e+00> : vector<812x64xf32>
    %dot_general3A_719 = tpu.matmul %get3A_709, %get3A_717, %dot_general3A_718 {dimension_numbers = #tpu.dot_dimension_numbers<[1], [0], [0], [1], [0, 0, 1, 1], [], []>, transpose_lhs_hint = false} : vector<812x128xf32>, vector<128x64xf32>, vector<812x64xf32> -> vector<812x64xf32>
    %get3A_720 = arith.constant 0 : index
    %get3A_721 = arith.constant 878 : index
    %get3A_722 = arith.constant 0 : index
    %get3A_723 = vector.load %arg1[%get3A_720, %get3A_721, %get3A_722] : memref<1x3448x128xf32, #tpu.memory_space<vmem>>, vector<1x812x128xf32>
    %get3A_724 = vector.shape_cast %get3A_723 : vector<1x812x128xf32> to vector<812x128xf32>
    %get3A_725 = arith.constant 1 : index
    %get3A_726 = arith.constant 0 : index
    %get3A_727 = arith.constant 0 : index
    %get3A_728 = arith.constant 1 : index
    %get3A_729 = arith.constant 0 : index
    %get3A_730 = arith.constant 0 : index
    %get3A_731 = vector.load %arg2[%get3A_725, %get3A_726, %get3A_727, %get3A_728, %get3A_729, %get3A_730] : memref<2x2x2x2x128x64xf32, #tpu.memory_space<vmem>>, vector<1x1x1x1x128x64xf32>
    %get3A_732 = vector.shape_cast %get3A_731 : vector<1x1x1x1x128x64xf32> to vector<128x64xf32>
    %dot_general3A_733 = arith.constant dense<0.000000e+00> : vector<812x64xf32>
    %dot_general3A_734 = tpu.matmul %get3A_724, %get3A_732, %dot_general3A_733 {dimension_numbers = #tpu.dot_dimension_numbers<[1], [0], [0], [1], [0, 0, 1, 1], [], []>, transpose_lhs_hint = false} : vector<812x128xf32>, vector<128x64xf32>, vector<812x64xf32> -> vector<812x64xf32>
    %add3A_735 = arith.addf %dot_general3A_719, %dot_general3A_734 : vector<812x64xf32>
    %get3A_736 = arith.constant 0 : index
    %get3A_737 = arith.constant 935 : index
    %get3A_738 = arith.constant 0 : index
    %get3A_739 = vector.load %arg1[%get3A_736, %get3A_737, %get3A_738] : memref<1x3448x128xf32, #tpu.memory_space<vmem>>, vector<1x812x128xf32>
    %get3A_740 = vector.shape_cast %get3A_739 : vector<1x812x128xf32> to vector<812x128xf32>
    %get3A_741 = arith.constant 1 : index
    %get3A_742 = arith.constant 0 : index
    %get3A_743 = arith.constant 1 : index
    %get3A_744 = arith.constant 0 : index
    %get3A_745 = arith.constant 0 : index
    %get3A_746 = arith.constant 0 : index
    %get3A_747 = vector.load %arg2[%get3A_741, %get3A_742, %get3A_743, %get3A_744, %get3A_745, %get3A_746] : memref<2x2x2x2x128x64xf32, #tpu.memory_space<vmem>>, vector<1x1x1x1x128x64xf32>
    %get3A_748 = vector.shape_cast %get3A_747 : vector<1x1x1x1x128x64xf32> to vector<128x64xf32>
    %dot_general3A_749 = arith.constant dense<0.000000e+00> : vector<812x64xf32>
    %dot_general3A_750 = tpu.matmul %get3A_740, %get3A_748, %dot_general3A_749 {dimension_numbers = #tpu.dot_dimension_numbers<[1], [0], [0], [1], [0, 0, 1, 1], [], []>, transpose_lhs_hint = false} : vector<812x128xf32>, vector<128x64xf32>, vector<812x64xf32> -> vector<812x64xf32>
    %add3A_751 = arith.addf %add3A_735, %dot_general3A_750 : vector<812x64xf32>
    %get3A_752 = arith.constant 0 : index
    %get3A_753 = arith.constant 936 : index
    %get3A_754 = arith.constant 0 : index
    %get3A_755 = vector.load %arg1[%get3A_752, %get3A_753, %get3A_754] : memref<1x3448x128xf32, #tpu.memory_space<vmem>>, vector<1x812x128xf32>
    %get3A_756 = vector.shape_cast %get3A_755 : vector<1x812x128xf32> to vector<812x128xf32>
    %get3A_757 = arith.constant 1 : index
    %get3A_758 = arith.constant 0 : index
    %get3A_759 = arith.constant 1 : index
    %get3A_760 = arith.constant 1 : index
    %get3A_761 = arith.constant 0 : index
    %get3A_762 = arith.constant 0 : index
    %get3A_763 = vector.load %arg2[%get3A_757, %get3A_758, %get3A_759, %get3A_760, %get3A_761, %get3A_762] : memref<2x2x2x2x128x64xf32, #tpu.memory_space<vmem>>, vector<1x1x1x1x128x64xf32>
    %get3A_764 = vector.shape_cast %get3A_763 : vector<1x1x1x1x128x64xf32> to vector<128x64xf32>
    %dot_general3A_765 = arith.constant dense<0.000000e+00> : vector<812x64xf32>
    %dot_general3A_766 = tpu.matmul %get3A_756, %get3A_764, %dot_general3A_765 {dimension_numbers = #tpu.dot_dimension_numbers<[1], [0], [0], [1], [0, 0, 1, 1], [], []>, transpose_lhs_hint = false} : vector<812x128xf32>, vector<128x64xf32>, vector<812x64xf32> -> vector<812x64xf32>
    %add3A_767 = arith.addf %add3A_751, %dot_general3A_766 : vector<812x64xf32>
    %get3A_768 = arith.constant 0 : index
    %get3A_769 = arith.constant 0 : index
    %get3A_770 = vector.load %arg3[%get3A_768, %get3A_769] : memref<1x64xf32, #tpu.memory_space<vmem>>, vector<1x64xf32>
    %get3A_771 = vector.shape_cast %get3A_770 : vector<1x64xf32> to vector<64xf32>
    %broadcast_in_dim3A_772 = vector.shape_cast %get3A_771 : vector<64xf32> to vector<1x64xf32>
    %add3A_773 = vector.broadcast %broadcast_in_dim3A_772 : vector<1x64xf32> to vector<812x64xf32>
    %add3A_774 = arith.addf %add3A_767, %add3A_773 : vector<812x64xf32>
    %max3A_775 = arith.constant 0.000000e+00 : f32
    %max3A_776 = vector.broadcast %max3A_775 : f32 to vector<812x64xf32>
    %max3A_777 = arith.maximumf %add3A_774, %max3A_776 : vector<812x64xf32>
    %swap3A_778 = arith.constant 0 : index
    %swap3A_779 = arith.constant 878 : index
    %swap3A_780 = arith.constant 0 : index
    %swap3A_781 = vector.load %arg6[%swap3A_778, %swap3A_779, %swap3A_780] : memref<1x3448x64xf32, #tpu.memory_space<vmem>>, vector<1x812x64xf32>
    %swap3A_782 = vector.shape_cast %swap3A_781 : vector<1x812x64xf32> to vector<812x64xf32>
    %swap3A_783 = vector.shape_cast %max3A_777 : vector<812x64xf32> to vector<1x812x64xf32>
    tpu.vector_store %arg6[%swap3A_778, %swap3A_779, %swap3A_780], %swap3A_783 {strides = array<i32>} : memref<1x3448x64xf32, #tpu.memory_space<vmem>>, vector<1x812x64xf32>,
    %get3A_784 = arith.constant 0 : index
    %get3A_785 = arith.constant 1689 : index
    %get3A_786 = arith.constant 0 : index
    %get3A_787 = vector.load %arg1[%get3A_784, %get3A_785, %get3A_786] : memref<1x3448x128xf32, #tpu.memory_space<vmem>>, vector<1x812x128xf32>
    %get3A_788 = vector.shape_cast %get3A_787 : vector<1x812x128xf32> to vector<812x128xf32>
    %get3A_789 = arith.constant 1 : index
    %get3A_790 = arith.constant 0 : index
    %get3A_791 = arith.constant 0 : index
    %get3A_792 = arith.constant 0 : index
    %get3A_793 = arith.constant 0 : index
    %get3A_794 = arith.constant 0 : index
    %get3A_795 = vector.load %arg2[%get3A_789, %get3A_790, %get3A_791, %get3A_792, %get3A_793, %get3A_794] : memref<2x2x2x2x128x64xf32, #tpu.memory_space<vmem>>, vector<1x1x1x1x128x64xf32>
    %get3A_796 = vector.shape_cast %get3A_795 : vector<1x1x1x1x128x64xf32> to vector<128x64xf32>
    %dot_general3A_797 = arith.constant dense<0.000000e+00> : vector<812x64xf32>
    %dot_general3A_798 = tpu.matmul %get3A_788, %get3A_796, %dot_general3A_797 {dimension_numbers = #tpu.dot_dimension_numbers<[1], [0], [0], [1], [0, 0, 1, 1], [], []>, transpose_lhs_hint = false} : vector<812x128xf32>, vector<128x64xf32>, vector<812x64xf32> -> vector<812x64xf32>
    %get3A_799 = arith.constant 0 : index
    %get3A_800 = arith.constant 1690 : index
    %get3A_801 = arith.constant 0 : index
    %get3A_802 = vector.load %arg1[%get3A_799, %get3A_800, %get3A_801] : memref<1x3448x128xf32, #tpu.memory_space<vmem>>, vector<1x812x128xf32>
    %get3A_803 = vector.shape_cast %get3A_802 : vector<1x812x128xf32> to vector<812x128xf32>
    %get3A_804 = arith.constant 1 : index
    %get3A_805 = arith.constant 0 : index
    %get3A_806 = arith.constant 0 : index
    %get3A_807 = arith.constant 1 : index
    %get3A_808 = arith.constant 0 : index
    %get3A_809 = arith.constant 0 : index
    %get3A_810 = vector.load %arg2[%get3A_804, %get3A_805, %get3A_806, %get3A_807, %get3A_808, %get3A_809] : memref<2x2x2x2x128x64xf32, #tpu.memory_space<vmem>>, vector<1x1x1x1x128x64xf32>
    %get3A_811 = vector.shape_cast %get3A_810 : vector<1x1x1x1x128x64xf32> to vector<128x64xf32>
    %dot_general3A_812 = arith.constant dense<0.000000e+00> : vector<812x64xf32>
    %dot_general3A_813 = tpu.matmul %get3A_803, %get3A_811, %dot_general3A_812 {dimension_numbers = #tpu.dot_dimension_numbers<[1], [0], [0], [1], [0, 0, 1, 1], [], []>, transpose_lhs_hint = false} : vector<812x128xf32>, vector<128x64xf32>, vector<812x64xf32> -> vector<812x64xf32>
    %add3A_814 = arith.addf %dot_general3A_798, %dot_general3A_813 : vector<812x64xf32>
    %get3A_815 = arith.constant 0 : index
    %get3A_816 = arith.constant 1747 : index
    %get3A_817 = arith.constant 0 : index
    %get3A_818 = vector.load %arg1[%get3A_815, %get3A_816, %get3A_817] : memref<1x3448x128xf32, #tpu.memory_space<vmem>>, vector<1x812x128xf32>
    %get3A_819 = vector.shape_cast %get3A_818 : vector<1x812x128xf32> to vector<812x128xf32>
    %get3A_820 = arith.constant 1 : index
    %get3A_821 = arith.constant 0 : index
    %get3A_822 = arith.constant 1 : index
    %get3A_823 = arith.constant 0 : index
    %get3A_824 = arith.constant 0 : index
    %get3A_825 = arith.constant 0 : index
    %get3A_826 = vector.load %arg2[%get3A_820, %get3A_821, %get3A_822, %get3A_823, %get3A_824, %get3A_825] : memref<2x2x2x2x128x64xf32, #tpu.memory_space<vmem>>, vector<1x1x1x1x128x64xf32>
    %get3A_827 = vector.shape_cast %get3A_826 : vector<1x1x1x1x128x64xf32> to vector<128x64xf32>
    %dot_general3A_828 = arith.constant dense<0.000000e+00> : vector<812x64xf32>
    %dot_general3A_829 = tpu.matmul %get3A_819, %get3A_827, %dot_general3A_828 {dimension_numbers = #tpu.dot_dimension_numbers<[1], [0], [0], [1], [0, 0, 1, 1], [], []>, transpose_lhs_hint = false} : vector<812x128xf32>, vector<128x64xf32>, vector<812x64xf32> -> vector<812x64xf32>
    %add3A_830 = arith.addf %add3A_814, %dot_general3A_829 : vector<812x64xf32>
    %get3A_831 = arith.constant 0 : index
    %get3A_832 = arith.constant 1748 : index
    %get3A_833 = arith.constant 0 : index
    %get3A_834 = vector.load %arg1[%get3A_831, %get3A_832, %get3A_833] : memref<1x3448x128xf32, #tpu.memory_space<vmem>>, vector<1x812x128xf32>
    %get3A_835 = vector.shape_cast %get3A_834 : vector<1x812x128xf32> to vector<812x128xf32>
    %get3A_836 = arith.constant 1 : index
    %get3A_837 = arith.constant 0 : index
    %get3A_838 = arith.constant 1 : index
    %get3A_839 = arith.constant 1 : index
    %get3A_840 = arith.constant 0 : index
    %get3A_841 = arith.constant 0 : index
    %get3A_842 = vector.load %arg2[%get3A_836, %get3A_837, %get3A_838, %get3A_839, %get3A_840, %get3A_841] : memref<2x2x2x2x128x64xf32, #tpu.memory_space<vmem>>, vector<1x1x1x1x128x64xf32>
    %get3A_843 = vector.shape_cast %get3A_842 : vector<1x1x1x1x128x64xf32> to vector<128x64xf32>
    %dot_general3A_844 = arith.constant dense<0.000000e+00> : vector<812x64xf32>
    %dot_general3A_845 = tpu.matmul %get3A_835, %get3A_843, %dot_general3A_844 {dimension_numbers = #tpu.dot_dimension_numbers<[1], [0], [0], [1], [0, 0, 1, 1], [], []>, transpose_lhs_hint = false} : vector<812x128xf32>, vector<128x64xf32>, vector<812x64xf32> -> vector<812x64xf32>
    %add3A_846 = arith.addf %add3A_830, %dot_general3A_845 : vector<812x64xf32>
    %get3A_847 = arith.constant 0 : index
    %get3A_848 = arith.constant 0 : index
    %get3A_849 = vector.load %arg3[%get3A_847, %get3A_848] : memref<1x64xf32, #tpu.memory_space<vmem>>, vector<1x64xf32>
    %get3A_850 = vector.shape_cast %get3A_849 : vector<1x64xf32> to vector<64xf32>
    %broadcast_in_dim3A_851 = vector.shape_cast %get3A_850 : vector<64xf32> to vector<1x64xf32>
    %add3A_852 = vector.broadcast %broadcast_in_dim3A_851 : vector<1x64xf32> to vector<812x64xf32>
    %add3A_853 = arith.addf %add3A_846, %add3A_852 : vector<812x64xf32>
    %max3A_854 = arith.constant 0.000000e+00 : f32
    %max3A_855 = vector.broadcast %max3A_854 : f32 to vector<812x64xf32>
    %max3A_856 = arith.maximumf %add3A_853, %max3A_855 : vector<812x64xf32>
    %swap3A_857 = arith.constant 0 : index
    %swap3A_858 = arith.constant 1690 : index
    %swap3A_859 = arith.constant 0 : index
    %swap3A_860 = vector.load %arg6[%swap3A_857, %swap3A_858, %swap3A_859] : memref<1x3448x64xf32, #tpu.memory_space<vmem>>, vector<1x812x64xf32>
    %swap3A_861 = vector.shape_cast %swap3A_860 : vector<1x812x64xf32> to vector<812x64xf32>
    %swap3A_862 = vector.shape_cast %max3A_856 : vector<812x64xf32> to vector<1x812x64xf32>
    tpu.vector_store %arg6[%swap3A_857, %swap3A_858, %swap3A_859], %swap3A_862 {strides = array<i32>} : memref<1x3448x64xf32, #tpu.memory_space<vmem>>, vector<1x812x64xf32>,
    %get3A_863 = arith.constant 0 : index
    %get3A_864 = arith.constant 2501 : index
    %get3A_865 = arith.constant 0 : index
    %get3A_866 = vector.load %arg1[%get3A_863, %get3A_864, %get3A_865] : memref<1x3448x128xf32, #tpu.memory_space<vmem>>, vector<1x812x128xf32>
    %get3A_867 = vector.shape_cast %get3A_866 : vector<1x812x128xf32> to vector<812x128xf32>
    %get3A_868 = arith.constant 1 : index
    %get3A_869 = arith.constant 0 : index
    %get3A_870 = arith.constant 0 : index
    %get3A_871 = arith.constant 0 : index
    %get3A_872 = arith.constant 0 : index
    %get3A_873 = arith.constant 0 : index
    %get3A_874 = vector.load %arg2[%get3A_868, %get3A_869, %get3A_870, %get3A_871, %get3A_872, %get3A_873] : memref<2x2x2x2x128x64xf32, #tpu.memory_space<vmem>>, vector<1x1x1x1x128x64xf32>
    %get3A_875 = vector.shape_cast %get3A_874 : vector<1x1x1x1x128x64xf32> to vector<128x64xf32>
    %dot_general3A_876 = arith.constant dense<0.000000e+00> : vector<812x64xf32>
    %dot_general3A_877 = tpu.matmul %get3A_867, %get3A_875, %dot_general3A_876 {dimension_numbers = #tpu.dot_dimension_numbers<[1], [0], [0], [1], [0, 0, 1, 1], [], []>, transpose_lhs_hint = false} : vector<812x128xf32>, vector<128x64xf32>, vector<812x64xf32> -> vector<812x64xf32>
    %get3A_878 = arith.constant 0 : index
    %get3A_879 = arith.constant 2502 : index
    %get3A_880 = arith.constant 0 : index
    %get3A_881 = vector.load %arg1[%get3A_878, %get3A_879, %get3A_880] : memref<1x3448x128xf32, #tpu.memory_space<vmem>>, vector<1x812x128xf32>
    %get3A_882 = vector.shape_cast %get3A_881 : vector<1x812x128xf32> to vector<812x128xf32>
    %get3A_883 = arith.constant 1 : index
    %get3A_884 = arith.constant 0 : index
    %get3A_885 = arith.constant 0 : index
    %get3A_886 = arith.constant 1 : index
    %get3A_887 = arith.constant 0 : index
    %get3A_888 = arith.constant 0 : index
    %get3A_889 = vector.load %arg2[%get3A_883, %get3A_884, %get3A_885, %get3A_886, %get3A_887, %get3A_888] : memref<2x2x2x2x128x64xf32, #tpu.memory_space<vmem>>, vector<1x1x1x1x128x64xf32>
    %get3A_890 = vector.shape_cast %get3A_889 : vector<1x1x1x1x128x64xf32> to vector<128x64xf32>
    %dot_general3A_891 = arith.constant dense<0.000000e+00> : vector<812x64xf32>
    %dot_general3A_892 = tpu.matmul %get3A_882, %get3A_890, %dot_general3A_891 {dimension_numbers = #tpu.dot_dimension_numbers<[1], [0], [0], [1], [0, 0, 1, 1], [], []>, transpose_lhs_hint = false} : vector<812x128xf32>, vector<128x64xf32>, vector<812x64xf32> -> vector<812x64xf32>
    %add3A_893 = arith.addf %dot_general3A_877, %dot_general3A_892 : vector<812x64xf32>
    %get3A_894 = arith.constant 0 : index
    %get3A_895 = arith.constant 2559 : index
    %get3A_896 = arith.constant 0 : index
    %get3A_897 = vector.load %arg1[%get3A_894, %get3A_895, %get3A_896] : memref<1x3448x128xf32, #tpu.memory_space<vmem>>, vector<1x812x128xf32>
    %get3A_898 = vector.shape_cast %get3A_897 : vector<1x812x128xf32> to vector<812x128xf32>
    %get3A_899 = arith.constant 1 : index
    %get3A_900 = arith.constant 0 : index
    %get3A_901 = arith.constant 1 : index
    %get3A_902 = arith.constant 0 : index
    %get3A_903 = arith.constant 0 : index
    %get3A_904 = arith.constant 0 : index
    %get3A_905 = vector.load %arg2[%get3A_899, %get3A_900, %get3A_901, %get3A_902, %get3A_903, %get3A_904] : memref<2x2x2x2x128x64xf32, #tpu.memory_space<vmem>>, vector<1x1x1x1x128x64xf32>
    %get3A_906 = vector.shape_cast %get3A_905 : vector<1x1x1x1x128x64xf32> to vector<128x64xf32>
    %dot_general3A_907 = arith.constant dense<0.000000e+00> : vector<812x64xf32>
    %dot_general3A_908 = tpu.matmul %get3A_898, %get3A_906, %dot_general3A_907 {dimension_numbers = #tpu.dot_dimension_numbers<[1], [0], [0], [1], [0, 0, 1, 1], [], []>, transpose_lhs_hint = false} : vector<812x128xf32>, vector<128x64xf32>, vector<812x64xf32> -> vector<812x64xf32>
    %add3A_909 = arith.addf %add3A_893, %dot_general3A_908 : vector<812x64xf32>
    %get3A_910 = arith.constant 0 : index
    %get3A_911 = arith.constant 2560 : index
    %get3A_912 = arith.constant 0 : index
    %get3A_913 = vector.load %arg1[%get3A_910, %get3A_911, %get3A_912] : memref<1x3448x128xf32, #tpu.memory_space<vmem>>, vector<1x812x128xf32>
    %get3A_914 = vector.shape_cast %get3A_913 : vector<1x812x128xf32> to vector<812x128xf32>
    %get3A_915 = arith.constant 1 : index
    %get3A_916 = arith.constant 0 : index
    %get3A_917 = arith.constant 1 : index
    %get3A_918 = arith.constant 1 : index
    %get3A_919 = arith.constant 0 : index
    %get3A_920 = arith.constant 0 : index
    %get3A_921 = vector.load %arg2[%get3A_915, %get3A_916, %get3A_917, %get3A_918, %get3A_919, %get3A_920] : memref<2x2x2x2x128x64xf32, #tpu.memory_space<vmem>>, vector<1x1x1x1x128x64xf32>
    %get3A_922 = vector.shape_cast %get3A_921 : vector<1x1x1x1x128x64xf32> to vector<128x64xf32>
    %dot_general3A_923 = arith.constant dense<0.000000e+00> : vector<812x64xf32>
    %dot_general3A_924 = tpu.matmul %get3A_914, %get3A_922, %dot_general3A_923 {dimension_numbers = #tpu.dot_dimension_numbers<[1], [0], [0], [1], [0, 0, 1, 1], [], []>, transpose_lhs_hint = false} : vector<812x128xf32>, vector<128x64xf32>, vector<812x64xf32> -> vector<812x64xf32>
    %add3A_925 = arith.addf %add3A_909, %dot_general3A_924 : vector<812x64xf32>
    %get3A_926 = arith.constant 0 : index
    %get3A_927 = arith.constant 0 : index
    %get3A_928 = vector.load %arg3[%get3A_926, %get3A_927] : memref<1x64xf32, #tpu.memory_space<vmem>>, vector<1x64xf32>
    %get3A_929 = vector.shape_cast %get3A_928 : vector<1x64xf32> to vector<64xf32>
    %broadcast_in_dim3A_930 = vector.shape_cast %get3A_929 : vector<64xf32> to vector<1x64xf32>
    %add3A_931 = vector.broadcast %broadcast_in_dim3A_930 : vector<1x64xf32> to vector<812x64xf32>
    %add3A_932 = arith.addf %add3A_925, %add3A_931 : vector<812x64xf32>
    %max3A_933 = arith.constant 0.000000e+00 : f32
    %max3A_934 = vector.broadcast %max3A_933 : f32 to vector<812x64xf32>
    %max3A_935 = arith.maximumf %add3A_932, %max3A_934 : vector<812x64xf32>
    %swap3A_936 = arith.constant 0 : index
    %swap3A_937 = arith.constant 2502 : index
    %swap3A_938 = arith.constant 0 : index
    %swap3A_939 = vector.load %arg6[%swap3A_936, %swap3A_937, %swap3A_938] : memref<1x3448x64xf32, #tpu.memory_space<vmem>>, vector<1x812x64xf32>
    %swap3A_940 = vector.shape_cast %swap3A_939 : vector<1x812x64xf32> to vector<812x64xf32>
    %swap3A_941 = vector.shape_cast %max3A_935 : vector<812x64xf32> to vector<1x812x64xf32>
    tpu.vector_store %arg6[%swap3A_936, %swap3A_937, %swap3A_938], %swap3A_941 {strides = array<i32>} : memref<1x3448x64xf32, #tpu.memory_space<vmem>>, vector<1x812x64xf32>,
    %get3A_942 = arith.constant 0 : index
    %get3A_943 = arith.constant 66 : index
    %get3A_944 = arith.constant 0 : index
    %get3A_945 = vector.load %arg1[%get3A_942, %get3A_943, %get3A_944] : memref<1x3448x128xf32, #tpu.memory_space<vmem>>, vector<1x812x128xf32>
    %get3A_946 = vector.shape_cast %get3A_945 : vector<1x812x128xf32> to vector<812x128xf32>
    %get3A_947 = arith.constant 1 : index
    %get3A_948 = arith.constant 1 : index
    %get3A_949 = arith.constant 0 : index
    %get3A_950 = arith.constant 0 : index
    %get3A_951 = arith.constant 0 : index
    %get3A_952 = arith.constant 0 : index
    %get3A_953 = vector.load %arg2[%get3A_947, %get3A_948, %get3A_949, %get3A_950, %get3A_951, %get3A_952] : memref<2x2x2x2x128x64xf32, #tpu.memory_space<vmem>>, vector<1x1x1x1x128x64xf32>
    %get3A_954 = vector.shape_cast %get3A_953 : vector<1x1x1x1x128x64xf32> to vector<128x64xf32>
    %dot_general3A_955 = arith.constant dense<0.000000e+00> : vector<812x64xf32>
    %dot_general3A_956 = tpu.matmul %get3A_946, %get3A_954, %dot_general3A_955 {dimension_numbers = #tpu.dot_dimension_numbers<[1], [0], [0], [1], [0, 0, 1, 1], [], []>, transpose_lhs_hint = false} : vector<812x128xf32>, vector<128x64xf32>, vector<812x64xf32> -> vector<812x64xf32>
    %get3A_957 = arith.constant 0 : index
    %get3A_958 = arith.constant 67 : index
    %get3A_959 = arith.constant 0 : index
    %get3A_960 = vector.load %arg1[%get3A_957, %get3A_958, %get3A_959] : memref<1x3448x128xf32, #tpu.memory_space<vmem>>, vector<1x812x128xf32>
    %get3A_961 = vector.shape_cast %get3A_960 : vector<1x812x128xf32> to vector<812x128xf32>
    %get3A_962 = arith.constant 1 : index
    %get3A_963 = arith.constant 1 : index
    %get3A_964 = arith.constant 0 : index
    %get3A_965 = arith.constant 1 : index
    %get3A_966 = arith.constant 0 : index
    %get3A_967 = arith.constant 0 : index
    %get3A_968 = vector.load %arg2[%get3A_962, %get3A_963, %get3A_964, %get3A_965, %get3A_966, %get3A_967] : memref<2x2x2x2x128x64xf32, #tpu.memory_space<vmem>>, vector<1x1x1x1x128x64xf32>
    %get3A_969 = vector.shape_cast %get3A_968 : vector<1x1x1x1x128x64xf32> to vector<128x64xf32>
    %dot_general3A_970 = arith.constant dense<0.000000e+00> : vector<812x64xf32>
    %dot_general3A_971 = tpu.matmul %get3A_961, %get3A_969, %dot_general3A_970 {dimension_numbers = #tpu.dot_dimension_numbers<[1], [0], [0], [1], [0, 0, 1, 1], [], []>, transpose_lhs_hint = false} : vector<812x128xf32>, vector<128x64xf32>, vector<812x64xf32> -> vector<812x64xf32>
    %add3A_972 = arith.addf %dot_general3A_956, %dot_general3A_971 : vector<812x64xf32>
    %get3A_973 = arith.constant 0 : index
    %get3A_974 = arith.constant 124 : index
    %get3A_975 = arith.constant 0 : index
    %get3A_976 = vector.load %arg1[%get3A_973, %get3A_974, %get3A_975] : memref<1x3448x128xf32, #tpu.memory_space<vmem>>, vector<1x812x128xf32>
    %get3A_977 = vector.shape_cast %get3A_976 : vector<1x812x128xf32> to vector<812x128xf32>
    %get3A_978 = arith.constant 1 : index
    %get3A_979 = arith.constant 1 : index
    %get3A_980 = arith.constant 1 : index
    %get3A_981 = arith.constant 0 : index
    %get3A_982 = arith.constant 0 : index
    %get3A_983 = arith.constant 0 : index
    %get3A_984 = vector.load %arg2[%get3A_978, %get3A_979, %get3A_980, %get3A_981, %get3A_982, %get3A_983] : memref<2x2x2x2x128x64xf32, #tpu.memory_space<vmem>>, vector<1x1x1x1x128x64xf32>
    %get3A_985 = vector.shape_cast %get3A_984 : vector<1x1x1x1x128x64xf32> to vector<128x64xf32>
    %dot_general3A_986 = arith.constant dense<0.000000e+00> : vector<812x64xf32>
    %dot_general3A_987 = tpu.matmul %get3A_977, %get3A_985, %dot_general3A_986 {dimension_numbers = #tpu.dot_dimension_numbers<[1], [0], [0], [1], [0, 0, 1, 1], [], []>, transpose_lhs_hint = false} : vector<812x128xf32>, vector<128x64xf32>, vector<812x64xf32> -> vector<812x64xf32>
    %add3A_988 = arith.addf %add3A_972, %dot_general3A_987 : vector<812x64xf32>
    %get3A_989 = arith.constant 0 : index
    %get3A_990 = arith.constant 125 : index
    %get3A_991 = arith.constant 0 : index
    %get3A_992 = vector.load %arg1[%get3A_989, %get3A_990, %get3A_991] : memref<1x3448x128xf32, #tpu.memory_space<vmem>>, vector<1x812x128xf32>
    %get3A_993 = vector.shape_cast %get3A_992 : vector<1x812x128xf32> to vector<812x128xf32>
    %get3A_994 = arith.constant 1 : index
    %get3A_995 = arith.constant 1 : index
    %get3A_996 = arith.constant 1 : index
    %get3A_997 = arith.constant 1 : index
    %get3A_998 = arith.constant 0 : index
    %get3A_999 = arith.constant 0 : index
    %get3A_1000 = vector.load %arg2[%get3A_994, %get3A_995, %get3A_996, %get3A_997, %get3A_998, %get3A_999] : memref<2x2x2x2x128x64xf32, #tpu.memory_space<vmem>>, vector<1x1x1x1x128x64xf32>
    %get3A_1001 = vector.shape_cast %get3A_1000 : vector<1x1x1x1x128x64xf32> to vector<128x64xf32>
    %dot_general3A_1002 = arith.constant dense<0.000000e+00> : vector<812x64xf32>
    %dot_general3A_1003 = tpu.matmul %get3A_993, %get3A_1001, %dot_general3A_1002 {dimension_numbers = #tpu.dot_dimension_numbers<[1], [0], [0], [1], [0, 0, 1, 1], [], []>, transpose_lhs_hint = false} : vector<812x128xf32>, vector<128x64xf32>, vector<812x64xf32> -> vector<812x64xf32>
    %add3A_1004 = arith.addf %add3A_988, %dot_general3A_1003 : vector<812x64xf32>
    %get3A_1005 = arith.constant 0 : index
    %get3A_1006 = arith.constant 0 : index
    %get3A_1007 = vector.load %arg3[%get3A_1005, %get3A_1006] : memref<1x64xf32, #tpu.memory_space<vmem>>, vector<1x64xf32>
    %get3A_1008 = vector.shape_cast %get3A_1007 : vector<1x64xf32> to vector<64xf32>
    %broadcast_in_dim3A_1009 = vector.shape_cast %get3A_1008 : vector<64xf32> to vector<1x64xf32>
    %add3A_1010 = vector.broadcast %broadcast_in_dim3A_1009 : vector<1x64xf32> to vector<812x64xf32>
    %add3A_1011 = arith.addf %add3A_1004, %add3A_1010 : vector<812x64xf32>
    %max3A_1012 = arith.constant 0.000000e+00 : f32
    %max3A_1013 = vector.broadcast %max3A_1012 : f32 to vector<812x64xf32>
    %max3A_1014 = arith.maximumf %add3A_1011, %max3A_1013 : vector<812x64xf32>
    %swap3A_1015 = arith.constant 0 : index
    %swap3A_1016 = arith.constant 66 : index
    %swap3A_1017 = arith.constant 0 : index
    %swap3A_1018 = vector.load %arg7[%swap3A_1015, %swap3A_1016, %swap3A_1017] : memref<1x3448x64xf32, #tpu.memory_space<vmem>>, vector<1x812x64xf32>
    %swap3A_1019 = vector.shape_cast %swap3A_1018 : vector<1x812x64xf32> to vector<812x64xf32>
    %swap3A_1020 = vector.shape_cast %max3A_1014 : vector<812x64xf32> to vector<1x812x64xf32>
    tpu.vector_store %arg7[%swap3A_1015, %swap3A_1016, %swap3A_1017], %swap3A_1020 {strides = array<i32>} : memref<1x3448x64xf32, #tpu.memory_space<vmem>>, vector<1x812x64xf32>,
    %get3A_1021 = arith.constant 0 : index
    %get3A_1022 = arith.constant 878 : index
    %get3A_1023 = arith.constant 0 : index
    %get3A_1024 = vector.load %arg1[%get3A_1021, %get3A_1022, %get3A_1023] : memref<1x3448x128xf32, #tpu.memory_space<vmem>>, vector<1x812x128xf32>
    %get3A_1025 = vector.shape_cast %get3A_1024 : vector<1x812x128xf32> to vector<812x128xf32>
    %get3A_1026 = arith.constant 1 : index
    %get3A_1027 = arith.constant 1 : index
    %get3A_1028 = arith.constant 0 : index
    %get3A_1029 = arith.constant 0 : index
    %get3A_1030 = arith.constant 0 : index
    %get3A_1031 = arith.constant 0 : index
    %get3A_1032 = vector.load %arg2[%get3A_1026, %get3A_1027, %get3A_1028, %get3A_1029, %get3A_1030, %get3A_1031] : memref<2x2x2x2x128x64xf32, #tpu.memory_space<vmem>>, vector<1x1x1x1x128x64xf32>
    %get3A_1033 = vector.shape_cast %get3A_1032 : vector<1x1x1x1x128x64xf32> to vector<128x64xf32>
    %dot_general3A_1034 = arith.constant dense<0.000000e+00> : vector<812x64xf32>
    %dot_general3A_1035 = tpu.matmul %get3A_1025, %get3A_1033, %dot_general3A_1034 {dimension_numbers = #tpu.dot_dimension_numbers<[1], [0], [0], [1], [0, 0, 1, 1], [], []>, transpose_lhs_hint = false} : vector<812x128xf32>, vector<128x64xf32>, vector<812x64xf32> -> vector<812x64xf32>
    %get3A_1036 = arith.constant 0 : index
    %get3A_1037 = arith.constant 879 : index
    %get3A_1038 = arith.constant 0 : index
    %get3A_1039 = vector.load %arg1[%get3A_1036, %get3A_1037, %get3A_1038] : memref<1x3448x128xf32, #tpu.memory_space<vmem>>, vector<1x812x128xf32>
    %get3A_1040 = vector.shape_cast %get3A_1039 : vector<1x812x128xf32> to vector<812x128xf32>
    %get3A_1041 = arith.constant 1 : index
    %get3A_1042 = arith.constant 1 : index
    %get3A_1043 = arith.constant 0 : index
    %get3A_1044 = arith.constant 1 : index
    %get3A_1045 = arith.constant 0 : index
    %get3A_1046 = arith.constant 0 : index
    %get3A_1047 = vector.load %arg2[%get3A_1041, %get3A_1042, %get3A_1043, %get3A_1044, %get3A_1045, %get3A_1046] : memref<2x2x2x2x128x64xf32, #tpu.memory_space<vmem>>, vector<1x1x1x1x128x64xf32>
    %get3A_1048 = vector.shape_cast %get3A_1047 : vector<1x1x1x1x128x64xf32> to vector<128x64xf32>
    %dot_general3A_1049 = arith.constant dense<0.000000e+00> : vector<812x64xf32>
    %dot_general3A_1050 = tpu.matmul %get3A_1040, %get3A_1048, %dot_general3A_1049 {dimension_numbers = #tpu.dot_dimension_numbers<[1], [0], [0], [1], [0, 0, 1, 1], [], []>, transpose_lhs_hint = false} : vector<812x128xf32>, vector<128x64xf32>, vector<812x64xf32> -> vector<812x64xf32>
    %add3A_1051 = arith.addf %dot_general3A_1035, %dot_general3A_1050 : vector<812x64xf32>
    %get3A_1052 = arith.constant 0 : index
    %get3A_1053 = arith.constant 936 : index
    %get3A_1054 = arith.constant 0 : index
    %get3A_1055 = vector.load %arg1[%get3A_1052, %get3A_1053, %get3A_1054] : memref<1x3448x128xf32, #tpu.memory_space<vmem>>, vector<1x812x128xf32>
    %get3A_1056 = vector.shape_cast %get3A_1055 : vector<1x812x128xf32> to vector<812x128xf32>
    %get3A_1057 = arith.constant 1 : index
    %get3A_1058 = arith.constant 1 : index
    %get3A_1059 = arith.constant 1 : index
    %get3A_1060 = arith.constant 0 : index
    %get3A_1061 = arith.constant 0 : index
    %get3A_1062 = arith.constant 0 : index
    %get3A_1063 = vector.load %arg2[%get3A_1057, %get3A_1058, %get3A_1059, %get3A_1060, %get3A_1061, %get3A_1062] : memref<2x2x2x2x128x64xf32, #tpu.memory_space<vmem>>, vector<1x1x1x1x128x64xf32>
    %get3A_1064 = vector.shape_cast %get3A_1063 : vector<1x1x1x1x128x64xf32> to vector<128x64xf32>
    %dot_general3A_1065 = arith.constant dense<0.000000e+00> : vector<812x64xf32>
    %dot_general3A_1066 = tpu.matmul %get3A_1056, %get3A_1064, %dot_general3A_1065 {dimension_numbers = #tpu.dot_dimension_numbers<[1], [0], [0], [1], [0, 0, 1, 1], [], []>, transpose_lhs_hint = false} : vector<812x128xf32>, vector<128x64xf32>, vector<812x64xf32> -> vector<812x64xf32>
    %add3A_1067 = arith.addf %add3A_1051, %dot_general3A_1066 : vector<812x64xf32>
    %get3A_1068 = arith.constant 0 : index
    %get3A_1069 = arith.constant 937 : index
    %get3A_1070 = arith.constant 0 : index
    %get3A_1071 = vector.load %arg1[%get3A_1068, %get3A_1069, %get3A_1070] : memref<1x3448x128xf32, #tpu.memory_space<vmem>>, vector<1x812x128xf32>
    %get3A_1072 = vector.shape_cast %get3A_1071 : vector<1x812x128xf32> to vector<812x128xf32>
    %get3A_1073 = arith.constant 1 : index
    %get3A_1074 = arith.constant 1 : index
    %get3A_1075 = arith.constant 1 : index
    %get3A_1076 = arith.constant 1 : index
    %get3A_1077 = arith.constant 0 : index
    %get3A_1078 = arith.constant 0 : index
    %get3A_1079 = vector.load %arg2[%get3A_1073, %get3A_1074, %get3A_1075, %get3A_1076, %get3A_1077, %get3A_1078] : memref<2x2x2x2x128x64xf32, #tpu.memory_space<vmem>>, vector<1x1x1x1x128x64xf32>
    %get3A_1080 = vector.shape_cast %get3A_1079 : vector<1x1x1x1x128x64xf32> to vector<128x64xf32>
    %dot_general3A_1081 = arith.constant dense<0.000000e+00> : vector<812x64xf32>
    %dot_general3A_1082 = tpu.matmul %get3A_1072, %get3A_1080, %dot_general3A_1081 {dimension_numbers = #tpu.dot_dimension_numbers<[1], [0], [0], [1], [0, 0, 1, 1], [], []>, transpose_lhs_hint = false} : vector<812x128xf32>, vector<128x64xf32>, vector<812x64xf32> -> vector<812x64xf32>
    %add3A_1083 = arith.addf %add3A_1067, %dot_general3A_1082 : vector<812x64xf32>
    %get3A_1084 = arith.constant 0 : index
    %get3A_1085 = arith.constant 0 : index
    %get3A_1086 = vector.load %arg3[%get3A_1084, %get3A_1085] : memref<1x64xf32, #tpu.memory_space<vmem>>, vector<1x64xf32>
    %get3A_1087 = vector.shape_cast %get3A_1086 : vector<1x64xf32> to vector<64xf32>
    %broadcast_in_dim3A_1088 = vector.shape_cast %get3A_1087 : vector<64xf32> to vector<1x64xf32>
    %add3A_1089 = vector.broadcast %broadcast_in_dim3A_1088 : vector<1x64xf32> to vector<812x64xf32>
    %add3A_1090 = arith.addf %add3A_1083, %add3A_1089 : vector<812x64xf32>
    %max3A_1091 = arith.constant 0.000000e+00 : f32
    %max3A_1092 = vector.broadcast %max3A_1091 : f32 to vector<812x64xf32>
    %max3A_1093 = arith.maximumf %add3A_1090, %max3A_1092 : vector<812x64xf32>
    %swap3A_1094 = arith.constant 0 : index
    %swap3A_1095 = arith.constant 878 : index
    %swap3A_1096 = arith.constant 0 : index
    %swap3A_1097 = vector.load %arg7[%swap3A_1094, %swap3A_1095, %swap3A_1096] : memref<1x3448x64xf32, #tpu.memory_space<vmem>>, vector<1x812x64xf32>
    %swap3A_1098 = vector.shape_cast %swap3A_1097 : vector<1x812x64xf32> to vector<812x64xf32>
    %swap3A_1099 = vector.shape_cast %max3A_1093 : vector<812x64xf32> to vector<1x812x64xf32>
    tpu.vector_store %arg7[%swap3A_1094, %swap3A_1095, %swap3A_1096], %swap3A_1099 {strides = array<i32>} : memref<1x3448x64xf32, #tpu.memory_space<vmem>>, vector<1x812x64xf32>,
    %get3A_1100 = arith.constant 0 : index
    %get3A_1101 = arith.constant 1690 : index
    %get3A_1102 = arith.constant 0 : index
    %get3A_1103 = vector.load %arg1[%get3A_1100, %get3A_1101, %get3A_1102] : memref<1x3448x128xf32, #tpu.memory_space<vmem>>, vector<1x812x128xf32>
    %get3A_1104 = vector.shape_cast %get3A_1103 : vector<1x812x128xf32> to vector<812x128xf32>
    %get3A_1105 = arith.constant 1 : index
    %get3A_1106 = arith.constant 1 : index
    %get3A_1107 = arith.constant 0 : index
    %get3A_1108 = arith.constant 0 : index
    %get3A_1109 = arith.constant 0 : index
    %get3A_1110 = arith.constant 0 : index
    %get3A_1111 = vector.load %arg2[%get3A_1105, %get3A_1106, %get3A_1107, %get3A_1108, %get3A_1109, %get3A_1110] : memref<2x2x2x2x128x64xf32, #tpu.memory_space<vmem>>, vector<1x1x1x1x128x64xf32>
    %get3A_1112 = vector.shape_cast %get3A_1111 : vector<1x1x1x1x128x64xf32> to vector<128x64xf32>
    %dot_general3A_1113 = arith.constant dense<0.000000e+00> : vector<812x64xf32>
    %dot_general3A_1114 = tpu.matmul %get3A_1104, %get3A_1112, %dot_general3A_1113 {dimension_numbers = #tpu.dot_dimension_numbers<[1], [0], [0], [1], [0, 0, 1, 1], [], []>, transpose_lhs_hint = false} : vector<812x128xf32>, vector<128x64xf32>, vector<812x64xf32> -> vector<812x64xf32>
    %get3A_1115 = arith.constant 0 : index
    %get3A_1116 = arith.constant 1691 : index
    %get3A_1117 = arith.constant 0 : index
    %get3A_1118 = vector.load %arg1[%get3A_1115, %get3A_1116, %get3A_1117] : memref<1x3448x128xf32, #tpu.memory_space<vmem>>, vector<1x812x128xf32>
    %get3A_1119 = vector.shape_cast %get3A_1118 : vector<1x812x128xf32> to vector<812x128xf32>
    %get3A_1120 = arith.constant 1 : index
    %get3A_1121 = arith.constant 1 : index
    %get3A_1122 = arith.constant 0 : index
    %get3A_1123 = arith.constant 1 : index
    %get3A_1124 = arith.constant 0 : index
    %get3A_1125 = arith.constant 0 : index
    %get3A_1126 = vector.load %arg2[%get3A_1120, %get3A_1121, %get3A_1122, %get3A_1123, %get3A_1124, %get3A_1125] : memref<2x2x2x2x128x64xf32, #tpu.memory_space<vmem>>, vector<1x1x1x1x128x64xf32>
    %get3A_1127 = vector.shape_cast %get3A_1126 : vector<1x1x1x1x128x64xf32> to vector<128x64xf32>
    %dot_general3A_1128 = arith.constant dense<0.000000e+00> : vector<812x64xf32>
    %dot_general3A_1129 = tpu.matmul %get3A_1119, %get3A_1127, %dot_general3A_1128 {dimension_numbers = #tpu.dot_dimension_numbers<[1], [0], [0], [1], [0, 0, 1, 1], [], []>, transpose_lhs_hint = false} : vector<812x128xf32>, vector<128x64xf32>, vector<812x64xf32> -> vector<812x64xf32>
    %add3A_1130 = arith.addf %dot_general3A_1114, %dot_general3A_1129 : vector<812x64xf32>
    %get3A_1131 = arith.constant 0 : index
    %get3A_1132 = arith.constant 1748 : index
    %get3A_1133 = arith.constant 0 : index
    %get3A_1134 = vector.load %arg1[%get3A_1131, %get3A_1132, %get3A_1133] : memref<1x3448x128xf32, #tpu.memory_space<vmem>>, vector<1x812x128xf32>
    %get3A_1135 = vector.shape_cast %get3A_1134 : vector<1x812x128xf32> to vector<812x128xf32>
    %get3A_1136 = arith.constant 1 : index
    %get3A_1137 = arith.constant 1 : index
    %get3A_1138 = arith.constant 1 : index
    %get3A_1139 = arith.constant 0 : index
    %get3A_1140 = arith.constant 0 : index
    %get3A_1141 = arith.constant 0 : index
    %get3A_1142 = vector.load %arg2[%get3A_1136, %get3A_1137, %get3A_1138, %get3A_1139, %get3A_1140, %get3A_1141] : memref<2x2x2x2x128x64xf32, #tpu.memory_space<vmem>>, vector<1x1x1x1x128x64xf32>
    %get3A_1143 = vector.shape_cast %get3A_1142 : vector<1x1x1x1x128x64xf32> to vector<128x64xf32>
    %dot_general3A_1144 = arith.constant dense<0.000000e+00> : vector<812x64xf32>
    %dot_general3A_1145 = tpu.matmul %get3A_1135, %get3A_1143, %dot_general3A_1144 {dimension_numbers = #tpu.dot_dimension_numbers<[1], [0], [0], [1], [0, 0, 1, 1], [], []>, transpose_lhs_hint = false} : vector<812x128xf32>, vector<128x64xf32>, vector<812x64xf32> -> vector<812x64xf32>
    %add3A_1146 = arith.addf %add3A_1130, %dot_general3A_1145 : vector<812x64xf32>
    %get3A_1147 = arith.constant 0 : index
    %get3A_1148 = arith.constant 1749 : index
    %get3A_1149 = arith.constant 0 : index
    %get3A_1150 = vector.load %arg1[%get3A_1147, %get3A_1148, %get3A_1149] : memref<1x3448x128xf32, #tpu.memory_space<vmem>>, vector<1x812x128xf32>
    %get3A_1151 = vector.shape_cast %get3A_1150 : vector<1x812x128xf32> to vector<812x128xf32>
    %get3A_1152 = arith.constant 1 : index
    %get3A_1153 = arith.constant 1 : index
    %get3A_1154 = arith.constant 1 : index
    %get3A_1155 = arith.constant 1 : index
    %get3A_1156 = arith.constant 0 : index
    %get3A_1157 = arith.constant 0 : index
    %get3A_1158 = vector.load %arg2[%get3A_1152, %get3A_1153, %get3A_1154, %get3A_1155, %get3A_1156, %get3A_1157] : memref<2x2x2x2x128x64xf32, #tpu.memory_space<vmem>>, vector<1x1x1x1x128x64xf32>
    %get3A_1159 = vector.shape_cast %get3A_1158 : vector<1x1x1x1x128x64xf32> to vector<128x64xf32>
    %dot_general3A_1160 = arith.constant dense<0.000000e+00> : vector<812x64xf32>
    %dot_general3A_1161 = tpu.matmul %get3A_1151, %get3A_1159, %dot_general3A_1160 {dimension_numbers = #tpu.dot_dimension_numbers<[1], [0], [0], [1], [0, 0, 1, 1], [], []>, transpose_lhs_hint = false} : vector<812x128xf32>, vector<128x64xf32>, vector<812x64xf32> -> vector<812x64xf32>
    %add3A_1162 = arith.addf %add3A_1146, %dot_general3A_1161 : vector<812x64xf32>
    %get3A_1163 = arith.constant 0 : index
    %get3A_1164 = arith.constant 0 : index
    %get3A_1165 = vector.load %arg3[%get3A_1163, %get3A_1164] : memref<1x64xf32, #tpu.memory_space<vmem>>, vector<1x64xf32>
    %get3A_1166 = vector.shape_cast %get3A_1165 : vector<1x64xf32> to vector<64xf32>
    %broadcast_in_dim3A_1167 = vector.shape_cast %get3A_1166 : vector<64xf32> to vector<1x64xf32>
    %add3A_1168 = vector.broadcast %broadcast_in_dim3A_1167 : vector<1x64xf32> to vector<812x64xf32>
    %add3A_1169 = arith.addf %add3A_1162, %add3A_1168 : vector<812x64xf32>
    %max3A_1170 = arith.constant 0.000000e+00 : f32
    %max3A_1171 = vector.broadcast %max3A_1170 : f32 to vector<812x64xf32>
    %max3A_1172 = arith.maximumf %add3A_1169, %max3A_1171 : vector<812x64xf32>
    %swap3A_1173 = arith.constant 0 : index
    %swap3A_1174 = arith.constant 1690 : index
    %swap3A_1175 = arith.constant 0 : index
    %swap3A_1176 = vector.load %arg7[%swap3A_1173, %swap3A_1174, %swap3A_1175] : memref<1x3448x64xf32, #tpu.memory_space<vmem>>, vector<1x812x64xf32>
    %swap3A_1177 = vector.shape_cast %swap3A_1176 : vector<1x812x64xf32> to vector<812x64xf32>
    %swap3A_1178 = vector.shape_cast %max3A_1172 : vector<812x64xf32> to vector<1x812x64xf32>
    tpu.vector_store %arg7[%swap3A_1173, %swap3A_1174, %swap3A_1175], %swap3A_1178 {strides = array<i32>} : memref<1x3448x64xf32, #tpu.memory_space<vmem>>, vector<1x812x64xf32>,
    %get3A_1179 = arith.constant 0 : index
    %get3A_1180 = arith.constant 2502 : index
    %get3A_1181 = arith.constant 0 : index
    %get3A_1182 = vector.load %arg1[%get3A_1179, %get3A_1180, %get3A_1181] : memref<1x3448x128xf32, #tpu.memory_space<vmem>>, vector<1x812x128xf32>
    %get3A_1183 = vector.shape_cast %get3A_1182 : vector<1x812x128xf32> to vector<812x128xf32>
    %get3A_1184 = arith.constant 1 : index
    %get3A_1185 = arith.constant 1 : index
    %get3A_1186 = arith.constant 0 : index
    %get3A_1187 = arith.constant 0 : index
    %get3A_1188 = arith.constant 0 : index
    %get3A_1189 = arith.constant 0 : index
    %get3A_1190 = vector.load %arg2[%get3A_1184, %get3A_1185, %get3A_1186, %get3A_1187, %get3A_1188, %get3A_1189] : memref<2x2x2x2x128x64xf32, #tpu.memory_space<vmem>>, vector<1x1x1x1x128x64xf32>
    %get3A_1191 = vector.shape_cast %get3A_1190 : vector<1x1x1x1x128x64xf32> to vector<128x64xf32>
    %dot_general3A_1192 = arith.constant dense<0.000000e+00> : vector<812x64xf32>
    %dot_general3A_1193 = tpu.matmul %get3A_1183, %get3A_1191, %dot_general3A_1192 {dimension_numbers = #tpu.dot_dimension_numbers<[1], [0], [0], [1], [0, 0, 1, 1], [], []>, transpose_lhs_hint = false} : vector<812x128xf32>, vector<128x64xf32>, vector<812x64xf32> -> vector<812x64xf32>
    %get3A_1194 = arith.constant 0 : index
    %get3A_1195 = arith.constant 2503 : index
    %get3A_1196 = arith.constant 0 : index
    %get3A_1197 = vector.load %arg1[%get3A_1194, %get3A_1195, %get3A_1196] : memref<1x3448x128xf32, #tpu.memory_space<vmem>>, vector<1x812x128xf32>
    %get3A_1198 = vector.shape_cast %get3A_1197 : vector<1x812x128xf32> to vector<812x128xf32>
    %get3A_1199 = arith.constant 1 : index
    %get3A_1200 = arith.constant 1 : index
    %get3A_1201 = arith.constant 0 : index
    %get3A_1202 = arith.constant 1 : index
    %get3A_1203 = arith.constant 0 : index
    %get3A_1204 = arith.constant 0 : index
    %get3A_1205 = vector.load %arg2[%get3A_1199, %get3A_1200, %get3A_1201, %get3A_1202, %get3A_1203, %get3A_1204] : memref<2x2x2x2x128x64xf32, #tpu.memory_space<vmem>>, vector<1x1x1x1x128x64xf32>
    %get3A_1206 = vector.shape_cast %get3A_1205 : vector<1x1x1x1x128x64xf32> to vector<128x64xf32>
    %dot_general3A_1207 = arith.constant dense<0.000000e+00> : vector<812x64xf32>
    %dot_general3A_1208 = tpu.matmul %get3A_1198, %get3A_1206, %dot_general3A_1207 {dimension_numbers = #tpu.dot_dimension_numbers<[1], [0], [0], [1], [0, 0, 1, 1], [], []>, transpose_lhs_hint = false} : vector<812x128xf32>, vector<128x64xf32>, vector<812x64xf32> -> vector<812x64xf32>
    %add3A_1209 = arith.addf %dot_general3A_1193, %dot_general3A_1208 : vector<812x64xf32>
    %get3A_1210 = arith.constant 0 : index
    %get3A_1211 = arith.constant 2560 : index
    %get3A_1212 = arith.constant 0 : index
    %get3A_1213 = vector.load %arg1[%get3A_1210, %get3A_1211, %get3A_1212] : memref<1x3448x128xf32, #tpu.memory_space<vmem>>, vector<1x812x128xf32>
    %get3A_1214 = vector.shape_cast %get3A_1213 : vector<1x812x128xf32> to vector<812x128xf32>
    %get3A_1215 = arith.constant 1 : index
    %get3A_1216 = arith.constant 1 : index
    %get3A_1217 = arith.constant 1 : index
    %get3A_1218 = arith.constant 0 : index
    %get3A_1219 = arith.constant 0 : index
    %get3A_1220 = arith.constant 0 : index
    %get3A_1221 = vector.load %arg2[%get3A_1215, %get3A_1216, %get3A_1217, %get3A_1218, %get3A_1219, %get3A_1220] : memref<2x2x2x2x128x64xf32, #tpu.memory_space<vmem>>, vector<1x1x1x1x128x64xf32>
    %get3A_1222 = vector.shape_cast %get3A_1221 : vector<1x1x1x1x128x64xf32> to vector<128x64xf32>
    %dot_general3A_1223 = arith.constant dense<0.000000e+00> : vector<812x64xf32>
    %dot_general3A_1224 = tpu.matmul %get3A_1214, %get3A_1222, %dot_general3A_1223 {dimension_numbers = #tpu.dot_dimension_numbers<[1], [0], [0], [1], [0, 0, 1, 1], [], []>, transpose_lhs_hint = false} : vector<812x128xf32>, vector<128x64xf32>, vector<812x64xf32> -> vector<812x64xf32>
    %add3A_1225 = arith.addf %add3A_1209, %dot_general3A_1224 : vector<812x64xf32>
    %get3A_1226 = arith.constant 0 : index
    %get3A_1227 = arith.constant 2561 : index
    %get3A_1228 = arith.constant 0 : index
    %get3A_1229 = vector.load %arg1[%get3A_1226, %get3A_1227, %get3A_1228] : memref<1x3448x128xf32, #tpu.memory_space<vmem>>, vector<1x812x128xf32>
    %get3A_1230 = vector.shape_cast %get3A_1229 : vector<1x812x128xf32> to vector<812x128xf32>
    %get3A_1231 = arith.constant 1 : index
    %get3A_1232 = arith.constant 1 : index
    %get3A_1233 = arith.constant 1 : index
    %get3A_1234 = arith.constant 1 : index
    %get3A_1235 = arith.constant 0 : index
    %get3A_1236 = arith.constant 0 : index
    %get3A_1237 = vector.load %arg2[%get3A_1231, %get3A_1232, %get3A_1233, %get3A_1234, %get3A_1235, %get3A_1236] : memref<2x2x2x2x128x64xf32, #tpu.memory_space<vmem>>, vector<1x1x1x1x128x64xf32>
    %get3A_1238 = vector.shape_cast %get3A_1237 : vector<1x1x1x1x128x64xf32> to vector<128x64xf32>
    %dot_general3A_1239 = arith.constant dense<0.000000e+00> : vector<812x64xf32>
    %dot_general3A_1240 = tpu.matmul %get3A_1230, %get3A_1238, %dot_general3A_1239 {dimension_numbers = #tpu.dot_dimension_numbers<[1], [0], [0], [1], [0, 0, 1, 1], [], []>, transpose_lhs_hint = false} : vector<812x128xf32>, vector<128x64xf32>, vector<812x64xf32> -> vector<812x64xf32>
    %add3A_1241 = arith.addf %add3A_1225, %dot_general3A_1240 : vector<812x64xf32>
    %get3A_1242 = arith.constant 0 : index
    %get3A_1243 = arith.constant 0 : index
    %get3A_1244 = vector.load %arg3[%get3A_1242, %get3A_1243] : memref<1x64xf32, #tpu.memory_space<vmem>>, vector<1x64xf32>
    %get3A_1245 = vector.shape_cast %get3A_1244 : vector<1x64xf32> to vector<64xf32>
    %broadcast_in_dim3A_1246 = vector.shape_cast %get3A_1245 : vector<64xf32> to vector<1x64xf32>
    %add3A_1247 = vector.broadcast %broadcast_in_dim3A_1246 : vector<1x64xf32> to vector<812x64xf32>
    %add3A_1248 = arith.addf %add3A_1241, %add3A_1247 : vector<812x64xf32>
    %max3A_1249 = arith.constant 0.000000e+00 : f32
    %max3A_1250 = vector.broadcast %max3A_1249 : f32 to vector<812x64xf32>
    %max3A_1251 = arith.maximumf %add3A_1248, %max3A_1250 : vector<812x64xf32>
    %swap3A_1252 = arith.constant 0 : index
    %swap3A_1253 = arith.constant 2502 : index
    %swap3A_1254 = arith.constant 0 : index
    %swap3A_1255 = vector.load %arg7[%swap3A_1252, %swap3A_1253, %swap3A_1254] : memref<1x3448x64xf32, #tpu.memory_space<vmem>>, vector<1x812x64xf32>
    %swap3A_1256 = vector.shape_cast %swap3A_1255 : vector<1x812x64xf32> to vector<812x64xf32>
    %swap3A_1257 = vector.shape_cast %max3A_1251 : vector<812x64xf32> to vector<1x812x64xf32>
    tpu.vector_store %arg7[%swap3A_1252, %swap3A_1253, %swap3A_1254], %swap3A_1257 {strides = array<i32>} : memref<1x3448x64xf32, #tpu.memory_space<vmem>>, vector<1x812x64xf32>,
    return
  }
  func.func @transform_0(%arg0: i32) -> (i32, i32, i32) {
    %c0_i32 = arith.constant 0 : i32
    %c0_i32_0 = arith.constant 0 : i32
    %c0_i32_1 = arith.constant 0 : i32
    return %arg0, %c0_i32, %c0_i32_0 : i32, i32, i32
  }
  func.func @transform_1(%arg0: i32) -> (i32, i32, i32, i32, i32, i32) {
    %c0_i32 = arith.constant 0 : i32
    %c0_i32_0 = arith.constant 0 : i32
    %c0_i32_1 = arith.constant 0 : i32
    %c0_i32_2 = arith.constant 0 : i32
    %c0_i32_3 = arith.constant 0 : i32
    %c0_i32_4 = arith.constant 0 : i32
    %c0_i32_5 = arith.constant 0 : i32
    return %c0_i32, %c0_i32_0, %c0_i32_1, %c0_i32_2, %c0_i32_3, %c0_i32_4 : i32, i32, i32, i32, i32, i32
  }
  func.func @transform_2(%arg0: i32) -> (i32, i32) {
    %c0_i32 = arith.constant 0 : i32
    %c0_i32_0 = arith.constant 0 : i32
    %c0_i32_1 = arith.constant 0 : i32
    return %c0_i32, %c0_i32_0 : i32, i32
  }
  func.func @transform_3(%arg0: i32) -> (i32, i32, i32) {
    %c0_i32 = arith.constant 0 : i32
    %c0_i32_0 = arith.constant 0 : i32
    %c0_i32_1 = arith.constant 0 : i32
    return %arg0, %c0_i32, %c0_i32_0 : i32, i32, i32
  }
  func.func @transform_4(%arg0: i32) -> (i32, i32, i32) {
    %c0_i32 = arith.constant 0 : i32
    %c0_i32_0 = arith.constant 0 : i32
    %c0_i32_1 = arith.constant 0 : i32
    return %arg0, %c0_i32, %c0_i32_0 : i32, i32, i32
  }
  func.func @transform_5(%arg0: i32) -> (i32, i32, i32) {
    %c0_i32 = arith.constant 0 : i32
    %c0_i32_0 = arith.constant 0 : i32
    %c0_i32_1 = arith.constant 0 : i32
    return %arg0, %c0_i32, %c0_i32_0 : i32, i32, i32
  }
  func.func @transform_6(%arg0: i32) -> (i32, i32, i32) {
    %c0_i32 = arith.constant 0 : i32
    %c0_i32_0 = arith.constant 0 : i32
    %c0_i32_1 = arith.constant 0 : i32
    return %arg0, %c0_i32, %c0_i32_0 : i32, i32, i32
  }
}

module attributes {stable_mosaic.version = 14 : i64} {
  func.func @_flat_convt_nchw_kernel(%arg0: i32, %arg1: memref<1x13136x64xf32, #tpu.memory_space<vmem>>, %arg2: memref<2x2x2x2x64x3xf32, #tpu.memory_space<vmem>>, %arg3: memref<3x1xf32, #tpu.memory_space<vmem>>, %arg4: memref<1x2x2x3x13136xf32, #tpu.memory_space<vmem>>) attributes {dimension_semantics = [#tpu.dimension_semantics<arbitrary>], iteration_bounds = array<i64: 8>, scalar_prefetch = 0 : i64, scratch_operands = 0 : i64, tpu.core_type = #tpu.core_type<tc>, window_params = [{transform_indices = @transform_0, window_bounds = array<i64: 1, 13136, 64>}, {pipeline_mode = #tpu.pipeline_mode<synchronous>, transform_indices = @transform_1, window_bounds = array<i64: 2, 2, 2, 2, 64, 3>}, {pipeline_mode = #tpu.pipeline_mode<synchronous>, transform_indices = @transform_2, window_bounds = array<i64: 3, 1>}, {transform_indices = @transform_3, window_bounds = array<i64: 1, 2, 2, 3, 13136>}]} {
    %get3A = arith.constant 0 : index
    %get3A_0 = arith.constant 7 : index
    %get3A_1 = arith.constant 0 : index
    %get3A_2 = vector.load %arg1[%get3A, %get3A_0, %get3A_1] : memref<1x13136x64xf32, #tpu.memory_space<vmem>>, vector<1x3192x64xf32>
    %get3A_3 = vector.shape_cast %get3A_2 : vector<1x3192x64xf32> to vector<3192x64xf32>
    %get3A_4 = arith.constant 0 : index
    %get3A_5 = arith.constant 0 : index
    %get3A_6 = arith.constant 0 : index
    %get3A_7 = arith.constant 0 : index
    %get3A_8 = arith.constant 0 : index
    %get3A_9 = arith.constant 0 : index
    %get3A_10 = vector.load %arg2[%get3A_4, %get3A_5, %get3A_6, %get3A_7, %get3A_8, %get3A_9] : memref<2x2x2x2x64x3xf32, #tpu.memory_space<vmem>>, vector<1x1x1x1x64x3xf32>
    %get3A_11 = vector.shape_cast %get3A_10 : vector<1x1x1x1x64x3xf32> to vector<64x3xf32>
    %dot_general3A = arith.constant dense<0.000000e+00> : vector<3x3192xf32>
    %dot_general3A_12 = tpu.matmul %get3A_11, %get3A_3, %dot_general3A {dimension_numbers = #tpu.dot_dimension_numbers<[0], [1], [1], [0], [0, 1, 1, 0], [], []>, transpose_lhs_hint = false} : vector<64x3xf32>, vector<3192x64xf32>, vector<3x3192xf32> -> vector<3x3192xf32>
    %get3A_13 = arith.constant 0 : index
    %get3A_14 = arith.constant 8 : index
    %get3A_15 = arith.constant 0 : index
    %get3A_16 = vector.load %arg1[%get3A_13, %get3A_14, %get3A_15] : memref<1x13136x64xf32, #tpu.memory_space<vmem>>, vector<1x3192x64xf32>
    %get3A_17 = vector.shape_cast %get3A_16 : vector<1x3192x64xf32> to vector<3192x64xf32>
    %get3A_18 = arith.constant 0 : index
    %get3A_19 = arith.constant 0 : index
    %get3A_20 = arith.constant 0 : index
    %get3A_21 = arith.constant 1 : index
    %get3A_22 = arith.constant 0 : index
    %get3A_23 = arith.constant 0 : index
    %get3A_24 = vector.load %arg2[%get3A_18, %get3A_19, %get3A_20, %get3A_21, %get3A_22, %get3A_23] : memref<2x2x2x2x64x3xf32, #tpu.memory_space<vmem>>, vector<1x1x1x1x64x3xf32>
    %get3A_25 = vector.shape_cast %get3A_24 : vector<1x1x1x1x64x3xf32> to vector<64x3xf32>
    %dot_general3A_26 = arith.constant dense<0.000000e+00> : vector<3x3192xf32>
    %dot_general3A_27 = tpu.matmul %get3A_25, %get3A_17, %dot_general3A_26 {dimension_numbers = #tpu.dot_dimension_numbers<[0], [1], [1], [0], [0, 1, 1, 0], [], []>, transpose_lhs_hint = false} : vector<64x3xf32>, vector<3192x64xf32>, vector<3x3192xf32> -> vector<3x3192xf32>
    %add3A = arith.addf %dot_general3A_12, %dot_general3A_27 : vector<3x3192xf32>
    %get3A_28 = arith.constant 0 : index
    %get3A_29 = arith.constant 121 : index
    %get3A_30 = arith.constant 0 : index
    %get3A_31 = vector.load %arg1[%get3A_28, %get3A_29, %get3A_30] : memref<1x13136x64xf32, #tpu.memory_space<vmem>>, vector<1x3192x64xf32>
    %get3A_32 = vector.shape_cast %get3A_31 : vector<1x3192x64xf32> to vector<3192x64xf32>
    %get3A_33 = arith.constant 0 : index
    %get3A_34 = arith.constant 0 : index
    %get3A_35 = arith.constant 1 : index
    %get3A_36 = arith.constant 0 : index
    %get3A_37 = arith.constant 0 : index
    %get3A_38 = arith.constant 0 : index
    %get3A_39 = vector.load %arg2[%get3A_33, %get3A_34, %get3A_35, %get3A_36, %get3A_37, %get3A_38] : memref<2x2x2x2x64x3xf32, #tpu.memory_space<vmem>>, vector<1x1x1x1x64x3xf32>
    %get3A_40 = vector.shape_cast %get3A_39 : vector<1x1x1x1x64x3xf32> to vector<64x3xf32>
    %dot_general3A_41 = arith.constant dense<0.000000e+00> : vector<3x3192xf32>
    %dot_general3A_42 = tpu.matmul %get3A_40, %get3A_32, %dot_general3A_41 {dimension_numbers = #tpu.dot_dimension_numbers<[0], [1], [1], [0], [0, 1, 1, 0], [], []>, transpose_lhs_hint = false} : vector<64x3xf32>, vector<3192x64xf32>, vector<3x3192xf32> -> vector<3x3192xf32>
    %add3A_43 = arith.addf %add3A, %dot_general3A_42 : vector<3x3192xf32>
    %get3A_44 = arith.constant 0 : index
    %get3A_45 = arith.constant 122 : index
    %get3A_46 = arith.constant 0 : index
    %get3A_47 = vector.load %arg1[%get3A_44, %get3A_45, %get3A_46] : memref<1x13136x64xf32, #tpu.memory_space<vmem>>, vector<1x3192x64xf32>
    %get3A_48 = vector.shape_cast %get3A_47 : vector<1x3192x64xf32> to vector<3192x64xf32>
    %get3A_49 = arith.constant 0 : index
    %get3A_50 = arith.constant 0 : index
    %get3A_51 = arith.constant 1 : index
    %get3A_52 = arith.constant 1 : index
    %get3A_53 = arith.constant 0 : index
    %get3A_54 = arith.constant 0 : index
    %get3A_55 = vector.load %arg2[%get3A_49, %get3A_50, %get3A_51, %get3A_52, %get3A_53, %get3A_54] : memref<2x2x2x2x64x3xf32, #tpu.memory_space<vmem>>, vector<1x1x1x1x64x3xf32>
    %get3A_56 = vector.shape_cast %get3A_55 : vector<1x1x1x1x64x3xf32> to vector<64x3xf32>
    %dot_general3A_57 = arith.constant dense<0.000000e+00> : vector<3x3192xf32>
    %dot_general3A_58 = tpu.matmul %get3A_56, %get3A_48, %dot_general3A_57 {dimension_numbers = #tpu.dot_dimension_numbers<[0], [1], [1], [0], [0, 1, 1, 0], [], []>, transpose_lhs_hint = false} : vector<64x3xf32>, vector<3192x64xf32>, vector<3x3192xf32> -> vector<3x3192xf32>
    %add3A_59 = arith.addf %add3A_43, %dot_general3A_58 : vector<3x3192xf32>
    %get3A_60 = arith.constant 0 : index
    %get3A_61 = arith.constant 0 : index
    %get3A_62 = vector.load %arg3[%get3A_60, %get3A_61] : memref<3x1xf32, #tpu.memory_space<vmem>>, vector<3x1xf32>
    %add3A_63 = vector.broadcast %get3A_62 : vector<3x1xf32> to vector<3x3192xf32>
    %add3A_64 = arith.addf %add3A_59, %add3A_63 : vector<3x3192xf32>
    %swap3A = arith.constant 0 : index
    %swap3A_65 = arith.constant 0 : index
    %swap3A_66 = arith.constant 0 : index
    %swap3A_67 = arith.constant 0 : index
    %swap3A_68 = arith.constant 122 : index
    %swap3A_69 = vector.load %arg4[%swap3A, %swap3A_65, %swap3A_66, %swap3A_67, %swap3A_68] : memref<1x2x2x3x13136xf32, #tpu.memory_space<vmem>>, vector<1x1x1x3x3192xf32>
    %swap3A_70 = vector.shape_cast %swap3A_69 : vector<1x1x1x3x3192xf32> to vector<3x3192xf32>
    %swap3A_71 = vector.shape_cast %add3A_64 : vector<3x3192xf32> to vector<1x1x1x3x3192xf32>
    tpu.vector_store %arg4[%swap3A, %swap3A_65, %swap3A_66, %swap3A_67, %swap3A_68], %swap3A_71 {strides = array<i32>} : memref<1x2x2x3x13136xf32, #tpu.memory_space<vmem>>, vector<1x1x1x3x3192xf32>,
    %get3A_72 = arith.constant 0 : index
    %get3A_73 = arith.constant 3199 : index
    %get3A_74 = arith.constant 0 : index
    %get3A_75 = vector.load %arg1[%get3A_72, %get3A_73, %get3A_74] : memref<1x13136x64xf32, #tpu.memory_space<vmem>>, vector<1x3192x64xf32>
    %get3A_76 = vector.shape_cast %get3A_75 : vector<1x3192x64xf32> to vector<3192x64xf32>
    %get3A_77 = arith.constant 0 : index
    %get3A_78 = arith.constant 0 : index
    %get3A_79 = arith.constant 0 : index
    %get3A_80 = arith.constant 0 : index
    %get3A_81 = arith.constant 0 : index
    %get3A_82 = arith.constant 0 : index
    %get3A_83 = vector.load %arg2[%get3A_77, %get3A_78, %get3A_79, %get3A_80, %get3A_81, %get3A_82] : memref<2x2x2x2x64x3xf32, #tpu.memory_space<vmem>>, vector<1x1x1x1x64x3xf32>
    %get3A_84 = vector.shape_cast %get3A_83 : vector<1x1x1x1x64x3xf32> to vector<64x3xf32>
    %dot_general3A_85 = arith.constant dense<0.000000e+00> : vector<3x3192xf32>
    %dot_general3A_86 = tpu.matmul %get3A_84, %get3A_76, %dot_general3A_85 {dimension_numbers = #tpu.dot_dimension_numbers<[0], [1], [1], [0], [0, 1, 1, 0], [], []>, transpose_lhs_hint = false} : vector<64x3xf32>, vector<3192x64xf32>, vector<3x3192xf32> -> vector<3x3192xf32>
    %get3A_87 = arith.constant 0 : index
    %get3A_88 = arith.constant 3200 : index
    %get3A_89 = arith.constant 0 : index
    %get3A_90 = vector.load %arg1[%get3A_87, %get3A_88, %get3A_89] : memref<1x13136x64xf32, #tpu.memory_space<vmem>>, vector<1x3192x64xf32>
    %get3A_91 = vector.shape_cast %get3A_90 : vector<1x3192x64xf32> to vector<3192x64xf32>
    %get3A_92 = arith.constant 0 : index
    %get3A_93 = arith.constant 0 : index
    %get3A_94 = arith.constant 0 : index
    %get3A_95 = arith.constant 1 : index
    %get3A_96 = arith.constant 0 : index
    %get3A_97 = arith.constant 0 : index
    %get3A_98 = vector.load %arg2[%get3A_92, %get3A_93, %get3A_94, %get3A_95, %get3A_96, %get3A_97] : memref<2x2x2x2x64x3xf32, #tpu.memory_space<vmem>>, vector<1x1x1x1x64x3xf32>
    %get3A_99 = vector.shape_cast %get3A_98 : vector<1x1x1x1x64x3xf32> to vector<64x3xf32>
    %dot_general3A_100 = arith.constant dense<0.000000e+00> : vector<3x3192xf32>
    %dot_general3A_101 = tpu.matmul %get3A_99, %get3A_91, %dot_general3A_100 {dimension_numbers = #tpu.dot_dimension_numbers<[0], [1], [1], [0], [0, 1, 1, 0], [], []>, transpose_lhs_hint = false} : vector<64x3xf32>, vector<3192x64xf32>, vector<3x3192xf32> -> vector<3x3192xf32>
    %add3A_102 = arith.addf %dot_general3A_86, %dot_general3A_101 : vector<3x3192xf32>
    %get3A_103 = arith.constant 0 : index
    %get3A_104 = arith.constant 3313 : index
    %get3A_105 = arith.constant 0 : index
    %get3A_106 = vector.load %arg1[%get3A_103, %get3A_104, %get3A_105] : memref<1x13136x64xf32, #tpu.memory_space<vmem>>, vector<1x3192x64xf32>
    %get3A_107 = vector.shape_cast %get3A_106 : vector<1x3192x64xf32> to vector<3192x64xf32>
    %get3A_108 = arith.constant 0 : index
    %get3A_109 = arith.constant 0 : index
    %get3A_110 = arith.constant 1 : index
    %get3A_111 = arith.constant 0 : index
    %get3A_112 = arith.constant 0 : index
    %get3A_113 = arith.constant 0 : index
    %get3A_114 = vector.load %arg2[%get3A_108, %get3A_109, %get3A_110, %get3A_111, %get3A_112, %get3A_113] : memref<2x2x2x2x64x3xf32, #tpu.memory_space<vmem>>, vector<1x1x1x1x64x3xf32>
    %get3A_115 = vector.shape_cast %get3A_114 : vector<1x1x1x1x64x3xf32> to vector<64x3xf32>
    %dot_general3A_116 = arith.constant dense<0.000000e+00> : vector<3x3192xf32>
    %dot_general3A_117 = tpu.matmul %get3A_115, %get3A_107, %dot_general3A_116 {dimension_numbers = #tpu.dot_dimension_numbers<[0], [1], [1], [0], [0, 1, 1, 0], [], []>, transpose_lhs_hint = false} : vector<64x3xf32>, vector<3192x64xf32>, vector<3x3192xf32> -> vector<3x3192xf32>
    %add3A_118 = arith.addf %add3A_102, %dot_general3A_117 : vector<3x3192xf32>
    %get3A_119 = arith.constant 0 : index
    %get3A_120 = arith.constant 3314 : index
    %get3A_121 = arith.constant 0 : index
    %get3A_122 = vector.load %arg1[%get3A_119, %get3A_120, %get3A_121] : memref<1x13136x64xf32, #tpu.memory_space<vmem>>, vector<1x3192x64xf32>
    %get3A_123 = vector.shape_cast %get3A_122 : vector<1x3192x64xf32> to vector<3192x64xf32>
    %get3A_124 = arith.constant 0 : index
    %get3A_125 = arith.constant 0 : index
    %get3A_126 = arith.constant 1 : index
    %get3A_127 = arith.constant 1 : index
    %get3A_128 = arith.constant 0 : index
    %get3A_129 = arith.constant 0 : index
    %get3A_130 = vector.load %arg2[%get3A_124, %get3A_125, %get3A_126, %get3A_127, %get3A_128, %get3A_129] : memref<2x2x2x2x64x3xf32, #tpu.memory_space<vmem>>, vector<1x1x1x1x64x3xf32>
    %get3A_131 = vector.shape_cast %get3A_130 : vector<1x1x1x1x64x3xf32> to vector<64x3xf32>
    %dot_general3A_132 = arith.constant dense<0.000000e+00> : vector<3x3192xf32>
    %dot_general3A_133 = tpu.matmul %get3A_131, %get3A_123, %dot_general3A_132 {dimension_numbers = #tpu.dot_dimension_numbers<[0], [1], [1], [0], [0, 1, 1, 0], [], []>, transpose_lhs_hint = false} : vector<64x3xf32>, vector<3192x64xf32>, vector<3x3192xf32> -> vector<3x3192xf32>
    %add3A_134 = arith.addf %add3A_118, %dot_general3A_133 : vector<3x3192xf32>
    %get3A_135 = arith.constant 0 : index
    %get3A_136 = arith.constant 0 : index
    %get3A_137 = vector.load %arg3[%get3A_135, %get3A_136] : memref<3x1xf32, #tpu.memory_space<vmem>>, vector<3x1xf32>
    %add3A_138 = vector.broadcast %get3A_137 : vector<3x1xf32> to vector<3x3192xf32>
    %add3A_139 = arith.addf %add3A_134, %add3A_138 : vector<3x3192xf32>
    %swap3A_140 = arith.constant 0 : index
    %swap3A_141 = arith.constant 0 : index
    %swap3A_142 = arith.constant 0 : index
    %swap3A_143 = arith.constant 0 : index
    %swap3A_144 = arith.constant 3314 : index
    %swap3A_145 = vector.load %arg4[%swap3A_140, %swap3A_141, %swap3A_142, %swap3A_143, %swap3A_144] : memref<1x2x2x3x13136xf32, #tpu.memory_space<vmem>>, vector<1x1x1x3x3192xf32>
    %swap3A_146 = vector.shape_cast %swap3A_145 : vector<1x1x1x3x3192xf32> to vector<3x3192xf32>
    %swap3A_147 = vector.shape_cast %add3A_139 : vector<3x3192xf32> to vector<1x1x1x3x3192xf32>
    tpu.vector_store %arg4[%swap3A_140, %swap3A_141, %swap3A_142, %swap3A_143, %swap3A_144], %swap3A_147 {strides = array<i32>} : memref<1x2x2x3x13136xf32, #tpu.memory_space<vmem>>, vector<1x1x1x3x3192xf32>,
    %get3A_148 = arith.constant 0 : index
    %get3A_149 = arith.constant 6391 : index
    %get3A_150 = arith.constant 0 : index
    %get3A_151 = vector.load %arg1[%get3A_148, %get3A_149, %get3A_150] : memref<1x13136x64xf32, #tpu.memory_space<vmem>>, vector<1x3192x64xf32>
    %get3A_152 = vector.shape_cast %get3A_151 : vector<1x3192x64xf32> to vector<3192x64xf32>
    %get3A_153 = arith.constant 0 : index
    %get3A_154 = arith.constant 0 : index
    %get3A_155 = arith.constant 0 : index
    %get3A_156 = arith.constant 0 : index
    %get3A_157 = arith.constant 0 : index
    %get3A_158 = arith.constant 0 : index
    %get3A_159 = vector.load %arg2[%get3A_153, %get3A_154, %get3A_155, %get3A_156, %get3A_157, %get3A_158] : memref<2x2x2x2x64x3xf32, #tpu.memory_space<vmem>>, vector<1x1x1x1x64x3xf32>
    %get3A_160 = vector.shape_cast %get3A_159 : vector<1x1x1x1x64x3xf32> to vector<64x3xf32>
    %dot_general3A_161 = arith.constant dense<0.000000e+00> : vector<3x3192xf32>
    %dot_general3A_162 = tpu.matmul %get3A_160, %get3A_152, %dot_general3A_161 {dimension_numbers = #tpu.dot_dimension_numbers<[0], [1], [1], [0], [0, 1, 1, 0], [], []>, transpose_lhs_hint = false} : vector<64x3xf32>, vector<3192x64xf32>, vector<3x3192xf32> -> vector<3x3192xf32>
    %get3A_163 = arith.constant 0 : index
    %get3A_164 = arith.constant 6392 : index
    %get3A_165 = arith.constant 0 : index
    %get3A_166 = vector.load %arg1[%get3A_163, %get3A_164, %get3A_165] : memref<1x13136x64xf32, #tpu.memory_space<vmem>>, vector<1x3192x64xf32>
    %get3A_167 = vector.shape_cast %get3A_166 : vector<1x3192x64xf32> to vector<3192x64xf32>
    %get3A_168 = arith.constant 0 : index
    %get3A_169 = arith.constant 0 : index
    %get3A_170 = arith.constant 0 : index
    %get3A_171 = arith.constant 1 : index
    %get3A_172 = arith.constant 0 : index
    %get3A_173 = arith.constant 0 : index
    %get3A_174 = vector.load %arg2[%get3A_168, %get3A_169, %get3A_170, %get3A_171, %get3A_172, %get3A_173] : memref<2x2x2x2x64x3xf32, #tpu.memory_space<vmem>>, vector<1x1x1x1x64x3xf32>
    %get3A_175 = vector.shape_cast %get3A_174 : vector<1x1x1x1x64x3xf32> to vector<64x3xf32>
    %dot_general3A_176 = arith.constant dense<0.000000e+00> : vector<3x3192xf32>
    %dot_general3A_177 = tpu.matmul %get3A_175, %get3A_167, %dot_general3A_176 {dimension_numbers = #tpu.dot_dimension_numbers<[0], [1], [1], [0], [0, 1, 1, 0], [], []>, transpose_lhs_hint = false} : vector<64x3xf32>, vector<3192x64xf32>, vector<3x3192xf32> -> vector<3x3192xf32>
    %add3A_178 = arith.addf %dot_general3A_162, %dot_general3A_177 : vector<3x3192xf32>
    %get3A_179 = arith.constant 0 : index
    %get3A_180 = arith.constant 6505 : index
    %get3A_181 = arith.constant 0 : index
    %get3A_182 = vector.load %arg1[%get3A_179, %get3A_180, %get3A_181] : memref<1x13136x64xf32, #tpu.memory_space<vmem>>, vector<1x3192x64xf32>
    %get3A_183 = vector.shape_cast %get3A_182 : vector<1x3192x64xf32> to vector<3192x64xf32>
    %get3A_184 = arith.constant 0 : index
    %get3A_185 = arith.constant 0 : index
    %get3A_186 = arith.constant 1 : index
    %get3A_187 = arith.constant 0 : index
    %get3A_188 = arith.constant 0 : index
    %get3A_189 = arith.constant 0 : index
    %get3A_190 = vector.load %arg2[%get3A_184, %get3A_185, %get3A_186, %get3A_187, %get3A_188, %get3A_189] : memref<2x2x2x2x64x3xf32, #tpu.memory_space<vmem>>, vector<1x1x1x1x64x3xf32>
    %get3A_191 = vector.shape_cast %get3A_190 : vector<1x1x1x1x64x3xf32> to vector<64x3xf32>
    %dot_general3A_192 = arith.constant dense<0.000000e+00> : vector<3x3192xf32>
    %dot_general3A_193 = tpu.matmul %get3A_191, %get3A_183, %dot_general3A_192 {dimension_numbers = #tpu.dot_dimension_numbers<[0], [1], [1], [0], [0, 1, 1, 0], [], []>, transpose_lhs_hint = false} : vector<64x3xf32>, vector<3192x64xf32>, vector<3x3192xf32> -> vector<3x3192xf32>
    %add3A_194 = arith.addf %add3A_178, %dot_general3A_193 : vector<3x3192xf32>
    %get3A_195 = arith.constant 0 : index
    %get3A_196 = arith.constant 6506 : index
    %get3A_197 = arith.constant 0 : index
    %get3A_198 = vector.load %arg1[%get3A_195, %get3A_196, %get3A_197] : memref<1x13136x64xf32, #tpu.memory_space<vmem>>, vector<1x3192x64xf32>
    %get3A_199 = vector.shape_cast %get3A_198 : vector<1x3192x64xf32> to vector<3192x64xf32>
    %get3A_200 = arith.constant 0 : index
    %get3A_201 = arith.constant 0 : index
    %get3A_202 = arith.constant 1 : index
    %get3A_203 = arith.constant 1 : index
    %get3A_204 = arith.constant 0 : index
    %get3A_205 = arith.constant 0 : index
    %get3A_206 = vector.load %arg2[%get3A_200, %get3A_201, %get3A_202, %get3A_203, %get3A_204, %get3A_205] : memref<2x2x2x2x64x3xf32, #tpu.memory_space<vmem>>, vector<1x1x1x1x64x3xf32>
    %get3A_207 = vector.shape_cast %get3A_206 : vector<1x1x1x1x64x3xf32> to vector<64x3xf32>
    %dot_general3A_208 = arith.constant dense<0.000000e+00> : vector<3x3192xf32>
    %dot_general3A_209 = tpu.matmul %get3A_207, %get3A_199, %dot_general3A_208 {dimension_numbers = #tpu.dot_dimension_numbers<[0], [1], [1], [0], [0, 1, 1, 0], [], []>, transpose_lhs_hint = false} : vector<64x3xf32>, vector<3192x64xf32>, vector<3x3192xf32> -> vector<3x3192xf32>
    %add3A_210 = arith.addf %add3A_194, %dot_general3A_209 : vector<3x3192xf32>
    %get3A_211 = arith.constant 0 : index
    %get3A_212 = arith.constant 0 : index
    %get3A_213 = vector.load %arg3[%get3A_211, %get3A_212] : memref<3x1xf32, #tpu.memory_space<vmem>>, vector<3x1xf32>
    %add3A_214 = vector.broadcast %get3A_213 : vector<3x1xf32> to vector<3x3192xf32>
    %add3A_215 = arith.addf %add3A_210, %add3A_214 : vector<3x3192xf32>
    %swap3A_216 = arith.constant 0 : index
    %swap3A_217 = arith.constant 0 : index
    %swap3A_218 = arith.constant 0 : index
    %swap3A_219 = arith.constant 0 : index
    %swap3A_220 = arith.constant 6506 : index
    %swap3A_221 = vector.load %arg4[%swap3A_216, %swap3A_217, %swap3A_218, %swap3A_219, %swap3A_220] : memref<1x2x2x3x13136xf32, #tpu.memory_space<vmem>>, vector<1x1x1x3x3192xf32>
    %swap3A_222 = vector.shape_cast %swap3A_221 : vector<1x1x1x3x3192xf32> to vector<3x3192xf32>
    %swap3A_223 = vector.shape_cast %add3A_215 : vector<3x3192xf32> to vector<1x1x1x3x3192xf32>
    tpu.vector_store %arg4[%swap3A_216, %swap3A_217, %swap3A_218, %swap3A_219, %swap3A_220], %swap3A_223 {strides = array<i32>} : memref<1x2x2x3x13136xf32, #tpu.memory_space<vmem>>, vector<1x1x1x3x3192xf32>,
    %get3A_224 = arith.constant 0 : index
    %get3A_225 = arith.constant 9583 : index
    %get3A_226 = arith.constant 0 : index
    %get3A_227 = vector.load %arg1[%get3A_224, %get3A_225, %get3A_226] : memref<1x13136x64xf32, #tpu.memory_space<vmem>>, vector<1x3192x64xf32>
    %get3A_228 = vector.shape_cast %get3A_227 : vector<1x3192x64xf32> to vector<3192x64xf32>
    %get3A_229 = arith.constant 0 : index
    %get3A_230 = arith.constant 0 : index
    %get3A_231 = arith.constant 0 : index
    %get3A_232 = arith.constant 0 : index
    %get3A_233 = arith.constant 0 : index
    %get3A_234 = arith.constant 0 : index
    %get3A_235 = vector.load %arg2[%get3A_229, %get3A_230, %get3A_231, %get3A_232, %get3A_233, %get3A_234] : memref<2x2x2x2x64x3xf32, #tpu.memory_space<vmem>>, vector<1x1x1x1x64x3xf32>
    %get3A_236 = vector.shape_cast %get3A_235 : vector<1x1x1x1x64x3xf32> to vector<64x3xf32>
    %dot_general3A_237 = arith.constant dense<0.000000e+00> : vector<3x3192xf32>
    %dot_general3A_238 = tpu.matmul %get3A_236, %get3A_228, %dot_general3A_237 {dimension_numbers = #tpu.dot_dimension_numbers<[0], [1], [1], [0], [0, 1, 1, 0], [], []>, transpose_lhs_hint = false} : vector<64x3xf32>, vector<3192x64xf32>, vector<3x3192xf32> -> vector<3x3192xf32>
    %get3A_239 = arith.constant 0 : index
    %get3A_240 = arith.constant 9584 : index
    %get3A_241 = arith.constant 0 : index
    %get3A_242 = vector.load %arg1[%get3A_239, %get3A_240, %get3A_241] : memref<1x13136x64xf32, #tpu.memory_space<vmem>>, vector<1x3192x64xf32>
    %get3A_243 = vector.shape_cast %get3A_242 : vector<1x3192x64xf32> to vector<3192x64xf32>
    %get3A_244 = arith.constant 0 : index
    %get3A_245 = arith.constant 0 : index
    %get3A_246 = arith.constant 0 : index
    %get3A_247 = arith.constant 1 : index
    %get3A_248 = arith.constant 0 : index
    %get3A_249 = arith.constant 0 : index
    %get3A_250 = vector.load %arg2[%get3A_244, %get3A_245, %get3A_246, %get3A_247, %get3A_248, %get3A_249] : memref<2x2x2x2x64x3xf32, #tpu.memory_space<vmem>>, vector<1x1x1x1x64x3xf32>
    %get3A_251 = vector.shape_cast %get3A_250 : vector<1x1x1x1x64x3xf32> to vector<64x3xf32>
    %dot_general3A_252 = arith.constant dense<0.000000e+00> : vector<3x3192xf32>
    %dot_general3A_253 = tpu.matmul %get3A_251, %get3A_243, %dot_general3A_252 {dimension_numbers = #tpu.dot_dimension_numbers<[0], [1], [1], [0], [0, 1, 1, 0], [], []>, transpose_lhs_hint = false} : vector<64x3xf32>, vector<3192x64xf32>, vector<3x3192xf32> -> vector<3x3192xf32>
    %add3A_254 = arith.addf %dot_general3A_238, %dot_general3A_253 : vector<3x3192xf32>
    %get3A_255 = arith.constant 0 : index
    %get3A_256 = arith.constant 9697 : index
    %get3A_257 = arith.constant 0 : index
    %get3A_258 = vector.load %arg1[%get3A_255, %get3A_256, %get3A_257] : memref<1x13136x64xf32, #tpu.memory_space<vmem>>, vector<1x3192x64xf32>
    %get3A_259 = vector.shape_cast %get3A_258 : vector<1x3192x64xf32> to vector<3192x64xf32>
    %get3A_260 = arith.constant 0 : index
    %get3A_261 = arith.constant 0 : index
    %get3A_262 = arith.constant 1 : index
    %get3A_263 = arith.constant 0 : index
    %get3A_264 = arith.constant 0 : index
    %get3A_265 = arith.constant 0 : index
    %get3A_266 = vector.load %arg2[%get3A_260, %get3A_261, %get3A_262, %get3A_263, %get3A_264, %get3A_265] : memref<2x2x2x2x64x3xf32, #tpu.memory_space<vmem>>, vector<1x1x1x1x64x3xf32>
    %get3A_267 = vector.shape_cast %get3A_266 : vector<1x1x1x1x64x3xf32> to vector<64x3xf32>
    %dot_general3A_268 = arith.constant dense<0.000000e+00> : vector<3x3192xf32>
    %dot_general3A_269 = tpu.matmul %get3A_267, %get3A_259, %dot_general3A_268 {dimension_numbers = #tpu.dot_dimension_numbers<[0], [1], [1], [0], [0, 1, 1, 0], [], []>, transpose_lhs_hint = false} : vector<64x3xf32>, vector<3192x64xf32>, vector<3x3192xf32> -> vector<3x3192xf32>
    %add3A_270 = arith.addf %add3A_254, %dot_general3A_269 : vector<3x3192xf32>
    %get3A_271 = arith.constant 0 : index
    %get3A_272 = arith.constant 9698 : index
    %get3A_273 = arith.constant 0 : index
    %get3A_274 = vector.load %arg1[%get3A_271, %get3A_272, %get3A_273] : memref<1x13136x64xf32, #tpu.memory_space<vmem>>, vector<1x3192x64xf32>
    %get3A_275 = vector.shape_cast %get3A_274 : vector<1x3192x64xf32> to vector<3192x64xf32>
    %get3A_276 = arith.constant 0 : index
    %get3A_277 = arith.constant 0 : index
    %get3A_278 = arith.constant 1 : index
    %get3A_279 = arith.constant 1 : index
    %get3A_280 = arith.constant 0 : index
    %get3A_281 = arith.constant 0 : index
    %get3A_282 = vector.load %arg2[%get3A_276, %get3A_277, %get3A_278, %get3A_279, %get3A_280, %get3A_281] : memref<2x2x2x2x64x3xf32, #tpu.memory_space<vmem>>, vector<1x1x1x1x64x3xf32>
    %get3A_283 = vector.shape_cast %get3A_282 : vector<1x1x1x1x64x3xf32> to vector<64x3xf32>
    %dot_general3A_284 = arith.constant dense<0.000000e+00> : vector<3x3192xf32>
    %dot_general3A_285 = tpu.matmul %get3A_283, %get3A_275, %dot_general3A_284 {dimension_numbers = #tpu.dot_dimension_numbers<[0], [1], [1], [0], [0, 1, 1, 0], [], []>, transpose_lhs_hint = false} : vector<64x3xf32>, vector<3192x64xf32>, vector<3x3192xf32> -> vector<3x3192xf32>
    %add3A_286 = arith.addf %add3A_270, %dot_general3A_285 : vector<3x3192xf32>
    %get3A_287 = arith.constant 0 : index
    %get3A_288 = arith.constant 0 : index
    %get3A_289 = vector.load %arg3[%get3A_287, %get3A_288] : memref<3x1xf32, #tpu.memory_space<vmem>>, vector<3x1xf32>
    %add3A_290 = vector.broadcast %get3A_289 : vector<3x1xf32> to vector<3x3192xf32>
    %add3A_291 = arith.addf %add3A_286, %add3A_290 : vector<3x3192xf32>
    %swap3A_292 = arith.constant 0 : index
    %swap3A_293 = arith.constant 0 : index
    %swap3A_294 = arith.constant 0 : index
    %swap3A_295 = arith.constant 0 : index
    %swap3A_296 = arith.constant 9698 : index
    %swap3A_297 = vector.load %arg4[%swap3A_292, %swap3A_293, %swap3A_294, %swap3A_295, %swap3A_296] : memref<1x2x2x3x13136xf32, #tpu.memory_space<vmem>>, vector<1x1x1x3x3192xf32>
    %swap3A_298 = vector.shape_cast %swap3A_297 : vector<1x1x1x3x3192xf32> to vector<3x3192xf32>
    %swap3A_299 = vector.shape_cast %add3A_291 : vector<3x3192xf32> to vector<1x1x1x3x3192xf32>
    tpu.vector_store %arg4[%swap3A_292, %swap3A_293, %swap3A_294, %swap3A_295, %swap3A_296], %swap3A_299 {strides = array<i32>} : memref<1x2x2x3x13136xf32, #tpu.memory_space<vmem>>, vector<1x1x1x3x3192xf32>,
    %get3A_300 = arith.constant 0 : index
    %get3A_301 = arith.constant 8 : index
    %get3A_302 = arith.constant 0 : index
    %get3A_303 = vector.load %arg1[%get3A_300, %get3A_301, %get3A_302] : memref<1x13136x64xf32, #tpu.memory_space<vmem>>, vector<1x3192x64xf32>
    %get3A_304 = vector.shape_cast %get3A_303 : vector<1x3192x64xf32> to vector<3192x64xf32>
    %get3A_305 = arith.constant 0 : index
    %get3A_306 = arith.constant 1 : index
    %get3A_307 = arith.constant 0 : index
    %get3A_308 = arith.constant 0 : index
    %get3A_309 = arith.constant 0 : index
    %get3A_310 = arith.constant 0 : index
    %get3A_311 = vector.load %arg2[%get3A_305, %get3A_306, %get3A_307, %get3A_308, %get3A_309, %get3A_310] : memref<2x2x2x2x64x3xf32, #tpu.memory_space<vmem>>, vector<1x1x1x1x64x3xf32>
    %get3A_312 = vector.shape_cast %get3A_311 : vector<1x1x1x1x64x3xf32> to vector<64x3xf32>
    %dot_general3A_313 = arith.constant dense<0.000000e+00> : vector<3x3192xf32>
    %dot_general3A_314 = tpu.matmul %get3A_312, %get3A_304, %dot_general3A_313 {dimension_numbers = #tpu.dot_dimension_numbers<[0], [1], [1], [0], [0, 1, 1, 0], [], []>, transpose_lhs_hint = false} : vector<64x3xf32>, vector<3192x64xf32>, vector<3x3192xf32> -> vector<3x3192xf32>
    %get3A_315 = arith.constant 0 : index
    %get3A_316 = arith.constant 9 : index
    %get3A_317 = arith.constant 0 : index
    %get3A_318 = vector.load %arg1[%get3A_315, %get3A_316, %get3A_317] : memref<1x13136x64xf32, #tpu.memory_space<vmem>>, vector<1x3192x64xf32>
    %get3A_319 = vector.shape_cast %get3A_318 : vector<1x3192x64xf32> to vector<3192x64xf32>
    %get3A_320 = arith.constant 0 : index
    %get3A_321 = arith.constant 1 : index
    %get3A_322 = arith.constant 0 : index
    %get3A_323 = arith.constant 1 : index
    %get3A_324 = arith.constant 0 : index
    %get3A_325 = arith.constant 0 : index
    %get3A_326 = vector.load %arg2[%get3A_320, %get3A_321, %get3A_322, %get3A_323, %get3A_324, %get3A_325] : memref<2x2x2x2x64x3xf32, #tpu.memory_space<vmem>>, vector<1x1x1x1x64x3xf32>
    %get3A_327 = vector.shape_cast %get3A_326 : vector<1x1x1x1x64x3xf32> to vector<64x3xf32>
    %dot_general3A_328 = arith.constant dense<0.000000e+00> : vector<3x3192xf32>
    %dot_general3A_329 = tpu.matmul %get3A_327, %get3A_319, %dot_general3A_328 {dimension_numbers = #tpu.dot_dimension_numbers<[0], [1], [1], [0], [0, 1, 1, 0], [], []>, transpose_lhs_hint = false} : vector<64x3xf32>, vector<3192x64xf32>, vector<3x3192xf32> -> vector<3x3192xf32>
    %add3A_330 = arith.addf %dot_general3A_314, %dot_general3A_329 : vector<3x3192xf32>
    %get3A_331 = arith.constant 0 : index
    %get3A_332 = arith.constant 122 : index
    %get3A_333 = arith.constant 0 : index
    %get3A_334 = vector.load %arg1[%get3A_331, %get3A_332, %get3A_333] : memref<1x13136x64xf32, #tpu.memory_space<vmem>>, vector<1x3192x64xf32>
    %get3A_335 = vector.shape_cast %get3A_334 : vector<1x3192x64xf32> to vector<3192x64xf32>
    %get3A_336 = arith.constant 0 : index
    %get3A_337 = arith.constant 1 : index
    %get3A_338 = arith.constant 1 : index
    %get3A_339 = arith.constant 0 : index
    %get3A_340 = arith.constant 0 : index
    %get3A_341 = arith.constant 0 : index
    %get3A_342 = vector.load %arg2[%get3A_336, %get3A_337, %get3A_338, %get3A_339, %get3A_340, %get3A_341] : memref<2x2x2x2x64x3xf32, #tpu.memory_space<vmem>>, vector<1x1x1x1x64x3xf32>
    %get3A_343 = vector.shape_cast %get3A_342 : vector<1x1x1x1x64x3xf32> to vector<64x3xf32>
    %dot_general3A_344 = arith.constant dense<0.000000e+00> : vector<3x3192xf32>
    %dot_general3A_345 = tpu.matmul %get3A_343, %get3A_335, %dot_general3A_344 {dimension_numbers = #tpu.dot_dimension_numbers<[0], [1], [1], [0], [0, 1, 1, 0], [], []>, transpose_lhs_hint = false} : vector<64x3xf32>, vector<3192x64xf32>, vector<3x3192xf32> -> vector<3x3192xf32>
    %add3A_346 = arith.addf %add3A_330, %dot_general3A_345 : vector<3x3192xf32>
    %get3A_347 = arith.constant 0 : index
    %get3A_348 = arith.constant 123 : index
    %get3A_349 = arith.constant 0 : index
    %get3A_350 = vector.load %arg1[%get3A_347, %get3A_348, %get3A_349] : memref<1x13136x64xf32, #tpu.memory_space<vmem>>, vector<1x3192x64xf32>
    %get3A_351 = vector.shape_cast %get3A_350 : vector<1x3192x64xf32> to vector<3192x64xf32>
    %get3A_352 = arith.constant 0 : index
    %get3A_353 = arith.constant 1 : index
    %get3A_354 = arith.constant 1 : index
    %get3A_355 = arith.constant 1 : index
    %get3A_356 = arith.constant 0 : index
    %get3A_357 = arith.constant 0 : index
    %get3A_358 = vector.load %arg2[%get3A_352, %get3A_353, %get3A_354, %get3A_355, %get3A_356, %get3A_357] : memref<2x2x2x2x64x3xf32, #tpu.memory_space<vmem>>, vector<1x1x1x1x64x3xf32>
    %get3A_359 = vector.shape_cast %get3A_358 : vector<1x1x1x1x64x3xf32> to vector<64x3xf32>
    %dot_general3A_360 = arith.constant dense<0.000000e+00> : vector<3x3192xf32>
    %dot_general3A_361 = tpu.matmul %get3A_359, %get3A_351, %dot_general3A_360 {dimension_numbers = #tpu.dot_dimension_numbers<[0], [1], [1], [0], [0, 1, 1, 0], [], []>, transpose_lhs_hint = false} : vector<64x3xf32>, vector<3192x64xf32>, vector<3x3192xf32> -> vector<3x3192xf32>
    %add3A_362 = arith.addf %add3A_346, %dot_general3A_361 : vector<3x3192xf32>
    %get3A_363 = arith.constant 0 : index
    %get3A_364 = arith.constant 0 : index
    %get3A_365 = vector.load %arg3[%get3A_363, %get3A_364] : memref<3x1xf32, #tpu.memory_space<vmem>>, vector<3x1xf32>
    %add3A_366 = vector.broadcast %get3A_365 : vector<3x1xf32> to vector<3x3192xf32>
    %add3A_367 = arith.addf %add3A_362, %add3A_366 : vector<3x3192xf32>
    %swap3A_368 = arith.constant 0 : index
    %swap3A_369 = arith.constant 0 : index
    %swap3A_370 = arith.constant 1 : index
    %swap3A_371 = arith.constant 0 : index
    %swap3A_372 = arith.constant 122 : index
    %swap3A_373 = vector.load %arg4[%swap3A_368, %swap3A_369, %swap3A_370, %swap3A_371, %swap3A_372] : memref<1x2x2x3x13136xf32, #tpu.memory_space<vmem>>, vector<1x1x1x3x3192xf32>
    %swap3A_374 = vector.shape_cast %swap3A_373 : vector<1x1x1x3x3192xf32> to vector<3x3192xf32>
    %swap3A_375 = vector.shape_cast %add3A_367 : vector<3x3192xf32> to vector<1x1x1x3x3192xf32>
    tpu.vector_store %arg4[%swap3A_368, %swap3A_369, %swap3A_370, %swap3A_371, %swap3A_372], %swap3A_375 {strides = array<i32>} : memref<1x2x2x3x13136xf32, #tpu.memory_space<vmem>>, vector<1x1x1x3x3192xf32>,
    %get3A_376 = arith.constant 0 : index
    %get3A_377 = arith.constant 3200 : index
    %get3A_378 = arith.constant 0 : index
    %get3A_379 = vector.load %arg1[%get3A_376, %get3A_377, %get3A_378] : memref<1x13136x64xf32, #tpu.memory_space<vmem>>, vector<1x3192x64xf32>
    %get3A_380 = vector.shape_cast %get3A_379 : vector<1x3192x64xf32> to vector<3192x64xf32>
    %get3A_381 = arith.constant 0 : index
    %get3A_382 = arith.constant 1 : index
    %get3A_383 = arith.constant 0 : index
    %get3A_384 = arith.constant 0 : index
    %get3A_385 = arith.constant 0 : index
    %get3A_386 = arith.constant 0 : index
    %get3A_387 = vector.load %arg2[%get3A_381, %get3A_382, %get3A_383, %get3A_384, %get3A_385, %get3A_386] : memref<2x2x2x2x64x3xf32, #tpu.memory_space<vmem>>, vector<1x1x1x1x64x3xf32>
    %get3A_388 = vector.shape_cast %get3A_387 : vector<1x1x1x1x64x3xf32> to vector<64x3xf32>
    %dot_general3A_389 = arith.constant dense<0.000000e+00> : vector<3x3192xf32>
    %dot_general3A_390 = tpu.matmul %get3A_388, %get3A_380, %dot_general3A_389 {dimension_numbers = #tpu.dot_dimension_numbers<[0], [1], [1], [0], [0, 1, 1, 0], [], []>, transpose_lhs_hint = false} : vector<64x3xf32>, vector<3192x64xf32>, vector<3x3192xf32> -> vector<3x3192xf32>
    %get3A_391 = arith.constant 0 : index
    %get3A_392 = arith.constant 3201 : index
    %get3A_393 = arith.constant 0 : index
    %get3A_394 = vector.load %arg1[%get3A_391, %get3A_392, %get3A_393] : memref<1x13136x64xf32, #tpu.memory_space<vmem>>, vector<1x3192x64xf32>
    %get3A_395 = vector.shape_cast %get3A_394 : vector<1x3192x64xf32> to vector<3192x64xf32>
    %get3A_396 = arith.constant 0 : index
    %get3A_397 = arith.constant 1 : index
    %get3A_398 = arith.constant 0 : index
    %get3A_399 = arith.constant 1 : index
    %get3A_400 = arith.constant 0 : index
    %get3A_401 = arith.constant 0 : index
    %get3A_402 = vector.load %arg2[%get3A_396, %get3A_397, %get3A_398, %get3A_399, %get3A_400, %get3A_401] : memref<2x2x2x2x64x3xf32, #tpu.memory_space<vmem>>, vector<1x1x1x1x64x3xf32>
    %get3A_403 = vector.shape_cast %get3A_402 : vector<1x1x1x1x64x3xf32> to vector<64x3xf32>
    %dot_general3A_404 = arith.constant dense<0.000000e+00> : vector<3x3192xf32>
    %dot_general3A_405 = tpu.matmul %get3A_403, %get3A_395, %dot_general3A_404 {dimension_numbers = #tpu.dot_dimension_numbers<[0], [1], [1], [0], [0, 1, 1, 0], [], []>, transpose_lhs_hint = false} : vector<64x3xf32>, vector<3192x64xf32>, vector<3x3192xf32> -> vector<3x3192xf32>
    %add3A_406 = arith.addf %dot_general3A_390, %dot_general3A_405 : vector<3x3192xf32>
    %get3A_407 = arith.constant 0 : index
    %get3A_408 = arith.constant 3314 : index
    %get3A_409 = arith.constant 0 : index
    %get3A_410 = vector.load %arg1[%get3A_407, %get3A_408, %get3A_409] : memref<1x13136x64xf32, #tpu.memory_space<vmem>>, vector<1x3192x64xf32>
    %get3A_411 = vector.shape_cast %get3A_410 : vector<1x3192x64xf32> to vector<3192x64xf32>
    %get3A_412 = arith.constant 0 : index
    %get3A_413 = arith.constant 1 : index
    %get3A_414 = arith.constant 1 : index
    %get3A_415 = arith.constant 0 : index
    %get3A_416 = arith.constant 0 : index
    %get3A_417 = arith.constant 0 : index
    %get3A_418 = vector.load %arg2[%get3A_412, %get3A_413, %get3A_414, %get3A_415, %get3A_416, %get3A_417] : memref<2x2x2x2x64x3xf32, #tpu.memory_space<vmem>>, vector<1x1x1x1x64x3xf32>
    %get3A_419 = vector.shape_cast %get3A_418 : vector<1x1x1x1x64x3xf32> to vector<64x3xf32>
    %dot_general3A_420 = arith.constant dense<0.000000e+00> : vector<3x3192xf32>
    %dot_general3A_421 = tpu.matmul %get3A_419, %get3A_411, %dot_general3A_420 {dimension_numbers = #tpu.dot_dimension_numbers<[0], [1], [1], [0], [0, 1, 1, 0], [], []>, transpose_lhs_hint = false} : vector<64x3xf32>, vector<3192x64xf32>, vector<3x3192xf32> -> vector<3x3192xf32>
    %add3A_422 = arith.addf %add3A_406, %dot_general3A_421 : vector<3x3192xf32>
    %get3A_423 = arith.constant 0 : index
    %get3A_424 = arith.constant 3315 : index
    %get3A_425 = arith.constant 0 : index
    %get3A_426 = vector.load %arg1[%get3A_423, %get3A_424, %get3A_425] : memref<1x13136x64xf32, #tpu.memory_space<vmem>>, vector<1x3192x64xf32>
    %get3A_427 = vector.shape_cast %get3A_426 : vector<1x3192x64xf32> to vector<3192x64xf32>
    %get3A_428 = arith.constant 0 : index
    %get3A_429 = arith.constant 1 : index
    %get3A_430 = arith.constant 1 : index
    %get3A_431 = arith.constant 1 : index
    %get3A_432 = arith.constant 0 : index
    %get3A_433 = arith.constant 0 : index
    %get3A_434 = vector.load %arg2[%get3A_428, %get3A_429, %get3A_430, %get3A_431, %get3A_432, %get3A_433] : memref<2x2x2x2x64x3xf32, #tpu.memory_space<vmem>>, vector<1x1x1x1x64x3xf32>
    %get3A_435 = vector.shape_cast %get3A_434 : vector<1x1x1x1x64x3xf32> to vector<64x3xf32>
    %dot_general3A_436 = arith.constant dense<0.000000e+00> : vector<3x3192xf32>
    %dot_general3A_437 = tpu.matmul %get3A_435, %get3A_427, %dot_general3A_436 {dimension_numbers = #tpu.dot_dimension_numbers<[0], [1], [1], [0], [0, 1, 1, 0], [], []>, transpose_lhs_hint = false} : vector<64x3xf32>, vector<3192x64xf32>, vector<3x3192xf32> -> vector<3x3192xf32>
    %add3A_438 = arith.addf %add3A_422, %dot_general3A_437 : vector<3x3192xf32>
    %get3A_439 = arith.constant 0 : index
    %get3A_440 = arith.constant 0 : index
    %get3A_441 = vector.load %arg3[%get3A_439, %get3A_440] : memref<3x1xf32, #tpu.memory_space<vmem>>, vector<3x1xf32>
    %add3A_442 = vector.broadcast %get3A_441 : vector<3x1xf32> to vector<3x3192xf32>
    %add3A_443 = arith.addf %add3A_438, %add3A_442 : vector<3x3192xf32>
    %swap3A_444 = arith.constant 0 : index
    %swap3A_445 = arith.constant 0 : index
    %swap3A_446 = arith.constant 1 : index
    %swap3A_447 = arith.constant 0 : index
    %swap3A_448 = arith.constant 3314 : index
    %swap3A_449 = vector.load %arg4[%swap3A_444, %swap3A_445, %swap3A_446, %swap3A_447, %swap3A_448] : memref<1x2x2x3x13136xf32, #tpu.memory_space<vmem>>, vector<1x1x1x3x3192xf32>
    %swap3A_450 = vector.shape_cast %swap3A_449 : vector<1x1x1x3x3192xf32> to vector<3x3192xf32>
    %swap3A_451 = vector.shape_cast %add3A_443 : vector<3x3192xf32> to vector<1x1x1x3x3192xf32>
    tpu.vector_store %arg4[%swap3A_444, %swap3A_445, %swap3A_446, %swap3A_447, %swap3A_448], %swap3A_451 {strides = array<i32>} : memref<1x2x2x3x13136xf32, #tpu.memory_space<vmem>>, vector<1x1x1x3x3192xf32>,
    %get3A_452 = arith.constant 0 : index
    %get3A_453 = arith.constant 6392 : index
    %get3A_454 = arith.constant 0 : index
    %get3A_455 = vector.load %arg1[%get3A_452, %get3A_453, %get3A_454] : memref<1x13136x64xf32, #tpu.memory_space<vmem>>, vector<1x3192x64xf32>
    %get3A_456 = vector.shape_cast %get3A_455 : vector<1x3192x64xf32> to vector<3192x64xf32>
    %get3A_457 = arith.constant 0 : index
    %get3A_458 = arith.constant 1 : index
    %get3A_459 = arith.constant 0 : index
    %get3A_460 = arith.constant 0 : index
    %get3A_461 = arith.constant 0 : index
    %get3A_462 = arith.constant 0 : index
    %get3A_463 = vector.load %arg2[%get3A_457, %get3A_458, %get3A_459, %get3A_460, %get3A_461, %get3A_462] : memref<2x2x2x2x64x3xf32, #tpu.memory_space<vmem>>, vector<1x1x1x1x64x3xf32>
    %get3A_464 = vector.shape_cast %get3A_463 : vector<1x1x1x1x64x3xf32> to vector<64x3xf32>
    %dot_general3A_465 = arith.constant dense<0.000000e+00> : vector<3x3192xf32>
    %dot_general3A_466 = tpu.matmul %get3A_464, %get3A_456, %dot_general3A_465 {dimension_numbers = #tpu.dot_dimension_numbers<[0], [1], [1], [0], [0, 1, 1, 0], [], []>, transpose_lhs_hint = false} : vector<64x3xf32>, vector<3192x64xf32>, vector<3x3192xf32> -> vector<3x3192xf32>
    %get3A_467 = arith.constant 0 : index
    %get3A_468 = arith.constant 6393 : index
    %get3A_469 = arith.constant 0 : index
    %get3A_470 = vector.load %arg1[%get3A_467, %get3A_468, %get3A_469] : memref<1x13136x64xf32, #tpu.memory_space<vmem>>, vector<1x3192x64xf32>
    %get3A_471 = vector.shape_cast %get3A_470 : vector<1x3192x64xf32> to vector<3192x64xf32>
    %get3A_472 = arith.constant 0 : index
    %get3A_473 = arith.constant 1 : index
    %get3A_474 = arith.constant 0 : index
    %get3A_475 = arith.constant 1 : index
    %get3A_476 = arith.constant 0 : index
    %get3A_477 = arith.constant 0 : index
    %get3A_478 = vector.load %arg2[%get3A_472, %get3A_473, %get3A_474, %get3A_475, %get3A_476, %get3A_477] : memref<2x2x2x2x64x3xf32, #tpu.memory_space<vmem>>, vector<1x1x1x1x64x3xf32>
    %get3A_479 = vector.shape_cast %get3A_478 : vector<1x1x1x1x64x3xf32> to vector<64x3xf32>
    %dot_general3A_480 = arith.constant dense<0.000000e+00> : vector<3x3192xf32>
    %dot_general3A_481 = tpu.matmul %get3A_479, %get3A_471, %dot_general3A_480 {dimension_numbers = #tpu.dot_dimension_numbers<[0], [1], [1], [0], [0, 1, 1, 0], [], []>, transpose_lhs_hint = false} : vector<64x3xf32>, vector<3192x64xf32>, vector<3x3192xf32> -> vector<3x3192xf32>
    %add3A_482 = arith.addf %dot_general3A_466, %dot_general3A_481 : vector<3x3192xf32>
    %get3A_483 = arith.constant 0 : index
    %get3A_484 = arith.constant 6506 : index
    %get3A_485 = arith.constant 0 : index
    %get3A_486 = vector.load %arg1[%get3A_483, %get3A_484, %get3A_485] : memref<1x13136x64xf32, #tpu.memory_space<vmem>>, vector<1x3192x64xf32>
    %get3A_487 = vector.shape_cast %get3A_486 : vector<1x3192x64xf32> to vector<3192x64xf32>
    %get3A_488 = arith.constant 0 : index
    %get3A_489 = arith.constant 1 : index
    %get3A_490 = arith.constant 1 : index
    %get3A_491 = arith.constant 0 : index
    %get3A_492 = arith.constant 0 : index
    %get3A_493 = arith.constant 0 : index
    %get3A_494 = vector.load %arg2[%get3A_488, %get3A_489, %get3A_490, %get3A_491, %get3A_492, %get3A_493] : memref<2x2x2x2x64x3xf32, #tpu.memory_space<vmem>>, vector<1x1x1x1x64x3xf32>
    %get3A_495 = vector.shape_cast %get3A_494 : vector<1x1x1x1x64x3xf32> to vector<64x3xf32>
    %dot_general3A_496 = arith.constant dense<0.000000e+00> : vector<3x3192xf32>
    %dot_general3A_497 = tpu.matmul %get3A_495, %get3A_487, %dot_general3A_496 {dimension_numbers = #tpu.dot_dimension_numbers<[0], [1], [1], [0], [0, 1, 1, 0], [], []>, transpose_lhs_hint = false} : vector<64x3xf32>, vector<3192x64xf32>, vector<3x3192xf32> -> vector<3x3192xf32>
    %add3A_498 = arith.addf %add3A_482, %dot_general3A_497 : vector<3x3192xf32>
    %get3A_499 = arith.constant 0 : index
    %get3A_500 = arith.constant 6507 : index
    %get3A_501 = arith.constant 0 : index
    %get3A_502 = vector.load %arg1[%get3A_499, %get3A_500, %get3A_501] : memref<1x13136x64xf32, #tpu.memory_space<vmem>>, vector<1x3192x64xf32>
    %get3A_503 = vector.shape_cast %get3A_502 : vector<1x3192x64xf32> to vector<3192x64xf32>
    %get3A_504 = arith.constant 0 : index
    %get3A_505 = arith.constant 1 : index
    %get3A_506 = arith.constant 1 : index
    %get3A_507 = arith.constant 1 : index
    %get3A_508 = arith.constant 0 : index
    %get3A_509 = arith.constant 0 : index
    %get3A_510 = vector.load %arg2[%get3A_504, %get3A_505, %get3A_506, %get3A_507, %get3A_508, %get3A_509] : memref<2x2x2x2x64x3xf32, #tpu.memory_space<vmem>>, vector<1x1x1x1x64x3xf32>
    %get3A_511 = vector.shape_cast %get3A_510 : vector<1x1x1x1x64x3xf32> to vector<64x3xf32>
    %dot_general3A_512 = arith.constant dense<0.000000e+00> : vector<3x3192xf32>
    %dot_general3A_513 = tpu.matmul %get3A_511, %get3A_503, %dot_general3A_512 {dimension_numbers = #tpu.dot_dimension_numbers<[0], [1], [1], [0], [0, 1, 1, 0], [], []>, transpose_lhs_hint = false} : vector<64x3xf32>, vector<3192x64xf32>, vector<3x3192xf32> -> vector<3x3192xf32>
    %add3A_514 = arith.addf %add3A_498, %dot_general3A_513 : vector<3x3192xf32>
    %get3A_515 = arith.constant 0 : index
    %get3A_516 = arith.constant 0 : index
    %get3A_517 = vector.load %arg3[%get3A_515, %get3A_516] : memref<3x1xf32, #tpu.memory_space<vmem>>, vector<3x1xf32>
    %add3A_518 = vector.broadcast %get3A_517 : vector<3x1xf32> to vector<3x3192xf32>
    %add3A_519 = arith.addf %add3A_514, %add3A_518 : vector<3x3192xf32>
    %swap3A_520 = arith.constant 0 : index
    %swap3A_521 = arith.constant 0 : index
    %swap3A_522 = arith.constant 1 : index
    %swap3A_523 = arith.constant 0 : index
    %swap3A_524 = arith.constant 6506 : index
    %swap3A_525 = vector.load %arg4[%swap3A_520, %swap3A_521, %swap3A_522, %swap3A_523, %swap3A_524] : memref<1x2x2x3x13136xf32, #tpu.memory_space<vmem>>, vector<1x1x1x3x3192xf32>
    %swap3A_526 = vector.shape_cast %swap3A_525 : vector<1x1x1x3x3192xf32> to vector<3x3192xf32>
    %swap3A_527 = vector.shape_cast %add3A_519 : vector<3x3192xf32> to vector<1x1x1x3x3192xf32>
    tpu.vector_store %arg4[%swap3A_520, %swap3A_521, %swap3A_522, %swap3A_523, %swap3A_524], %swap3A_527 {strides = array<i32>} : memref<1x2x2x3x13136xf32, #tpu.memory_space<vmem>>, vector<1x1x1x3x3192xf32>,
    %get3A_528 = arith.constant 0 : index
    %get3A_529 = arith.constant 9584 : index
    %get3A_530 = arith.constant 0 : index
    %get3A_531 = vector.load %arg1[%get3A_528, %get3A_529, %get3A_530] : memref<1x13136x64xf32, #tpu.memory_space<vmem>>, vector<1x3192x64xf32>
    %get3A_532 = vector.shape_cast %get3A_531 : vector<1x3192x64xf32> to vector<3192x64xf32>
    %get3A_533 = arith.constant 0 : index
    %get3A_534 = arith.constant 1 : index
    %get3A_535 = arith.constant 0 : index
    %get3A_536 = arith.constant 0 : index
    %get3A_537 = arith.constant 0 : index
    %get3A_538 = arith.constant 0 : index
    %get3A_539 = vector.load %arg2[%get3A_533, %get3A_534, %get3A_535, %get3A_536, %get3A_537, %get3A_538] : memref<2x2x2x2x64x3xf32, #tpu.memory_space<vmem>>, vector<1x1x1x1x64x3xf32>
    %get3A_540 = vector.shape_cast %get3A_539 : vector<1x1x1x1x64x3xf32> to vector<64x3xf32>
    %dot_general3A_541 = arith.constant dense<0.000000e+00> : vector<3x3192xf32>
    %dot_general3A_542 = tpu.matmul %get3A_540, %get3A_532, %dot_general3A_541 {dimension_numbers = #tpu.dot_dimension_numbers<[0], [1], [1], [0], [0, 1, 1, 0], [], []>, transpose_lhs_hint = false} : vector<64x3xf32>, vector<3192x64xf32>, vector<3x3192xf32> -> vector<3x3192xf32>
    %get3A_543 = arith.constant 0 : index
    %get3A_544 = arith.constant 9585 : index
    %get3A_545 = arith.constant 0 : index
    %get3A_546 = vector.load %arg1[%get3A_543, %get3A_544, %get3A_545] : memref<1x13136x64xf32, #tpu.memory_space<vmem>>, vector<1x3192x64xf32>
    %get3A_547 = vector.shape_cast %get3A_546 : vector<1x3192x64xf32> to vector<3192x64xf32>
    %get3A_548 = arith.constant 0 : index
    %get3A_549 = arith.constant 1 : index
    %get3A_550 = arith.constant 0 : index
    %get3A_551 = arith.constant 1 : index
    %get3A_552 = arith.constant 0 : index
    %get3A_553 = arith.constant 0 : index
    %get3A_554 = vector.load %arg2[%get3A_548, %get3A_549, %get3A_550, %get3A_551, %get3A_552, %get3A_553] : memref<2x2x2x2x64x3xf32, #tpu.memory_space<vmem>>, vector<1x1x1x1x64x3xf32>
    %get3A_555 = vector.shape_cast %get3A_554 : vector<1x1x1x1x64x3xf32> to vector<64x3xf32>
    %dot_general3A_556 = arith.constant dense<0.000000e+00> : vector<3x3192xf32>
    %dot_general3A_557 = tpu.matmul %get3A_555, %get3A_547, %dot_general3A_556 {dimension_numbers = #tpu.dot_dimension_numbers<[0], [1], [1], [0], [0, 1, 1, 0], [], []>, transpose_lhs_hint = false} : vector<64x3xf32>, vector<3192x64xf32>, vector<3x3192xf32> -> vector<3x3192xf32>
    %add3A_558 = arith.addf %dot_general3A_542, %dot_general3A_557 : vector<3x3192xf32>
    %get3A_559 = arith.constant 0 : index
    %get3A_560 = arith.constant 9698 : index
    %get3A_561 = arith.constant 0 : index
    %get3A_562 = vector.load %arg1[%get3A_559, %get3A_560, %get3A_561] : memref<1x13136x64xf32, #tpu.memory_space<vmem>>, vector<1x3192x64xf32>
    %get3A_563 = vector.shape_cast %get3A_562 : vector<1x3192x64xf32> to vector<3192x64xf32>
    %get3A_564 = arith.constant 0 : index
    %get3A_565 = arith.constant 1 : index
    %get3A_566 = arith.constant 1 : index
    %get3A_567 = arith.constant 0 : index
    %get3A_568 = arith.constant 0 : index
    %get3A_569 = arith.constant 0 : index
    %get3A_570 = vector.load %arg2[%get3A_564, %get3A_565, %get3A_566, %get3A_567, %get3A_568, %get3A_569] : memref<2x2x2x2x64x3xf32, #tpu.memory_space<vmem>>, vector<1x1x1x1x64x3xf32>
    %get3A_571 = vector.shape_cast %get3A_570 : vector<1x1x1x1x64x3xf32> to vector<64x3xf32>
    %dot_general3A_572 = arith.constant dense<0.000000e+00> : vector<3x3192xf32>
    %dot_general3A_573 = tpu.matmul %get3A_571, %get3A_563, %dot_general3A_572 {dimension_numbers = #tpu.dot_dimension_numbers<[0], [1], [1], [0], [0, 1, 1, 0], [], []>, transpose_lhs_hint = false} : vector<64x3xf32>, vector<3192x64xf32>, vector<3x3192xf32> -> vector<3x3192xf32>
    %add3A_574 = arith.addf %add3A_558, %dot_general3A_573 : vector<3x3192xf32>
    %get3A_575 = arith.constant 0 : index
    %get3A_576 = arith.constant 9699 : index
    %get3A_577 = arith.constant 0 : index
    %get3A_578 = vector.load %arg1[%get3A_575, %get3A_576, %get3A_577] : memref<1x13136x64xf32, #tpu.memory_space<vmem>>, vector<1x3192x64xf32>
    %get3A_579 = vector.shape_cast %get3A_578 : vector<1x3192x64xf32> to vector<3192x64xf32>
    %get3A_580 = arith.constant 0 : index
    %get3A_581 = arith.constant 1 : index
    %get3A_582 = arith.constant 1 : index
    %get3A_583 = arith.constant 1 : index
    %get3A_584 = arith.constant 0 : index
    %get3A_585 = arith.constant 0 : index
    %get3A_586 = vector.load %arg2[%get3A_580, %get3A_581, %get3A_582, %get3A_583, %get3A_584, %get3A_585] : memref<2x2x2x2x64x3xf32, #tpu.memory_space<vmem>>, vector<1x1x1x1x64x3xf32>
    %get3A_587 = vector.shape_cast %get3A_586 : vector<1x1x1x1x64x3xf32> to vector<64x3xf32>
    %dot_general3A_588 = arith.constant dense<0.000000e+00> : vector<3x3192xf32>
    %dot_general3A_589 = tpu.matmul %get3A_587, %get3A_579, %dot_general3A_588 {dimension_numbers = #tpu.dot_dimension_numbers<[0], [1], [1], [0], [0, 1, 1, 0], [], []>, transpose_lhs_hint = false} : vector<64x3xf32>, vector<3192x64xf32>, vector<3x3192xf32> -> vector<3x3192xf32>
    %add3A_590 = arith.addf %add3A_574, %dot_general3A_589 : vector<3x3192xf32>
    %get3A_591 = arith.constant 0 : index
    %get3A_592 = arith.constant 0 : index
    %get3A_593 = vector.load %arg3[%get3A_591, %get3A_592] : memref<3x1xf32, #tpu.memory_space<vmem>>, vector<3x1xf32>
    %add3A_594 = vector.broadcast %get3A_593 : vector<3x1xf32> to vector<3x3192xf32>
    %add3A_595 = arith.addf %add3A_590, %add3A_594 : vector<3x3192xf32>
    %swap3A_596 = arith.constant 0 : index
    %swap3A_597 = arith.constant 0 : index
    %swap3A_598 = arith.constant 1 : index
    %swap3A_599 = arith.constant 0 : index
    %swap3A_600 = arith.constant 9698 : index
    %swap3A_601 = vector.load %arg4[%swap3A_596, %swap3A_597, %swap3A_598, %swap3A_599, %swap3A_600] : memref<1x2x2x3x13136xf32, #tpu.memory_space<vmem>>, vector<1x1x1x3x3192xf32>
    %swap3A_602 = vector.shape_cast %swap3A_601 : vector<1x1x1x3x3192xf32> to vector<3x3192xf32>
    %swap3A_603 = vector.shape_cast %add3A_595 : vector<3x3192xf32> to vector<1x1x1x3x3192xf32>
    tpu.vector_store %arg4[%swap3A_596, %swap3A_597, %swap3A_598, %swap3A_599, %swap3A_600], %swap3A_603 {strides = array<i32>} : memref<1x2x2x3x13136xf32, #tpu.memory_space<vmem>>, vector<1x1x1x3x3192xf32>,
    %get3A_604 = arith.constant 0 : index
    %get3A_605 = arith.constant 121 : index
    %get3A_606 = arith.constant 0 : index
    %get3A_607 = vector.load %arg1[%get3A_604, %get3A_605, %get3A_606] : memref<1x13136x64xf32, #tpu.memory_space<vmem>>, vector<1x3192x64xf32>
    %get3A_608 = vector.shape_cast %get3A_607 : vector<1x3192x64xf32> to vector<3192x64xf32>
    %get3A_609 = arith.constant 1 : index
    %get3A_610 = arith.constant 0 : index
    %get3A_611 = arith.constant 0 : index
    %get3A_612 = arith.constant 0 : index
    %get3A_613 = arith.constant 0 : index
    %get3A_614 = arith.constant 0 : index
    %get3A_615 = vector.load %arg2[%get3A_609, %get3A_610, %get3A_611, %get3A_612, %get3A_613, %get3A_614] : memref<2x2x2x2x64x3xf32, #tpu.memory_space<vmem>>, vector<1x1x1x1x64x3xf32>
    %get3A_616 = vector.shape_cast %get3A_615 : vector<1x1x1x1x64x3xf32> to vector<64x3xf32>
    %dot_general3A_617 = arith.constant dense<0.000000e+00> : vector<3x3192xf32>
    %dot_general3A_618 = tpu.matmul %get3A_616, %get3A_608, %dot_general3A_617 {dimension_numbers = #tpu.dot_dimension_numbers<[0], [1], [1], [0], [0, 1, 1, 0], [], []>, transpose_lhs_hint = false} : vector<64x3xf32>, vector<3192x64xf32>, vector<3x3192xf32> -> vector<3x3192xf32>
    %get3A_619 = arith.constant 0 : index
    %get3A_620 = arith.constant 122 : index
    %get3A_621 = arith.constant 0 : index
    %get3A_622 = vector.load %arg1[%get3A_619, %get3A_620, %get3A_621] : memref<1x13136x64xf32, #tpu.memory_space<vmem>>, vector<1x3192x64xf32>
    %get3A_623 = vector.shape_cast %get3A_622 : vector<1x3192x64xf32> to vector<3192x64xf32>
    %get3A_624 = arith.constant 1 : index
    %get3A_625 = arith.constant 0 : index
    %get3A_626 = arith.constant 0 : index
    %get3A_627 = arith.constant 1 : index
    %get3A_628 = arith.constant 0 : index
    %get3A_629 = arith.constant 0 : index
    %get3A_630 = vector.load %arg2[%get3A_624, %get3A_625, %get3A_626, %get3A_627, %get3A_628, %get3A_629] : memref<2x2x2x2x64x3xf32, #tpu.memory_space<vmem>>, vector<1x1x1x1x64x3xf32>
    %get3A_631 = vector.shape_cast %get3A_630 : vector<1x1x1x1x64x3xf32> to vector<64x3xf32>
    %dot_general3A_632 = arith.constant dense<0.000000e+00> : vector<3x3192xf32>
    %dot_general3A_633 = tpu.matmul %get3A_631, %get3A_623, %dot_general3A_632 {dimension_numbers = #tpu.dot_dimension_numbers<[0], [1], [1], [0], [0, 1, 1, 0], [], []>, transpose_lhs_hint = false} : vector<64x3xf32>, vector<3192x64xf32>, vector<3x3192xf32> -> vector<3x3192xf32>
    %add3A_634 = arith.addf %dot_general3A_618, %dot_general3A_633 : vector<3x3192xf32>
    %get3A_635 = arith.constant 0 : index
    %get3A_636 = arith.constant 235 : index
    %get3A_637 = arith.constant 0 : index
    %get3A_638 = vector.load %arg1[%get3A_635, %get3A_636, %get3A_637] : memref<1x13136x64xf32, #tpu.memory_space<vmem>>, vector<1x3192x64xf32>
    %get3A_639 = vector.shape_cast %get3A_638 : vector<1x3192x64xf32> to vector<3192x64xf32>
    %get3A_640 = arith.constant 1 : index
    %get3A_641 = arith.constant 0 : index
    %get3A_642 = arith.constant 1 : index
    %get3A_643 = arith.constant 0 : index
    %get3A_644 = arith.constant 0 : index
    %get3A_645 = arith.constant 0 : index
    %get3A_646 = vector.load %arg2[%get3A_640, %get3A_641, %get3A_642, %get3A_643, %get3A_644, %get3A_645] : memref<2x2x2x2x64x3xf32, #tpu.memory_space<vmem>>, vector<1x1x1x1x64x3xf32>
    %get3A_647 = vector.shape_cast %get3A_646 : vector<1x1x1x1x64x3xf32> to vector<64x3xf32>
    %dot_general3A_648 = arith.constant dense<0.000000e+00> : vector<3x3192xf32>
    %dot_general3A_649 = tpu.matmul %get3A_647, %get3A_639, %dot_general3A_648 {dimension_numbers = #tpu.dot_dimension_numbers<[0], [1], [1], [0], [0, 1, 1, 0], [], []>, transpose_lhs_hint = false} : vector<64x3xf32>, vector<3192x64xf32>, vector<3x3192xf32> -> vector<3x3192xf32>
    %add3A_650 = arith.addf %add3A_634, %dot_general3A_649 : vector<3x3192xf32>
    %get3A_651 = arith.constant 0 : index
    %get3A_652 = arith.constant 236 : index
    %get3A_653 = arith.constant 0 : index
    %get3A_654 = vector.load %arg1[%get3A_651, %get3A_652, %get3A_653] : memref<1x13136x64xf32, #tpu.memory_space<vmem>>, vector<1x3192x64xf32>
    %get3A_655 = vector.shape_cast %get3A_654 : vector<1x3192x64xf32> to vector<3192x64xf32>
    %get3A_656 = arith.constant 1 : index
    %get3A_657 = arith.constant 0 : index
    %get3A_658 = arith.constant 1 : index
    %get3A_659 = arith.constant 1 : index
    %get3A_660 = arith.constant 0 : index
    %get3A_661 = arith.constant 0 : index
    %get3A_662 = vector.load %arg2[%get3A_656, %get3A_657, %get3A_658, %get3A_659, %get3A_660, %get3A_661] : memref<2x2x2x2x64x3xf32, #tpu.memory_space<vmem>>, vector<1x1x1x1x64x3xf32>
    %get3A_663 = vector.shape_cast %get3A_662 : vector<1x1x1x1x64x3xf32> to vector<64x3xf32>
    %dot_general3A_664 = arith.constant dense<0.000000e+00> : vector<3x3192xf32>
    %dot_general3A_665 = tpu.matmul %get3A_663, %get3A_655, %dot_general3A_664 {dimension_numbers = #tpu.dot_dimension_numbers<[0], [1], [1], [0], [0, 1, 1, 0], [], []>, transpose_lhs_hint = false} : vector<64x3xf32>, vector<3192x64xf32>, vector<3x3192xf32> -> vector<3x3192xf32>
    %add3A_666 = arith.addf %add3A_650, %dot_general3A_665 : vector<3x3192xf32>
    %get3A_667 = arith.constant 0 : index
    %get3A_668 = arith.constant 0 : index
    %get3A_669 = vector.load %arg3[%get3A_667, %get3A_668] : memref<3x1xf32, #tpu.memory_space<vmem>>, vector<3x1xf32>
    %add3A_670 = vector.broadcast %get3A_669 : vector<3x1xf32> to vector<3x3192xf32>
    %add3A_671 = arith.addf %add3A_666, %add3A_670 : vector<3x3192xf32>
    %swap3A_672 = arith.constant 0 : index
    %swap3A_673 = arith.constant 1 : index
    %swap3A_674 = arith.constant 0 : index
    %swap3A_675 = arith.constant 0 : index
    %swap3A_676 = arith.constant 122 : index
    %swap3A_677 = vector.load %arg4[%swap3A_672, %swap3A_673, %swap3A_674, %swap3A_675, %swap3A_676] : memref<1x2x2x3x13136xf32, #tpu.memory_space<vmem>>, vector<1x1x1x3x3192xf32>
    %swap3A_678 = vector.shape_cast %swap3A_677 : vector<1x1x1x3x3192xf32> to vector<3x3192xf32>
    %swap3A_679 = vector.shape_cast %add3A_671 : vector<3x3192xf32> to vector<1x1x1x3x3192xf32>
    tpu.vector_store %arg4[%swap3A_672, %swap3A_673, %swap3A_674, %swap3A_675, %swap3A_676], %swap3A_679 {strides = array<i32>} : memref<1x2x2x3x13136xf32, #tpu.memory_space<vmem>>, vector<1x1x1x3x3192xf32>,
    %get3A_680 = arith.constant 0 : index
    %get3A_681 = arith.constant 3313 : index
    %get3A_682 = arith.constant 0 : index
    %get3A_683 = vector.load %arg1[%get3A_680, %get3A_681, %get3A_682] : memref<1x13136x64xf32, #tpu.memory_space<vmem>>, vector<1x3192x64xf32>
    %get3A_684 = vector.shape_cast %get3A_683 : vector<1x3192x64xf32> to vector<3192x64xf32>
    %get3A_685 = arith.constant 1 : index
    %get3A_686 = arith.constant 0 : index
    %get3A_687 = arith.constant 0 : index
    %get3A_688 = arith.constant 0 : index
    %get3A_689 = arith.constant 0 : index
    %get3A_690 = arith.constant 0 : index
    %get3A_691 = vector.load %arg2[%get3A_685, %get3A_686, %get3A_687, %get3A_688, %get3A_689, %get3A_690] : memref<2x2x2x2x64x3xf32, #tpu.memory_space<vmem>>, vector<1x1x1x1x64x3xf32>
    %get3A_692 = vector.shape_cast %get3A_691 : vector<1x1x1x1x64x3xf32> to vector<64x3xf32>
    %dot_general3A_693 = arith.constant dense<0.000000e+00> : vector<3x3192xf32>
    %dot_general3A_694 = tpu.matmul %get3A_692, %get3A_684, %dot_general3A_693 {dimension_numbers = #tpu.dot_dimension_numbers<[0], [1], [1], [0], [0, 1, 1, 0], [], []>, transpose_lhs_hint = false} : vector<64x3xf32>, vector<3192x64xf32>, vector<3x3192xf32> -> vector<3x3192xf32>
    %get3A_695 = arith.constant 0 : index
    %get3A_696 = arith.constant 3314 : index
    %get3A_697 = arith.constant 0 : index
    %get3A_698 = vector.load %arg1[%get3A_695, %get3A_696, %get3A_697] : memref<1x13136x64xf32, #tpu.memory_space<vmem>>, vector<1x3192x64xf32>
    %get3A_699 = vector.shape_cast %get3A_698 : vector<1x3192x64xf32> to vector<3192x64xf32>
    %get3A_700 = arith.constant 1 : index
    %get3A_701 = arith.constant 0 : index
    %get3A_702 = arith.constant 0 : index
    %get3A_703 = arith.constant 1 : index
    %get3A_704 = arith.constant 0 : index
    %get3A_705 = arith.constant 0 : index
    %get3A_706 = vector.load %arg2[%get3A_700, %get3A_701, %get3A_702, %get3A_703, %get3A_704, %get3A_705] : memref<2x2x2x2x64x3xf32, #tpu.memory_space<vmem>>, vector<1x1x1x1x64x3xf32>
    %get3A_707 = vector.shape_cast %get3A_706 : vector<1x1x1x1x64x3xf32> to vector<64x3xf32>
    %dot_general3A_708 = arith.constant dense<0.000000e+00> : vector<3x3192xf32>
    %dot_general3A_709 = tpu.matmul %get3A_707, %get3A_699, %dot_general3A_708 {dimension_numbers = #tpu.dot_dimension_numbers<[0], [1], [1], [0], [0, 1, 1, 0], [], []>, transpose_lhs_hint = false} : vector<64x3xf32>, vector<3192x64xf32>, vector<3x3192xf32> -> vector<3x3192xf32>
    %add3A_710 = arith.addf %dot_general3A_694, %dot_general3A_709 : vector<3x3192xf32>
    %get3A_711 = arith.constant 0 : index
    %get3A_712 = arith.constant 3427 : index
    %get3A_713 = arith.constant 0 : index
    %get3A_714 = vector.load %arg1[%get3A_711, %get3A_712, %get3A_713] : memref<1x13136x64xf32, #tpu.memory_space<vmem>>, vector<1x3192x64xf32>
    %get3A_715 = vector.shape_cast %get3A_714 : vector<1x3192x64xf32> to vector<3192x64xf32>
    %get3A_716 = arith.constant 1 : index
    %get3A_717 = arith.constant 0 : index
    %get3A_718 = arith.constant 1 : index
    %get3A_719 = arith.constant 0 : index
    %get3A_720 = arith.constant 0 : index
    %get3A_721 = arith.constant 0 : index
    %get3A_722 = vector.load %arg2[%get3A_716, %get3A_717, %get3A_718, %get3A_719, %get3A_720, %get3A_721] : memref<2x2x2x2x64x3xf32, #tpu.memory_space<vmem>>, vector<1x1x1x1x64x3xf32>
    %get3A_723 = vector.shape_cast %get3A_722 : vector<1x1x1x1x64x3xf32> to vector<64x3xf32>
    %dot_general3A_724 = arith.constant dense<0.000000e+00> : vector<3x3192xf32>
    %dot_general3A_725 = tpu.matmul %get3A_723, %get3A_715, %dot_general3A_724 {dimension_numbers = #tpu.dot_dimension_numbers<[0], [1], [1], [0], [0, 1, 1, 0], [], []>, transpose_lhs_hint = false} : vector<64x3xf32>, vector<3192x64xf32>, vector<3x3192xf32> -> vector<3x3192xf32>
    %add3A_726 = arith.addf %add3A_710, %dot_general3A_725 : vector<3x3192xf32>
    %get3A_727 = arith.constant 0 : index
    %get3A_728 = arith.constant 3428 : index
    %get3A_729 = arith.constant 0 : index
    %get3A_730 = vector.load %arg1[%get3A_727, %get3A_728, %get3A_729] : memref<1x13136x64xf32, #tpu.memory_space<vmem>>, vector<1x3192x64xf32>
    %get3A_731 = vector.shape_cast %get3A_730 : vector<1x3192x64xf32> to vector<3192x64xf32>
    %get3A_732 = arith.constant 1 : index
    %get3A_733 = arith.constant 0 : index
    %get3A_734 = arith.constant 1 : index
    %get3A_735 = arith.constant 1 : index
    %get3A_736 = arith.constant 0 : index
    %get3A_737 = arith.constant 0 : index
    %get3A_738 = vector.load %arg2[%get3A_732, %get3A_733, %get3A_734, %get3A_735, %get3A_736, %get3A_737] : memref<2x2x2x2x64x3xf32, #tpu.memory_space<vmem>>, vector<1x1x1x1x64x3xf32>
    %get3A_739 = vector.shape_cast %get3A_738 : vector<1x1x1x1x64x3xf32> to vector<64x3xf32>
    %dot_general3A_740 = arith.constant dense<0.000000e+00> : vector<3x3192xf32>
    %dot_general3A_741 = tpu.matmul %get3A_739, %get3A_731, %dot_general3A_740 {dimension_numbers = #tpu.dot_dimension_numbers<[0], [1], [1], [0], [0, 1, 1, 0], [], []>, transpose_lhs_hint = false} : vector<64x3xf32>, vector<3192x64xf32>, vector<3x3192xf32> -> vector<3x3192xf32>
    %add3A_742 = arith.addf %add3A_726, %dot_general3A_741 : vector<3x3192xf32>
    %get3A_743 = arith.constant 0 : index
    %get3A_744 = arith.constant 0 : index
    %get3A_745 = vector.load %arg3[%get3A_743, %get3A_744] : memref<3x1xf32, #tpu.memory_space<vmem>>, vector<3x1xf32>
    %add3A_746 = vector.broadcast %get3A_745 : vector<3x1xf32> to vector<3x3192xf32>
    %add3A_747 = arith.addf %add3A_742, %add3A_746 : vector<3x3192xf32>
    %swap3A_748 = arith.constant 0 : index
    %swap3A_749 = arith.constant 1 : index
    %swap3A_750 = arith.constant 0 : index
    %swap3A_751 = arith.constant 0 : index
    %swap3A_752 = arith.constant 3314 : index
    %swap3A_753 = vector.load %arg4[%swap3A_748, %swap3A_749, %swap3A_750, %swap3A_751, %swap3A_752] : memref<1x2x2x3x13136xf32, #tpu.memory_space<vmem>>, vector<1x1x1x3x3192xf32>
    %swap3A_754 = vector.shape_cast %swap3A_753 : vector<1x1x1x3x3192xf32> to vector<3x3192xf32>
    %swap3A_755 = vector.shape_cast %add3A_747 : vector<3x3192xf32> to vector<1x1x1x3x3192xf32>
    tpu.vector_store %arg4[%swap3A_748, %swap3A_749, %swap3A_750, %swap3A_751, %swap3A_752], %swap3A_755 {strides = array<i32>} : memref<1x2x2x3x13136xf32, #tpu.memory_space<vmem>>, vector<1x1x1x3x3192xf32>,
    %get3A_756 = arith.constant 0 : index
    %get3A_757 = arith.constant 6505 : index
    %get3A_758 = arith.constant 0 : index
    %get3A_759 = vector.load %arg1[%get3A_756, %get3A_757, %get3A_758] : memref<1x13136x64xf32, #tpu.memory_space<vmem>>, vector<1x3192x64xf32>
    %get3A_760 = vector.shape_cast %get3A_759 : vector<1x3192x64xf32> to vector<3192x64xf32>
    %get3A_761 = arith.constant 1 : index
    %get3A_762 = arith.constant 0 : index
    %get3A_763 = arith.constant 0 : index
    %get3A_764 = arith.constant 0 : index
    %get3A_765 = arith.constant 0 : index
    %get3A_766 = arith.constant 0 : index
    %get3A_767 = vector.load %arg2[%get3A_761, %get3A_762, %get3A_763, %get3A_764, %get3A_765, %get3A_766] : memref<2x2x2x2x64x3xf32, #tpu.memory_space<vmem>>, vector<1x1x1x1x64x3xf32>
    %get3A_768 = vector.shape_cast %get3A_767 : vector<1x1x1x1x64x3xf32> to vector<64x3xf32>
    %dot_general3A_769 = arith.constant dense<0.000000e+00> : vector<3x3192xf32>
    %dot_general3A_770 = tpu.matmul %get3A_768, %get3A_760, %dot_general3A_769 {dimension_numbers = #tpu.dot_dimension_numbers<[0], [1], [1], [0], [0, 1, 1, 0], [], []>, transpose_lhs_hint = false} : vector<64x3xf32>, vector<3192x64xf32>, vector<3x3192xf32> -> vector<3x3192xf32>
    %get3A_771 = arith.constant 0 : index
    %get3A_772 = arith.constant 6506 : index
    %get3A_773 = arith.constant 0 : index
    %get3A_774 = vector.load %arg1[%get3A_771, %get3A_772, %get3A_773] : memref<1x13136x64xf32, #tpu.memory_space<vmem>>, vector<1x3192x64xf32>
    %get3A_775 = vector.shape_cast %get3A_774 : vector<1x3192x64xf32> to vector<3192x64xf32>
    %get3A_776 = arith.constant 1 : index
    %get3A_777 = arith.constant 0 : index
    %get3A_778 = arith.constant 0 : index
    %get3A_779 = arith.constant 1 : index
    %get3A_780 = arith.constant 0 : index
    %get3A_781 = arith.constant 0 : index
    %get3A_782 = vector.load %arg2[%get3A_776, %get3A_777, %get3A_778, %get3A_779, %get3A_780, %get3A_781] : memref<2x2x2x2x64x3xf32, #tpu.memory_space<vmem>>, vector<1x1x1x1x64x3xf32>
    %get3A_783 = vector.shape_cast %get3A_782 : vector<1x1x1x1x64x3xf32> to vector<64x3xf32>
    %dot_general3A_784 = arith.constant dense<0.000000e+00> : vector<3x3192xf32>
    %dot_general3A_785 = tpu.matmul %get3A_783, %get3A_775, %dot_general3A_784 {dimension_numbers = #tpu.dot_dimension_numbers<[0], [1], [1], [0], [0, 1, 1, 0], [], []>, transpose_lhs_hint = false} : vector<64x3xf32>, vector<3192x64xf32>, vector<3x3192xf32> -> vector<3x3192xf32>
    %add3A_786 = arith.addf %dot_general3A_770, %dot_general3A_785 : vector<3x3192xf32>
    %get3A_787 = arith.constant 0 : index
    %get3A_788 = arith.constant 6619 : index
    %get3A_789 = arith.constant 0 : index
    %get3A_790 = vector.load %arg1[%get3A_787, %get3A_788, %get3A_789] : memref<1x13136x64xf32, #tpu.memory_space<vmem>>, vector<1x3192x64xf32>
    %get3A_791 = vector.shape_cast %get3A_790 : vector<1x3192x64xf32> to vector<3192x64xf32>
    %get3A_792 = arith.constant 1 : index
    %get3A_793 = arith.constant 0 : index
    %get3A_794 = arith.constant 1 : index
    %get3A_795 = arith.constant 0 : index
    %get3A_796 = arith.constant 0 : index
    %get3A_797 = arith.constant 0 : index
    %get3A_798 = vector.load %arg2[%get3A_792, %get3A_793, %get3A_794, %get3A_795, %get3A_796, %get3A_797] : memref<2x2x2x2x64x3xf32, #tpu.memory_space<vmem>>, vector<1x1x1x1x64x3xf32>
    %get3A_799 = vector.shape_cast %get3A_798 : vector<1x1x1x1x64x3xf32> to vector<64x3xf32>
    %dot_general3A_800 = arith.constant dense<0.000000e+00> : vector<3x3192xf32>
    %dot_general3A_801 = tpu.matmul %get3A_799, %get3A_791, %dot_general3A_800 {dimension_numbers = #tpu.dot_dimension_numbers<[0], [1], [1], [0], [0, 1, 1, 0], [], []>, transpose_lhs_hint = false} : vector<64x3xf32>, vector<3192x64xf32>, vector<3x3192xf32> -> vector<3x3192xf32>
    %add3A_802 = arith.addf %add3A_786, %dot_general3A_801 : vector<3x3192xf32>
    %get3A_803 = arith.constant 0 : index
    %get3A_804 = arith.constant 6620 : index
    %get3A_805 = arith.constant 0 : index
    %get3A_806 = vector.load %arg1[%get3A_803, %get3A_804, %get3A_805] : memref<1x13136x64xf32, #tpu.memory_space<vmem>>, vector<1x3192x64xf32>
    %get3A_807 = vector.shape_cast %get3A_806 : vector<1x3192x64xf32> to vector<3192x64xf32>
    %get3A_808 = arith.constant 1 : index
    %get3A_809 = arith.constant 0 : index
    %get3A_810 = arith.constant 1 : index
    %get3A_811 = arith.constant 1 : index
    %get3A_812 = arith.constant 0 : index
    %get3A_813 = arith.constant 0 : index
    %get3A_814 = vector.load %arg2[%get3A_808, %get3A_809, %get3A_810, %get3A_811, %get3A_812, %get3A_813] : memref<2x2x2x2x64x3xf32, #tpu.memory_space<vmem>>, vector<1x1x1x1x64x3xf32>
    %get3A_815 = vector.shape_cast %get3A_814 : vector<1x1x1x1x64x3xf32> to vector<64x3xf32>
    %dot_general3A_816 = arith.constant dense<0.000000e+00> : vector<3x3192xf32>
    %dot_general3A_817 = tpu.matmul %get3A_815, %get3A_807, %dot_general3A_816 {dimension_numbers = #tpu.dot_dimension_numbers<[0], [1], [1], [0], [0, 1, 1, 0], [], []>, transpose_lhs_hint = false} : vector<64x3xf32>, vector<3192x64xf32>, vector<3x3192xf32> -> vector<3x3192xf32>
    %add3A_818 = arith.addf %add3A_802, %dot_general3A_817 : vector<3x3192xf32>
    %get3A_819 = arith.constant 0 : index
    %get3A_820 = arith.constant 0 : index
    %get3A_821 = vector.load %arg3[%get3A_819, %get3A_820] : memref<3x1xf32, #tpu.memory_space<vmem>>, vector<3x1xf32>
    %add3A_822 = vector.broadcast %get3A_821 : vector<3x1xf32> to vector<3x3192xf32>
    %add3A_823 = arith.addf %add3A_818, %add3A_822 : vector<3x3192xf32>
    %swap3A_824 = arith.constant 0 : index
    %swap3A_825 = arith.constant 1 : index
    %swap3A_826 = arith.constant 0 : index
    %swap3A_827 = arith.constant 0 : index
    %swap3A_828 = arith.constant 6506 : index
    %swap3A_829 = vector.load %arg4[%swap3A_824, %swap3A_825, %swap3A_826, %swap3A_827, %swap3A_828] : memref<1x2x2x3x13136xf32, #tpu.memory_space<vmem>>, vector<1x1x1x3x3192xf32>
    %swap3A_830 = vector.shape_cast %swap3A_829 : vector<1x1x1x3x3192xf32> to vector<3x3192xf32>
    %swap3A_831 = vector.shape_cast %add3A_823 : vector<3x3192xf32> to vector<1x1x1x3x3192xf32>
    tpu.vector_store %arg4[%swap3A_824, %swap3A_825, %swap3A_826, %swap3A_827, %swap3A_828], %swap3A_831 {strides = array<i32>} : memref<1x2x2x3x13136xf32, #tpu.memory_space<vmem>>, vector<1x1x1x3x3192xf32>,
    %get3A_832 = arith.constant 0 : index
    %get3A_833 = arith.constant 9697 : index
    %get3A_834 = arith.constant 0 : index
    %get3A_835 = vector.load %arg1[%get3A_832, %get3A_833, %get3A_834] : memref<1x13136x64xf32, #tpu.memory_space<vmem>>, vector<1x3192x64xf32>
    %get3A_836 = vector.shape_cast %get3A_835 : vector<1x3192x64xf32> to vector<3192x64xf32>
    %get3A_837 = arith.constant 1 : index
    %get3A_838 = arith.constant 0 : index
    %get3A_839 = arith.constant 0 : index
    %get3A_840 = arith.constant 0 : index
    %get3A_841 = arith.constant 0 : index
    %get3A_842 = arith.constant 0 : index
    %get3A_843 = vector.load %arg2[%get3A_837, %get3A_838, %get3A_839, %get3A_840, %get3A_841, %get3A_842] : memref<2x2x2x2x64x3xf32, #tpu.memory_space<vmem>>, vector<1x1x1x1x64x3xf32>
    %get3A_844 = vector.shape_cast %get3A_843 : vector<1x1x1x1x64x3xf32> to vector<64x3xf32>
    %dot_general3A_845 = arith.constant dense<0.000000e+00> : vector<3x3192xf32>
    %dot_general3A_846 = tpu.matmul %get3A_844, %get3A_836, %dot_general3A_845 {dimension_numbers = #tpu.dot_dimension_numbers<[0], [1], [1], [0], [0, 1, 1, 0], [], []>, transpose_lhs_hint = false} : vector<64x3xf32>, vector<3192x64xf32>, vector<3x3192xf32> -> vector<3x3192xf32>
    %get3A_847 = arith.constant 0 : index
    %get3A_848 = arith.constant 9698 : index
    %get3A_849 = arith.constant 0 : index
    %get3A_850 = vector.load %arg1[%get3A_847, %get3A_848, %get3A_849] : memref<1x13136x64xf32, #tpu.memory_space<vmem>>, vector<1x3192x64xf32>
    %get3A_851 = vector.shape_cast %get3A_850 : vector<1x3192x64xf32> to vector<3192x64xf32>
    %get3A_852 = arith.constant 1 : index
    %get3A_853 = arith.constant 0 : index
    %get3A_854 = arith.constant 0 : index
    %get3A_855 = arith.constant 1 : index
    %get3A_856 = arith.constant 0 : index
    %get3A_857 = arith.constant 0 : index
    %get3A_858 = vector.load %arg2[%get3A_852, %get3A_853, %get3A_854, %get3A_855, %get3A_856, %get3A_857] : memref<2x2x2x2x64x3xf32, #tpu.memory_space<vmem>>, vector<1x1x1x1x64x3xf32>
    %get3A_859 = vector.shape_cast %get3A_858 : vector<1x1x1x1x64x3xf32> to vector<64x3xf32>
    %dot_general3A_860 = arith.constant dense<0.000000e+00> : vector<3x3192xf32>
    %dot_general3A_861 = tpu.matmul %get3A_859, %get3A_851, %dot_general3A_860 {dimension_numbers = #tpu.dot_dimension_numbers<[0], [1], [1], [0], [0, 1, 1, 0], [], []>, transpose_lhs_hint = false} : vector<64x3xf32>, vector<3192x64xf32>, vector<3x3192xf32> -> vector<3x3192xf32>
    %add3A_862 = arith.addf %dot_general3A_846, %dot_general3A_861 : vector<3x3192xf32>
    %get3A_863 = arith.constant 0 : index
    %get3A_864 = arith.constant 9811 : index
    %get3A_865 = arith.constant 0 : index
    %get3A_866 = vector.load %arg1[%get3A_863, %get3A_864, %get3A_865] : memref<1x13136x64xf32, #tpu.memory_space<vmem>>, vector<1x3192x64xf32>
    %get3A_867 = vector.shape_cast %get3A_866 : vector<1x3192x64xf32> to vector<3192x64xf32>
    %get3A_868 = arith.constant 1 : index
    %get3A_869 = arith.constant 0 : index
    %get3A_870 = arith.constant 1 : index
    %get3A_871 = arith.constant 0 : index
    %get3A_872 = arith.constant 0 : index
    %get3A_873 = arith.constant 0 : index
    %get3A_874 = vector.load %arg2[%get3A_868, %get3A_869, %get3A_870, %get3A_871, %get3A_872, %get3A_873] : memref<2x2x2x2x64x3xf32, #tpu.memory_space<vmem>>, vector<1x1x1x1x64x3xf32>
    %get3A_875 = vector.shape_cast %get3A_874 : vector<1x1x1x1x64x3xf32> to vector<64x3xf32>
    %dot_general3A_876 = arith.constant dense<0.000000e+00> : vector<3x3192xf32>
    %dot_general3A_877 = tpu.matmul %get3A_875, %get3A_867, %dot_general3A_876 {dimension_numbers = #tpu.dot_dimension_numbers<[0], [1], [1], [0], [0, 1, 1, 0], [], []>, transpose_lhs_hint = false} : vector<64x3xf32>, vector<3192x64xf32>, vector<3x3192xf32> -> vector<3x3192xf32>
    %add3A_878 = arith.addf %add3A_862, %dot_general3A_877 : vector<3x3192xf32>
    %get3A_879 = arith.constant 0 : index
    %get3A_880 = arith.constant 9812 : index
    %get3A_881 = arith.constant 0 : index
    %get3A_882 = vector.load %arg1[%get3A_879, %get3A_880, %get3A_881] : memref<1x13136x64xf32, #tpu.memory_space<vmem>>, vector<1x3192x64xf32>
    %get3A_883 = vector.shape_cast %get3A_882 : vector<1x3192x64xf32> to vector<3192x64xf32>
    %get3A_884 = arith.constant 1 : index
    %get3A_885 = arith.constant 0 : index
    %get3A_886 = arith.constant 1 : index
    %get3A_887 = arith.constant 1 : index
    %get3A_888 = arith.constant 0 : index
    %get3A_889 = arith.constant 0 : index
    %get3A_890 = vector.load %arg2[%get3A_884, %get3A_885, %get3A_886, %get3A_887, %get3A_888, %get3A_889] : memref<2x2x2x2x64x3xf32, #tpu.memory_space<vmem>>, vector<1x1x1x1x64x3xf32>
    %get3A_891 = vector.shape_cast %get3A_890 : vector<1x1x1x1x64x3xf32> to vector<64x3xf32>
    %dot_general3A_892 = arith.constant dense<0.000000e+00> : vector<3x3192xf32>
    %dot_general3A_893 = tpu.matmul %get3A_891, %get3A_883, %dot_general3A_892 {dimension_numbers = #tpu.dot_dimension_numbers<[0], [1], [1], [0], [0, 1, 1, 0], [], []>, transpose_lhs_hint = false} : vector<64x3xf32>, vector<3192x64xf32>, vector<3x3192xf32> -> vector<3x3192xf32>
    %add3A_894 = arith.addf %add3A_878, %dot_general3A_893 : vector<3x3192xf32>
    %get3A_895 = arith.constant 0 : index
    %get3A_896 = arith.constant 0 : index
    %get3A_897 = vector.load %arg3[%get3A_895, %get3A_896] : memref<3x1xf32, #tpu.memory_space<vmem>>, vector<3x1xf32>
    %add3A_898 = vector.broadcast %get3A_897 : vector<3x1xf32> to vector<3x3192xf32>
    %add3A_899 = arith.addf %add3A_894, %add3A_898 : vector<3x3192xf32>
    %swap3A_900 = arith.constant 0 : index
    %swap3A_901 = arith.constant 1 : index
    %swap3A_902 = arith.constant 0 : index
    %swap3A_903 = arith.constant 0 : index
    %swap3A_904 = arith.constant 9698 : index
    %swap3A_905 = vector.load %arg4[%swap3A_900, %swap3A_901, %swap3A_902, %swap3A_903, %swap3A_904] : memref<1x2x2x3x13136xf32, #tpu.memory_space<vmem>>, vector<1x1x1x3x3192xf32>
    %swap3A_906 = vector.shape_cast %swap3A_905 : vector<1x1x1x3x3192xf32> to vector<3x3192xf32>
    %swap3A_907 = vector.shape_cast %add3A_899 : vector<3x3192xf32> to vector<1x1x1x3x3192xf32>
    tpu.vector_store %arg4[%swap3A_900, %swap3A_901, %swap3A_902, %swap3A_903, %swap3A_904], %swap3A_907 {strides = array<i32>} : memref<1x2x2x3x13136xf32, #tpu.memory_space<vmem>>, vector<1x1x1x3x3192xf32>,
    %get3A_908 = arith.constant 0 : index
    %get3A_909 = arith.constant 122 : index
    %get3A_910 = arith.constant 0 : index
    %get3A_911 = vector.load %arg1[%get3A_908, %get3A_909, %get3A_910] : memref<1x13136x64xf32, #tpu.memory_space<vmem>>, vector<1x3192x64xf32>
    %get3A_912 = vector.shape_cast %get3A_911 : vector<1x3192x64xf32> to vector<3192x64xf32>
    %get3A_913 = arith.constant 1 : index
    %get3A_914 = arith.constant 1 : index
    %get3A_915 = arith.constant 0 : index
    %get3A_916 = arith.constant 0 : index
    %get3A_917 = arith.constant 0 : index
    %get3A_918 = arith.constant 0 : index
    %get3A_919 = vector.load %arg2[%get3A_913, %get3A_914, %get3A_915, %get3A_916, %get3A_917, %get3A_918] : memref<2x2x2x2x64x3xf32, #tpu.memory_space<vmem>>, vector<1x1x1x1x64x3xf32>
    %get3A_920 = vector.shape_cast %get3A_919 : vector<1x1x1x1x64x3xf32> to vector<64x3xf32>
    %dot_general3A_921 = arith.constant dense<0.000000e+00> : vector<3x3192xf32>
    %dot_general3A_922 = tpu.matmul %get3A_920, %get3A_912, %dot_general3A_921 {dimension_numbers = #tpu.dot_dimension_numbers<[0], [1], [1], [0], [0, 1, 1, 0], [], []>, transpose_lhs_hint = false} : vector<64x3xf32>, vector<3192x64xf32>, vector<3x3192xf32> -> vector<3x3192xf32>
    %get3A_923 = arith.constant 0 : index
    %get3A_924 = arith.constant 123 : index
    %get3A_925 = arith.constant 0 : index
    %get3A_926 = vector.load %arg1[%get3A_923, %get3A_924, %get3A_925] : memref<1x13136x64xf32, #tpu.memory_space<vmem>>, vector<1x3192x64xf32>
    %get3A_927 = vector.shape_cast %get3A_926 : vector<1x3192x64xf32> to vector<3192x64xf32>
    %get3A_928 = arith.constant 1 : index
    %get3A_929 = arith.constant 1 : index
    %get3A_930 = arith.constant 0 : index
    %get3A_931 = arith.constant 1 : index
    %get3A_932 = arith.constant 0 : index
    %get3A_933 = arith.constant 0 : index
    %get3A_934 = vector.load %arg2[%get3A_928, %get3A_929, %get3A_930, %get3A_931, %get3A_932, %get3A_933] : memref<2x2x2x2x64x3xf32, #tpu.memory_space<vmem>>, vector<1x1x1x1x64x3xf32>
    %get3A_935 = vector.shape_cast %get3A_934 : vector<1x1x1x1x64x3xf32> to vector<64x3xf32>
    %dot_general3A_936 = arith.constant dense<0.000000e+00> : vector<3x3192xf32>
    %dot_general3A_937 = tpu.matmul %get3A_935, %get3A_927, %dot_general3A_936 {dimension_numbers = #tpu.dot_dimension_numbers<[0], [1], [1], [0], [0, 1, 1, 0], [], []>, transpose_lhs_hint = false} : vector<64x3xf32>, vector<3192x64xf32>, vector<3x3192xf32> -> vector<3x3192xf32>
    %add3A_938 = arith.addf %dot_general3A_922, %dot_general3A_937 : vector<3x3192xf32>
    %get3A_939 = arith.constant 0 : index
    %get3A_940 = arith.constant 236 : index
    %get3A_941 = arith.constant 0 : index
    %get3A_942 = vector.load %arg1[%get3A_939, %get3A_940, %get3A_941] : memref<1x13136x64xf32, #tpu.memory_space<vmem>>, vector<1x3192x64xf32>
    %get3A_943 = vector.shape_cast %get3A_942 : vector<1x3192x64xf32> to vector<3192x64xf32>
    %get3A_944 = arith.constant 1 : index
    %get3A_945 = arith.constant 1 : index
    %get3A_946 = arith.constant 1 : index
    %get3A_947 = arith.constant 0 : index
    %get3A_948 = arith.constant 0 : index
    %get3A_949 = arith.constant 0 : index
    %get3A_950 = vector.load %arg2[%get3A_944, %get3A_945, %get3A_946, %get3A_947, %get3A_948, %get3A_949] : memref<2x2x2x2x64x3xf32, #tpu.memory_space<vmem>>, vector<1x1x1x1x64x3xf32>
    %get3A_951 = vector.shape_cast %get3A_950 : vector<1x1x1x1x64x3xf32> to vector<64x3xf32>
    %dot_general3A_952 = arith.constant dense<0.000000e+00> : vector<3x3192xf32>
    %dot_general3A_953 = tpu.matmul %get3A_951, %get3A_943, %dot_general3A_952 {dimension_numbers = #tpu.dot_dimension_numbers<[0], [1], [1], [0], [0, 1, 1, 0], [], []>, transpose_lhs_hint = false} : vector<64x3xf32>, vector<3192x64xf32>, vector<3x3192xf32> -> vector<3x3192xf32>
    %add3A_954 = arith.addf %add3A_938, %dot_general3A_953 : vector<3x3192xf32>
    %get3A_955 = arith.constant 0 : index
    %get3A_956 = arith.constant 237 : index
    %get3A_957 = arith.constant 0 : index
    %get3A_958 = vector.load %arg1[%get3A_955, %get3A_956, %get3A_957] : memref<1x13136x64xf32, #tpu.memory_space<vmem>>, vector<1x3192x64xf32>
    %get3A_959 = vector.shape_cast %get3A_958 : vector<1x3192x64xf32> to vector<3192x64xf32>
    %get3A_960 = arith.constant 1 : index
    %get3A_961 = arith.constant 1 : index
    %get3A_962 = arith.constant 1 : index
    %get3A_963 = arith.constant 1 : index
    %get3A_964 = arith.constant 0 : index
    %get3A_965 = arith.constant 0 : index
    %get3A_966 = vector.load %arg2[%get3A_960, %get3A_961, %get3A_962, %get3A_963, %get3A_964, %get3A_965] : memref<2x2x2x2x64x3xf32, #tpu.memory_space<vmem>>, vector<1x1x1x1x64x3xf32>
    %get3A_967 = vector.shape_cast %get3A_966 : vector<1x1x1x1x64x3xf32> to vector<64x3xf32>
    %dot_general3A_968 = arith.constant dense<0.000000e+00> : vector<3x3192xf32>
    %dot_general3A_969 = tpu.matmul %get3A_967, %get3A_959, %dot_general3A_968 {dimension_numbers = #tpu.dot_dimension_numbers<[0], [1], [1], [0], [0, 1, 1, 0], [], []>, transpose_lhs_hint = false} : vector<64x3xf32>, vector<3192x64xf32>, vector<3x3192xf32> -> vector<3x3192xf32>
    %add3A_970 = arith.addf %add3A_954, %dot_general3A_969 : vector<3x3192xf32>
    %get3A_971 = arith.constant 0 : index
    %get3A_972 = arith.constant 0 : index
    %get3A_973 = vector.load %arg3[%get3A_971, %get3A_972] : memref<3x1xf32, #tpu.memory_space<vmem>>, vector<3x1xf32>
    %add3A_974 = vector.broadcast %get3A_973 : vector<3x1xf32> to vector<3x3192xf32>
    %add3A_975 = arith.addf %add3A_970, %add3A_974 : vector<3x3192xf32>
    %swap3A_976 = arith.constant 0 : index
    %swap3A_977 = arith.constant 1 : index
    %swap3A_978 = arith.constant 1 : index
    %swap3A_979 = arith.constant 0 : index
    %swap3A_980 = arith.constant 122 : index
    %swap3A_981 = vector.load %arg4[%swap3A_976, %swap3A_977, %swap3A_978, %swap3A_979, %swap3A_980] : memref<1x2x2x3x13136xf32, #tpu.memory_space<vmem>>, vector<1x1x1x3x3192xf32>
    %swap3A_982 = vector.shape_cast %swap3A_981 : vector<1x1x1x3x3192xf32> to vector<3x3192xf32>
    %swap3A_983 = vector.shape_cast %add3A_975 : vector<3x3192xf32> to vector<1x1x1x3x3192xf32>
    tpu.vector_store %arg4[%swap3A_976, %swap3A_977, %swap3A_978, %swap3A_979, %swap3A_980], %swap3A_983 {strides = array<i32>} : memref<1x2x2x3x13136xf32, #tpu.memory_space<vmem>>, vector<1x1x1x3x3192xf32>,
    %get3A_984 = arith.constant 0 : index
    %get3A_985 = arith.constant 3314 : index
    %get3A_986 = arith.constant 0 : index
    %get3A_987 = vector.load %arg1[%get3A_984, %get3A_985, %get3A_986] : memref<1x13136x64xf32, #tpu.memory_space<vmem>>, vector<1x3192x64xf32>
    %get3A_988 = vector.shape_cast %get3A_987 : vector<1x3192x64xf32> to vector<3192x64xf32>
    %get3A_989 = arith.constant 1 : index
    %get3A_990 = arith.constant 1 : index
    %get3A_991 = arith.constant 0 : index
    %get3A_992 = arith.constant 0 : index
    %get3A_993 = arith.constant 0 : index
    %get3A_994 = arith.constant 0 : index
    %get3A_995 = vector.load %arg2[%get3A_989, %get3A_990, %get3A_991, %get3A_992, %get3A_993, %get3A_994] : memref<2x2x2x2x64x3xf32, #tpu.memory_space<vmem>>, vector<1x1x1x1x64x3xf32>
    %get3A_996 = vector.shape_cast %get3A_995 : vector<1x1x1x1x64x3xf32> to vector<64x3xf32>
    %dot_general3A_997 = arith.constant dense<0.000000e+00> : vector<3x3192xf32>
    %dot_general3A_998 = tpu.matmul %get3A_996, %get3A_988, %dot_general3A_997 {dimension_numbers = #tpu.dot_dimension_numbers<[0], [1], [1], [0], [0, 1, 1, 0], [], []>, transpose_lhs_hint = false} : vector<64x3xf32>, vector<3192x64xf32>, vector<3x3192xf32> -> vector<3x3192xf32>
    %get3A_999 = arith.constant 0 : index
    %get3A_1000 = arith.constant 3315 : index
    %get3A_1001 = arith.constant 0 : index
    %get3A_1002 = vector.load %arg1[%get3A_999, %get3A_1000, %get3A_1001] : memref<1x13136x64xf32, #tpu.memory_space<vmem>>, vector<1x3192x64xf32>
    %get3A_1003 = vector.shape_cast %get3A_1002 : vector<1x3192x64xf32> to vector<3192x64xf32>
    %get3A_1004 = arith.constant 1 : index
    %get3A_1005 = arith.constant 1 : index
    %get3A_1006 = arith.constant 0 : index
    %get3A_1007 = arith.constant 1 : index
    %get3A_1008 = arith.constant 0 : index
    %get3A_1009 = arith.constant 0 : index
    %get3A_1010 = vector.load %arg2[%get3A_1004, %get3A_1005, %get3A_1006, %get3A_1007, %get3A_1008, %get3A_1009] : memref<2x2x2x2x64x3xf32, #tpu.memory_space<vmem>>, vector<1x1x1x1x64x3xf32>
    %get3A_1011 = vector.shape_cast %get3A_1010 : vector<1x1x1x1x64x3xf32> to vector<64x3xf32>
    %dot_general3A_1012 = arith.constant dense<0.000000e+00> : vector<3x3192xf32>
    %dot_general3A_1013 = tpu.matmul %get3A_1011, %get3A_1003, %dot_general3A_1012 {dimension_numbers = #tpu.dot_dimension_numbers<[0], [1], [1], [0], [0, 1, 1, 0], [], []>, transpose_lhs_hint = false} : vector<64x3xf32>, vector<3192x64xf32>, vector<3x3192xf32> -> vector<3x3192xf32>
    %add3A_1014 = arith.addf %dot_general3A_998, %dot_general3A_1013 : vector<3x3192xf32>
    %get3A_1015 = arith.constant 0 : index
    %get3A_1016 = arith.constant 3428 : index
    %get3A_1017 = arith.constant 0 : index
    %get3A_1018 = vector.load %arg1[%get3A_1015, %get3A_1016, %get3A_1017] : memref<1x13136x64xf32, #tpu.memory_space<vmem>>, vector<1x3192x64xf32>
    %get3A_1019 = vector.shape_cast %get3A_1018 : vector<1x3192x64xf32> to vector<3192x64xf32>
    %get3A_1020 = arith.constant 1 : index
    %get3A_1021 = arith.constant 1 : index
    %get3A_1022 = arith.constant 1 : index
    %get3A_1023 = arith.constant 0 : index
    %get3A_1024 = arith.constant 0 : index
    %get3A_1025 = arith.constant 0 : index
    %get3A_1026 = vector.load %arg2[%get3A_1020, %get3A_1021, %get3A_1022, %get3A_1023, %get3A_1024, %get3A_1025] : memref<2x2x2x2x64x3xf32, #tpu.memory_space<vmem>>, vector<1x1x1x1x64x3xf32>
    %get3A_1027 = vector.shape_cast %get3A_1026 : vector<1x1x1x1x64x3xf32> to vector<64x3xf32>
    %dot_general3A_1028 = arith.constant dense<0.000000e+00> : vector<3x3192xf32>
    %dot_general3A_1029 = tpu.matmul %get3A_1027, %get3A_1019, %dot_general3A_1028 {dimension_numbers = #tpu.dot_dimension_numbers<[0], [1], [1], [0], [0, 1, 1, 0], [], []>, transpose_lhs_hint = false} : vector<64x3xf32>, vector<3192x64xf32>, vector<3x3192xf32> -> vector<3x3192xf32>
    %add3A_1030 = arith.addf %add3A_1014, %dot_general3A_1029 : vector<3x3192xf32>
    %get3A_1031 = arith.constant 0 : index
    %get3A_1032 = arith.constant 3429 : index
    %get3A_1033 = arith.constant 0 : index
    %get3A_1034 = vector.load %arg1[%get3A_1031, %get3A_1032, %get3A_1033] : memref<1x13136x64xf32, #tpu.memory_space<vmem>>, vector<1x3192x64xf32>
    %get3A_1035 = vector.shape_cast %get3A_1034 : vector<1x3192x64xf32> to vector<3192x64xf32>
    %get3A_1036 = arith.constant 1 : index
    %get3A_1037 = arith.constant 1 : index
    %get3A_1038 = arith.constant 1 : index
    %get3A_1039 = arith.constant 1 : index
    %get3A_1040 = arith.constant 0 : index
    %get3A_1041 = arith.constant 0 : index
    %get3A_1042 = vector.load %arg2[%get3A_1036, %get3A_1037, %get3A_1038, %get3A_1039, %get3A_1040, %get3A_1041] : memref<2x2x2x2x64x3xf32, #tpu.memory_space<vmem>>, vector<1x1x1x1x64x3xf32>
    %get3A_1043 = vector.shape_cast %get3A_1042 : vector<1x1x1x1x64x3xf32> to vector<64x3xf32>
    %dot_general3A_1044 = arith.constant dense<0.000000e+00> : vector<3x3192xf32>
    %dot_general3A_1045 = tpu.matmul %get3A_1043, %get3A_1035, %dot_general3A_1044 {dimension_numbers = #tpu.dot_dimension_numbers<[0], [1], [1], [0], [0, 1, 1, 0], [], []>, transpose_lhs_hint = false} : vector<64x3xf32>, vector<3192x64xf32>, vector<3x3192xf32> -> vector<3x3192xf32>
    %add3A_1046 = arith.addf %add3A_1030, %dot_general3A_1045 : vector<3x3192xf32>
    %get3A_1047 = arith.constant 0 : index
    %get3A_1048 = arith.constant 0 : index
    %get3A_1049 = vector.load %arg3[%get3A_1047, %get3A_1048] : memref<3x1xf32, #tpu.memory_space<vmem>>, vector<3x1xf32>
    %add3A_1050 = vector.broadcast %get3A_1049 : vector<3x1xf32> to vector<3x3192xf32>
    %add3A_1051 = arith.addf %add3A_1046, %add3A_1050 : vector<3x3192xf32>
    %swap3A_1052 = arith.constant 0 : index
    %swap3A_1053 = arith.constant 1 : index
    %swap3A_1054 = arith.constant 1 : index
    %swap3A_1055 = arith.constant 0 : index
    %swap3A_1056 = arith.constant 3314 : index
    %swap3A_1057 = vector.load %arg4[%swap3A_1052, %swap3A_1053, %swap3A_1054, %swap3A_1055, %swap3A_1056] : memref<1x2x2x3x13136xf32, #tpu.memory_space<vmem>>, vector<1x1x1x3x3192xf32>
    %swap3A_1058 = vector.shape_cast %swap3A_1057 : vector<1x1x1x3x3192xf32> to vector<3x3192xf32>
    %swap3A_1059 = vector.shape_cast %add3A_1051 : vector<3x3192xf32> to vector<1x1x1x3x3192xf32>
    tpu.vector_store %arg4[%swap3A_1052, %swap3A_1053, %swap3A_1054, %swap3A_1055, %swap3A_1056], %swap3A_1059 {strides = array<i32>} : memref<1x2x2x3x13136xf32, #tpu.memory_space<vmem>>, vector<1x1x1x3x3192xf32>,
    %get3A_1060 = arith.constant 0 : index
    %get3A_1061 = arith.constant 6506 : index
    %get3A_1062 = arith.constant 0 : index
    %get3A_1063 = vector.load %arg1[%get3A_1060, %get3A_1061, %get3A_1062] : memref<1x13136x64xf32, #tpu.memory_space<vmem>>, vector<1x3192x64xf32>
    %get3A_1064 = vector.shape_cast %get3A_1063 : vector<1x3192x64xf32> to vector<3192x64xf32>
    %get3A_1065 = arith.constant 1 : index
    %get3A_1066 = arith.constant 1 : index
    %get3A_1067 = arith.constant 0 : index
    %get3A_1068 = arith.constant 0 : index
    %get3A_1069 = arith.constant 0 : index
    %get3A_1070 = arith.constant 0 : index
    %get3A_1071 = vector.load %arg2[%get3A_1065, %get3A_1066, %get3A_1067, %get3A_1068, %get3A_1069, %get3A_1070] : memref<2x2x2x2x64x3xf32, #tpu.memory_space<vmem>>, vector<1x1x1x1x64x3xf32>
    %get3A_1072 = vector.shape_cast %get3A_1071 : vector<1x1x1x1x64x3xf32> to vector<64x3xf32>
    %dot_general3A_1073 = arith.constant dense<0.000000e+00> : vector<3x3192xf32>
    %dot_general3A_1074 = tpu.matmul %get3A_1072, %get3A_1064, %dot_general3A_1073 {dimension_numbers = #tpu.dot_dimension_numbers<[0], [1], [1], [0], [0, 1, 1, 0], [], []>, transpose_lhs_hint = false} : vector<64x3xf32>, vector<3192x64xf32>, vector<3x3192xf32> -> vector<3x3192xf32>
    %get3A_1075 = arith.constant 0 : index
    %get3A_1076 = arith.constant 6507 : index
    %get3A_1077 = arith.constant 0 : index
    %get3A_1078 = vector.load %arg1[%get3A_1075, %get3A_1076, %get3A_1077] : memref<1x13136x64xf32, #tpu.memory_space<vmem>>, vector<1x3192x64xf32>
    %get3A_1079 = vector.shape_cast %get3A_1078 : vector<1x3192x64xf32> to vector<3192x64xf32>
    %get3A_1080 = arith.constant 1 : index
    %get3A_1081 = arith.constant 1 : index
    %get3A_1082 = arith.constant 0 : index
    %get3A_1083 = arith.constant 1 : index
    %get3A_1084 = arith.constant 0 : index
    %get3A_1085 = arith.constant 0 : index
    %get3A_1086 = vector.load %arg2[%get3A_1080, %get3A_1081, %get3A_1082, %get3A_1083, %get3A_1084, %get3A_1085] : memref<2x2x2x2x64x3xf32, #tpu.memory_space<vmem>>, vector<1x1x1x1x64x3xf32>
    %get3A_1087 = vector.shape_cast %get3A_1086 : vector<1x1x1x1x64x3xf32> to vector<64x3xf32>
    %dot_general3A_1088 = arith.constant dense<0.000000e+00> : vector<3x3192xf32>
    %dot_general3A_1089 = tpu.matmul %get3A_1087, %get3A_1079, %dot_general3A_1088 {dimension_numbers = #tpu.dot_dimension_numbers<[0], [1], [1], [0], [0, 1, 1, 0], [], []>, transpose_lhs_hint = false} : vector<64x3xf32>, vector<3192x64xf32>, vector<3x3192xf32> -> vector<3x3192xf32>
    %add3A_1090 = arith.addf %dot_general3A_1074, %dot_general3A_1089 : vector<3x3192xf32>
    %get3A_1091 = arith.constant 0 : index
    %get3A_1092 = arith.constant 6620 : index
    %get3A_1093 = arith.constant 0 : index
    %get3A_1094 = vector.load %arg1[%get3A_1091, %get3A_1092, %get3A_1093] : memref<1x13136x64xf32, #tpu.memory_space<vmem>>, vector<1x3192x64xf32>
    %get3A_1095 = vector.shape_cast %get3A_1094 : vector<1x3192x64xf32> to vector<3192x64xf32>
    %get3A_1096 = arith.constant 1 : index
    %get3A_1097 = arith.constant 1 : index
    %get3A_1098 = arith.constant 1 : index
    %get3A_1099 = arith.constant 0 : index
    %get3A_1100 = arith.constant 0 : index
    %get3A_1101 = arith.constant 0 : index
    %get3A_1102 = vector.load %arg2[%get3A_1096, %get3A_1097, %get3A_1098, %get3A_1099, %get3A_1100, %get3A_1101] : memref<2x2x2x2x64x3xf32, #tpu.memory_space<vmem>>, vector<1x1x1x1x64x3xf32>
    %get3A_1103 = vector.shape_cast %get3A_1102 : vector<1x1x1x1x64x3xf32> to vector<64x3xf32>
    %dot_general3A_1104 = arith.constant dense<0.000000e+00> : vector<3x3192xf32>
    %dot_general3A_1105 = tpu.matmul %get3A_1103, %get3A_1095, %dot_general3A_1104 {dimension_numbers = #tpu.dot_dimension_numbers<[0], [1], [1], [0], [0, 1, 1, 0], [], []>, transpose_lhs_hint = false} : vector<64x3xf32>, vector<3192x64xf32>, vector<3x3192xf32> -> vector<3x3192xf32>
    %add3A_1106 = arith.addf %add3A_1090, %dot_general3A_1105 : vector<3x3192xf32>
    %get3A_1107 = arith.constant 0 : index
    %get3A_1108 = arith.constant 6621 : index
    %get3A_1109 = arith.constant 0 : index
    %get3A_1110 = vector.load %arg1[%get3A_1107, %get3A_1108, %get3A_1109] : memref<1x13136x64xf32, #tpu.memory_space<vmem>>, vector<1x3192x64xf32>
    %get3A_1111 = vector.shape_cast %get3A_1110 : vector<1x3192x64xf32> to vector<3192x64xf32>
    %get3A_1112 = arith.constant 1 : index
    %get3A_1113 = arith.constant 1 : index
    %get3A_1114 = arith.constant 1 : index
    %get3A_1115 = arith.constant 1 : index
    %get3A_1116 = arith.constant 0 : index
    %get3A_1117 = arith.constant 0 : index
    %get3A_1118 = vector.load %arg2[%get3A_1112, %get3A_1113, %get3A_1114, %get3A_1115, %get3A_1116, %get3A_1117] : memref<2x2x2x2x64x3xf32, #tpu.memory_space<vmem>>, vector<1x1x1x1x64x3xf32>
    %get3A_1119 = vector.shape_cast %get3A_1118 : vector<1x1x1x1x64x3xf32> to vector<64x3xf32>
    %dot_general3A_1120 = arith.constant dense<0.000000e+00> : vector<3x3192xf32>
    %dot_general3A_1121 = tpu.matmul %get3A_1119, %get3A_1111, %dot_general3A_1120 {dimension_numbers = #tpu.dot_dimension_numbers<[0], [1], [1], [0], [0, 1, 1, 0], [], []>, transpose_lhs_hint = false} : vector<64x3xf32>, vector<3192x64xf32>, vector<3x3192xf32> -> vector<3x3192xf32>
    %add3A_1122 = arith.addf %add3A_1106, %dot_general3A_1121 : vector<3x3192xf32>
    %get3A_1123 = arith.constant 0 : index
    %get3A_1124 = arith.constant 0 : index
    %get3A_1125 = vector.load %arg3[%get3A_1123, %get3A_1124] : memref<3x1xf32, #tpu.memory_space<vmem>>, vector<3x1xf32>
    %add3A_1126 = vector.broadcast %get3A_1125 : vector<3x1xf32> to vector<3x3192xf32>
    %add3A_1127 = arith.addf %add3A_1122, %add3A_1126 : vector<3x3192xf32>
    %swap3A_1128 = arith.constant 0 : index
    %swap3A_1129 = arith.constant 1 : index
    %swap3A_1130 = arith.constant 1 : index
    %swap3A_1131 = arith.constant 0 : index
    %swap3A_1132 = arith.constant 6506 : index
    %swap3A_1133 = vector.load %arg4[%swap3A_1128, %swap3A_1129, %swap3A_1130, %swap3A_1131, %swap3A_1132] : memref<1x2x2x3x13136xf32, #tpu.memory_space<vmem>>, vector<1x1x1x3x3192xf32>
    %swap3A_1134 = vector.shape_cast %swap3A_1133 : vector<1x1x1x3x3192xf32> to vector<3x3192xf32>
    %swap3A_1135 = vector.shape_cast %add3A_1127 : vector<3x3192xf32> to vector<1x1x1x3x3192xf32>
    tpu.vector_store %arg4[%swap3A_1128, %swap3A_1129, %swap3A_1130, %swap3A_1131, %swap3A_1132], %swap3A_1135 {strides = array<i32>} : memref<1x2x2x3x13136xf32, #tpu.memory_space<vmem>>, vector<1x1x1x3x3192xf32>,
    %get3A_1136 = arith.constant 0 : index
    %get3A_1137 = arith.constant 9698 : index
    %get3A_1138 = arith.constant 0 : index
    %get3A_1139 = vector.load %arg1[%get3A_1136, %get3A_1137, %get3A_1138] : memref<1x13136x64xf32, #tpu.memory_space<vmem>>, vector<1x3192x64xf32>
    %get3A_1140 = vector.shape_cast %get3A_1139 : vector<1x3192x64xf32> to vector<3192x64xf32>
    %get3A_1141 = arith.constant 1 : index
    %get3A_1142 = arith.constant 1 : index
    %get3A_1143 = arith.constant 0 : index
    %get3A_1144 = arith.constant 0 : index
    %get3A_1145 = arith.constant 0 : index
    %get3A_1146 = arith.constant 0 : index
    %get3A_1147 = vector.load %arg2[%get3A_1141, %get3A_1142, %get3A_1143, %get3A_1144, %get3A_1145, %get3A_1146] : memref<2x2x2x2x64x3xf32, #tpu.memory_space<vmem>>, vector<1x1x1x1x64x3xf32>
    %get3A_1148 = vector.shape_cast %get3A_1147 : vector<1x1x1x1x64x3xf32> to vector<64x3xf32>
    %dot_general3A_1149 = arith.constant dense<0.000000e+00> : vector<3x3192xf32>
    %dot_general3A_1150 = tpu.matmul %get3A_1148, %get3A_1140, %dot_general3A_1149 {dimension_numbers = #tpu.dot_dimension_numbers<[0], [1], [1], [0], [0, 1, 1, 0], [], []>, transpose_lhs_hint = false} : vector<64x3xf32>, vector<3192x64xf32>, vector<3x3192xf32> -> vector<3x3192xf32>
    %get3A_1151 = arith.constant 0 : index
    %get3A_1152 = arith.constant 9699 : index
    %get3A_1153 = arith.constant 0 : index
    %get3A_1154 = vector.load %arg1[%get3A_1151, %get3A_1152, %get3A_1153] : memref<1x13136x64xf32, #tpu.memory_space<vmem>>, vector<1x3192x64xf32>
    %get3A_1155 = vector.shape_cast %get3A_1154 : vector<1x3192x64xf32> to vector<3192x64xf32>
    %get3A_1156 = arith.constant 1 : index
    %get3A_1157 = arith.constant 1 : index
    %get3A_1158 = arith.constant 0 : index
    %get3A_1159 = arith.constant 1 : index
    %get3A_1160 = arith.constant 0 : index
    %get3A_1161 = arith.constant 0 : index
    %get3A_1162 = vector.load %arg2[%get3A_1156, %get3A_1157, %get3A_1158, %get3A_1159, %get3A_1160, %get3A_1161] : memref<2x2x2x2x64x3xf32, #tpu.memory_space<vmem>>, vector<1x1x1x1x64x3xf32>
    %get3A_1163 = vector.shape_cast %get3A_1162 : vector<1x1x1x1x64x3xf32> to vector<64x3xf32>
    %dot_general3A_1164 = arith.constant dense<0.000000e+00> : vector<3x3192xf32>
    %dot_general3A_1165 = tpu.matmul %get3A_1163, %get3A_1155, %dot_general3A_1164 {dimension_numbers = #tpu.dot_dimension_numbers<[0], [1], [1], [0], [0, 1, 1, 0], [], []>, transpose_lhs_hint = false} : vector<64x3xf32>, vector<3192x64xf32>, vector<3x3192xf32> -> vector<3x3192xf32>
    %add3A_1166 = arith.addf %dot_general3A_1150, %dot_general3A_1165 : vector<3x3192xf32>
    %get3A_1167 = arith.constant 0 : index
    %get3A_1168 = arith.constant 9812 : index
    %get3A_1169 = arith.constant 0 : index
    %get3A_1170 = vector.load %arg1[%get3A_1167, %get3A_1168, %get3A_1169] : memref<1x13136x64xf32, #tpu.memory_space<vmem>>, vector<1x3192x64xf32>
    %get3A_1171 = vector.shape_cast %get3A_1170 : vector<1x3192x64xf32> to vector<3192x64xf32>
    %get3A_1172 = arith.constant 1 : index
    %get3A_1173 = arith.constant 1 : index
    %get3A_1174 = arith.constant 1 : index
    %get3A_1175 = arith.constant 0 : index
    %get3A_1176 = arith.constant 0 : index
    %get3A_1177 = arith.constant 0 : index
    %get3A_1178 = vector.load %arg2[%get3A_1172, %get3A_1173, %get3A_1174, %get3A_1175, %get3A_1176, %get3A_1177] : memref<2x2x2x2x64x3xf32, #tpu.memory_space<vmem>>, vector<1x1x1x1x64x3xf32>
    %get3A_1179 = vector.shape_cast %get3A_1178 : vector<1x1x1x1x64x3xf32> to vector<64x3xf32>
    %dot_general3A_1180 = arith.constant dense<0.000000e+00> : vector<3x3192xf32>
    %dot_general3A_1181 = tpu.matmul %get3A_1179, %get3A_1171, %dot_general3A_1180 {dimension_numbers = #tpu.dot_dimension_numbers<[0], [1], [1], [0], [0, 1, 1, 0], [], []>, transpose_lhs_hint = false} : vector<64x3xf32>, vector<3192x64xf32>, vector<3x3192xf32> -> vector<3x3192xf32>
    %add3A_1182 = arith.addf %add3A_1166, %dot_general3A_1181 : vector<3x3192xf32>
    %get3A_1183 = arith.constant 0 : index
    %get3A_1184 = arith.constant 9813 : index
    %get3A_1185 = arith.constant 0 : index
    %get3A_1186 = vector.load %arg1[%get3A_1183, %get3A_1184, %get3A_1185] : memref<1x13136x64xf32, #tpu.memory_space<vmem>>, vector<1x3192x64xf32>
    %get3A_1187 = vector.shape_cast %get3A_1186 : vector<1x3192x64xf32> to vector<3192x64xf32>
    %get3A_1188 = arith.constant 1 : index
    %get3A_1189 = arith.constant 1 : index
    %get3A_1190 = arith.constant 1 : index
    %get3A_1191 = arith.constant 1 : index
    %get3A_1192 = arith.constant 0 : index
    %get3A_1193 = arith.constant 0 : index
    %get3A_1194 = vector.load %arg2[%get3A_1188, %get3A_1189, %get3A_1190, %get3A_1191, %get3A_1192, %get3A_1193] : memref<2x2x2x2x64x3xf32, #tpu.memory_space<vmem>>, vector<1x1x1x1x64x3xf32>
    %get3A_1195 = vector.shape_cast %get3A_1194 : vector<1x1x1x1x64x3xf32> to vector<64x3xf32>
    %dot_general3A_1196 = arith.constant dense<0.000000e+00> : vector<3x3192xf32>
    %dot_general3A_1197 = tpu.matmul %get3A_1195, %get3A_1187, %dot_general3A_1196 {dimension_numbers = #tpu.dot_dimension_numbers<[0], [1], [1], [0], [0, 1, 1, 0], [], []>, transpose_lhs_hint = false} : vector<64x3xf32>, vector<3192x64xf32>, vector<3x3192xf32> -> vector<3x3192xf32>
    %add3A_1198 = arith.addf %add3A_1182, %dot_general3A_1197 : vector<3x3192xf32>
    %get3A_1199 = arith.constant 0 : index
    %get3A_1200 = arith.constant 0 : index
    %get3A_1201 = vector.load %arg3[%get3A_1199, %get3A_1200] : memref<3x1xf32, #tpu.memory_space<vmem>>, vector<3x1xf32>
    %add3A_1202 = vector.broadcast %get3A_1201 : vector<3x1xf32> to vector<3x3192xf32>
    %add3A_1203 = arith.addf %add3A_1198, %add3A_1202 : vector<3x3192xf32>
    %swap3A_1204 = arith.constant 0 : index
    %swap3A_1205 = arith.constant 1 : index
    %swap3A_1206 = arith.constant 1 : index
    %swap3A_1207 = arith.constant 0 : index
    %swap3A_1208 = arith.constant 9698 : index
    %swap3A_1209 = vector.load %arg4[%swap3A_1204, %swap3A_1205, %swap3A_1206, %swap3A_1207, %swap3A_1208] : memref<1x2x2x3x13136xf32, #tpu.memory_space<vmem>>, vector<1x1x1x3x3192xf32>
    %swap3A_1210 = vector.shape_cast %swap3A_1209 : vector<1x1x1x3x3192xf32> to vector<3x3192xf32>
    %swap3A_1211 = vector.shape_cast %add3A_1203 : vector<3x3192xf32> to vector<1x1x1x3x3192xf32>
    tpu.vector_store %arg4[%swap3A_1204, %swap3A_1205, %swap3A_1206, %swap3A_1207, %swap3A_1208], %swap3A_1211 {strides = array<i32>} : memref<1x2x2x3x13136xf32, #tpu.memory_space<vmem>>, vector<1x1x1x3x3192xf32>,
    return
  }
  func.func @transform_0(%arg0: i32) -> (i32, i32, i32) {
    %c0_i32 = arith.constant 0 : i32
    %c0_i32_0 = arith.constant 0 : i32
    %c0_i32_1 = arith.constant 0 : i32
    return %arg0, %c0_i32, %c0_i32_0 : i32, i32, i32
  }
  func.func @transform_1(%arg0: i32) -> (i32, i32, i32, i32, i32, i32) {
    %c0_i32 = arith.constant 0 : i32
    %c0_i32_0 = arith.constant 0 : i32
    %c0_i32_1 = arith.constant 0 : i32
    %c0_i32_2 = arith.constant 0 : i32
    %c0_i32_3 = arith.constant 0 : i32
    %c0_i32_4 = arith.constant 0 : i32
    %c0_i32_5 = arith.constant 0 : i32
    return %c0_i32, %c0_i32_0, %c0_i32_1, %c0_i32_2, %c0_i32_3, %c0_i32_4 : i32, i32, i32, i32, i32, i32
  }
  func.func @transform_2(%arg0: i32) -> (i32, i32) {
    %c0_i32 = arith.constant 0 : i32
    %c0_i32_0 = arith.constant 0 : i32
    %c0_i32_1 = arith.constant 0 : i32
    return %c0_i32, %c0_i32_0 : i32, i32
  }
  func.func @transform_3(%arg0: i32) -> (i32, i32, i32, i32, i32) {
    %c0_i32 = arith.constant 0 : i32
    %c0_i32_0 = arith.constant 0 : i32
    %c0_i32_1 = arith.constant 0 : i32
    %c0_i32_2 = arith.constant 0 : i32
    %c0_i32_3 = arith.constant 0 : i32
    return %arg0, %c0_i32, %c0_i32_0, %c0_i32_1, %c0_i32_2 : i32, i32, i32, i32, i32
  }
}

</mosaic_0001>

<sc_bundles>
// kernel: sparse-core-data-format-call.cloned.1.call-start
scs
called_computation_lowered:
.L_overlay_start_0:
0x0: {  	s1 =	sld [smem:$0x3FD9]  }
0x1: {  	s2 =	sld [smem:$0x3FFE];
	_ =	sdelay $0x1  }
0x2: {  	s3 =	srdreg.scid  }
0x3: {  	s0 =	sand.u32 $0x1, s3  }
0x4: {  	s17 =	sshll.u32 s0, $0xA;
	s1 =	sadd.s32 s2, s1  }
0x5: {  	s1 =	sadd.s32 s1, s17  }
0x6: {  	[smem:$0x3FB0] =	sst s1  }
0x7: {  	_ = 	snop  }
0x8: {  	(tm) =	ssettm $0x1  }
0x9: {  	s18 =	sld [smem:$0x3FFB];
	_ =	sdelay $0x3  }
0xa: {  	_ =	strace s18  }
0xb: {  	s1 =	sld [smem:$0x3FFC];
	_ =	sdelay $0x3  }
0xc: {  	_ =	strace s1  }
0xd: {  	s1 =	sld [smem:$0x3FFD];
	_ =	sdelay $0x3  }
0xe: {  	_ =	strace s1  }
0xf: {  	_ =	strace $0x8FFFFFFF  }
0x10: {  	s19 =	sld [smem:$0x3FDB];
	_ =	sdelay $0x1  }
0x11: {  	s20 =	simm.s32 $_scs_section_size  }
0x12: {  	s4 =	simm.s32 $_size__tile_overlayer_lowered;
	s5 =	simm.s32 $_tile_overlayer_lowered  }
0x13: {  	s23 =	simm.s32 $0x1BFF;
	s22 =	sshll.u32 s5, $0x1;
	s1 =	sadd.s32 s20, s19  }
0x14: {  	s6 =	simm.s32 $0x0;
	s21 =	sshll.u32 s4, $0x1;
	s4 =	sadd.s32 s22, s1  }
0x15: {  	[timem:s6], [sflag:s23] =	dma.local [hbm:s4], s21  }
0x16: {  	_ =	swait.ge [sflag:s23], s21  }
0x17: {  	s2 =	ssub.s32 $0x0, s21;
	[sflag:s23] =	ssyncset.done $0x0  }
0x18: {  	[sflag:s23] =	ssyncadd.s32 s2;
	_ =	sdelay $0x1  }
0x19: {  	s24 =	simm.s32 $0x1B8B  }
0x1a: {  	_ =	swait.ge [sflag:s24], $0x1  }
0x1b: {  	[sflag:s24] =	ssyncset.done $0x0  }
0x1c: {  	s26 =	simm.s32 $0x1B8E;
	s25 =	sld [smem:$0x3FFE];
	[sflag:s24] =	ssyncadd.s32 $0xFFFFFFFF  }
0x1d: {  	s27 =	simm.s32 $execute0_lowered;
	[smem:$0x3FD2] =	sst s26  }
0x1e: {  	s4 =	sshll.u32 s27, $0x1;
	_ =	strace $0x80000046;
	[dreg:$0x1] =	wrdreg $0xFFFFFFFF  }
0x1f: {  	s28 =	simm.s32 $_size_execute0_lowered;
	s1 =	sadd.s32 s1, s4;
	[dreg:$0x0] =	wrdreg $0x0  }
0x20: {  	s4 =	sshll.u32 s28, $0x1;
	[dreg:$0x2] =	wrdreg s1  }
0x21: {  	[dreg:$0x3] =	wrdreg s4  }
0x22: {  	[dreg:$0x4] =	wrdreg $0xC0  }
0x23: {  	_ =	task [dreg:s6], $0x5FFFF  }
0x24: {  	[dreg:$0x1] =	wrdreg $0xFFFFFFFF  }
0x25: {  	[dreg:$0x0] =	wrdreg $0x60  }
0x26: {  	[dreg:$0x2] =	wrdreg s25  }
0x27: {  	[dreg:$0x3] =	wrdreg $0x9  }
0x28: {  	_ =	task.clear_ibuf [dreg:s6], $0x4FFFF;
	_ =	strace $0x90000046  }
0x29: {  	s29 =	simm.s32 $0x9;
	_ =	strace $0x80000048  }
0x2a: {  	_ =	swait.ge [sflag:s29], $0x1  }
0x2b: {  	[sflag:s29] =	ssyncadd.s32 $0xFFFFFFFF  }
0x2c: {  	_ =	strace $0x90000048  }
0x2d: {  	_ =	sfence  }
0x2e: {  	s30 =	sld [smem:$0x0];
	_ =	sdelay $0x2  }
0x2f: {  	s31 =	sshll.u32 s3, $0xD;
	s3 =	sshrl.u32 s3, $0x2  }
0x30: {  	s2 =	sand.u32 $0x4000, s31;
	s1 =	sadd.s32 s3, s30  }
0x31: {  	s0 =	sor.u32 s2, s0;
	s1 =	sshll.u32 s1, $0x11  }
0x32: {  	s0 =	sor.u32 s1, s0  }
0x33: {  	s0 =	sadd.s32 $0x8F2B, s0  }
0x34: {  	[sflag:s0] =	ssyncadd.remote.s32 $0x1  }
0x35: {  	_ =	sfence.sel $0xFFFF  }
0x36: {  	[dreg:$0x0] =	wrdreg $0xFFFFFFFF;
	(pc) =	sbr.abs _section_cstart, $3  }
0x37: {  	[dreg:$0x1] =	wrdreg $0xFFFFFFFF  }
0x38: {  	_ =	task.clear_ibuf [dreg:s6], $0x2FFFF;
	_ =	strace $0x9FFFFFFF  }
0x39: {  	(tm) =	ssettm $0x7FFFFFFF  }
tec
execute0_lowered:
.L_overlay_start_1:
0x0: {  	(tag) =	ssettag $0x1  }
0x1: {  	s0 =	stileid.u32  }
0x2: {  	s1 =	srdreg.scid;
	s3 =	rddreg [dreg:$0x0];
	s8 =	simm.s32 $0x2  }
0x3: {  	s17 =	simm.s32 $0x0;
	s2 =	sshll.u32 s0, $0x5;
	s1 =	sshll.u32 s1, $0x9  }
0x4: {  	s9 =	simm.s32 $0x800;
	s10 =	simm.s32 $0x310000;
	s1 =	sor.u32 s2, s1  }
0x5: {  	s11 =	simm.s32 $0x0;
	s15 =	simm.s32 $0x0;
	s2 =	sand.u32 $0x300, s1  }
0x6: {  	s16 =	simm.s32 $0x0;
	s12 =	simm.s32 $0x0;
	s4 =	ssub.s32 $0x400, s2  }
0x7: {  	s14 =	simm.s32 $0x0;
	s23 =	simm.s32 $0x0;
	s5 =	sand.u32 $0x300, s4  }
0x8: {  	s1 =	rddreg [dreg:$0x1];
	p0 =	sne.s32 s5, $0x0;
	s5 =	simm.s32 $0x1  }
.Ltmp0:
0x9: {  	s6 =	sshrl.u32 s4, $0xA;
	s5 =	simm.s32 @!p0 $0x0;
	(pc) =	sbr.rel .LBB1_1-.Ltmp0, $4  }
0xa: {  	_ =	strace $0x80000047;
	s7 =	sadd.s32 s2, s3;
	s5 =	sadd.s32 s5, s6  }
0xb: {  	s3 =	sadd.s32 $0x31DA00, s3;
	s4 =	simm.s32 $0x1;
	s5 =	smul.u32 $0x31, s5  }
0xc: {  	s7 =	sadd.s32 $0xDA00, s7;
	[sflag:s4] =	ssyncpa.u1 $0x0;
	s6 =	sand.u32 $0x7, s0  }
0xd: {  	[sflag:s8] =	ssyncpa.u1 $0x0;
	s13 =	smov.u32 s6;
	s8 =	sadd.s32 $0x1, s5  }
.LBB1_7:
0xe: {  	s18 =	sadd.s32 $0x8, s12  }
0xf: {  	s15 =	sadd.s32 $0x8, s13;
	s19 =	smov.u32 s13;
	p1 =	sgt.s32 s18, $0x37  }
0x10: {  	s19 =	smov.u32 @p1 s15  }
0x11: {  	s18 =	simm.s32 @p1 $0x0;
	p1 =	sgt.s32 s19, $0x37  }
0x12: {  	s19 =	smov.u32 @p1 s6;
	p1 =	sne.s32 s14, s8  }
.Ltmp1:
0x13: {  	p0 =	slt.u32 s14, $0x2;
	(pc) =	sbr.rel @!p1 .LBB1_8-.Ltmp1, $4  }
0x14: {  	s16 =	smov.u32 s13;
	s17 =	simm.s32 @!p0 $0x2  }
0x15: {  	s11 =	sadd.s32 $0x4000, s11;
	_ =	swait.ge @!p0 [sflag:s17], $0x4000;
	s15 =	smov.u32 s12  }
0x16: {  	[sflag:s17] =	ssyncset.done @!p0 $0x0;
	s12 =	smov.u32 s18;
	s14 =	sadd.s32 $0x1, s14  }
0x17: {  	[sflag:s17] =	ssyncadd.s32 @!p0 $0xFFFFC000;
	s17 =	smov.u32 s2;
	s13 =	smov.u32 s19  }
.LBB1_1:
0x18: {  	p0 =	sge.u32 s14, s5  }
0x19: {  	s19 =	smul.u32 @!p0 $0xE000, s13  }
0x1a: {  	s31 =	sadd.s32 $0xFFFFFFFF, s14;
	s18 =	sxor.u32 @!p0 $0xFFFFFFFF, s14;
	s20 =	sshll.u32 @!p0 s12, $0xA  }
0x1b: {  	s21 =	simm.s32 @!p0 $0x2000;
	s18 =	sshll.u32 @!p0 s18, $0xE;
	s19 =	sadd.s32 @!p0 s19, s7  }
0x1c: {  	s18 =	sand.u32 @!p0 $0x4000, s18;
	s19 =	sadd.s32 @!p0 s20, s19;
	s20 =	simm.s32 @!p0 $0x800  }
0x1d: {  	[tilespmem:s18], [sflag:$0x1] =	stream.strided.gather @!p0 [hbm4b:s19+s20], $0x4000, s21, s20, $0x38;
	[tilespmem:$0x10000] =	vst v63  }
0x1e: {  	p0 =	sge.u32 s31, s5  }
.Ltmp2:
0x1f: {  	_ = 	snop;
	(pc) =	sbr.rel @p0 .LBB1_7-.Ltmp2, $1  }
0x20: {  	_ =	sdelay $0x3  }
0x21: {  	s18 =	sshll.u32 s11, $0x2;
	_ =	swait.ge [sflag:s4], $0x4000;
	s31 =	sshll.u32 s14, $0xE  }
0x22: {  	p0 =	por $0x0, $0x0;
	s24 =	simm.s32 $0x0;
	s25 =	simm.s32 $0x0  }
0x23: {  	s18 =	sand.u32 $0x10000, s18;
	[sflag:s4] =	ssyncset.done $0x0;
	s21 =	sand.u32 $0x4000, s31  }
0x24: {  	s22 =	sshrl.u32 s18, $0x2;
	[sflag:s4] =	ssyncadd.s32 $0xFFFFC000;
	s18 =	sor.u32 $0x8000, s21  }
0x25: {  	s19 =	sor.u32 $0x40, s22;
	s20 =	sor.u32 $0x8410, s22;
	s22 =	sadd.s32 $0x8400, s22  }
.LBB1_3:
0x26: {  	v1 =	vld [tilespmem:s19+$0xFFFFFFD0]  }
0x27: {  	v2 =	vld [tilespmem:s19+$0x430]  }
0x28: {  	s26 =	sshll.u32 s25, $0xB;
	v4 =	vld [tilespmem:s19+$0xFFFFFFE0]  }
0x29: {  	v7 =	vld [tilespmem:s19+$0xFFFFFFF0];
	v0 =	vmov s26  }
0x2a: {  	v8 =	vld [tilespmem:s19+$0x0]  }
0x2b: {  	v9 =	vld [tilespmem:s19+$0x10];
	s26 =	sand.u32 $0x300, s23  }
0x2c: {  	s27 =	sand.u32 $0x80, s23;
	v10 =	vld [tilespmem:s19+$0x20];
	s26 =	sadd.s32 s26, s21  }
0x2d: {  	v11 =	vld [tilespmem:s19+$0x30];
	s26 =	sadd.s32 s27, s26;
	s27 =	simm.s32 $0x1;
	[tilespmem:s20+$0x60] =	vst v2  }
0x2e: {  	s27 =	simm.s32 @!p0 $0x0;
	[tilespmem:s20+$0xFFFFFC00] =	vst v1;
	v3 =	vld.idx.msk [tilespmem:v0+s26+$0x400 ss:$0x1], $0xffff;
	s26 =	sshll.u32 s24, $0x2  }
0x2f: {  	v6 =	vld [tilespmem:s19+$0x3D0];
	s27 =	sshll.u32 s27, $0x9;
	[tilespmem:s20+$0xFFFFFC10] =	vst v4;
	s26 =	sand.u32 $0xFFFFFC00, s26  }
0x30: {  	v5 =	vld [tilespmem:s19+$0x3E0];
	[tilespmem:s20+$0xFFFFFC20] =	vst v7;
	s26 =	sor.u32 s27, s26  }
0x31: {  	[tilespmem:s20+$0xFFFFFC30] =	vst v8;
	v4 =	vld [tilespmem:s19+$0x400];
	s26 =	sshrl.u32 s26, $0x2  }
0x32: {  	[tilespmem:s20+$0xFFFFFC40] =	vst v9;
	v1 =	vld [tilespmem:s19+$0x410];
	s26 =	sadd.s32 s26, s22  }
0x33: {  	[tilespmem:s26+$0x0] =	vst v3;
	v3 =	vld [tilespmem:s19+$0x3F0]  }
0x34: {  	s30 =	simm.s32 $0x80;
	s29 =	simm.s32 $0x100;
	[tilespmem:s20+$0xFFFFFC50] =	vst v10;
	v2 =	vld [tilespmem:s19+$0x420]  }
0x35: {  	s28 =	smov.u32 s20;
	s31 =	sand.u32 $0x300, s30;
	v7 =	vld [tilespmem:s19+$0xFFFFFFC0];
	[tilespmem:s20+$0xFFFFFC60] =	vst v11;
	s27 =	sadd.s32 $0x80, s19  }
.LBB1_4:
0x36: {  	p1 =	sne.s32 s29, $0x380;
	v8 =	vld [tilespmem:s27+$0xFFFFFFD0];
	s30 =	sand.u32 $0x80, s30;
	s31 =	sadd.s32 s31, s21;
	[tilespmem:s28+$0x0] =	vst v6  }
0x37: {  	s31 =	sadd.s32 s30, s31;
	v6 =	vld [tilespmem:s27+$0x430];
	[tilespmem:s28+$0x10] =	vst v5;
	s30 =	smov.u32 s29  }
0x38: {  	v5 =	vld.idx.msk [tilespmem:v0+s31+$0x400 ss:$0x1], $0xffff;
	[tilespmem:s28+$0x20] =	vst v3  }
0x39: {  	v3 =	vld [tilespmem:s27+$0xFFFFFFE0];
	[tilespmem:s28+$0x30] =	vst v4  }
0x3a: {  	v4 =	vld [tilespmem:s27+$0xFFFFFFF0];
	[tilespmem:s28+$0xFFFFFBF0] =	vst v7  }
0x3b: {  	v7 =	vld [tilespmem:s27+$0x0];
	[tilespmem:s28+$0x40] =	vst v1  }
0x3c: {  	v1 =	vld [tilespmem:s27+$0x10];
	[tilespmem:s28+$0x50] =	vst v2;
	s28 =	sadd.s32 $0x800, s28  }
0x3d: {  	s26 =	sadd.s32 $0x800, s26;
	v2 =	vld [tilespmem:s27+$0x20];
	[tilespmem:s28+$0x60] =	vst v6  }
0x3e: {  	v9 =	vld [tilespmem:s27+$0x30];
	[tilespmem:s26+$0x0] =	vst v5  }
0x3f: {  	[tilespmem:s28+$0xFFFFFC00] =	vst v8;
	v6 =	vld [tilespmem:s27+$0x3D0]  }
0x40: {  	[tilespmem:s28+$0xFFFFFC10] =	vst v3;
	v5 =	vld [tilespmem:s27+$0x3E0]  }
.Ltmp3:
0x41: {  	[tilespmem:s28+$0xFFFFFC20] =	vst v4;
	v3 =	vld [tilespmem:s27+$0x3F0];
	(pc) =	sbr.rel @p1 .LBB1_4-.Ltmp3, $4  }
0x42: {  	[tilespmem:s28+$0xFFFFFC30] =	vst v7;
	v4 =	vld [tilespmem:s27+$0x400]  }
0x43: {  	[tilespmem:s28+$0xFFFFFC40] =	vst v1;
	v1 =	vld [tilespmem:s27+$0x410]  }
0x44: {  	[tilespmem:s28+$0xFFFFFC50] =	vst v2;
	v2 =	vld [tilespmem:s27+$0x420]  }
0x45: {  	s29 =	sadd.s32 $0x80, s29;
	s31 =	sand.u32 $0x300, s30;
	v7 =	vld [tilespmem:s27+$0xFFFFFFC0];
	[tilespmem:s28+$0xFFFFFC60] =	vst v9;
	s27 =	sadd.s32 $0x80, s27  }
0x46: {  	[tilespmem:s28+$0x0] =	vst v6  }
0x47: {  	[tilespmem:s28+$0x10] =	vst v5  }
0x48: {  	v49 =	vld [tilespmem:s27+$0x430];
	[tilespmem:s28+$0x20] =	vst v3  }
0x49: {  	v50 =	vld [tilespmem:s27+$0xFFFFFFD0];
	[tilespmem:s28+$0x30] =	vst v4  }
0x4a: {  	v51 =	vld [tilespmem:s27+$0xFFFFFFE0];
	[tilespmem:s28+$0x40] =	vst v1  }
0x4b: {  	s29 =	sand.u32 $0x80, s30;
	s31 =	sadd.s32 s31, s21;
	v52 =	vld [tilespmem:s27+$0xFFFFFFF0];
	[tilespmem:s28+$0x50] =	vst v2  }
0x4c: {  	v53 =	vld [tilespmem:s27+$0x0];
	s29 =	sadd.s32 s29, s31;
	s31 =	sadd.s32 $0x800, s28;
	[tilespmem:s28+$0xFFFFFBF0] =	vst v7  }
0x4d: {  	v54 =	vld [tilespmem:s27+$0x10];
	[tilespmem:s31+$0x60] =	vst v49  }
0x4e: {  	v55 =	vld [tilespmem:s27+$0x20];
	[tilespmem:s31+$0xFFFFFC00] =	vst v50  }
0x4f: {  	v56 =	vld [tilespmem:s27+$0x30];
	[tilespmem:s31+$0xFFFFFC10] =	vst v51  }
0x50: {  	v57 =	vld [tilespmem:s27+$0x3D0];
	[tilespmem:s31+$0xFFFFFC20] =	vst v52  }
0x51: {  	v58 =	vld [tilespmem:s27+$0x3E0];
	[tilespmem:s31+$0xFFFFFC30] =	vst v53  }
0x52: {  	v59 =	vld [tilespmem:s27+$0x3F0];
	[tilespmem:s31+$0xFFFFFC40] =	vst v54  }
0x53: {  	v60 =	vld [tilespmem:s27+$0x400];
	[tilespmem:s31+$0xFFFFFC50] =	vst v55  }
0x54: {  	v61 =	vld [tilespmem:s27+$0xFFFFFFC0];
	[tilespmem:s31+$0xFFFFFC60] =	vst v56  }
0x55: {  	v62 =	vld [tilespmem:s27+$0x410];
	[tilespmem:s31+$0x0] =	vst v57  }
0x56: {  	v63 =	vld [tilespmem:s27+$0x420];
	s25 =	sadd.s32 $0x1, s25;
	[tilespmem:s31+$0x10] =	vst v58  }
0x57: {  	p1 =	sne.s32 s25, $0x8;
	v0 =	vld.idx.msk [tilespmem:v0+s29+$0x400 ss:$0x1], $0xffff;
	[tilespmem:s31+$0x20] =	vst v59  }
.Ltmp4:
0x58: {  	[tilespmem:s31+$0x30] =	vst v60;
	(pc) =	sbr.rel @p1 .LBB1_3-.Ltmp4, $4  }
0x59: {  	[tilespmem:s31+$0xFFFFFBF0] =	vst v61  }
0x5a: {  	[tilespmem:s31+$0x40] =	vst v62  }
0x5b: {  	s26 =	sadd.s32 $0x800, s26;
	s19 =	sadd.s32 $0x800, s19;
	[tilespmem:s31+$0x50] =	vst v63  }
0x5c: {  	s24 =	sadd.s32 $0x80, s24;
	p0 =	por !p0, !p0;
	s20 =	sadd.s32 $0x80, s20;
	[tilespmem:s26+$0x0] =	vst v0  }
0x5d: {  	s19 =	sshll.u32 s15, $0xA  }
0x5e: {  	s17 =	sshll.u32 s17, $0x3;
	s19 =	sand.u32 $0xFFFFE000, s19  }
0x5f: {  	s17 =	sor.u32 s17, s19  }
0x60: {  	s17 =	sshrl.u32 s17, $0xA  }
0x61: {  	s30 =	smulhi.u32 $0x4924925, s17  }
0x62: {  	s16 =	smul.u32 $0x1C00, s16  }
0x63: {  	s19 =	smul.u32 $0x38, s30  }
.Ltmp5:
0x64: {  	s31 =	sshll.u32 s15, $0x4;
	(pc) =	sbr.rel .LBB1_7-.Ltmp5, $4  }
0x65: {  	s15 =	sand.u32 $0x70, s31;
	s16 =	sadd.s32 s3, s16;
	s17 =	ssub.s32 s17, s19  }
0x66: {  	s15 =	sadd.s32 s15, s16;
	s17 =	sshll.u32 s17, $0x7  }
0x67: {  	s15 =	sadd.s32 s17, s15  }
0x68: {  	[hbm4b:s15+s9] =	stream.strided.scatter [tilespmem:s18], [sflag:$0x2], $0x4000, s10, s9, $0x38;
	[tilespmem:$0x10000] =	vst v63  }
.LBB1_8:
0x69: {  	_ =	sfence.sel $0x180000  }
0x6a: {  	s2 =	simm.s32 $0x1;
	[bflag:$0x0] =	sbarrier.arrive $0xFFFF  }
0x6b: {  	s31 =	simm.s32 $0x2;
	[sflag:s2] =	ssyncpa.u1 $0x1  }
0x6c: {  	[sflag:s31] =	ssyncpa.u1 $0x1  }
0x6d: {  	p0 =	sne.s32 s0, $0x0;
	_ =	strace $0x90000047  }
0x6e: {  	s0 =	sadd.s32 @!p0 $0x100000, s1;
	[bflag:$0x2] =	sbarrier.arrive $0xFFFF  }
0x6f: {  	[sflag:s0] =	ssyncadd.tile.s32 @!p0 $0x1;
	_ =	shalt  }
.Lfunc_end1:
_tile_overlayer_lowered:
.L_overlay_start_2:
0x70: {  	(tag) =	ssettag $0x2  }
0x71: {  	s0 =	rddreg [dreg:$0x0];
	s2 =	stileid.u32  }
0x72: {  	s1 =	rddreg [dreg:$0x1];
	p0 =	sne.s32 s2, $0x0  }
0x73: {  	s3 =	rddreg [dreg:$0x2];
	[bflag:$0x3] =	sbarrier.arrive $0xFFFF;
	s2 =	simm.s32 @!p0 $0x1C01  }
0x74: {  	[timem:s3], [sflag:s2] =	dma.local @!p0 [hbm:s0], s1  }
0x75: {  	s0 =	simm.s32 @!p0 $0x1  }
0x76: {  	_ =	swait.ge @!p0 [sflag:s0], s1  }
0x77: {  	s1 =	ssub.s32 @!p0 $0x0, s1;
	[sflag:s0] =	ssyncset.done @!p0 $0x0  }
0x78: {  	[sflag:s0] =	ssyncadd.s32 @!p0 s1  }
0x79: {  	[bflag:$0x3] =	sbarrier.arrive $0xFFFF  }
0x7a: {  	_ =	shalt  }

</sc_bundles>
